<compile_context>
chip_gen: v7x
topology: tpu7x:2x2x1
jax: 0.10.2.dev20260603
libtpu: 0.0.44.dev20260713+nightly
codegen_flags: <defaults>
</compile_context>

<pallas_src>
import functools
import jax
import jax.numpy as jnp
from jax import lax
from jax.experimental import pallas as pl
from jax.experimental.pallas import tpu as pltpu
from jax.experimental.pallas import tpu_sc as plsc

D = 128
DW = 144
NS = 16
NC = 2
LANES = 16



def _mm_kernel(x_ref, w_ref, o_ref):
    o_ref[...] = jnp.dot(x_ref[...], w_ref[...],
                         preferred_element_type=jnp.float32)


def _mm(x, w, bm=2048):
    M, K = x.shape
    _, N = w.shape
    return pl.pallas_call(
        _mm_kernel,
        grid=(pl.cdiv(M, bm),),
        in_specs=[
            pl.BlockSpec((bm, K), lambda i: (i, 0)),
            pl.BlockSpec((K, N), lambda i: (0, 0)),
        ],
        out_specs=pl.BlockSpec((bm, N), lambda i: (i, 0)),
        out_shape=jax.ShapeDtypeStruct((M, N), jnp.float32),
    )(x, w)



def _fin_kernel(acc_ref, o_ref):
    acc = acc_ref[...]
    num = acc[:, :D]
    den = acc[:, D:D + 1]
    x = num / (den + 1e-9)
    o_ref[...] = jnp.where(x > 0, x, jnp.exp(jnp.minimum(x, 0.0)) - 1.0)


def _finalize(acc, bm=2048):
    M = acc.shape[0]
    return pl.pallas_call(
        _fin_kernel,
        grid=(pl.cdiv(M, bm),),
        in_specs=[pl.BlockSpec((bm, DW), lambda i: (i, 0))],
        out_specs=pl.BlockSpec((bm, D), lambda i: (i, 0)),
        out_shape=jax.ShapeDtypeStruct((M, D), jnp.float32),
    )(acc)



def _make_sc_egat(Nsrc, E, Ndst, R, NP):
    assert NC * NP * R == Ndst
    assert E % NS == 0
    ES = E // NS
    SEG = 4000
    assert ES % SEG == 0 and SEG % LANES == 0
    NSEG = ES // SEG
    OB = 25
    NZB = R // OB + 1
    NOB = R // OB
    assert R % OB == 0

    mesh = plsc.VectorSubcoreMesh(core_axis_name="c", subcore_axis_name="s")

    @functools.partial(
        pl.kernel,
        mesh=mesh,
        out_type=jax.ShapeDtypeStruct((Ndst, DW), jnp.float32),
        scratch_types=[
            pltpu.VMEM((SEG,), jnp.int32),
            pltpu.VMEM((SEG,), jnp.int32),
            pltpu.VMEM((SEG + LANES,), jnp.int32),
            pltpu.VMEM((SEG + LANES,), jnp.int32),
            pltpu.VMEM((SEG + LANES,), jnp.int32),
            pltpu.VMEM((LANES, D), jnp.float32),
            pltpu.VMEM((LANES, D), jnp.float32),
            pltpu.VMEM((LANES, D), jnp.float32),
            pltpu.VMEM((LANES, D), jnp.float32),
            pltpu.VMEM((LANES, D), jnp.float32),
            pltpu.VMEM((LANES, D), jnp.float32),
            pltpu.VMEM((LANES, DW), jnp.float32),
            pltpu.VMEM((LANES, LANES), jnp.float32),
            pltpu.VMEM((D,), jnp.float32),
            pltpu.VMEM((25, DW), jnp.float32),
            pltpu.VMEM_SHARED((R + 40, DW), jnp.float32),
            pltpu.SemaphoreType.DMA,
            pltpu.SemaphoreType.DMA,
        ],
        compiler_params=pltpu.CompilerParams(use_tc_tiling_on_sc=False,
                                             needs_layout_passes=False),
    )
    def egat(z_hbm, ez_hbm, src_hbm, dst_hbm, a_hbm, acc_hbm,
             dseg, sseg, cid, csrc, cdst, zs, zd, ezb, zs2, zd2, ez2,
             msg, tmp, av, zrow, acc_sp, gsem, ssem):
        c = lax.axis_index("c")
        s = lax.axis_index("s")
        ebase = s * ES
        iota = lax.iota(jnp.int32, LANES)

        pltpu.sync_copy(a_hbm, av)

        zero16i = jnp.zeros((LANES,), jnp.int32)
        zero16f = jnp.zeros((LANES,), jnp.float32)

        def init_cbufs(i, _):
            cid[pl.ds(i * LANES, LANES)] = zero16i
            csrc[pl.ds(i * LANES, LANES)] = zero16i
            cdst[pl.ds(i * LANES, LANES)] = zero16i
            return 0
        lax.fori_loop(0, (SEG + LANES) // LANES, init_cbufs, 0)

        def zr_init(r, _):
            rv = jnp.zeros((LANES,), jnp.int32) + r
            for q in range(DW // LANES):
                plsc.store_scatter(zrow, [rv, q * LANES + iota], zero16f)
            return 0
        lax.fori_loop(0, OB, zr_init, 0)
        for r in range(LANES):
            for q in range(D // LANES, DW // LANES):
                plsc.store_scatter(msg, [jnp.full((LANES,), r, jnp.int32),
                                         q * LANES + iota], zero16f)

        def pass_body(p, _):
            base = c * (NP * R) + p * R

            def zero_blk(k, _):
                b = s + k * NS

                @pl.when(b < NZB)
                def _():
                    pltpu.sync_copy(zrow, acc_sp.at[pl.ds(b * OB, OB), :])
                return 0
            lax.fori_loop(0, pl.cdiv(NZB, NS), zero_blk, 0)
            plsc.subcore_barrier()

            def seg_body(g, _):
                pltpu.sync_copy(dst_hbm.at[pl.ds(ebase + g * SEG, SEG)], dseg)
                pltpu.sync_copy(src_hbm.at[pl.ds(ebase + g * SEG, SEG)], sseg)

                def scan_body(i, n):
                    dvec = dseg[pl.ds(i * LANES, LANES)]
                    svec = sseg[pl.ds(i * LANES, LANES)]
                    m = (dvec >= base) & (dvec < base + R)
                    ids = g * SEG + i * LANES + iota
                    plsc.store_compressed(cid.at[pl.ds(n, LANES)], ids,
                                          mask=m)
                    plsc.store_compressed(csrc.at[pl.ds(n, LANES)], svec,
                                          mask=m)
                    plsc.store_compressed(cdst.at[pl.ds(n, LANES)], dvec,
                                          mask=m)
                    return n + jnp.sum(m.astype(jnp.int32))
                n_match = lax.fori_loop(0, SEG // LANES, scan_body, 0)
                nc2 = (n_match + 2 * LANES - 1) // (2 * LANES)

                def process(off, zsb, zdb, ezbb, dstv):
                    def lrow(i, _):
                        pacc = jnp.zeros((LANES,), jnp.float32)
                        for q in range(D // LANES):
                            sl = pl.ds(q * LANES, LANES)
                            f = zsb[i, sl] + zdb[i, sl] + ezbb[i, sl]
                            lr = jnp.where(f > 0, f, f * 0.2)
                            pacc = pacc + lr * av[sl]
                        tmp[i, :] = pacc
                        return 0
                    lax.fori_loop(0, LANES, lrow, 0)
                    acc = jnp.zeros((LANES,), jnp.float32)
                    for q in range(LANES):
                        acc = acc + plsc.load_gather(
                            tmp, [iota, jnp.full((LANES,), q, jnp.int32)])
                    ex = jnp.exp(acc)

                    valid = (off + iota) < n_match
                    sidx = jnp.where(valid, dstv - base, R)

                    def mrow(i, _):
                        exi = jnp.take_along_axis(
                            ex, jnp.full((LANES,), i, jnp.int32), axis=0)
                        for q in range(D // LANES):
                            sl = pl.ds(q * LANES, LANES)
                            msg[i, sl] = zsb[i, sl] * exi
                        return 0
                    lax.fori_loop(0, LANES, mrow, 0)
                    plsc.store_scatter(msg, [iota, jnp.full((LANES,), D,
                                                            jnp.int32)], ex)

                    sc = pltpu.async_copy(msg, acc_sp.at[sidx], ssem,
                                          add=True)
                    sc.wait()

                def chunk_body(ci, _):
                    off = ci * 2 * LANES
                    vA = cid[pl.ds(off, LANES)]
                    sA = csrc[pl.ds(off, LANES)]
                    dA = cdst[pl.ds(off, LANES)]
                    vB = cid[pl.ds(off + LANES, LANES)]
                    sB = csrc[pl.ds(off + LANES, LANES)]
                    dB = cdst[pl.ds(off + LANES, LANES)]
                    g1 = pltpu.async_copy(z_hbm.at[sA], zs, gsem)
                    g2 = pltpu.async_copy(z_hbm.at[dA], zd, gsem)
                    g3 = pltpu.async_copy(ez_hbm.at[vA + ebase], ezb, gsem)
                    g4 = pltpu.async_copy(z_hbm.at[sB], zs2, gsem)
                    g5 = pltpu.async_copy(z_hbm.at[dB], zd2, gsem)
                    g6 = pltpu.async_copy(ez_hbm.at[vB + ebase], ez2, gsem)
                    g1.wait()
                    g2.wait()
                    g3.wait()
                    process(off, zs, zd, ezb, dA)
                    g4.wait()
                    g5.wait()
                    g6.wait()
                    process(off + LANES, zs2, zd2, ez2, dB)
                    return 0
                lax.fori_loop(0, nc2, chunk_body, 0)
                return 0
            lax.fori_loop(0, NSEG, seg_body, 0)
            plsc.subcore_barrier()

            def out_blk(k, _):
                b = s + k * NS

                @pl.when(b < NOB)
                def _():
                    pltpu.sync_copy(
                        acc_sp.at[pl.ds(b * OB, OB), :],
                        acc_hbm.at[pl.ds(base + b * OB, OB), :])
                return 0
            lax.fori_loop(0, pl.cdiv(NOB, NS), out_blk, 0)
            plsc.subcore_barrier()
            return 0

        lax.fori_loop(0, NP, pass_body, 0)

    return egat


_sc_egat_l1 = _make_sc_egat(10000, 320000, 10000, 5000, 1)
_sc_egat_l2 = _make_sc_egat(320000, 320000, 320000, 10000, 16)



def kernel(h, edge_features, edge_ft_upper, edge_index, edge_index_upper,
           Wn1, We1, a1, Wn2, We2, a2):
    src1, dst1 = edge_index[0], edge_index[1]
    src2, dst2 = edge_index_upper[0], edge_index_upper[1]

    z1 = _mm(h, Wn1)
    ez1 = _mm(edge_features, We1)
    acc1 = _sc_egat_l1(z1, ez1, src1, dst1, a1.reshape(-1))
    node_embeddings = _finalize(acc1)

    z2 = _mm(edge_features, Wn2)
    ez2 = _mm(edge_ft_upper, We2)
    acc2 = _sc_egat_l2(z2, ez2, src2, dst2, a2.reshape(-1))
    edge_embeddings = _finalize(acc2)

    return (node_embeddings, edge_embeddings)

# --- scband reference (transcript-rebuilt; emitter-appended) ---
"""Pipeline reference for scband-sgatlayer-81870666596760 (READ-ONLY COPY).

The authoritative reference and input builder live on the scoring server;
editing this copy changes nothing except your own understanding.
"""

import jax, jax.numpy as jnp
import numpy as np

N_NODES = 10000
N_EDGES = 320000
N_EDGES_UPPER = 320000
IN_SIZE = 128
EDGE_FT = 16
OUT_SIZE = 128
HEADS = 1


def setup_inputs(seed: int = 0) -> dict:
    key = jax.random.key(seed)
    ks = [jax.random.fold_in(key, i) for i in range(11)]
    h = jax.random.normal(ks[0], (N_NODES, IN_SIZE), dtype=jnp.float32)
    edge_index = jax.random.randint(ks[1], (2, N_EDGES), 0, N_NODES, dtype=jnp.int32)
    edge_features = jax.random.normal(ks[2], (N_EDGES, EDGE_FT), dtype=jnp.float32)
    edge_index_upper = jax.random.randint(ks[3], (2, N_EDGES_UPPER), 0, N_EDGES, dtype=jnp.int32)
    edge_ft_upper = jax.random.normal(ks[4], (N_EDGES_UPPER, IN_SIZE), dtype=jnp.float32)
    # learned parameters (EGAT-style GATConv with edge features), num_simplicial_complexes = 1
    # lower layer: node dim IN_SIZE, edge dim EDGE_FT
    Wn1 = jax.random.normal(ks[5], (IN_SIZE, HEADS * OUT_SIZE), dtype=jnp.float32) / np.sqrt(IN_SIZE)
    We1 = jax.random.normal(ks[6], (EDGE_FT, HEADS * OUT_SIZE), dtype=jnp.float32) / np.sqrt(EDGE_FT)
    a1 = jax.random.normal(ks[7], (HEADS, OUT_SIZE), dtype=jnp.float32) / np.sqrt(OUT_SIZE)
    # upper layer: node dim EDGE_FT (edge feats act as nodes), edge dim IN_SIZE
    Wn2 = jax.random.normal(ks[8], (EDGE_FT, HEADS * OUT_SIZE), dtype=jnp.float32) / np.sqrt(EDGE_FT)
    We2 = jax.random.normal(ks[9], (IN_SIZE, HEADS * OUT_SIZE), dtype=jnp.float32) / np.sqrt(IN_SIZE)
    a2 = jax.random.normal(ks[10], (HEADS, OUT_SIZE), dtype=jnp.float32) / np.sqrt(OUT_SIZE)
    return {
        "h": h,
        "edge_features": edge_features,
        "edge_ft_upper": edge_ft_upper,
        "edge_index": edge_index,
        "edge_index_upper": edge_index_upper,
        "Wn1": Wn1, "We1": We1, "a1": a1,
        "Wn2": Wn2, "We2": We2, "a2": a2,
    }


def _egat(nfeat, efeat, src, dst, Wn, We, a, n_dst):
    H, D = a.shape
    z = (nfeat @ Wn).reshape(-1, H, D)
    ez = (efeat @ We).reshape(-1, H, D)
    f = z[src] + z[dst] + ez                      # new edge representation [E, H, D]
    logits = jnp.sum(jax.nn.leaky_relu(f, negative_slope=0.2) * a[None], axis=-1)  # [E, H]
    m = jax.ops.segment_max(logits, dst, num_segments=n_dst)
    m = jnp.where(jnp.isfinite(m), m, 0.0)
    ex = jnp.exp(logits - m[dst])
    denom = jax.ops.segment_sum(ex, dst, num_segments=n_dst)
    alpha = ex / (denom[dst] + 1e-9)              # edge softmax over incoming edges
    msg = z[src] * alpha[..., None]
    hout = jax.ops.segment_sum(msg, dst, num_segments=n_dst)  # [N, H, D]
    return jax.nn.elu(hout), jax.nn.elu(f), alpha


def reference(h, edge_features, edge_ft_upper, edge_index, edge_index_upper, Wn1, We1, a1, Wn2, We2, a2):
    # lower simplicial complex: message passing on g with node feats h and edge feats edge_features
    src1, dst1 = edge_index[0], edge_index[1]
    node_out, _, _ = _egat(h, edge_features, src1, dst1, Wn1, We1, a1, h.shape[0])
    node_embeddings = node_out.reshape(node_out.shape[0], -1)  # flatten(1)
    # upper simplicial complex: edges of g become nodes of eg2
    src2, dst2 = edge_index_upper[0], edge_index_upper[1]
    e_out, _, _ = _egat(edge_features, edge_ft_upper, src2, dst2, Wn2, We2, a2, edge_features.shape[0])
    edge_embeddings = e_out.reshape(e_out.shape[0], -1)
    return (node_embeddings, edge_embeddings)

if __name__ == "__main__":
    import jax
    _d = setup_inputs()
    print(jax.jit(kernel)(*tuple(_d.values())))

</pallas_src>

<mosaic_0001>
#map = affine_map<(d0, d1) -> (0, 0)>
#map1 = affine_map<(d0, d1) -> (0)>
module attributes {stable_mosaic.version = 14 : i64} {
  func.func @egat(%arg0: i32, %arg1: i32, %arg2: memref<320000x128xf32, #tpu.memory_space<hbm>>, %arg3: memref<320000x128xf32, #tpu.memory_space<hbm>>, %arg4: memref<320000xi32, #tpu.memory_space<hbm>>, %arg5: memref<320000xi32, #tpu.memory_space<hbm>>, %arg6: memref<128xf32, #tpu.memory_space<hbm>>, %arg7: memref<320000x144xf32, #tpu.memory_space<hbm>>, %arg8: memref<4000xi32, #tpu.memory_space<vmem>>, %arg9: memref<4000xi32, #tpu.memory_space<vmem>>, %arg10: memref<4016xi32, #tpu.memory_space<vmem>>, %arg11: memref<4016xi32, #tpu.memory_space<vmem>>, %arg12: memref<4016xi32, #tpu.memory_space<vmem>>, %arg13: memref<16x128xf32, #tpu.memory_space<vmem>>, %arg14: memref<16x128xf32, #tpu.memory_space<vmem>>, %arg15: memref<16x128xf32, #tpu.memory_space<vmem>>, %arg16: memref<16x128xf32, #tpu.memory_space<vmem>>, %arg17: memref<16x128xf32, #tpu.memory_space<vmem>>, %arg18: memref<16x128xf32, #tpu.memory_space<vmem>>, %arg19: memref<16x144xf32, #tpu.memory_space<vmem>>, %arg20: memref<16x16xf32, #tpu.memory_space<vmem>>, %arg21: memref<128xf32, #tpu.memory_space<vmem>>, %arg22: memref<25x144xf32, #tpu.memory_space<vmem>>, %arg23: memref<10040x144xf32, #tpu.memory_space<vmem_shared>>, %arg24: memref<!tpu.dma_semaphore, #tpu.memory_space<semaphore_mem>>, %arg25: memref<!tpu.dma_semaphore, #tpu.memory_space<semaphore_mem>>) attributes {dimension_semantics = [#tpu.dimension_semantics<core_parallel>, #tpu.dimension_semantics<subcore_parallel>], iteration_bounds = array<i64: 2, 16>, scalar_prefetch = 0 : i64, scratch_operands = 18 : i64, tpu.core_type = #tpu.core_type<sc_vector_subcore>, window_params = [{transform_indices = #map}, {transform_indices = #map}, {transform_indices = #map1}, {transform_indices = #map1}, {transform_indices = #map1}, {transform_indices = #map}]} {
    %mul3A = arith.constant 20000 : i32
    %mul3A_0 = arith.muli %arg1, %mul3A : i32
    %iota3A = tpu.iota {dimensions = array<i32: 0>} : vector<16xi32>
    "tpu.region"() ({
      %run_scoped3A = tpu.sem_alloc : memref<!tpu.dma_semaphore, #tpu.memory_space<semaphore_mem>>
      tpu.enqueue_dma source(%arg6 : memref<128xf32, #tpu.memory_space<hbm>>) target(%arg21 : memref<128xf32, #tpu.memory_space<vmem>>) target_semaphore(%run_scoped3A : memref<!tpu.dma_semaphore, #tpu.memory_space<semaphore_mem>>)
      tpu.wait_dma2 semaphore(%run_scoped3A : memref<!tpu.dma_semaphore, #tpu.memory_space<semaphore_mem>>) src(%arg6 : memref<128xf32, #tpu.memory_space<hbm>>) dst(%arg21 : memref<128xf32, #tpu.memory_space<vmem>>)
      tpu.yield
    }) : () -> ()
    %broadcast_in_dim3A = arith.constant 0 : i32
    %broadcast_in_dim3A_1 = vector.broadcast %broadcast_in_dim3A : i32 to vector<16xi32>
    %broadcast_in_dim3A_2 = arith.constant 0.000000e+00 : f32
    %broadcast_in_dim3A_3 = vector.broadcast %broadcast_in_dim3A_2 : f32 to vector<16xf32>
    %scan3A = arith.constant 0 : i32
    %scan3A_4 = arith.constant 0 : i32
    %scan3A_5 = arith.constant 251 : i32
    %scan3A_6 = arith.addi %scan3A_4, %scan3A_5 : i32
    %scan3A_7 = arith.constant 1 : i32
    %scan3A_8 = scf.for %scan3A_103 = %scan3A_4 to %scan3A_6 step %scan3A_7 iter_args(%scan3A_104 = %scan3A) -> (i32)  : i32 {
      %mul3A_105 = arith.constant 16 : i32
      %mul3A_106 = arith.muli %scan3A_103, %mul3A_105 : i32
      %swap3A = arith.index_cast %mul3A_106 : i32 to index
      %swap3A_107 = tpu.vector_load %arg10[%swap3A] {strides = array<i32>} : memref<4016xi32, #tpu.memory_space<vmem>>, vector<16xi32>,
      tpu.vector_store %arg10[%swap3A], %broadcast_in_dim3A_1 {strides = array<i32>} : memref<4016xi32, #tpu.memory_space<vmem>>, vector<16xi32>,
      %mul3A_108 = arith.constant 16 : i32
      %mul3A_109 = arith.muli %scan3A_103, %mul3A_108 : i32
      %swap3A_110 = arith.index_cast %mul3A_109 : i32 to index
      %swap3A_111 = tpu.vector_load %arg11[%swap3A_110] {strides = array<i32>} : memref<4016xi32, #tpu.memory_space<vmem>>, vector<16xi32>,
      tpu.vector_store %arg11[%swap3A_110], %broadcast_in_dim3A_1 {strides = array<i32>} : memref<4016xi32, #tpu.memory_space<vmem>>, vector<16xi32>,
      %mul3A_112 = arith.constant 16 : i32
      %mul3A_113 = arith.muli %scan3A_103, %mul3A_112 : i32
      %swap3A_114 = arith.index_cast %mul3A_113 : i32 to index
      %swap3A_115 = tpu.vector_load %arg12[%swap3A_114] {strides = array<i32>} : memref<4016xi32, #tpu.memory_space<vmem>>, vector<16xi32>,
      tpu.vector_store %arg12[%swap3A_114], %broadcast_in_dim3A_1 {strides = array<i32>} : memref<4016xi32, #tpu.memory_space<vmem>>, vector<16xi32>,
      %scan3A_116 = arith.constant 0 : i32
      scf.yield %scan3A_116 : i32
    }
    %scan3A_9 = arith.constant 251 : i32
    %scan3A_10 = arith.constant 0 : i32
    %scan3A_11 = arith.constant 0 : i32
    %scan3A_12 = arith.constant 25 : i32
    %scan3A_13 = arith.addi %scan3A_11, %scan3A_12 : i32
    %scan3A_14 = arith.constant 1 : i32
    %scan3A_15 = scf.for %scan3A_103 = %scan3A_11 to %scan3A_13 step %scan3A_14 iter_args(%scan3A_104 = %scan3A_10) -> (i32)  : i32 {
      %broadcast_in_dim3A_105 = arith.constant 0 : i32
      %broadcast_in_dim3A_106 = vector.broadcast %broadcast_in_dim3A_105 : i32 to vector<16xi32>
      %add3A_107 = vector.broadcast %scan3A_103 : i32 to vector<16xi32>
      %add3A_108 = arith.addi %broadcast_in_dim3A_106, %add3A_107 : vector<16xi32>
      %add3A_109 = arith.constant 0 : i32
      %add3A_110 = vector.broadcast %add3A_109 : i32 to vector<16xi32>
      %add3A_111 = arith.addi %add3A_110, %iota3A : vector<16xi32>
      tpu.vector_store_idx %arg22[%add3A_108, %add3A_111], %broadcast_in_dim3A_3 : memref<25x144xf32, #tpu.memory_space<vmem>>[vector<16xi32>, vector<16xi32>], vector<16xf32>,
      %add3A_112 = arith.constant 16 : i32
      %add3A_113 = vector.broadcast %add3A_112 : i32 to vector<16xi32>
      %add3A_114 = arith.addi %add3A_113, %iota3A : vector<16xi32>
      tpu.vector_store_idx %arg22[%add3A_108, %add3A_114], %broadcast_in_dim3A_3 : memref<25x144xf32, #tpu.memory_space<vmem>>[vector<16xi32>, vector<16xi32>], vector<16xf32>,
      %add3A_115 = arith.constant 32 : i32
      %add3A_116 = vector.broadcast %add3A_115 : i32 to vector<16xi32>
      %add3A_117 = arith.addi %add3A_116, %iota3A : vector<16xi32>
      tpu.vector_store_idx %arg22[%add3A_108, %add3A_117], %broadcast_in_dim3A_3 : memref<25x144xf32, #tpu.memory_space<vmem>>[vector<16xi32>, vector<16xi32>], vector<16xf32>,
      %add3A_118 = arith.constant 48 : i32
      %add3A_119 = vector.broadcast %add3A_118 : i32 to vector<16xi32>
      %add3A_120 = arith.addi %add3A_119, %iota3A : vector<16xi32>
      tpu.vector_store_idx %arg22[%add3A_108, %add3A_120], %broadcast_in_dim3A_3 : memref<25x144xf32, #tpu.memory_space<vmem>>[vector<16xi32>, vector<16xi32>], vector<16xf32>,
      %add3A_121 = arith.constant 64 : i32
      %add3A_122 = vector.broadcast %add3A_121 : i32 to vector<16xi32>
      %add3A_123 = arith.addi %add3A_122, %iota3A : vector<16xi32>
      tpu.vector_store_idx %arg22[%add3A_108, %add3A_123], %broadcast_in_dim3A_3 : memref<25x144xf32, #tpu.memory_space<vmem>>[vector<16xi32>, vector<16xi32>], vector<16xf32>,
      %add3A_124 = arith.constant 80 : i32
      %add3A_125 = vector.broadcast %add3A_124 : i32 to vector<16xi32>
      %add3A_126 = arith.addi %add3A_125, %iota3A : vector<16xi32>
      tpu.vector_store_idx %arg22[%add3A_108, %add3A_126], %broadcast_in_dim3A_3 : memref<25x144xf32, #tpu.memory_space<vmem>>[vector<16xi32>, vector<16xi32>], vector<16xf32>,
      %add3A_127 = arith.constant 96 : i32
      %add3A_128 = vector.broadcast %add3A_127 : i32 to vector<16xi32>
      %add3A_129 = arith.addi %add3A_128, %iota3A : vector<16xi32>
      tpu.vector_store_idx %arg22[%add3A_108, %add3A_129], %broadcast_in_dim3A_3 : memref<25x144xf32, #tpu.memory_space<vmem>>[vector<16xi32>, vector<16xi32>], vector<16xf32>,
      %add3A_130 = arith.constant 112 : i32
      %add3A_131 = vector.broadcast %add3A_130 : i32 to vector<16xi32>
      %add3A_132 = arith.addi %add3A_131, %iota3A : vector<16xi32>
      tpu.vector_store_idx %arg22[%add3A_108, %add3A_132], %broadcast_in_dim3A_3 : memref<25x144xf32, #tpu.memory_space<vmem>>[vector<16xi32>, vector<16xi32>], vector<16xf32>,
      %add3A_133 = arith.constant 128 : i32
      %add3A_134 = vector.broadcast %add3A_133 : i32 to vector<16xi32>
      %add3A_135 = arith.addi %add3A_134, %iota3A : vector<16xi32>
      tpu.vector_store_idx %arg22[%add3A_108, %add3A_135], %broadcast_in_dim3A_3 : memref<25x144xf32, #tpu.memory_space<vmem>>[vector<16xi32>, vector<16xi32>], vector<16xf32>,
      %scan3A_136 = arith.constant 0 : i32
      scf.yield %scan3A_136 : i32
    }
    %scan3A_16 = arith.constant 25 : i32
    %broadcast_in_dim3A_17 = arith.constant 0 : i32
    %broadcast_in_dim3A_18 = vector.broadcast %broadcast_in_dim3A_17 : i32 to vector<16xi32>
    %add3A = arith.constant 128 : i32
    %add3A_19 = vector.broadcast %add3A : i32 to vector<16xi32>
    %add3A_20 = arith.addi %add3A_19, %iota3A : vector<16xi32>
    tpu.vector_store_idx %arg19[%broadcast_in_dim3A_18, %add3A_20], %broadcast_in_dim3A_3 : memref<16x144xf32, #tpu.memory_space<vmem>>[vector<16xi32>, vector<16xi32>], vector<16xf32>,
    %broadcast_in_dim3A_21 = arith.constant 1 : i32
    %broadcast_in_dim3A_22 = vector.broadcast %broadcast_in_dim3A_21 : i32 to vector<16xi32>
    %add3A_23 = arith.constant 128 : i32
    %add3A_24 = vector.broadcast %add3A_23 : i32 to vector<16xi32>
    %add3A_25 = arith.addi %add3A_24, %iota3A : vector<16xi32>
    tpu.vector_store_idx %arg19[%broadcast_in_dim3A_22, %add3A_25], %broadcast_in_dim3A_3 : memref<16x144xf32, #tpu.memory_space<vmem>>[vector<16xi32>, vector<16xi32>], vector<16xf32>,
    %broadcast_in_dim3A_26 = arith.constant 2 : i32
    %broadcast_in_dim3A_27 = vector.broadcast %broadcast_in_dim3A_26 : i32 to vector<16xi32>
    %add3A_28 = arith.constant 128 : i32
    %add3A_29 = vector.broadcast %add3A_28 : i32 to vector<16xi32>
    %add3A_30 = arith.addi %add3A_29, %iota3A : vector<16xi32>
    tpu.vector_store_idx %arg19[%broadcast_in_dim3A_27, %add3A_30], %broadcast_in_dim3A_3 : memref<16x144xf32, #tpu.memory_space<vmem>>[vector<16xi32>, vector<16xi32>], vector<16xf32>,
    %broadcast_in_dim3A_31 = arith.constant 3 : i32
    %broadcast_in_dim3A_32 = vector.broadcast %broadcast_in_dim3A_31 : i32 to vector<16xi32>
    %add3A_33 = arith.constant 128 : i32
    %add3A_34 = vector.broadcast %add3A_33 : i32 to vector<16xi32>
    %add3A_35 = arith.addi %add3A_34, %iota3A : vector<16xi32>
    tpu.vector_store_idx %arg19[%broadcast_in_dim3A_32, %add3A_35], %broadcast_in_dim3A_3 : memref<16x144xf32, #tpu.memory_space<vmem>>[vector<16xi32>, vector<16xi32>], vector<16xf32>,
    %broadcast_in_dim3A_36 = arith.constant 4 : i32
    %broadcast_in_dim3A_37 = vector.broadcast %broadcast_in_dim3A_36 : i32 to vector<16xi32>
    %add3A_38 = arith.constant 128 : i32
    %add3A_39 = vector.broadcast %add3A_38 : i32 to vector<16xi32>
    %add3A_40 = arith.addi %add3A_39, %iota3A : vector<16xi32>
    tpu.vector_store_idx %arg19[%broadcast_in_dim3A_37, %add3A_40], %broadcast_in_dim3A_3 : memref<16x144xf32, #tpu.memory_space<vmem>>[vector<16xi32>, vector<16xi32>], vector<16xf32>,
    %broadcast_in_dim3A_41 = arith.constant 5 : i32
    %broadcast_in_dim3A_42 = vector.broadcast %broadcast_in_dim3A_41 : i32 to vector<16xi32>
    %add3A_43 = arith.constant 128 : i32
    %add3A_44 = vector.broadcast %add3A_43 : i32 to vector<16xi32>
    %add3A_45 = arith.addi %add3A_44, %iota3A : vector<16xi32>
    tpu.vector_store_idx %arg19[%broadcast_in_dim3A_42, %add3A_45], %broadcast_in_dim3A_3 : memref<16x144xf32, #tpu.memory_space<vmem>>[vector<16xi32>, vector<16xi32>], vector<16xf32>,
    %broadcast_in_dim3A_46 = arith.constant 6 : i32
    %broadcast_in_dim3A_47 = vector.broadcast %broadcast_in_dim3A_46 : i32 to vector<16xi32>
    %add3A_48 = arith.constant 128 : i32
    %add3A_49 = vector.broadcast %add3A_48 : i32 to vector<16xi32>
    %add3A_50 = arith.addi %add3A_49, %iota3A : vector<16xi32>
    tpu.vector_store_idx %arg19[%broadcast_in_dim3A_47, %add3A_50], %broadcast_in_dim3A_3 : memref<16x144xf32, #tpu.memory_space<vmem>>[vector<16xi32>, vector<16xi32>], vector<16xf32>,
    %broadcast_in_dim3A_51 = arith.constant 7 : i32
    %broadcast_in_dim3A_52 = vector.broadcast %broadcast_in_dim3A_51 : i32 to vector<16xi32>
    %add3A_53 = arith.constant 128 : i32
    %add3A_54 = vector.broadcast %add3A_53 : i32 to vector<16xi32>
    %add3A_55 = arith.addi %add3A_54, %iota3A : vector<16xi32>
    tpu.vector_store_idx %arg19[%broadcast_in_dim3A_52, %add3A_55], %broadcast_in_dim3A_3 : memref<16x144xf32, #tpu.memory_space<vmem>>[vector<16xi32>, vector<16xi32>], vector<16xf32>,
    %broadcast_in_dim3A_56 = arith.constant 8 : i32
    %broadcast_in_dim3A_57 = vector.broadcast %broadcast_in_dim3A_56 : i32 to vector<16xi32>
    %add3A_58 = arith.constant 128 : i32
    %add3A_59 = vector.broadcast %add3A_58 : i32 to vector<16xi32>
    %add3A_60 = arith.addi %add3A_59, %iota3A : vector<16xi32>
    tpu.vector_store_idx %arg19[%broadcast_in_dim3A_57, %add3A_60], %broadcast_in_dim3A_3 : memref<16x144xf32, #tpu.memory_space<vmem>>[vector<16xi32>, vector<16xi32>], vector<16xf32>,
    %broadcast_in_dim3A_61 = arith.constant 9 : i32
    %broadcast_in_dim3A_62 = vector.broadcast %broadcast_in_dim3A_61 : i32 to vector<16xi32>
    %add3A_63 = arith.constant 128 : i32
    %add3A_64 = vector.broadcast %add3A_63 : i32 to vector<16xi32>
    %add3A_65 = arith.addi %add3A_64, %iota3A : vector<16xi32>
    tpu.vector_store_idx %arg19[%broadcast_in_dim3A_62, %add3A_65], %broadcast_in_dim3A_3 : memref<16x144xf32, #tpu.memory_space<vmem>>[vector<16xi32>, vector<16xi32>], vector<16xf32>,
    %broadcast_in_dim3A_66 = arith.constant 10 : i32
    %broadcast_in_dim3A_67 = vector.broadcast %broadcast_in_dim3A_66 : i32 to vector<16xi32>
    %add3A_68 = arith.constant 128 : i32
    %add3A_69 = vector.broadcast %add3A_68 : i32 to vector<16xi32>
    %add3A_70 = arith.addi %add3A_69, %iota3A : vector<16xi32>
    tpu.vector_store_idx %arg19[%broadcast_in_dim3A_67, %add3A_70], %broadcast_in_dim3A_3 : memref<16x144xf32, #tpu.memory_space<vmem>>[vector<16xi32>, vector<16xi32>], vector<16xf32>,
    %broadcast_in_dim3A_71 = arith.constant 11 : i32
    %broadcast_in_dim3A_72 = vector.broadcast %broadcast_in_dim3A_71 : i32 to vector<16xi32>
    %add3A_73 = arith.constant 128 : i32
    %add3A_74 = vector.broadcast %add3A_73 : i32 to vector<16xi32>
    %add3A_75 = arith.addi %add3A_74, %iota3A : vector<16xi32>
    tpu.vector_store_idx %arg19[%broadcast_in_dim3A_72, %add3A_75], %broadcast_in_dim3A_3 : memref<16x144xf32, #tpu.memory_space<vmem>>[vector<16xi32>, vector<16xi32>], vector<16xf32>,
    %broadcast_in_dim3A_76 = arith.constant 12 : i32
    %broadcast_in_dim3A_77 = vector.broadcast %broadcast_in_dim3A_76 : i32 to vector<16xi32>
    %add3A_78 = arith.constant 128 : i32
    %add3A_79 = vector.broadcast %add3A_78 : i32 to vector<16xi32>
    %add3A_80 = arith.addi %add3A_79, %iota3A : vector<16xi32>
    tpu.vector_store_idx %arg19[%broadcast_in_dim3A_77, %add3A_80], %broadcast_in_dim3A_3 : memref<16x144xf32, #tpu.memory_space<vmem>>[vector<16xi32>, vector<16xi32>], vector<16xf32>,
    %broadcast_in_dim3A_81 = arith.constant 13 : i32
    %broadcast_in_dim3A_82 = vector.broadcast %broadcast_in_dim3A_81 : i32 to vector<16xi32>
    %add3A_83 = arith.constant 128 : i32
    %add3A_84 = vector.broadcast %add3A_83 : i32 to vector<16xi32>
    %add3A_85 = arith.addi %add3A_84, %iota3A : vector<16xi32>
    tpu.vector_store_idx %arg19[%broadcast_in_dim3A_82, %add3A_85], %broadcast_in_dim3A_3 : memref<16x144xf32, #tpu.memory_space<vmem>>[vector<16xi32>, vector<16xi32>], vector<16xf32>,
    %broadcast_in_dim3A_86 = arith.constant 14 : i32
    %broadcast_in_dim3A_87 = vector.broadcast %broadcast_in_dim3A_86 : i32 to vector<16xi32>
    %add3A_88 = arith.constant 128 : i32
    %add3A_89 = vector.broadcast %add3A_88 : i32 to vector<16xi32>
    %add3A_90 = arith.addi %add3A_89, %iota3A : vector<16xi32>
    tpu.vector_store_idx %arg19[%broadcast_in_dim3A_87, %add3A_90], %broadcast_in_dim3A_3 : memref<16x144xf32, #tpu.memory_space<vmem>>[vector<16xi32>, vector<16xi32>], vector<16xf32>,
    %broadcast_in_dim3A_91 = arith.constant 15 : i32
    %broadcast_in_dim3A_92 = vector.broadcast %broadcast_in_dim3A_91 : i32 to vector<16xi32>
    %add3A_93 = arith.constant 128 : i32
    %add3A_94 = vector.broadcast %add3A_93 : i32 to vector<16xi32>
    %add3A_95 = arith.addi %add3A_94, %iota3A : vector<16xi32>
    tpu.vector_store_idx %arg19[%broadcast_in_dim3A_92, %add3A_95], %broadcast_in_dim3A_3 : memref<16x144xf32, #tpu.memory_space<vmem>>[vector<16xi32>, vector<16xi32>], vector<16xf32>,
    %scan3A_96 = arith.constant 0 : i32
    %scan3A_97 = arith.constant 0 : i32
    %scan3A_98 = arith.constant 16 : i32
    %scan3A_99 = arith.addi %scan3A_97, %scan3A_98 : i32
    %scan3A_100 = arith.constant 1 : i32
    %scan3A_101 = scf.for %scan3A_103 = %scan3A_97 to %scan3A_99 step %scan3A_100 iter_args(%scan3A_104 = %scan3A_96) -> (i32)  : i32 {
      %mul3A_105 = arith.constant 160000 : i32
      %mul3A_106 = arith.muli %arg0, %mul3A_105 : i32
      %mul3A_107 = arith.constant 10000 : i32
      %mul3A_108 = arith.muli %scan3A_103, %mul3A_107 : i32
      %add3A_109 = arith.addi %mul3A_106, %mul3A_108 : i32
      %scan3A_110 = arith.constant 0 : i32
      %scan3A_111 = arith.constant 0 : i32
      %scan3A_112 = arith.constant 26 : i32
      %scan3A_113 = arith.addi %scan3A_111, %scan3A_112 : i32
      %scan3A_114 = arith.constant 1 : i32
      %scan3A_115 = scf.for %scan3A_134 = %scan3A_111 to %scan3A_113 step %scan3A_114 iter_args(%scan3A_135 = %scan3A_110) -> (i32)  : i32 {
        %mul3A_136 = arith.constant 16 : i32
        %mul3A_137 = arith.muli %scan3A_134, %mul3A_136 : i32
        %add3A_138 = arith.addi %arg1, %mul3A_137 : i32
        %lt3A = arith.constant 401 : i32
        %lt3A_139 = arith.cmpi slt, %add3A_138, %lt3A : i32
        %convert_element_type3A = arith.extui %lt3A_139 : i1 to i32
        %cond3A = arith.constant 0 : i32
        %cond3A_140 = arith.cmpi ne, %convert_element_type3A, %cond3A : i32
        scf.if %cond3A_140 {
          %mul3A_142 = arith.constant 25 : i32
          %mul3A_143 = arith.muli %add3A_138, %mul3A_142 : i32
          "tpu.region"() ({
            %run_scoped3A = tpu.sem_alloc : memref<!tpu.dma_semaphore, #tpu.memory_space<semaphore_mem>>
            %dma_start3A = arith.constant 0 : i32
            %dma_start3A_144 = tpu.memref_slice %arg23[%mul3A_143, %dma_start3A] : memref<10040x144xf32, #tpu.memory_space<vmem_shared>> -> memref<25x144xf32, #tpu.memory_space<vmem_shared>>
            %dma_start3A_145 = arith.constant 0 : i32
            %dma_start3A_146 = tpu.memref_slice %arg23[%mul3A_143, %dma_start3A_145] : memref<10040x144xf32, #tpu.memory_space<vmem_shared>> -> memref<25x144xf32, #tpu.memory_space<vmem_shared>>
            tpu.enqueue_dma source(%arg22 : memref<25x144xf32, #tpu.memory_space<vmem>>) target(%dma_start3A_146 : memref<25x144xf32, #tpu.memory_space<vmem_shared>>) target_semaphore(%run_scoped3A : memref<!tpu.dma_semaphore, #tpu.memory_space<semaphore_mem>>)
            %dma_wait3A = arith.constant 0 : i32
            %dma_wait3A_147 = tpu.memref_slice %arg23[%mul3A_143, %dma_wait3A] : memref<10040x144xf32, #tpu.memory_space<vmem_shared>> -> memref<25x144xf32, #tpu.memory_space<vmem_shared>>
            %dma_wait3A_148 = arith.constant 0 : i32
            %dma_wait3A_149 = tpu.memref_slice %arg23[%mul3A_143, %dma_wait3A_148] : memref<10040x144xf32, #tpu.memory_space<vmem_shared>> -> memref<25x144xf32, #tpu.memory_space<vmem_shared>>
            tpu.wait_dma2 semaphore(%run_scoped3A : memref<!tpu.dma_semaphore, #tpu.memory_space<semaphore_mem>>) src(%arg22 : memref<25x144xf32, #tpu.memory_space<vmem>>) dst(%dma_wait3A_149 : memref<25x144xf32, #tpu.memory_space<vmem_shared>>)
            tpu.yield
          }) : () -> ()
        } else {
        }
        %scan3A_141 = arith.constant 0 : i32
        scf.yield %scan3A_141 : i32
      }
      %scan3A_116 = arith.constant 26 : i32
      %barrier3A = arith.constant 0 : index
      tpu.barrier barrier_id(%barrier3A)
      %scan3A_117 = arith.constant 0 : i32
      %scan3A_118 = arith.constant 0 : i32
      %scan3A_119 = arith.constant 5 : i32
      %scan3A_120 = arith.addi %scan3A_118, %scan3A_119 : i32
      %scan3A_121 = arith.constant 1 : i32
      %scan3A_122 = scf.for %scan3A_134 = %scan3A_118 to %scan3A_120 step %scan3A_121 iter_args(%scan3A_135 = %scan3A_117) -> (i32)  : i32 {
        %mul3A_136 = arith.constant 4000 : i32
        %mul3A_137 = arith.muli %scan3A_134, %mul3A_136 : i32
        %add3A_138 = arith.addi %mul3A_0, %mul3A_137 : i32
        "tpu.region"() ({
          %run_scoped3A = tpu.sem_alloc : memref<!tpu.dma_semaphore, #tpu.memory_space<semaphore_mem>>
          %dma_start3A = tpu.memref_slice %arg5[%add3A_138] : memref<320000xi32, #tpu.memory_space<hbm>> -> memref<4000xi32, #tpu.memory_space<hbm>>
          %dma_start3A_181 = tpu.memref_slice %arg5[%add3A_138] : memref<320000xi32, #tpu.memory_space<hbm>> -> memref<4000xi32, #tpu.memory_space<hbm>>
          tpu.enqueue_dma source(%dma_start3A_181 : memref<4000xi32, #tpu.memory_space<hbm>>) target(%arg8 : memref<4000xi32, #tpu.memory_space<vmem>>) target_semaphore(%run_scoped3A : memref<!tpu.dma_semaphore, #tpu.memory_space<semaphore_mem>>)
          %dma_wait3A = tpu.memref_slice %arg5[%add3A_138] : memref<320000xi32, #tpu.memory_space<hbm>> -> memref<4000xi32, #tpu.memory_space<hbm>>
          %dma_wait3A_182 = tpu.memref_slice %arg5[%add3A_138] : memref<320000xi32, #tpu.memory_space<hbm>> -> memref<4000xi32, #tpu.memory_space<hbm>>
          tpu.wait_dma2 semaphore(%run_scoped3A : memref<!tpu.dma_semaphore, #tpu.memory_space<semaphore_mem>>) src(%dma_wait3A_182 : memref<4000xi32, #tpu.memory_space<hbm>>) dst(%arg8 : memref<4000xi32, #tpu.memory_space<vmem>>)
          tpu.yield
        }) : () -> ()
        %mul3A_139 = arith.constant 4000 : i32
        %mul3A_140 = arith.muli %scan3A_134, %mul3A_139 : i32
        %add3A_141 = arith.addi %mul3A_0, %mul3A_140 : i32
        "tpu.region"() ({
          %run_scoped3A = tpu.sem_alloc : memref<!tpu.dma_semaphore, #tpu.memory_space<semaphore_mem>>
          %dma_start3A = tpu.memref_slice %arg4[%add3A_141] : memref<320000xi32, #tpu.memory_space<hbm>> -> memref<4000xi32, #tpu.memory_space<hbm>>
          %dma_start3A_181 = tpu.memref_slice %arg4[%add3A_141] : memref<320000xi32, #tpu.memory_space<hbm>> -> memref<4000xi32, #tpu.memory_space<hbm>>
          tpu.enqueue_dma source(%dma_start3A_181 : memref<4000xi32, #tpu.memory_space<hbm>>) target(%arg9 : memref<4000xi32, #tpu.memory_space<vmem>>) target_semaphore(%run_scoped3A : memref<!tpu.dma_semaphore, #tpu.memory_space<semaphore_mem>>)
          %dma_wait3A = tpu.memref_slice %arg4[%add3A_141] : memref<320000xi32, #tpu.memory_space<hbm>> -> memref<4000xi32, #tpu.memory_space<hbm>>
          %dma_wait3A_182 = tpu.memref_slice %arg4[%add3A_141] : memref<320000xi32, #tpu.memory_space<hbm>> -> memref<4000xi32, #tpu.memory_space<hbm>>
          tpu.wait_dma2 semaphore(%run_scoped3A : memref<!tpu.dma_semaphore, #tpu.memory_space<semaphore_mem>>) src(%dma_wait3A_182 : memref<4000xi32, #tpu.memory_space<hbm>>) dst(%arg9 : memref<4000xi32, #tpu.memory_space<vmem>>)
          tpu.yield
        }) : () -> ()
        %scan3A_142 = arith.constant 0 : i32
        %scan3A_143 = arith.constant 0 : i32
        %scan3A_144 = arith.constant 250 : i32
        %scan3A_145 = arith.addi %scan3A_143, %scan3A_144 : i32
        %scan3A_146 = arith.constant 1 : i32
        %scan3A_147 = scf.for %scan3A_181 = %scan3A_143 to %scan3A_145 step %scan3A_146 iter_args(%scan3A_182 = %scan3A_142) -> (i32)  : i32 {
          %mul3A_183 = arith.constant 16 : i32
          %mul3A_184 = arith.muli %scan3A_181, %mul3A_183 : i32
          %get3A = arith.index_cast %mul3A_184 : i32 to index
          %get3A_185 = tpu.vector_load %arg8[%get3A] {strides = array<i32>} : memref<4000xi32, #tpu.memory_space<vmem>>, vector<16xi32>,
          %mul3A_186 = arith.constant 16 : i32
          %mul3A_187 = arith.muli %scan3A_181, %mul3A_186 : i32
          %get3A_188 = arith.index_cast %mul3A_187 : i32 to index
          %get3A_189 = tpu.vector_load %arg9[%get3A_188] {strides = array<i32>} : memref<4000xi32, #tpu.memory_space<vmem>>, vector<16xi32>,
          %ge3A = vector.broadcast %add3A_109 : i32 to vector<16xi32>
          %ge3A_190 = arith.cmpi sge, %get3A_185, %ge3A : vector<16xi32>
          %add3A_191 = arith.constant 10000 : i32
          %add3A_192 = arith.addi %add3A_109, %add3A_191 : i32
          %lt3A = vector.broadcast %add3A_192 : i32 to vector<16xi32>
          %lt3A_193 = arith.cmpi slt, %get3A_185, %lt3A : vector<16xi32>
          %and3A_194 = arith.andi %ge3A_190, %lt3A_193 : vector<16xi1>
          %mul3A_195 = arith.constant 4000 : i32
          %mul3A_196 = arith.muli %scan3A_134, %mul3A_195 : i32
          %mul3A_197 = arith.constant 16 : i32
          %mul3A_198 = arith.muli %scan3A_181, %mul3A_197 : i32
          %add3A_199 = arith.addi %mul3A_196, %mul3A_198 : i32
          %add3A_200 = vector.broadcast %add3A_199 : i32 to vector<16xi32>
          %add3A_201 = arith.addi %add3A_200, %iota3A : vector<16xi32>
          %swap3A = arith.index_cast %scan3A_182 : i32 to index
          %swap3A_202 = tpu.vector_load %arg10[%swap3A] masked %and3A_194 {strides = array<i32>} : memref<4016xi32, #tpu.memory_space<vmem>>, vector<16xi32>, vector<16xi1>
          tpu.vector_store %arg10[%swap3A], %add3A_201 masked %and3A_194 {strides = array<i32>} : memref<4016xi32, #tpu.memory_space<vmem>>, vector<16xi32>, vector<16xi1>
          %swap3A_203 = arith.index_cast %scan3A_182 : i32 to index
          %swap3A_204 = tpu.vector_load %arg11[%swap3A_203] masked %and3A_194 {strides = array<i32>} : memref<4016xi32, #tpu.memory_space<vmem>>, vector<16xi32>, vector<16xi1>
          tpu.vector_store %arg11[%swap3A_203], %get3A_189 masked %and3A_194 {strides = array<i32>} : memref<4016xi32, #tpu.memory_space<vmem>>, vector<16xi32>, vector<16xi1>
          %swap3A_205 = arith.index_cast %scan3A_182 : i32 to index
          %swap3A_206 = tpu.vector_load %arg12[%swap3A_205] masked %and3A_194 {strides = array<i32>} : memref<4016xi32, #tpu.memory_space<vmem>>, vector<16xi32>, vector<16xi1>
          tpu.vector_store %arg12[%swap3A_205], %get3A_185 masked %and3A_194 {strides = array<i32>} : memref<4016xi32, #tpu.memory_space<vmem>>, vector<16xi32>, vector<16xi1>
          %convert_element_type3A = arith.extui %and3A_194 : vector<16xi1> to vector<16xi32>
          %reduce_sum3A = arith.constant true
          %reduce_sum3A_207 = vector.broadcast %reduce_sum3A : i1 to vector<16xi1>
          %reduce_sum3A_208 = tpu.scan <sum>, %convert_element_type3A masked %reduce_sum3A_207 : vector<16xi32>, vector<16xi1> -> vector<16xi32>
          %reduce_sum3A_209 = vector.extract %reduce_sum3A_208[15] : i32 from vector<16xi32>
          %add3A_210 = arith.addi %scan3A_182, %reduce_sum3A_209 : i32
          scf.yield %add3A_210 : i32
        }
        %scan3A_148 = arith.constant 250 : i32
        %add3A_149 = arith.constant 32 : i32
        %add3A_150 = arith.addi %scan3A_147, %add3A_149 : i32
        %sub3A = arith.constant 1 : i32
        %sub3A_151 = arith.subi %add3A_150, %sub3A : i32
        %jit3A = arith.constant 32 : i32
        %div3A = arith.divsi %sub3A_151, %jit3A : i32
        %sign3A = arith.constant 0 : i32
        %sign3A_152 = arith.cmpi sgt, %sub3A_151, %sign3A : i32
        %sign3A_153 = arith.extui %sign3A_152 : i1 to i32
        %sign3A_154 = arith.constant 0 : i32
        %sign3A_155 = arith.cmpi slt, %sub3A_151, %sign3A_154 : i32
        %sign3A_156 = arith.extui %sign3A_155 : i1 to i32
        %sign3A_157 = arith.subi %sign3A_153, %sign3A_156 : i32
        %sign3A_158 = arith.constant 0 : i32
        %sign3A_159 = arith.cmpi sgt, %jit3A, %sign3A_158 : i32
        %sign3A_160 = arith.extui %sign3A_159 : i1 to i32
        %sign3A_161 = arith.constant 0 : i32
        %sign3A_162 = arith.cmpi slt, %jit3A, %sign3A_161 : i32
        %sign3A_163 = arith.extui %sign3A_162 : i1 to i32
        %sign3A_164 = arith.subi %sign3A_160, %sign3A_163 : i32
        %ne3A = arith.cmpi ne, %sign3A_157, %sign3A_164 : i32
        %rem3A = arith.remsi %sub3A_151, %jit3A : i32
        %ne3A_165 = arith.constant 0 : i32
        %ne3A_166 = arith.cmpi ne, %rem3A, %ne3A_165 : i32
        %and3A = arith.andi %ne3A, %ne3A_166 : i1
        %sub3A_167 = arith.constant 1 : i32
        %sub3A_168 = arith.subi %div3A, %sub3A_167 : i32
        %select_n3A = arith.select %and3A, %sub3A_168, %div3A : i32
        %while3A = arith.constant 0 : i32
        %while3A_169 = arith.constant 0 : i32
        %while3A_170 = arith.subi %select_n3A, %while3A : i32
        %while3A_171 = arith.addi %while3A, %while3A_170 : i32
        %while3A_172 = arith.constant 1 : i32
        %while3A_173 = arith.divsi %while3A_170, %while3A_172 : i32
        %while3A_174 = arith.muli %while3A_173, %while3A_172 : i32
        %while3A_175 = arith.addi %while3A, %while3A_174 : i32
        %while3A_176 = arith.constant 1 : i32
        %while3A_177 = scf.for %while3A_181 = %while3A to %while3A_175 step %while3A_176 iter_args(%while3A_182 = %while3A_169) -> (i32)  : i32 {
          %mul3A_183 = arith.constant 2 : i32
          %mul3A_184 = arith.muli %while3A_181, %mul3A_183 : i32
          %mul3A_185 = arith.constant 16 : i32
          %mul3A_186 = arith.muli %mul3A_184, %mul3A_185 : i32
          %get3A = arith.index_cast %mul3A_186 : i32 to index
          %get3A_187 = tpu.vector_load %arg10[%get3A] {strides = array<i32>} : memref<4016xi32, #tpu.memory_space<vmem>>, vector<16xi32>,
          %get3A_188 = arith.index_cast %mul3A_186 : i32 to index
          %get3A_189 = tpu.vector_load %arg11[%get3A_188] {strides = array<i32>} : memref<4016xi32, #tpu.memory_space<vmem>>, vector<16xi32>,
          %get3A_190 = arith.index_cast %mul3A_186 : i32 to index
          %get3A_191 = tpu.vector_load %arg12[%get3A_190] {strides = array<i32>} : memref<4016xi32, #tpu.memory_space<vmem>>, vector<16xi32>,
          %add3A_192 = arith.constant 16 : i32
          %add3A_193 = arith.addi %mul3A_186, %add3A_192 : i32
          %get3A_194 = arith.index_cast %add3A_193 : i32 to index
          %get3A_195 = tpu.vector_load %arg10[%get3A_194] {strides = array<i32>} : memref<4016xi32, #tpu.memory_space<vmem>>, vector<16xi32>,
          %add3A_196 = arith.constant 16 : i32
          %add3A_197 = arith.addi %mul3A_186, %add3A_196 : i32
          %get3A_198 = arith.index_cast %add3A_197 : i32 to index
          %get3A_199 = tpu.vector_load %arg11[%get3A_198] {strides = array<i32>} : memref<4016xi32, #tpu.memory_space<vmem>>, vector<16xi32>,
          %add3A_200 = arith.constant 16 : i32
          %add3A_201 = arith.addi %mul3A_186, %add3A_200 : i32
          %get3A_202 = arith.index_cast %add3A_201 : i32 to index
          %get3A_203 = tpu.vector_load %arg12[%get3A_202] {strides = array<i32>} : memref<4016xi32, #tpu.memory_space<vmem>>, vector<16xi32>,
          %dma_start3A = arith.constant 0 : i32
          %dma_start3A_204 = arith.constant 0 : i32
          %dma_start3A_205 = tpu.memref_slice %arg2[%dma_start3A, %dma_start3A_204] : memref<320000x128xf32, #tpu.memory_space<hbm>> -> memref<320000x128xf32, #tpu.memory_space<hbm>>
          tpu.enqueue_indirect_dma source(%dma_start3A_205 : memref<320000x128xf32, #tpu.memory_space<hbm>>) target(%arg13 : memref<16x128xf32, #tpu.memory_space<vmem>>) offsets(%get3A_189 : vector<16xi32>) semaphore(%arg24 : memref<!tpu.dma_semaphore, #tpu.memory_space<semaphore_mem>>)
          %dma_start3A_206 = arith.constant 0 : i32
          %dma_start3A_207 = arith.constant 0 : i32
          %dma_start3A_208 = tpu.memref_slice %arg2[%dma_start3A_206, %dma_start3A_207] : memref<320000x128xf32, #tpu.memory_space<hbm>> -> memref<320000x128xf32, #tpu.memory_space<hbm>>
          tpu.enqueue_indirect_dma source(%dma_start3A_208 : memref<320000x128xf32, #tpu.memory_space<hbm>>) target(%arg14 : memref<16x128xf32, #tpu.memory_space<vmem>>) offsets(%get3A_191 : vector<16xi32>) semaphore(%arg24 : memref<!tpu.dma_semaphore, #tpu.memory_space<semaphore_mem>>)
          %add3A_209 = vector.broadcast %mul3A_0 : i32 to vector<16xi32>
          %add3A_210 = arith.addi %get3A_187, %add3A_209 : vector<16xi32>
          %dma_start3A_211 = arith.constant 0 : i32
          %dma_start3A_212 = arith.constant 0 : i32
          %dma_start3A_213 = tpu.memref_slice %arg3[%dma_start3A_211, %dma_start3A_212] : memref<320000x128xf32, #tpu.memory_space<hbm>> -> memref<320000x128xf32, #tpu.memory_space<hbm>>
          tpu.enqueue_indirect_dma source(%dma_start3A_213 : memref<320000x128xf32, #tpu.memory_space<hbm>>) target(%arg15 : memref<16x128xf32, #tpu.memory_space<vmem>>) offsets(%add3A_210 : vector<16xi32>) semaphore(%arg24 : memref<!tpu.dma_semaphore, #tpu.memory_space<semaphore_mem>>)
          %dma_start3A_214 = arith.constant 0 : i32
          %dma_start3A_215 = arith.constant 0 : i32
          %dma_start3A_216 = tpu.memref_slice %arg2[%dma_start3A_214, %dma_start3A_215] : memref<320000x128xf32, #tpu.memory_space<hbm>> -> memref<320000x128xf32, #tpu.memory_space<hbm>>
          tpu.enqueue_indirect_dma source(%dma_start3A_216 : memref<320000x128xf32, #tpu.memory_space<hbm>>) target(%arg16 : memref<16x128xf32, #tpu.memory_space<vmem>>) offsets(%get3A_199 : vector<16xi32>) semaphore(%arg24 : memref<!tpu.dma_semaphore, #tpu.memory_space<semaphore_mem>>)
          %dma_start3A_217 = arith.constant 0 : i32
          %dma_start3A_218 = arith.constant 0 : i32
          %dma_start3A_219 = tpu.memref_slice %arg2[%dma_start3A_217, %dma_start3A_218] : memref<320000x128xf32, #tpu.memory_space<hbm>> -> memref<320000x128xf32, #tpu.memory_space<hbm>>
          tpu.enqueue_indirect_dma source(%dma_start3A_219 : memref<320000x128xf32, #tpu.memory_space<hbm>>) target(%arg17 : memref<16x128xf32, #tpu.memory_space<vmem>>) offsets(%get3A_203 : vector<16xi32>) semaphore(%arg24 : memref<!tpu.dma_semaphore, #tpu.memory_space<semaphore_mem>>)
          %add3A_220 = vector.broadcast %mul3A_0 : i32 to vector<16xi32>
          %add3A_221 = arith.addi %get3A_195, %add3A_220 : vector<16xi32>
          %dma_start3A_222 = arith.constant 0 : i32
          %dma_start3A_223 = arith.constant 0 : i32
          %dma_start3A_224 = tpu.memref_slice %arg3[%dma_start3A_222, %dma_start3A_223] : memref<320000x128xf32, #tpu.memory_space<hbm>> -> memref<320000x128xf32, #tpu.memory_space<hbm>>
          tpu.enqueue_indirect_dma source(%dma_start3A_224 : memref<320000x128xf32, #tpu.memory_space<hbm>>) target(%arg18 : memref<16x128xf32, #tpu.memory_space<vmem>>) offsets(%add3A_221 : vector<16xi32>) semaphore(%arg24 : memref<!tpu.dma_semaphore, #tpu.memory_space<semaphore_mem>>)
          %dma_wait3A = arith.constant 0 : i32
          %dma_wait3A_225 = arith.constant 0 : i32
          %dma_wait3A_226 = tpu.memref_slice %arg2[%dma_wait3A, %dma_wait3A_225] : memref<320000x128xf32, #tpu.memory_space<hbm>> -> memref<320000x128xf32, #tpu.memory_space<hbm>>
          tpu.wait_indirect_dma semaphore(%arg24 : memref<!tpu.dma_semaphore, #tpu.memory_space<semaphore_mem>>) src(%dma_wait3A_226 : memref<320000x128xf32, #tpu.memory_space<hbm>>) dst(%arg13 : memref<16x128xf32, #tpu.memory_space<vmem>>)
          %dma_wait3A_227 = arith.constant 0 : i32
          %dma_wait3A_228 = arith.constant 0 : i32
          %dma_wait3A_229 = tpu.memref_slice %arg2[%dma_wait3A_227, %dma_wait3A_228] : memref<320000x128xf32, #tpu.memory_space<hbm>> -> memref<320000x128xf32, #tpu.memory_space<hbm>>
          tpu.wait_indirect_dma semaphore(%arg24 : memref<!tpu.dma_semaphore, #tpu.memory_space<semaphore_mem>>) src(%dma_wait3A_229 : memref<320000x128xf32, #tpu.memory_space<hbm>>) dst(%arg14 : memref<16x128xf32, #tpu.memory_space<vmem>>)
          %dma_wait3A_230 = arith.constant 0 : i32
          %dma_wait3A_231 = arith.constant 0 : i32
          %dma_wait3A_232 = tpu.memref_slice %arg3[%dma_wait3A_230, %dma_wait3A_231] : memref<320000x128xf32, #tpu.memory_space<hbm>> -> memref<320000x128xf32, #tpu.memory_space<hbm>>
          tpu.wait_indirect_dma semaphore(%arg24 : memref<!tpu.dma_semaphore, #tpu.memory_space<semaphore_mem>>) src(%dma_wait3A_232 : memref<320000x128xf32, #tpu.memory_space<hbm>>) dst(%arg15 : memref<16x128xf32, #tpu.memory_space<vmem>>)
          %scan3A_233 = arith.constant 0 : i32
          %scan3A_234 = arith.constant 0 : i32
          %scan3A_235 = arith.constant 16 : i32
          %scan3A_236 = arith.addi %scan3A_234, %scan3A_235 : i32
          %scan3A_237 = arith.constant 1 : i32
          %scan3A_238 = scf.for %scan3A_438 = %scan3A_234 to %scan3A_236 step %scan3A_237 iter_args(%scan3A_439 = %scan3A_233) -> (i32)  : i32 {
            %broadcast_in_dim3A_440 = arith.constant 0.000000e+00 : f32
            %broadcast_in_dim3A_441 = vector.broadcast %broadcast_in_dim3A_440 : f32 to vector<16xf32>
            %get3A_442 = arith.index_cast %scan3A_438 : i32 to index
            %get3A_443 = arith.constant 0 : index
            %get3A_444 = tpu.vector_load %arg13[%get3A_442, %get3A_443] {strides = array<i32>} : memref<16x128xf32, #tpu.memory_space<vmem>>, vector<16xf32>,
            %get3A_445 = arith.index_cast %scan3A_438 : i32 to index
            %get3A_446 = arith.constant 0 : index
            %get3A_447 = tpu.vector_load %arg14[%get3A_445, %get3A_446] {strides = array<i32>} : memref<16x128xf32, #tpu.memory_space<vmem>>, vector<16xf32>,
            %add3A_448 = arith.addf %get3A_444, %get3A_447 : vector<16xf32>
            %get3A_449 = arith.index_cast %scan3A_438 : i32 to index
            %get3A_450 = arith.constant 0 : index
            %get3A_451 = tpu.vector_load %arg15[%get3A_449, %get3A_450] {strides = array<i32>} : memref<16x128xf32, #tpu.memory_space<vmem>>, vector<16xf32>,
            %add3A_452 = arith.addf %add3A_448, %get3A_451 : vector<16xf32>
            %gt3A = arith.constant 0.000000e+00 : f32
            %gt3A_453 = vector.broadcast %gt3A : f32 to vector<16xf32>
            %gt3A_454 = arith.cmpf ogt, %add3A_452, %gt3A_453 : vector<16xf32>
            %mul3A_455 = arith.constant 2.000000e-01 : f32
            %mul3A_456 = vector.broadcast %mul3A_455 : f32 to vector<16xf32>
            %mul3A_457 = arith.mulf %add3A_452, %mul3A_456 : vector<16xf32>
            %select_n3A_458 = arith.select %gt3A_454, %add3A_452, %mul3A_457 : vector<16xi1>, vector<16xf32>
            %get3A_459 = arith.constant 0 : index
            %get3A_460 = tpu.vector_load %arg21[%get3A_459] {strides = array<i32>} : memref<128xf32, #tpu.memory_space<vmem>>, vector<16xf32>,
            %mul3A_461 = arith.mulf %select_n3A_458, %get3A_460 : vector<16xf32>
            %add3A_462 = arith.addf %broadcast_in_dim3A_441, %mul3A_461 : vector<16xf32>
            %get3A_463 = arith.index_cast %scan3A_438 : i32 to index
            %get3A_464 = arith.constant 16 : index
            %get3A_465 = tpu.vector_load %arg13[%get3A_463, %get3A_464] {strides = array<i32>} : memref<16x128xf32, #tpu.memory_space<vmem>>, vector<16xf32>,
            %get3A_466 = arith.index_cast %scan3A_438 : i32 to index
            %get3A_467 = arith.constant 16 : index
            %get3A_468 = tpu.vector_load %arg14[%get3A_466, %get3A_467] {strides = array<i32>} : memref<16x128xf32, #tpu.memory_space<vmem>>, vector<16xf32>,
            %add3A_469 = arith.addf %get3A_465, %get3A_468 : vector<16xf32>
            %get3A_470 = arith.index_cast %scan3A_438 : i32 to index
            %get3A_471 = arith.constant 16 : index
            %get3A_472 = tpu.vector_load %arg15[%get3A_470, %get3A_471] {strides = array<i32>} : memref<16x128xf32, #tpu.memory_space<vmem>>, vector<16xf32>,
            %add3A_473 = arith.addf %add3A_469, %get3A_472 : vector<16xf32>
            %gt3A_474 = arith.constant 0.000000e+00 : f32
            %gt3A_475 = vector.broadcast %gt3A_474 : f32 to vector<16xf32>
            %gt3A_476 = arith.cmpf ogt, %add3A_473, %gt3A_475 : vector<16xf32>
            %mul3A_477 = arith.constant 2.000000e-01 : f32
            %mul3A_478 = vector.broadcast %mul3A_477 : f32 to vector<16xf32>
            %mul3A_479 = arith.mulf %add3A_473, %mul3A_478 : vector<16xf32>
            %select_n3A_480 = arith.select %gt3A_476, %add3A_473, %mul3A_479 : vector<16xi1>, vector<16xf32>
            %get3A_481 = arith.constant 16 : index
            %get3A_482 = tpu.vector_load %arg21[%get3A_481] {strides = array<i32>} : memref<128xf32, #tpu.memory_space<vmem>>, vector<16xf32>,
            %mul3A_483 = arith.mulf %select_n3A_480, %get3A_482 : vector<16xf32>
            %add3A_484 = arith.addf %add3A_462, %mul3A_483 : vector<16xf32>
            %get3A_485 = arith.index_cast %scan3A_438 : i32 to index
            %get3A_486 = arith.constant 32 : index
            %get3A_487 = tpu.vector_load %arg13[%get3A_485, %get3A_486] {strides = array<i32>} : memref<16x128xf32, #tpu.memory_space<vmem>>, vector<16xf32>,
            %get3A_488 = arith.index_cast %scan3A_438 : i32 to index
            %get3A_489 = arith.constant 32 : index
            %get3A_490 = tpu.vector_load %arg14[%get3A_488, %get3A_489] {strides = array<i32>} : memref<16x128xf32, #tpu.memory_space<vmem>>, vector<16xf32>,
            %add3A_491 = arith.addf %get3A_487, %get3A_490 : vector<16xf32>
            %get3A_492 = arith.index_cast %scan3A_438 : i32 to index
            %get3A_493 = arith.constant 32 : index
            %get3A_494 = tpu.vector_load %arg15[%get3A_492, %get3A_493] {strides = array<i32>} : memref<16x128xf32, #tpu.memory_space<vmem>>, vector<16xf32>,
            %add3A_495 = arith.addf %add3A_491, %get3A_494 : vector<16xf32>
            %gt3A_496 = arith.constant 0.000000e+00 : f32
            %gt3A_497 = vector.broadcast %gt3A_496 : f32 to vector<16xf32>
            %gt3A_498 = arith.cmpf ogt, %add3A_495, %gt3A_497 : vector<16xf32>
            %mul3A_499 = arith.constant 2.000000e-01 : f32
            %mul3A_500 = vector.broadcast %mul3A_499 : f32 to vector<16xf32>
            %mul3A_501 = arith.mulf %add3A_495, %mul3A_500 : vector<16xf32>
            %select_n3A_502 = arith.select %gt3A_498, %add3A_495, %mul3A_501 : vector<16xi1>, vector<16xf32>
            %get3A_503 = arith.constant 32 : index
            %get3A_504 = tpu.vector_load %arg21[%get3A_503] {strides = array<i32>} : memref<128xf32, #tpu.memory_space<vmem>>, vector<16xf32>,
            %mul3A_505 = arith.mulf %select_n3A_502, %get3A_504 : vector<16xf32>
            %add3A_506 = arith.addf %add3A_484, %mul3A_505 : vector<16xf32>
            %get3A_507 = arith.index_cast %scan3A_438 : i32 to index
            %get3A_508 = arith.constant 48 : index
            %get3A_509 = tpu.vector_load %arg13[%get3A_507, %get3A_508] {strides = array<i32>} : memref<16x128xf32, #tpu.memory_space<vmem>>, vector<16xf32>,
            %get3A_510 = arith.index_cast %scan3A_438 : i32 to index
            %get3A_511 = arith.constant 48 : index
            %get3A_512 = tpu.vector_load %arg14[%get3A_510, %get3A_511] {strides = array<i32>} : memref<16x128xf32, #tpu.memory_space<vmem>>, vector<16xf32>,
            %add3A_513 = arith.addf %get3A_509, %get3A_512 : vector<16xf32>
            %get3A_514 = arith.index_cast %scan3A_438 : i32 to index
            %get3A_515 = arith.constant 48 : index
            %get3A_516 = tpu.vector_load %arg15[%get3A_514, %get3A_515] {strides = array<i32>} : memref<16x128xf32, #tpu.memory_space<vmem>>, vector<16xf32>,
            %add3A_517 = arith.addf %add3A_513, %get3A_516 : vector<16xf32>
            %gt3A_518 = arith.constant 0.000000e+00 : f32
            %gt3A_519 = vector.broadcast %gt3A_518 : f32 to vector<16xf32>
            %gt3A_520 = arith.cmpf ogt, %add3A_517, %gt3A_519 : vector<16xf32>
            %mul3A_521 = arith.constant 2.000000e-01 : f32
            %mul3A_522 = vector.broadcast %mul3A_521 : f32 to vector<16xf32>
            %mul3A_523 = arith.mulf %add3A_517, %mul3A_522 : vector<16xf32>
            %select_n3A_524 = arith.select %gt3A_520, %add3A_517, %mul3A_523 : vector<16xi1>, vector<16xf32>
            %get3A_525 = arith.constant 48 : index
            %get3A_526 = tpu.vector_load %arg21[%get3A_525] {strides = array<i32>} : memref<128xf32, #tpu.memory_space<vmem>>, vector<16xf32>,
            %mul3A_527 = arith.mulf %select_n3A_524, %get3A_526 : vector<16xf32>
            %add3A_528 = arith.addf %add3A_506, %mul3A_527 : vector<16xf32>
            %get3A_529 = arith.index_cast %scan3A_438 : i32 to index
            %get3A_530 = arith.constant 64 : index
            %get3A_531 = tpu.vector_load %arg13[%get3A_529, %get3A_530] {strides = array<i32>} : memref<16x128xf32, #tpu.memory_space<vmem>>, vector<16xf32>,
            %get3A_532 = arith.index_cast %scan3A_438 : i32 to index
            %get3A_533 = arith.constant 64 : index
            %get3A_534 = tpu.vector_load %arg14[%get3A_532, %get3A_533] {strides = array<i32>} : memref<16x128xf32, #tpu.memory_space<vmem>>, vector<16xf32>,
            %add3A_535 = arith.addf %get3A_531, %get3A_534 : vector<16xf32>
            %get3A_536 = arith.index_cast %scan3A_438 : i32 to index
            %get3A_537 = arith.constant 64 : index
            %get3A_538 = tpu.vector_load %arg15[%get3A_536, %get3A_537] {strides = array<i32>} : memref<16x128xf32, #tpu.memory_space<vmem>>, vector<16xf32>,
            %add3A_539 = arith.addf %add3A_535, %get3A_538 : vector<16xf32>
            %gt3A_540 = arith.constant 0.000000e+00 : f32
            %gt3A_541 = vector.broadcast %gt3A_540 : f32 to vector<16xf32>
            %gt3A_542 = arith.cmpf ogt, %add3A_539, %gt3A_541 : vector<16xf32>
            %mul3A_543 = arith.constant 2.000000e-01 : f32
            %mul3A_544 = vector.broadcast %mul3A_543 : f32 to vector<16xf32>
            %mul3A_545 = arith.mulf %add3A_539, %mul3A_544 : vector<16xf32>
            %select_n3A_546 = arith.select %gt3A_542, %add3A_539, %mul3A_545 : vector<16xi1>, vector<16xf32>
            %get3A_547 = arith.constant 64 : index
            %get3A_548 = tpu.vector_load %arg21[%get3A_547] {strides = array<i32>} : memref<128xf32, #tpu.memory_space<vmem>>, vector<16xf32>,
            %mul3A_549 = arith.mulf %select_n3A_546, %get3A_548 : vector<16xf32>
            %add3A_550 = arith.addf %add3A_528, %mul3A_549 : vector<16xf32>
            %get3A_551 = arith.index_cast %scan3A_438 : i32 to index
            %get3A_552 = arith.constant 80 : index
            %get3A_553 = tpu.vector_load %arg13[%get3A_551, %get3A_552] {strides = array<i32>} : memref<16x128xf32, #tpu.memory_space<vmem>>, vector<16xf32>,
            %get3A_554 = arith.index_cast %scan3A_438 : i32 to index
            %get3A_555 = arith.constant 80 : index
            %get3A_556 = tpu.vector_load %arg14[%get3A_554, %get3A_555] {strides = array<i32>} : memref<16x128xf32, #tpu.memory_space<vmem>>, vector<16xf32>,
            %add3A_557 = arith.addf %get3A_553, %get3A_556 : vector<16xf32>
            %get3A_558 = arith.index_cast %scan3A_438 : i32 to index
            %get3A_559 = arith.constant 80 : index
            %get3A_560 = tpu.vector_load %arg15[%get3A_558, %get3A_559] {strides = array<i32>} : memref<16x128xf32, #tpu.memory_space<vmem>>, vector<16xf32>,
            %add3A_561 = arith.addf %add3A_557, %get3A_560 : vector<16xf32>
            %gt3A_562 = arith.constant 0.000000e+00 : f32
            %gt3A_563 = vector.broadcast %gt3A_562 : f32 to vector<16xf32>
            %gt3A_564 = arith.cmpf ogt, %add3A_561, %gt3A_563 : vector<16xf32>
            %mul3A_565 = arith.constant 2.000000e-01 : f32
            %mul3A_566 = vector.broadcast %mul3A_565 : f32 to vector<16xf32>
            %mul3A_567 = arith.mulf %add3A_561, %mul3A_566 : vector<16xf32>
            %select_n3A_568 = arith.select %gt3A_564, %add3A_561, %mul3A_567 : vector<16xi1>, vector<16xf32>
            %get3A_569 = arith.constant 80 : index
            %get3A_570 = tpu.vector_load %arg21[%get3A_569] {strides = array<i32>} : memref<128xf32, #tpu.memory_space<vmem>>, vector<16xf32>,
            %mul3A_571 = arith.mulf %select_n3A_568, %get3A_570 : vector<16xf32>
            %add3A_572 = arith.addf %add3A_550, %mul3A_571 : vector<16xf32>
            %get3A_573 = arith.index_cast %scan3A_438 : i32 to index
            %get3A_574 = arith.constant 96 : index
            %get3A_575 = tpu.vector_load %arg13[%get3A_573, %get3A_574] {strides = array<i32>} : memref<16x128xf32, #tpu.memory_space<vmem>>, vector<16xf32>,
            %get3A_576 = arith.index_cast %scan3A_438 : i32 to index
            %get3A_577 = arith.constant 96 : index
            %get3A_578 = tpu.vector_load %arg14[%get3A_576, %get3A_577] {strides = array<i32>} : memref<16x128xf32, #tpu.memory_space<vmem>>, vector<16xf32>,
            %add3A_579 = arith.addf %get3A_575, %get3A_578 : vector<16xf32>
            %get3A_580 = arith.index_cast %scan3A_438 : i32 to index
            %get3A_581 = arith.constant 96 : index
            %get3A_582 = tpu.vector_load %arg15[%get3A_580, %get3A_581] {strides = array<i32>} : memref<16x128xf32, #tpu.memory_space<vmem>>, vector<16xf32>,
            %add3A_583 = arith.addf %add3A_579, %get3A_582 : vector<16xf32>
            %gt3A_584 = arith.constant 0.000000e+00 : f32
            %gt3A_585 = vector.broadcast %gt3A_584 : f32 to vector<16xf32>
            %gt3A_586 = arith.cmpf ogt, %add3A_583, %gt3A_585 : vector<16xf32>
            %mul3A_587 = arith.constant 2.000000e-01 : f32
            %mul3A_588 = vector.broadcast %mul3A_587 : f32 to vector<16xf32>
            %mul3A_589 = arith.mulf %add3A_583, %mul3A_588 : vector<16xf32>
            %select_n3A_590 = arith.select %gt3A_586, %add3A_583, %mul3A_589 : vector<16xi1>, vector<16xf32>
            %get3A_591 = arith.constant 96 : index
            %get3A_592 = tpu.vector_load %arg21[%get3A_591] {strides = array<i32>} : memref<128xf32, #tpu.memory_space<vmem>>, vector<16xf32>,
            %mul3A_593 = arith.mulf %select_n3A_590, %get3A_592 : vector<16xf32>
            %add3A_594 = arith.addf %add3A_572, %mul3A_593 : vector<16xf32>
            %get3A_595 = arith.index_cast %scan3A_438 : i32 to index
            %get3A_596 = arith.constant 112 : index
            %get3A_597 = tpu.vector_load %arg13[%get3A_595, %get3A_596] {strides = array<i32>} : memref<16x128xf32, #tpu.memory_space<vmem>>, vector<16xf32>,
            %get3A_598 = arith.index_cast %scan3A_438 : i32 to index
            %get3A_599 = arith.constant 112 : index
            %get3A_600 = tpu.vector_load %arg14[%get3A_598, %get3A_599] {strides = array<i32>} : memref<16x128xf32, #tpu.memory_space<vmem>>, vector<16xf32>,
            %add3A_601 = arith.addf %get3A_597, %get3A_600 : vector<16xf32>
            %get3A_602 = arith.index_cast %scan3A_438 : i32 to index
            %get3A_603 = arith.constant 112 : index
            %get3A_604 = tpu.vector_load %arg15[%get3A_602, %get3A_603] {strides = array<i32>} : memref<16x128xf32, #tpu.memory_space<vmem>>, vector<16xf32>,
            %add3A_605 = arith.addf %add3A_601, %get3A_604 : vector<16xf32>
            %gt3A_606 = arith.constant 0.000000e+00 : f32
            %gt3A_607 = vector.broadcast %gt3A_606 : f32 to vector<16xf32>
            %gt3A_608 = arith.cmpf ogt, %add3A_605, %gt3A_607 : vector<16xf32>
            %mul3A_609 = arith.constant 2.000000e-01 : f32
            %mul3A_610 = vector.broadcast %mul3A_609 : f32 to vector<16xf32>
            %mul3A_611 = arith.mulf %add3A_605, %mul3A_610 : vector<16xf32>
            %select_n3A_612 = arith.select %gt3A_608, %add3A_605, %mul3A_611 : vector<16xi1>, vector<16xf32>
            %get3A_613 = arith.constant 112 : index
            %get3A_614 = tpu.vector_load %arg21[%get3A_613] {strides = array<i32>} : memref<128xf32, #tpu.memory_space<vmem>>, vector<16xf32>,
            %mul3A_615 = arith.mulf %select_n3A_612, %get3A_614 : vector<16xf32>
            %add3A_616 = arith.addf %add3A_594, %mul3A_615 : vector<16xf32>
            %swap3A = arith.index_cast %scan3A_438 : i32 to index
            %swap3A_617 = arith.constant 0 : index
            %swap3A_618 = tpu.vector_load %arg20[%swap3A, %swap3A_617] {strides = array<i32>} : memref<16x16xf32, #tpu.memory_space<vmem>>, vector<16xf32>,
            tpu.vector_store %arg20[%swap3A, %swap3A_617], %add3A_616 {strides = array<i32>} : memref<16x16xf32, #tpu.memory_space<vmem>>, vector<16xf32>,
            %scan3A_619 = arith.constant 0 : i32
            scf.yield %scan3A_619 : i32
          }
          %scan3A_239 = arith.constant 16 : i32
          %broadcast_in_dim3A_240 = arith.constant 0.000000e+00 : f32
          %broadcast_in_dim3A_241 = vector.broadcast %broadcast_in_dim3A_240 : f32 to vector<16xf32>
          %broadcast_in_dim3A_242 = arith.constant 0 : i32
          %broadcast_in_dim3A_243 = vector.broadcast %broadcast_in_dim3A_242 : i32 to vector<16xi32>
          %gather3A = tpu.vector_load_idx %arg20[%iota3A, %broadcast_in_dim3A_243] : memref<16x16xf32, #tpu.memory_space<vmem>>[vector<16xi32>, vector<16xi32>], vector<16xf32>,
          %add3A_244 = arith.addf %broadcast_in_dim3A_241, %gather3A : vector<16xf32>
          %broadcast_in_dim3A_245 = arith.constant 1 : i32
          %broadcast_in_dim3A_246 = vector.broadcast %broadcast_in_dim3A_245 : i32 to vector<16xi32>
          %gather3A_247 = tpu.vector_load_idx %arg20[%iota3A, %broadcast_in_dim3A_246] : memref<16x16xf32, #tpu.memory_space<vmem>>[vector<16xi32>, vector<16xi32>], vector<16xf32>,
          %add3A_248 = arith.addf %add3A_244, %gather3A_247 : vector<16xf32>
          %broadcast_in_dim3A_249 = arith.constant 2 : i32
          %broadcast_in_dim3A_250 = vector.broadcast %broadcast_in_dim3A_249 : i32 to vector<16xi32>
          %gather3A_251 = tpu.vector_load_idx %arg20[%iota3A, %broadcast_in_dim3A_250] : memref<16x16xf32, #tpu.memory_space<vmem>>[vector<16xi32>, vector<16xi32>], vector<16xf32>,
          %add3A_252 = arith.addf %add3A_248, %gather3A_251 : vector<16xf32>
          %broadcast_in_dim3A_253 = arith.constant 3 : i32
          %broadcast_in_dim3A_254 = vector.broadcast %broadcast_in_dim3A_253 : i32 to vector<16xi32>
          %gather3A_255 = tpu.vector_load_idx %arg20[%iota3A, %broadcast_in_dim3A_254] : memref<16x16xf32, #tpu.memory_space<vmem>>[vector<16xi32>, vector<16xi32>], vector<16xf32>,
          %add3A_256 = arith.addf %add3A_252, %gather3A_255 : vector<16xf32>
          %broadcast_in_dim3A_257 = arith.constant 4 : i32
          %broadcast_in_dim3A_258 = vector.broadcast %broadcast_in_dim3A_257 : i32 to vector<16xi32>
          %gather3A_259 = tpu.vector_load_idx %arg20[%iota3A, %broadcast_in_dim3A_258] : memref<16x16xf32, #tpu.memory_space<vmem>>[vector<16xi32>, vector<16xi32>], vector<16xf32>,
          %add3A_260 = arith.addf %add3A_256, %gather3A_259 : vector<16xf32>
          %broadcast_in_dim3A_261 = arith.constant 5 : i32
          %broadcast_in_dim3A_262 = vector.broadcast %broadcast_in_dim3A_261 : i32 to vector<16xi32>
          %gather3A_263 = tpu.vector_load_idx %arg20[%iota3A, %broadcast_in_dim3A_262] : memref<16x16xf32, #tpu.memory_space<vmem>>[vector<16xi32>, vector<16xi32>], vector<16xf32>,
          %add3A_264 = arith.addf %add3A_260, %gather3A_263 : vector<16xf32>
          %broadcast_in_dim3A_265 = arith.constant 6 : i32
          %broadcast_in_dim3A_266 = vector.broadcast %broadcast_in_dim3A_265 : i32 to vector<16xi32>
          %gather3A_267 = tpu.vector_load_idx %arg20[%iota3A, %broadcast_in_dim3A_266] : memref<16x16xf32, #tpu.memory_space<vmem>>[vector<16xi32>, vector<16xi32>], vector<16xf32>,
          %add3A_268 = arith.addf %add3A_264, %gather3A_267 : vector<16xf32>
          %broadcast_in_dim3A_269 = arith.constant 7 : i32
          %broadcast_in_dim3A_270 = vector.broadcast %broadcast_in_dim3A_269 : i32 to vector<16xi32>
          %gather3A_271 = tpu.vector_load_idx %arg20[%iota3A, %broadcast_in_dim3A_270] : memref<16x16xf32, #tpu.memory_space<vmem>>[vector<16xi32>, vector<16xi32>], vector<16xf32>,
          %add3A_272 = arith.addf %add3A_268, %gather3A_271 : vector<16xf32>
          %broadcast_in_dim3A_273 = arith.constant 8 : i32
          %broadcast_in_dim3A_274 = vector.broadcast %broadcast_in_dim3A_273 : i32 to vector<16xi32>
          %gather3A_275 = tpu.vector_load_idx %arg20[%iota3A, %broadcast_in_dim3A_274] : memref<16x16xf32, #tpu.memory_space<vmem>>[vector<16xi32>, vector<16xi32>], vector<16xf32>,
          %add3A_276 = arith.addf %add3A_272, %gather3A_275 : vector<16xf32>
          %broadcast_in_dim3A_277 = arith.constant 9 : i32
          %broadcast_in_dim3A_278 = vector.broadcast %broadcast_in_dim3A_277 : i32 to vector<16xi32>
          %gather3A_279 = tpu.vector_load_idx %arg20[%iota3A, %broadcast_in_dim3A_278] : memref<16x16xf32, #tpu.memory_space<vmem>>[vector<16xi32>, vector<16xi32>], vector<16xf32>,
          %add3A_280 = arith.addf %add3A_276, %gather3A_279 : vector<16xf32>
          %broadcast_in_dim3A_281 = arith.constant 10 : i32
          %broadcast_in_dim3A_282 = vector.broadcast %broadcast_in_dim3A_281 : i32 to vector<16xi32>
          %gather3A_283 = tpu.vector_load_idx %arg20[%iota3A, %broadcast_in_dim3A_282] : memref<16x16xf32, #tpu.memory_space<vmem>>[vector<16xi32>, vector<16xi32>], vector<16xf32>,
          %add3A_284 = arith.addf %add3A_280, %gather3A_283 : vector<16xf32>
          %broadcast_in_dim3A_285 = arith.constant 11 : i32
          %broadcast_in_dim3A_286 = vector.broadcast %broadcast_in_dim3A_285 : i32 to vector<16xi32>
          %gather3A_287 = tpu.vector_load_idx %arg20[%iota3A, %broadcast_in_dim3A_286] : memref<16x16xf32, #tpu.memory_space<vmem>>[vector<16xi32>, vector<16xi32>], vector<16xf32>,
          %add3A_288 = arith.addf %add3A_284, %gather3A_287 : vector<16xf32>
          %broadcast_in_dim3A_289 = arith.constant 12 : i32
          %broadcast_in_dim3A_290 = vector.broadcast %broadcast_in_dim3A_289 : i32 to vector<16xi32>
          %gather3A_291 = tpu.vector_load_idx %arg20[%iota3A, %broadcast_in_dim3A_290] : memref<16x16xf32, #tpu.memory_space<vmem>>[vector<16xi32>, vector<16xi32>], vector<16xf32>,
          %add3A_292 = arith.addf %add3A_288, %gather3A_291 : vector<16xf32>
          %broadcast_in_dim3A_293 = arith.constant 13 : i32
          %broadcast_in_dim3A_294 = vector.broadcast %broadcast_in_dim3A_293 : i32 to vector<16xi32>
          %gather3A_295 = tpu.vector_load_idx %arg20[%iota3A, %broadcast_in_dim3A_294] : memref<16x16xf32, #tpu.memory_space<vmem>>[vector<16xi32>, vector<16xi32>], vector<16xf32>,
          %add3A_296 = arith.addf %add3A_292, %gather3A_295 : vector<16xf32>
          %broadcast_in_dim3A_297 = arith.constant 14 : i32
          %broadcast_in_dim3A_298 = vector.broadcast %broadcast_in_dim3A_297 : i32 to vector<16xi32>
          %gather3A_299 = tpu.vector_load_idx %arg20[%iota3A, %broadcast_in_dim3A_298] : memref<16x16xf32, #tpu.memory_space<vmem>>[vector<16xi32>, vector<16xi32>], vector<16xf32>,
          %add3A_300 = arith.addf %add3A_296, %gather3A_299 : vector<16xf32>
          %broadcast_in_dim3A_301 = arith.constant 15 : i32
          %broadcast_in_dim3A_302 = vector.broadcast %broadcast_in_dim3A_301 : i32 to vector<16xi32>
          %gather3A_303 = tpu.vector_load_idx %arg20[%iota3A, %broadcast_in_dim3A_302] : memref<16x16xf32, #tpu.memory_space<vmem>>[vector<16xi32>, vector<16xi32>], vector<16xf32>,
          %add3A_304 = arith.addf %add3A_300, %gather3A_303 : vector<16xf32>
          %exp3A = math.exp %add3A_304 : vector<16xf32>
          %add3A_305 = vector.broadcast %mul3A_186 : i32 to vector<16xi32>
          %add3A_306 = arith.addi %add3A_305, %iota3A : vector<16xi32>
          %lt3A = vector.broadcast %scan3A_147 : i32 to vector<16xi32>
          %lt3A_307 = arith.cmpi slt, %add3A_306, %lt3A : vector<16xi32>
          %sub3A_308 = vector.broadcast %add3A_109 : i32 to vector<16xi32>
          %sub3A_309 = arith.subi %get3A_191, %sub3A_308 : vector<16xi32>
          %jit3A_310 = arith.constant 10000 : i32
          %broadcast_in_dim3A_311 = vector.broadcast %jit3A_310 : i32 to vector<16xi32>
          %select_n3A_312 = arith.select %lt3A_307, %sub3A_309, %broadcast_in_dim3A_311 : vector<16xi1>, vector<16xi32>
          %scan3A_313 = arith.constant 0 : i32
          %scan3A_314 = arith.constant 0 : i32
          %scan3A_315 = arith.constant 16 : i32
          %scan3A_316 = arith.addi %scan3A_314, %scan3A_315 : i32
          %scan3A_317 = arith.constant 1 : i32
          %scan3A_318 = scf.for %scan3A_438 = %scan3A_314 to %scan3A_316 step %scan3A_317 iter_args(%scan3A_439 = %scan3A_313) -> (i32)  : i32 {
            %broadcast_in_dim3A_440 = vector.broadcast %scan3A_438 : i32 to vector<16xi32>
            %lt3A_441 = arith.constant 0 : i32
            %lt3A_442 = vector.broadcast %lt3A_441 : i32 to vector<16xi32>
            %lt3A_443 = arith.cmpi slt, %broadcast_in_dim3A_440, %lt3A_442 : vector<16xi32>
            %add3A_444 = arith.constant 16 : i32
            %add3A_445 = vector.broadcast %add3A_444 : i32 to vector<16xi32>
            %add3A_446 = arith.addi %broadcast_in_dim3A_440, %add3A_445 : vector<16xi32>
            %select_n3A_447 = arith.select %lt3A_443, %add3A_446, %broadcast_in_dim3A_440 : vector<16xi1>, vector<16xi32>
            %reshape3A = vector.shape_cast %select_n3A_447 : vector<16xi32> to vector<16x1xi32>
            %gather3A_448 = vector.shape_cast %reshape3A : vector<16x1xi32> to vector<16xi32>
            %gather3A_449 = tpu.dynamic_gather %exp3A[%gather3A_448] in [0] : vector<16xf32>, vector<16xi32> -> vector<16xf32>
            %get3A_450 = arith.index_cast %scan3A_438 : i32 to index
            %get3A_451 = arith.constant 0 : index
            %get3A_452 = tpu.vector_load %arg13[%get3A_450, %get3A_451] {strides = array<i32>} : memref<16x128xf32, #tpu.memory_space<vmem>>, vector<16xf32>,
            %mul3A_453 = arith.mulf %get3A_452, %gather3A_449 : vector<16xf32>
            %swap3A = arith.index_cast %scan3A_438 : i32 to index
            %swap3A_454 = arith.constant 0 : index
            %swap3A_455 = tpu.vector_load %arg19[%swap3A, %swap3A_454] {strides = array<i32>} : memref<16x144xf32, #tpu.memory_space<vmem>>, vector<16xf32>,
            tpu.vector_store %arg19[%swap3A, %swap3A_454], %mul3A_453 {strides = array<i32>} : memref<16x144xf32, #tpu.memory_space<vmem>>, vector<16xf32>,
            %get3A_456 = arith.index_cast %scan3A_438 : i32 to index
            %get3A_457 = arith.constant 16 : index
            %get3A_458 = tpu.vector_load %arg13[%get3A_456, %get3A_457] {strides = array<i32>} : memref<16x128xf32, #tpu.memory_space<vmem>>, vector<16xf32>,
            %mul3A_459 = arith.mulf %get3A_458, %gather3A_449 : vector<16xf32>
            %swap3A_460 = arith.index_cast %scan3A_438 : i32 to index
            %swap3A_461 = arith.constant 16 : index
            %swap3A_462 = tpu.vector_load %arg19[%swap3A_460, %swap3A_461] {strides = array<i32>} : memref<16x144xf32, #tpu.memory_space<vmem>>, vector<16xf32>,
            tpu.vector_store %arg19[%swap3A_460, %swap3A_461], %mul3A_459 {strides = array<i32>} : memref<16x144xf32, #tpu.memory_space<vmem>>, vector<16xf32>,
            %get3A_463 = arith.index_cast %scan3A_438 : i32 to index
            %get3A_464 = arith.constant 32 : index
            %get3A_465 = tpu.vector_load %arg13[%get3A_463, %get3A_464] {strides = array<i32>} : memref<16x128xf32, #tpu.memory_space<vmem>>, vector<16xf32>,
            %mul3A_466 = arith.mulf %get3A_465, %gather3A_449 : vector<16xf32>
            %swap3A_467 = arith.index_cast %scan3A_438 : i32 to index
            %swap3A_468 = arith.constant 32 : index
            %swap3A_469 = tpu.vector_load %arg19[%swap3A_467, %swap3A_468] {strides = array<i32>} : memref<16x144xf32, #tpu.memory_space<vmem>>, vector<16xf32>,
            tpu.vector_store %arg19[%swap3A_467, %swap3A_468], %mul3A_466 {strides = array<i32>} : memref<16x144xf32, #tpu.memory_space<vmem>>, vector<16xf32>,
            %get3A_470 = arith.index_cast %scan3A_438 : i32 to index
            %get3A_471 = arith.constant 48 : index
            %get3A_472 = tpu.vector_load %arg13[%get3A_470, %get3A_471] {strides = array<i32>} : memref<16x128xf32, #tpu.memory_space<vmem>>, vector<16xf32>,
            %mul3A_473 = arith.mulf %get3A_472, %gather3A_449 : vector<16xf32>
            %swap3A_474 = arith.index_cast %scan3A_438 : i32 to index
            %swap3A_475 = arith.constant 48 : index
            %swap3A_476 = tpu.vector_load %arg19[%swap3A_474, %swap3A_475] {strides = array<i32>} : memref<16x144xf32, #tpu.memory_space<vmem>>, vector<16xf32>,
            tpu.vector_store %arg19[%swap3A_474, %swap3A_475], %mul3A_473 {strides = array<i32>} : memref<16x144xf32, #tpu.memory_space<vmem>>, vector<16xf32>,
            %get3A_477 = arith.index_cast %scan3A_438 : i32 to index
            %get3A_478 = arith.constant 64 : index
            %get3A_479 = tpu.vector_load %arg13[%get3A_477, %get3A_478] {strides = array<i32>} : memref<16x128xf32, #tpu.memory_space<vmem>>, vector<16xf32>,
            %mul3A_480 = arith.mulf %get3A_479, %gather3A_449 : vector<16xf32>
            %swap3A_481 = arith.index_cast %scan3A_438 : i32 to index
            %swap3A_482 = arith.constant 64 : index
            %swap3A_483 = tpu.vector_load %arg19[%swap3A_481, %swap3A_482] {strides = array<i32>} : memref<16x144xf32, #tpu.memory_space<vmem>>, vector<16xf32>,
            tpu.vector_store %arg19[%swap3A_481, %swap3A_482], %mul3A_480 {strides = array<i32>} : memref<16x144xf32, #tpu.memory_space<vmem>>, vector<16xf32>,
            %get3A_484 = arith.index_cast %scan3A_438 : i32 to index
            %get3A_485 = arith.constant 80 : index
            %get3A_486 = tpu.vector_load %arg13[%get3A_484, %get3A_485] {strides = array<i32>} : memref<16x128xf32, #tpu.memory_space<vmem>>, vector<16xf32>,
            %mul3A_487 = arith.mulf %get3A_486, %gather3A_449 : vector<16xf32>
            %swap3A_488 = arith.index_cast %scan3A_438 : i32 to index
            %swap3A_489 = arith.constant 80 : index
            %swap3A_490 = tpu.vector_load %arg19[%swap3A_488, %swap3A_489] {strides = array<i32>} : memref<16x144xf32, #tpu.memory_space<vmem>>, vector<16xf32>,
            tpu.vector_store %arg19[%swap3A_488, %swap3A_489], %mul3A_487 {strides = array<i32>} : memref<16x144xf32, #tpu.memory_space<vmem>>, vector<16xf32>,
            %get3A_491 = arith.index_cast %scan3A_438 : i32 to index
            %get3A_492 = arith.constant 96 : index
            %get3A_493 = tpu.vector_load %arg13[%get3A_491, %get3A_492] {strides = array<i32>} : memref<16x128xf32, #tpu.memory_space<vmem>>, vector<16xf32>,
            %mul3A_494 = arith.mulf %get3A_493, %gather3A_449 : vector<16xf32>
            %swap3A_495 = arith.index_cast %scan3A_438 : i32 to index
            %swap3A_496 = arith.constant 96 : index
            %swap3A_497 = tpu.vector_load %arg19[%swap3A_495, %swap3A_496] {strides = array<i32>} : memref<16x144xf32, #tpu.memory_space<vmem>>, vector<16xf32>,
            tpu.vector_store %arg19[%swap3A_495, %swap3A_496], %mul3A_494 {strides = array<i32>} : memref<16x144xf32, #tpu.memory_space<vmem>>, vector<16xf32>,
            %get3A_498 = arith.index_cast %scan3A_438 : i32 to index
            %get3A_499 = arith.constant 112 : index
            %get3A_500 = tpu.vector_load %arg13[%get3A_498, %get3A_499] {strides = array<i32>} : memref<16x128xf32, #tpu.memory_space<vmem>>, vector<16xf32>,
            %mul3A_501 = arith.mulf %get3A_500, %gather3A_449 : vector<16xf32>
            %swap3A_502 = arith.index_cast %scan3A_438 : i32 to index
            %swap3A_503 = arith.constant 112 : index
            %swap3A_504 = tpu.vector_load %arg19[%swap3A_502, %swap3A_503] {strides = array<i32>} : memref<16x144xf32, #tpu.memory_space<vmem>>, vector<16xf32>,
            tpu.vector_store %arg19[%swap3A_502, %swap3A_503], %mul3A_501 {strides = array<i32>} : memref<16x144xf32, #tpu.memory_space<vmem>>, vector<16xf32>,
            %scan3A_505 = arith.constant 0 : i32
            scf.yield %scan3A_505 : i32
          }
          %scan3A_319 = arith.constant 16 : i32
          %broadcast_in_dim3A_320 = arith.constant 128 : i32
          %broadcast_in_dim3A_321 = vector.broadcast %broadcast_in_dim3A_320 : i32 to vector<16xi32>
          tpu.vector_store_idx %arg19[%iota3A, %broadcast_in_dim3A_321], %exp3A : memref<16x144xf32, #tpu.memory_space<vmem>>[vector<16xi32>, vector<16xi32>], vector<16xf32>,
          %dma_start3A_322 = arith.constant 0 : i32
          %dma_start3A_323 = arith.constant 0 : i32
          %dma_start3A_324 = tpu.memref_slice %arg23[%dma_start3A_322, %dma_start3A_323] : memref<10040x144xf32, #tpu.memory_space<vmem_shared>> -> memref<10040x144xf32, #tpu.memory_space<vmem_shared>>
          tpu.enqueue_indirect_dma source(%arg19 : memref<16x144xf32, #tpu.memory_space<vmem>>) target(%dma_start3A_324 : memref<10040x144xf32, #tpu.memory_space<vmem_shared>>) offsets(%select_n3A_312 : vector<16xi32>) semaphore(%arg25 : memref<!tpu.dma_semaphore, #tpu.memory_space<semaphore_mem>>) {add = true}
          %dma_wait3A_325 = arith.constant 0 : i32
          %dma_wait3A_326 = arith.constant 0 : i32
          %dma_wait3A_327 = tpu.memref_slice %arg23[%dma_wait3A_325, %dma_wait3A_326] : memref<10040x144xf32, #tpu.memory_space<vmem_shared>> -> memref<10040x144xf32, #tpu.memory_space<vmem_shared>>
          tpu.wait_indirect_dma semaphore(%arg25 : memref<!tpu.dma_semaphore, #tpu.memory_space<semaphore_mem>>) src(%arg19 : memref<16x144xf32, #tpu.memory_space<vmem>>) dst(%dma_wait3A_327 : memref<10040x144xf32, #tpu.memory_space<vmem_shared>>)
          %dma_wait3A_328 = arith.constant 0 : i32
          %dma_wait3A_329 = arith.constant 0 : i32
          %dma_wait3A_330 = tpu.memref_slice %arg2[%dma_wait3A_328, %dma_wait3A_329] : memref<320000x128xf32, #tpu.memory_space<hbm>> -> memref<320000x128xf32, #tpu.memory_space<hbm>>
          tpu.wait_indirect_dma semaphore(%arg24 : memref<!tpu.dma_semaphore, #tpu.memory_space<semaphore_mem>>) src(%dma_wait3A_330 : memref<320000x128xf32, #tpu.memory_space<hbm>>) dst(%arg16 : memref<16x128xf32, #tpu.memory_space<vmem>>)
          %dma_wait3A_331 = arith.constant 0 : i32
          %dma_wait3A_332 = arith.constant 0 : i32
          %dma_wait3A_333 = tpu.memref_slice %arg2[%dma_wait3A_331, %dma_wait3A_332] : memref<320000x128xf32, #tpu.memory_space<hbm>> -> memref<320000x128xf32, #tpu.memory_space<hbm>>
          tpu.wait_indirect_dma semaphore(%arg24 : memref<!tpu.dma_semaphore, #tpu.memory_space<semaphore_mem>>) src(%dma_wait3A_333 : memref<320000x128xf32, #tpu.memory_space<hbm>>) dst(%arg17 : memref<16x128xf32, #tpu.memory_space<vmem>>)
          %dma_wait3A_334 = arith.constant 0 : i32
          %dma_wait3A_335 = arith.constant 0 : i32
          %dma_wait3A_336 = tpu.memref_slice %arg3[%dma_wait3A_334, %dma_wait3A_335] : memref<320000x128xf32, #tpu.memory_space<hbm>> -> memref<320000x128xf32, #tpu.memory_space<hbm>>
          tpu.wait_indirect_dma semaphore(%arg24 : memref<!tpu.dma_semaphore, #tpu.memory_space<semaphore_mem>>) src(%dma_wait3A_336 : memref<320000x128xf32, #tpu.memory_space<hbm>>) dst(%arg18 : memref<16x128xf32, #tpu.memory_space<vmem>>)
          %add3A_337 = arith.constant 16 : i32
          %add3A_338 = arith.addi %mul3A_186, %add3A_337 : i32
          %scan3A_339 = arith.constant 0 : i32
          %scan3A_340 = arith.constant 0 : i32
          %scan3A_341 = arith.constant 16 : i32
          %scan3A_342 = arith.addi %scan3A_340, %scan3A_341 : i32
          %scan3A_343 = arith.constant 1 : i32
          %scan3A_344 = scf.for %scan3A_438 = %scan3A_340 to %scan3A_342 step %scan3A_343 iter_args(%scan3A_439 = %scan3A_339) -> (i32)  : i32 {
            %broadcast_in_dim3A_440 = arith.constant 0.000000e+00 : f32
            %broadcast_in_dim3A_441 = vector.broadcast %broadcast_in_dim3A_440 : f32 to vector<16xf32>
            %get3A_442 = arith.index_cast %scan3A_438 : i32 to index
            %get3A_443 = arith.constant 0 : index
            %get3A_444 = tpu.vector_load %arg16[%get3A_442, %get3A_443] {strides = array<i32>} : memref<16x128xf32, #tpu.memory_space<vmem>>, vector<16xf32>,
            %get3A_445 = arith.index_cast %scan3A_438 : i32 to index
            %get3A_446 = arith.constant 0 : index
            %get3A_447 = tpu.vector_load %arg17[%get3A_445, %get3A_446] {strides = array<i32>} : memref<16x128xf32, #tpu.memory_space<vmem>>, vector<16xf32>,
            %add3A_448 = arith.addf %get3A_444, %get3A_447 : vector<16xf32>
            %get3A_449 = arith.index_cast %scan3A_438 : i32 to index
            %get3A_450 = arith.constant 0 : index
            %get3A_451 = tpu.vector_load %arg18[%get3A_449, %get3A_450] {strides = array<i32>} : memref<16x128xf32, #tpu.memory_space<vmem>>, vector<16xf32>,
            %add3A_452 = arith.addf %add3A_448, %get3A_451 : vector<16xf32>
            %gt3A = arith.constant 0.000000e+00 : f32
            %gt3A_453 = vector.broadcast %gt3A : f32 to vector<16xf32>
            %gt3A_454 = arith.cmpf ogt, %add3A_452, %gt3A_453 : vector<16xf32>
            %mul3A_455 = arith.constant 2.000000e-01 : f32
            %mul3A_456 = vector.broadcast %mul3A_455 : f32 to vector<16xf32>
            %mul3A_457 = arith.mulf %add3A_452, %mul3A_456 : vector<16xf32>
            %select_n3A_458 = arith.select %gt3A_454, %add3A_452, %mul3A_457 : vector<16xi1>, vector<16xf32>
            %get3A_459 = arith.constant 0 : index
            %get3A_460 = tpu.vector_load %arg21[%get3A_459] {strides = array<i32>} : memref<128xf32, #tpu.memory_space<vmem>>, vector<16xf32>,
            %mul3A_461 = arith.mulf %select_n3A_458, %get3A_460 : vector<16xf32>
            %add3A_462 = arith.addf %broadcast_in_dim3A_441, %mul3A_461 : vector<16xf32>
            %get3A_463 = arith.index_cast %scan3A_438 : i32 to index
            %get3A_464 = arith.constant 16 : index
            %get3A_465 = tpu.vector_load %arg16[%get3A_463, %get3A_464] {strides = array<i32>} : memref<16x128xf32, #tpu.memory_space<vmem>>, vector<16xf32>,
            %get3A_466 = arith.index_cast %scan3A_438 : i32 to index
            %get3A_467 = arith.constant 16 : index
            %get3A_468 = tpu.vector_load %arg17[%get3A_466, %get3A_467] {strides = array<i32>} : memref<16x128xf32, #tpu.memory_space<vmem>>, vector<16xf32>,
            %add3A_469 = arith.addf %get3A_465, %get3A_468 : vector<16xf32>
            %get3A_470 = arith.index_cast %scan3A_438 : i32 to index
            %get3A_471 = arith.constant 16 : index
            %get3A_472 = tpu.vector_load %arg18[%get3A_470, %get3A_471] {strides = array<i32>} : memref<16x128xf32, #tpu.memory_space<vmem>>, vector<16xf32>,
            %add3A_473 = arith.addf %add3A_469, %get3A_472 : vector<16xf32>
            %gt3A_474 = arith.constant 0.000000e+00 : f32
            %gt3A_475 = vector.broadcast %gt3A_474 : f32 to vector<16xf32>
            %gt3A_476 = arith.cmpf ogt, %add3A_473, %gt3A_475 : vector<16xf32>
            %mul3A_477 = arith.constant 2.000000e-01 : f32
            %mul3A_478 = vector.broadcast %mul3A_477 : f32 to vector<16xf32>
            %mul3A_479 = arith.mulf %add3A_473, %mul3A_478 : vector<16xf32>
            %select_n3A_480 = arith.select %gt3A_476, %add3A_473, %mul3A_479 : vector<16xi1>, vector<16xf32>
            %get3A_481 = arith.constant 16 : index
            %get3A_482 = tpu.vector_load %arg21[%get3A_481] {strides = array<i32>} : memref<128xf32, #tpu.memory_space<vmem>>, vector<16xf32>,
            %mul3A_483 = arith.mulf %select_n3A_480, %get3A_482 : vector<16xf32>
            %add3A_484 = arith.addf %add3A_462, %mul3A_483 : vector<16xf32>
            %get3A_485 = arith.index_cast %scan3A_438 : i32 to index
            %get3A_486 = arith.constant 32 : index
            %get3A_487 = tpu.vector_load %arg16[%get3A_485, %get3A_486] {strides = array<i32>} : memref<16x128xf32, #tpu.memory_space<vmem>>, vector<16xf32>,
            %get3A_488 = arith.index_cast %scan3A_438 : i32 to index
            %get3A_489 = arith.constant 32 : index
            %get3A_490 = tpu.vector_load %arg17[%get3A_488, %get3A_489] {strides = array<i32>} : memref<16x128xf32, #tpu.memory_space<vmem>>, vector<16xf32>,
            %add3A_491 = arith.addf %get3A_487, %get3A_490 : vector<16xf32>
            %get3A_492 = arith.index_cast %scan3A_438 : i32 to index
            %get3A_493 = arith.constant 32 : index
            %get3A_494 = tpu.vector_load %arg18[%get3A_492, %get3A_493] {strides = array<i32>} : memref<16x128xf32, #tpu.memory_space<vmem>>, vector<16xf32>,
            %add3A_495 = arith.addf %add3A_491, %get3A_494 : vector<16xf32>
            %gt3A_496 = arith.constant 0.000000e+00 : f32
            %gt3A_497 = vector.broadcast %gt3A_496 : f32 to vector<16xf32>
            %gt3A_498 = arith.cmpf ogt, %add3A_495, %gt3A_497 : vector<16xf32>
            %mul3A_499 = arith.constant 2.000000e-01 : f32
            %mul3A_500 = vector.broadcast %mul3A_499 : f32 to vector<16xf32>
            %mul3A_501 = arith.mulf %add3A_495, %mul3A_500 : vector<16xf32>
            %select_n3A_502 = arith.select %gt3A_498, %add3A_495, %mul3A_501 : vector<16xi1>, vector<16xf32>
            %get3A_503 = arith.constant 32 : index
            %get3A_504 = tpu.vector_load %arg21[%get3A_503] {strides = array<i32>} : memref<128xf32, #tpu.memory_space<vmem>>, vector<16xf32>,
            %mul3A_505 = arith.mulf %select_n3A_502, %get3A_504 : vector<16xf32>
            %add3A_506 = arith.addf %add3A_484, %mul3A_505 : vector<16xf32>
            %get3A_507 = arith.index_cast %scan3A_438 : i32 to index
            %get3A_508 = arith.constant 48 : index
            %get3A_509 = tpu.vector_load %arg16[%get3A_507, %get3A_508] {strides = array<i32>} : memref<16x128xf32, #tpu.memory_space<vmem>>, vector<16xf32>,
            %get3A_510 = arith.index_cast %scan3A_438 : i32 to index
            %get3A_511 = arith.constant 48 : index
            %get3A_512 = tpu.vector_load %arg17[%get3A_510, %get3A_511] {strides = array<i32>} : memref<16x128xf32, #tpu.memory_space<vmem>>, vector<16xf32>,
            %add3A_513 = arith.addf %get3A_509, %get3A_512 : vector<16xf32>
            %get3A_514 = arith.index_cast %scan3A_438 : i32 to index
            %get3A_515 = arith.constant 48 : index
            %get3A_516 = tpu.vector_load %arg18[%get3A_514, %get3A_515] {strides = array<i32>} : memref<16x128xf32, #tpu.memory_space<vmem>>, vector<16xf32>,
            %add3A_517 = arith.addf %add3A_513, %get3A_516 : vector<16xf32>
            %gt3A_518 = arith.constant 0.000000e+00 : f32
            %gt3A_519 = vector.broadcast %gt3A_518 : f32 to vector<16xf32>
            %gt3A_520 = arith.cmpf ogt, %add3A_517, %gt3A_519 : vector<16xf32>
            %mul3A_521 = arith.constant 2.000000e-01 : f32
            %mul3A_522 = vector.broadcast %mul3A_521 : f32 to vector<16xf32>
            %mul3A_523 = arith.mulf %add3A_517, %mul3A_522 : vector<16xf32>
            %select_n3A_524 = arith.select %gt3A_520, %add3A_517, %mul3A_523 : vector<16xi1>, vector<16xf32>
            %get3A_525 = arith.constant 48 : index
            %get3A_526 = tpu.vector_load %arg21[%get3A_525] {strides = array<i32>} : memref<128xf32, #tpu.memory_space<vmem>>, vector<16xf32>,
            %mul3A_527 = arith.mulf %select_n3A_524, %get3A_526 : vector<16xf32>
            %add3A_528 = arith.addf %add3A_506, %mul3A_527 : vector<16xf32>
            %get3A_529 = arith.index_cast %scan3A_438 : i32 to index
            %get3A_530 = arith.constant 64 : index
            %get3A_531 = tpu.vector_load %arg16[%get3A_529, %get3A_530] {strides = array<i32>} : memref<16x128xf32, #tpu.memory_space<vmem>>, vector<16xf32>,
            %get3A_532 = arith.index_cast %scan3A_438 : i32 to index
            %get3A_533 = arith.constant 64 : index
            %get3A_534 = tpu.vector_load %arg17[%get3A_532, %get3A_533] {strides = array<i32>} : memref<16x128xf32, #tpu.memory_space<vmem>>, vector<16xf32>,
            %add3A_535 = arith.addf %get3A_531, %get3A_534 : vector<16xf32>
            %get3A_536 = arith.index_cast %scan3A_438 : i32 to index
            %get3A_537 = arith.constant 64 : index
            %get3A_538 = tpu.vector_load %arg18[%get3A_536, %get3A_537] {strides = array<i32>} : memref<16x128xf32, #tpu.memory_space<vmem>>, vector<16xf32>,
            %add3A_539 = arith.addf %add3A_535, %get3A_538 : vector<16xf32>
            %gt3A_540 = arith.constant 0.000000e+00 : f32
            %gt3A_541 = vector.broadcast %gt3A_540 : f32 to vector<16xf32>
            %gt3A_542 = arith.cmpf ogt, %add3A_539, %gt3A_541 : vector<16xf32>
            %mul3A_543 = arith.constant 2.000000e-01 : f32
            %mul3A_544 = vector.broadcast %mul3A_543 : f32 to vector<16xf32>
            %mul3A_545 = arith.mulf %add3A_539, %mul3A_544 : vector<16xf32>
            %select_n3A_546 = arith.select %gt3A_542, %add3A_539, %mul3A_545 : vector<16xi1>, vector<16xf32>
            %get3A_547 = arith.constant 64 : index
            %get3A_548 = tpu.vector_load %arg21[%get3A_547] {strides = array<i32>} : memref<128xf32, #tpu.memory_space<vmem>>, vector<16xf32>,
            %mul3A_549 = arith.mulf %select_n3A_546, %get3A_548 : vector<16xf32>
            %add3A_550 = arith.addf %add3A_528, %mul3A_549 : vector<16xf32>
            %get3A_551 = arith.index_cast %scan3A_438 : i32 to index
            %get3A_552 = arith.constant 80 : index
            %get3A_553 = tpu.vector_load %arg16[%get3A_551, %get3A_552] {strides = array<i32>} : memref<16x128xf32, #tpu.memory_space<vmem>>, vector<16xf32>,
            %get3A_554 = arith.index_cast %scan3A_438 : i32 to index
            %get3A_555 = arith.constant 80 : index
            %get3A_556 = tpu.vector_load %arg17[%get3A_554, %get3A_555] {strides = array<i32>} : memref<16x128xf32, #tpu.memory_space<vmem>>, vector<16xf32>,
            %add3A_557 = arith.addf %get3A_553, %get3A_556 : vector<16xf32>
            %get3A_558 = arith.index_cast %scan3A_438 : i32 to index
            %get3A_559 = arith.constant 80 : index
            %get3A_560 = tpu.vector_load %arg18[%get3A_558, %get3A_559] {strides = array<i32>} : memref<16x128xf32, #tpu.memory_space<vmem>>, vector<16xf32>,
            %add3A_561 = arith.addf %add3A_557, %get3A_560 : vector<16xf32>
            %gt3A_562 = arith.constant 0.000000e+00 : f32
            %gt3A_563 = vector.broadcast %gt3A_562 : f32 to vector<16xf32>
            %gt3A_564 = arith.cmpf ogt, %add3A_561, %gt3A_563 : vector<16xf32>
            %mul3A_565 = arith.constant 2.000000e-01 : f32
            %mul3A_566 = vector.broadcast %mul3A_565 : f32 to vector<16xf32>
            %mul3A_567 = arith.mulf %add3A_561, %mul3A_566 : vector<16xf32>
            %select_n3A_568 = arith.select %gt3A_564, %add3A_561, %mul3A_567 : vector<16xi1>, vector<16xf32>
            %get3A_569 = arith.constant 80 : index
            %get3A_570 = tpu.vector_load %arg21[%get3A_569] {strides = array<i32>} : memref<128xf32, #tpu.memory_space<vmem>>, vector<16xf32>,
            %mul3A_571 = arith.mulf %select_n3A_568, %get3A_570 : vector<16xf32>
            %add3A_572 = arith.addf %add3A_550, %mul3A_571 : vector<16xf32>
            %get3A_573 = arith.index_cast %scan3A_438 : i32 to index
            %get3A_574 = arith.constant 96 : index
            %get3A_575 = tpu.vector_load %arg16[%get3A_573, %get3A_574] {strides = array<i32>} : memref<16x128xf32, #tpu.memory_space<vmem>>, vector<16xf32>,
            %get3A_576 = arith.index_cast %scan3A_438 : i32 to index
            %get3A_577 = arith.constant 96 : index
            %get3A_578 = tpu.vector_load %arg17[%get3A_576, %get3A_577] {strides = array<i32>} : memref<16x128xf32, #tpu.memory_space<vmem>>, vector<16xf32>,
            %add3A_579 = arith.addf %get3A_575, %get3A_578 : vector<16xf32>
            %get3A_580 = arith.index_cast %scan3A_438 : i32 to index
            %get3A_581 = arith.constant 96 : index
            %get3A_582 = tpu.vector_load %arg18[%get3A_580, %get3A_581] {strides = array<i32>} : memref<16x128xf32, #tpu.memory_space<vmem>>, vector<16xf32>,
            %add3A_583 = arith.addf %add3A_579, %get3A_582 : vector<16xf32>
            %gt3A_584 = arith.constant 0.000000e+00 : f32
            %gt3A_585 = vector.broadcast %gt3A_584 : f32 to vector<16xf32>
            %gt3A_586 = arith.cmpf ogt, %add3A_583, %gt3A_585 : vector<16xf32>
            %mul3A_587 = arith.constant 2.000000e-01 : f32
            %mul3A_588 = vector.broadcast %mul3A_587 : f32 to vector<16xf32>
            %mul3A_589 = arith.mulf %add3A_583, %mul3A_588 : vector<16xf32>
            %select_n3A_590 = arith.select %gt3A_586, %add3A_583, %mul3A_589 : vector<16xi1>, vector<16xf32>
            %get3A_591 = arith.constant 96 : index
            %get3A_592 = tpu.vector_load %arg21[%get3A_591] {strides = array<i32>} : memref<128xf32, #tpu.memory_space<vmem>>, vector<16xf32>,
            %mul3A_593 = arith.mulf %select_n3A_590, %get3A_592 : vector<16xf32>
            %add3A_594 = arith.addf %add3A_572, %mul3A_593 : vector<16xf32>
            %get3A_595 = arith.index_cast %scan3A_438 : i32 to index
            %get3A_596 = arith.constant 112 : index
            %get3A_597 = tpu.vector_load %arg16[%get3A_595, %get3A_596] {strides = array<i32>} : memref<16x128xf32, #tpu.memory_space<vmem>>, vector<16xf32>,
            %get3A_598 = arith.index_cast %scan3A_438 : i32 to index
            %get3A_599 = arith.constant 112 : index
            %get3A_600 = tpu.vector_load %arg17[%get3A_598, %get3A_599] {strides = array<i32>} : memref<16x128xf32, #tpu.memory_space<vmem>>, vector<16xf32>,
            %add3A_601 = arith.addf %get3A_597, %get3A_600 : vector<16xf32>
            %get3A_602 = arith.index_cast %scan3A_438 : i32 to index
            %get3A_603 = arith.constant 112 : index
            %get3A_604 = tpu.vector_load %arg18[%get3A_602, %get3A_603] {strides = array<i32>} : memref<16x128xf32, #tpu.memory_space<vmem>>, vector<16xf32>,
            %add3A_605 = arith.addf %add3A_601, %get3A_604 : vector<16xf32>
            %gt3A_606 = arith.constant 0.000000e+00 : f32
            %gt3A_607 = vector.broadcast %gt3A_606 : f32 to vector<16xf32>
            %gt3A_608 = arith.cmpf ogt, %add3A_605, %gt3A_607 : vector<16xf32>
            %mul3A_609 = arith.constant 2.000000e-01 : f32
            %mul3A_610 = vector.broadcast %mul3A_609 : f32 to vector<16xf32>
            %mul3A_611 = arith.mulf %add3A_605, %mul3A_610 : vector<16xf32>
            %select_n3A_612 = arith.select %gt3A_608, %add3A_605, %mul3A_611 : vector<16xi1>, vector<16xf32>
            %get3A_613 = arith.constant 112 : index
            %get3A_614 = tpu.vector_load %arg21[%get3A_613] {strides = array<i32>} : memref<128xf32, #tpu.memory_space<vmem>>, vector<16xf32>,
            %mul3A_615 = arith.mulf %select_n3A_612, %get3A_614 : vector<16xf32>
            %add3A_616 = arith.addf %add3A_594, %mul3A_615 : vector<16xf32>
            %swap3A = arith.index_cast %scan3A_438 : i32 to index
            %swap3A_617 = arith.constant 0 : index
            %swap3A_618 = tpu.vector_load %arg20[%swap3A, %swap3A_617] {strides = array<i32>} : memref<16x16xf32, #tpu.memory_space<vmem>>, vector<16xf32>,
            tpu.vector_store %arg20[%swap3A, %swap3A_617], %add3A_616 {strides = array<i32>} : memref<16x16xf32, #tpu.memory_space<vmem>>, vector<16xf32>,
            %scan3A_619 = arith.constant 0 : i32
            scf.yield %scan3A_619 : i32
          }
          %scan3A_345 = arith.constant 16 : i32
          %broadcast_in_dim3A_346 = arith.constant 0.000000e+00 : f32
          %broadcast_in_dim3A_347 = vector.broadcast %broadcast_in_dim3A_346 : f32 to vector<16xf32>
          %broadcast_in_dim3A_348 = arith.constant 0 : i32
          %broadcast_in_dim3A_349 = vector.broadcast %broadcast_in_dim3A_348 : i32 to vector<16xi32>
          %gather3A_350 = tpu.vector_load_idx %arg20[%iota3A, %broadcast_in_dim3A_349] : memref<16x16xf32, #tpu.memory_space<vmem>>[vector<16xi32>, vector<16xi32>], vector<16xf32>,
          %add3A_351 = arith.addf %broadcast_in_dim3A_347, %gather3A_350 : vector<16xf32>
          %broadcast_in_dim3A_352 = arith.constant 1 : i32
          %broadcast_in_dim3A_353 = vector.broadcast %broadcast_in_dim3A_352 : i32 to vector<16xi32>
          %gather3A_354 = tpu.vector_load_idx %arg20[%iota3A, %broadcast_in_dim3A_353] : memref<16x16xf32, #tpu.memory_space<vmem>>[vector<16xi32>, vector<16xi32>], vector<16xf32>,
          %add3A_355 = arith.addf %add3A_351, %gather3A_354 : vector<16xf32>
          %broadcast_in_dim3A_356 = arith.constant 2 : i32
          %broadcast_in_dim3A_357 = vector.broadcast %broadcast_in_dim3A_356 : i32 to vector<16xi32>
          %gather3A_358 = tpu.vector_load_idx %arg20[%iota3A, %broadcast_in_dim3A_357] : memref<16x16xf32, #tpu.memory_space<vmem>>[vector<16xi32>, vector<16xi32>], vector<16xf32>,
          %add3A_359 = arith.addf %add3A_355, %gather3A_358 : vector<16xf32>
          %broadcast_in_dim3A_360 = arith.constant 3 : i32
          %broadcast_in_dim3A_361 = vector.broadcast %broadcast_in_dim3A_360 : i32 to vector<16xi32>
          %gather3A_362 = tpu.vector_load_idx %arg20[%iota3A, %broadcast_in_dim3A_361] : memref<16x16xf32, #tpu.memory_space<vmem>>[vector<16xi32>, vector<16xi32>], vector<16xf32>,
          %add3A_363 = arith.addf %add3A_359, %gather3A_362 : vector<16xf32>
          %broadcast_in_dim3A_364 = arith.constant 4 : i32
          %broadcast_in_dim3A_365 = vector.broadcast %broadcast_in_dim3A_364 : i32 to vector<16xi32>
          %gather3A_366 = tpu.vector_load_idx %arg20[%iota3A, %broadcast_in_dim3A_365] : memref<16x16xf32, #tpu.memory_space<vmem>>[vector<16xi32>, vector<16xi32>], vector<16xf32>,
          %add3A_367 = arith.addf %add3A_363, %gather3A_366 : vector<16xf32>
          %broadcast_in_dim3A_368 = arith.constant 5 : i32
          %broadcast_in_dim3A_369 = vector.broadcast %broadcast_in_dim3A_368 : i32 to vector<16xi32>
          %gather3A_370 = tpu.vector_load_idx %arg20[%iota3A, %broadcast_in_dim3A_369] : memref<16x16xf32, #tpu.memory_space<vmem>>[vector<16xi32>, vector<16xi32>], vector<16xf32>,
          %add3A_371 = arith.addf %add3A_367, %gather3A_370 : vector<16xf32>
          %broadcast_in_dim3A_372 = arith.constant 6 : i32
          %broadcast_in_dim3A_373 = vector.broadcast %broadcast_in_dim3A_372 : i32 to vector<16xi32>
          %gather3A_374 = tpu.vector_load_idx %arg20[%iota3A, %broadcast_in_dim3A_373] : memref<16x16xf32, #tpu.memory_space<vmem>>[vector<16xi32>, vector<16xi32>], vector<16xf32>,
          %add3A_375 = arith.addf %add3A_371, %gather3A_374 : vector<16xf32>
          %broadcast_in_dim3A_376 = arith.constant 7 : i32
          %broadcast_in_dim3A_377 = vector.broadcast %broadcast_in_dim3A_376 : i32 to vector<16xi32>
          %gather3A_378 = tpu.vector_load_idx %arg20[%iota3A, %broadcast_in_dim3A_377] : memref<16x16xf32, #tpu.memory_space<vmem>>[vector<16xi32>, vector<16xi32>], vector<16xf32>,
          %add3A_379 = arith.addf %add3A_375, %gather3A_378 : vector<16xf32>
          %broadcast_in_dim3A_380 = arith.constant 8 : i32
          %broadcast_in_dim3A_381 = vector.broadcast %broadcast_in_dim3A_380 : i32 to vector<16xi32>
          %gather3A_382 = tpu.vector_load_idx %arg20[%iota3A, %broadcast_in_dim3A_381] : memref<16x16xf32, #tpu.memory_space<vmem>>[vector<16xi32>, vector<16xi32>], vector<16xf32>,
          %add3A_383 = arith.addf %add3A_379, %gather3A_382 : vector<16xf32>
          %broadcast_in_dim3A_384 = arith.constant 9 : i32
          %broadcast_in_dim3A_385 = vector.broadcast %broadcast_in_dim3A_384 : i32 to vector<16xi32>
          %gather3A_386 = tpu.vector_load_idx %arg20[%iota3A, %broadcast_in_dim3A_385] : memref<16x16xf32, #tpu.memory_space<vmem>>[vector<16xi32>, vector<16xi32>], vector<16xf32>,
          %add3A_387 = arith.addf %add3A_383, %gather3A_386 : vector<16xf32>
          %broadcast_in_dim3A_388 = arith.constant 10 : i32
          %broadcast_in_dim3A_389 = vector.broadcast %broadcast_in_dim3A_388 : i32 to vector<16xi32>
          %gather3A_390 = tpu.vector_load_idx %arg20[%iota3A, %broadcast_in_dim3A_389] : memref<16x16xf32, #tpu.memory_space<vmem>>[vector<16xi32>, vector<16xi32>], vector<16xf32>,
          %add3A_391 = arith.addf %add3A_387, %gather3A_390 : vector<16xf32>
          %broadcast_in_dim3A_392 = arith.constant 11 : i32
          %broadcast_in_dim3A_393 = vector.broadcast %broadcast_in_dim3A_392 : i32 to vector<16xi32>
          %gather3A_394 = tpu.vector_load_idx %arg20[%iota3A, %broadcast_in_dim3A_393] : memref<16x16xf32, #tpu.memory_space<vmem>>[vector<16xi32>, vector<16xi32>], vector<16xf32>,
          %add3A_395 = arith.addf %add3A_391, %gather3A_394 : vector<16xf32>
          %broadcast_in_dim3A_396 = arith.constant 12 : i32
          %broadcast_in_dim3A_397 = vector.broadcast %broadcast_in_dim3A_396 : i32 to vector<16xi32>
          %gather3A_398 = tpu.vector_load_idx %arg20[%iota3A, %broadcast_in_dim3A_397] : memref<16x16xf32, #tpu.memory_space<vmem>>[vector<16xi32>, vector<16xi32>], vector<16xf32>,
          %add3A_399 = arith.addf %add3A_395, %gather3A_398 : vector<16xf32>
          %broadcast_in_dim3A_400 = arith.constant 13 : i32
          %broadcast_in_dim3A_401 = vector.broadcast %broadcast_in_dim3A_400 : i32 to vector<16xi32>
          %gather3A_402 = tpu.vector_load_idx %arg20[%iota3A, %broadcast_in_dim3A_401] : memref<16x16xf32, #tpu.memory_space<vmem>>[vector<16xi32>, vector<16xi32>], vector<16xf32>,
          %add3A_403 = arith.addf %add3A_399, %gather3A_402 : vector<16xf32>
          %broadcast_in_dim3A_404 = arith.constant 14 : i32
          %broadcast_in_dim3A_405 = vector.broadcast %broadcast_in_dim3A_404 : i32 to vector<16xi32>
          %gather3A_406 = tpu.vector_load_idx %arg20[%iota3A, %broadcast_in_dim3A_405] : memref<16x16xf32, #tpu.memory_space<vmem>>[vector<16xi32>, vector<16xi32>], vector<16xf32>,
          %add3A_407 = arith.addf %add3A_403, %gather3A_406 : vector<16xf32>
          %broadcast_in_dim3A_408 = arith.constant 15 : i32
          %broadcast_in_dim3A_409 = vector.broadcast %broadcast_in_dim3A_408 : i32 to vector<16xi32>
          %gather3A_410 = tpu.vector_load_idx %arg20[%iota3A, %broadcast_in_dim3A_409] : memref<16x16xf32, #tpu.memory_space<vmem>>[vector<16xi32>, vector<16xi32>], vector<16xf32>,
          %add3A_411 = arith.addf %add3A_407, %gather3A_410 : vector<16xf32>
          %exp3A_412 = math.exp %add3A_411 : vector<16xf32>
          %add3A_413 = vector.broadcast %add3A_338 : i32 to vector<16xi32>
          %add3A_414 = arith.addi %add3A_413, %iota3A : vector<16xi32>
          %lt3A_415 = vector.broadcast %scan3A_147 : i32 to vector<16xi32>
          %lt3A_416 = arith.cmpi slt, %add3A_414, %lt3A_415 : vector<16xi32>
          %sub3A_417 = vector.broadcast %add3A_109 : i32 to vector<16xi32>
          %sub3A_418 = arith.subi %get3A_203, %sub3A_417 : vector<16xi32>
          %jit3A_419 = arith.constant 10000 : i32
          %broadcast_in_dim3A_420 = vector.broadcast %jit3A_419 : i32 to vector<16xi32>
          %select_n3A_421 = arith.select %lt3A_416, %sub3A_418, %broadcast_in_dim3A_420 : vector<16xi1>, vector<16xi32>
          %scan3A_422 = arith.constant 0 : i32
          %scan3A_423 = arith.constant 0 : i32
          %scan3A_424 = arith.constant 16 : i32
          %scan3A_425 = arith.addi %scan3A_423, %scan3A_424 : i32
          %scan3A_426 = arith.constant 1 : i32
          %scan3A_427 = scf.for %scan3A_438 = %scan3A_423 to %scan3A_425 step %scan3A_426 iter_args(%scan3A_439 = %scan3A_422) -> (i32)  : i32 {
            %broadcast_in_dim3A_440 = vector.broadcast %scan3A_438 : i32 to vector<16xi32>
            %lt3A_441 = arith.constant 0 : i32
            %lt3A_442 = vector.broadcast %lt3A_441 : i32 to vector<16xi32>
            %lt3A_443 = arith.cmpi slt, %broadcast_in_dim3A_440, %lt3A_442 : vector<16xi32>
            %add3A_444 = arith.constant 16 : i32
            %add3A_445 = vector.broadcast %add3A_444 : i32 to vector<16xi32>
            %add3A_446 = arith.addi %broadcast_in_dim3A_440, %add3A_445 : vector<16xi32>
            %select_n3A_447 = arith.select %lt3A_443, %add3A_446, %broadcast_in_dim3A_440 : vector<16xi1>, vector<16xi32>
            %reshape3A = vector.shape_cast %select_n3A_447 : vector<16xi32> to vector<16x1xi32>
            %gather3A_448 = vector.shape_cast %reshape3A : vector<16x1xi32> to vector<16xi32>
            %gather3A_449 = tpu.dynamic_gather %exp3A_412[%gather3A_448] in [0] : vector<16xf32>, vector<16xi32> -> vector<16xf32>
            %get3A_450 = arith.index_cast %scan3A_438 : i32 to index
            %get3A_451 = arith.constant 0 : index
            %get3A_452 = tpu.vector_load %arg16[%get3A_450, %get3A_451] {strides = array<i32>} : memref<16x128xf32, #tpu.memory_space<vmem>>, vector<16xf32>,
            %mul3A_453 = arith.mulf %get3A_452, %gather3A_449 : vector<16xf32>
            %swap3A = arith.index_cast %scan3A_438 : i32 to index
            %swap3A_454 = arith.constant 0 : index
            %swap3A_455 = tpu.vector_load %arg19[%swap3A, %swap3A_454] {strides = array<i32>} : memref<16x144xf32, #tpu.memory_space<vmem>>, vector<16xf32>,
            tpu.vector_store %arg19[%swap3A, %swap3A_454], %mul3A_453 {strides = array<i32>} : memref<16x144xf32, #tpu.memory_space<vmem>>, vector<16xf32>,
            %get3A_456 = arith.index_cast %scan3A_438 : i32 to index
            %get3A_457 = arith.constant 16 : index
            %get3A_458 = tpu.vector_load %arg16[%get3A_456, %get3A_457] {strides = array<i32>} : memref<16x128xf32, #tpu.memory_space<vmem>>, vector<16xf32>,
            %mul3A_459 = arith.mulf %get3A_458, %gather3A_449 : vector<16xf32>
            %swap3A_460 = arith.index_cast %scan3A_438 : i32 to index
            %swap3A_461 = arith.constant 16 : index
            %swap3A_462 = tpu.vector_load %arg19[%swap3A_460, %swap3A_461] {strides = array<i32>} : memref<16x144xf32, #tpu.memory_space<vmem>>, vector<16xf32>,
            tpu.vector_store %arg19[%swap3A_460, %swap3A_461], %mul3A_459 {strides = array<i32>} : memref<16x144xf32, #tpu.memory_space<vmem>>, vector<16xf32>,
            %get3A_463 = arith.index_cast %scan3A_438 : i32 to index
            %get3A_464 = arith.constant 32 : index
            %get3A_465 = tpu.vector_load %arg16[%get3A_463, %get3A_464] {strides = array<i32>} : memref<16x128xf32, #tpu.memory_space<vmem>>, vector<16xf32>,
            %mul3A_466 = arith.mulf %get3A_465, %gather3A_449 : vector<16xf32>
            %swap3A_467 = arith.index_cast %scan3A_438 : i32 to index
            %swap3A_468 = arith.constant 32 : index
            %swap3A_469 = tpu.vector_load %arg19[%swap3A_467, %swap3A_468] {strides = array<i32>} : memref<16x144xf32, #tpu.memory_space<vmem>>, vector<16xf32>,
            tpu.vector_store %arg19[%swap3A_467, %swap3A_468], %mul3A_466 {strides = array<i32>} : memref<16x144xf32, #tpu.memory_space<vmem>>, vector<16xf32>,
            %get3A_470 = arith.index_cast %scan3A_438 : i32 to index
            %get3A_471 = arith.constant 48 : index
            %get3A_472 = tpu.vector_load %arg16[%get3A_470, %get3A_471] {strides = array<i32>} : memref<16x128xf32, #tpu.memory_space<vmem>>, vector<16xf32>,
            %mul3A_473 = arith.mulf %get3A_472, %gather3A_449 : vector<16xf32>
            %swap3A_474 = arith.index_cast %scan3A_438 : i32 to index
            %swap3A_475 = arith.constant 48 : index
            %swap3A_476 = tpu.vector_load %arg19[%swap3A_474, %swap3A_475] {strides = array<i32>} : memref<16x144xf32, #tpu.memory_space<vmem>>, vector<16xf32>,
            tpu.vector_store %arg19[%swap3A_474, %swap3A_475], %mul3A_473 {strides = array<i32>} : memref<16x144xf32, #tpu.memory_space<vmem>>, vector<16xf32>,
            %get3A_477 = arith.index_cast %scan3A_438 : i32 to index
            %get3A_478 = arith.constant 64 : index
            %get3A_479 = tpu.vector_load %arg16[%get3A_477, %get3A_478] {strides = array<i32>} : memref<16x128xf32, #tpu.memory_space<vmem>>, vector<16xf32>,
            %mul3A_480 = arith.mulf %get3A_479, %gather3A_449 : vector<16xf32>
            %swap3A_481 = arith.index_cast %scan3A_438 : i32 to index
            %swap3A_482 = arith.constant 64 : index
            %swap3A_483 = tpu.vector_load %arg19[%swap3A_481, %swap3A_482] {strides = array<i32>} : memref<16x144xf32, #tpu.memory_space<vmem>>, vector<16xf32>,
            tpu.vector_store %arg19[%swap3A_481, %swap3A_482], %mul3A_480 {strides = array<i32>} : memref<16x144xf32, #tpu.memory_space<vmem>>, vector<16xf32>,
            %get3A_484 = arith.index_cast %scan3A_438 : i32 to index
            %get3A_485 = arith.constant 80 : index
            %get3A_486 = tpu.vector_load %arg16[%get3A_484, %get3A_485] {strides = array<i32>} : memref<16x128xf32, #tpu.memory_space<vmem>>, vector<16xf32>,
            %mul3A_487 = arith.mulf %get3A_486, %gather3A_449 : vector<16xf32>
            %swap3A_488 = arith.index_cast %scan3A_438 : i32 to index
            %swap3A_489 = arith.constant 80 : index
            %swap3A_490 = tpu.vector_load %arg19[%swap3A_488, %swap3A_489] {strides = array<i32>} : memref<16x144xf32, #tpu.memory_space<vmem>>, vector<16xf32>,
            tpu.vector_store %arg19[%swap3A_488, %swap3A_489], %mul3A_487 {strides = array<i32>} : memref<16x144xf32, #tpu.memory_space<vmem>>, vector<16xf32>,
            %get3A_491 = arith.index_cast %scan3A_438 : i32 to index
            %get3A_492 = arith.constant 96 : index
            %get3A_493 = tpu.vector_load %arg16[%get3A_491, %get3A_492] {strides = array<i32>} : memref<16x128xf32, #tpu.memory_space<vmem>>, vector<16xf32>,
            %mul3A_494 = arith.mulf %get3A_493, %gather3A_449 : vector<16xf32>
            %swap3A_495 = arith.index_cast %scan3A_438 : i32 to index
            %swap3A_496 = arith.constant 96 : index
            %swap3A_497 = tpu.vector_load %arg19[%swap3A_495, %swap3A_496] {strides = array<i32>} : memref<16x144xf32, #tpu.memory_space<vmem>>, vector<16xf32>,
            tpu.vector_store %arg19[%swap3A_495, %swap3A_496], %mul3A_494 {strides = array<i32>} : memref<16x144xf32, #tpu.memory_space<vmem>>, vector<16xf32>,
            %get3A_498 = arith.index_cast %scan3A_438 : i32 to index
            %get3A_499 = arith.constant 112 : index
            %get3A_500 = tpu.vector_load %arg16[%get3A_498, %get3A_499] {strides = array<i32>} : memref<16x128xf32, #tpu.memory_space<vmem>>, vector<16xf32>,
            %mul3A_501 = arith.mulf %get3A_500, %gather3A_449 : vector<16xf32>
            %swap3A_502 = arith.index_cast %scan3A_438 : i32 to index
            %swap3A_503 = arith.constant 112 : index
            %swap3A_504 = tpu.vector_load %arg19[%swap3A_502, %swap3A_503] {strides = array<i32>} : memref<16x144xf32, #tpu.memory_space<vmem>>, vector<16xf32>,
            tpu.vector_store %arg19[%swap3A_502, %swap3A_503], %mul3A_501 {strides = array<i32>} : memref<16x144xf32, #tpu.memory_space<vmem>>, vector<16xf32>,
            %scan3A_505 = arith.constant 0 : i32
            scf.yield %scan3A_505 : i32
          }
          %scan3A_428 = arith.constant 16 : i32
          %broadcast_in_dim3A_429 = arith.constant 128 : i32
          %broadcast_in_dim3A_430 = vector.broadcast %broadcast_in_dim3A_429 : i32 to vector<16xi32>
          tpu.vector_store_idx %arg19[%iota3A, %broadcast_in_dim3A_430], %exp3A_412 : memref<16x144xf32, #tpu.memory_space<vmem>>[vector<16xi32>, vector<16xi32>], vector<16xf32>,
          %dma_start3A_431 = arith.constant 0 : i32
          %dma_start3A_432 = arith.constant 0 : i32
          %dma_start3A_433 = tpu.memref_slice %arg23[%dma_start3A_431, %dma_start3A_432] : memref<10040x144xf32, #tpu.memory_space<vmem_shared>> -> memref<10040x144xf32, #tpu.memory_space<vmem_shared>>
          tpu.enqueue_indirect_dma source(%arg19 : memref<16x144xf32, #tpu.memory_space<vmem>>) target(%dma_start3A_433 : memref<10040x144xf32, #tpu.memory_space<vmem_shared>>) offsets(%select_n3A_421 : vector<16xi32>) semaphore(%arg25 : memref<!tpu.dma_semaphore, #tpu.memory_space<semaphore_mem>>) {add = true}
          %dma_wait3A_434 = arith.constant 0 : i32
          %dma_wait3A_435 = arith.constant 0 : i32
          %dma_wait3A_436 = tpu.memref_slice %arg23[%dma_wait3A_434, %dma_wait3A_435] : memref<10040x144xf32, #tpu.memory_space<vmem_shared>> -> memref<10040x144xf32, #tpu.memory_space<vmem_shared>>
          tpu.wait_indirect_dma semaphore(%arg25 : memref<!tpu.dma_semaphore, #tpu.memory_space<semaphore_mem>>) src(%arg19 : memref<16x144xf32, #tpu.memory_space<vmem>>) dst(%dma_wait3A_436 : memref<10040x144xf32, #tpu.memory_space<vmem_shared>>)
          %while3A_437 = arith.constant 0 : i32
          scf.yield %while3A_437 : i32
        }
        %while3A_178 = arith.constant 1 : i32
        %while3A_179 = scf.for %while3A_181 = %while3A_175 to %while3A_171 step %while3A_178 iter_args(%while3A_182 = %while3A_177) -> (i32)  : i32 {
          %mul3A_183 = arith.constant 2 : i32
          %mul3A_184 = arith.muli %while3A_181, %mul3A_183 : i32
          %mul3A_185 = arith.constant 16 : i32
          %mul3A_186 = arith.muli %mul3A_184, %mul3A_185 : i32
          %get3A = arith.index_cast %mul3A_186 : i32 to index
          %get3A_187 = tpu.vector_load %arg10[%get3A] {strides = array<i32>} : memref<4016xi32, #tpu.memory_space<vmem>>, vector<16xi32>,
          %get3A_188 = arith.index_cast %mul3A_186 : i32 to index
          %get3A_189 = tpu.vector_load %arg11[%get3A_188] {strides = array<i32>} : memref<4016xi32, #tpu.memory_space<vmem>>, vector<16xi32>,
          %get3A_190 = arith.index_cast %mul3A_186 : i32 to index
          %get3A_191 = tpu.vector_load %arg12[%get3A_190] {strides = array<i32>} : memref<4016xi32, #tpu.memory_space<vmem>>, vector<16xi32>,
          %add3A_192 = arith.constant 16 : i32
          %add3A_193 = arith.addi %mul3A_186, %add3A_192 : i32
          %get3A_194 = arith.index_cast %add3A_193 : i32 to index
          %get3A_195 = tpu.vector_load %arg10[%get3A_194] {strides = array<i32>} : memref<4016xi32, #tpu.memory_space<vmem>>, vector<16xi32>,
          %add3A_196 = arith.constant 16 : i32
          %add3A_197 = arith.addi %mul3A_186, %add3A_196 : i32
          %get3A_198 = arith.index_cast %add3A_197 : i32 to index
          %get3A_199 = tpu.vector_load %arg11[%get3A_198] {strides = array<i32>} : memref<4016xi32, #tpu.memory_space<vmem>>, vector<16xi32>,
          %add3A_200 = arith.constant 16 : i32
          %add3A_201 = arith.addi %mul3A_186, %add3A_200 : i32
          %get3A_202 = arith.index_cast %add3A_201 : i32 to index
          %get3A_203 = tpu.vector_load %arg12[%get3A_202] {strides = array<i32>} : memref<4016xi32, #tpu.memory_space<vmem>>, vector<16xi32>,
          %dma_start3A = arith.constant 0 : i32
          %dma_start3A_204 = arith.constant 0 : i32
          %dma_start3A_205 = tpu.memref_slice %arg2[%dma_start3A, %dma_start3A_204] : memref<320000x128xf32, #tpu.memory_space<hbm>> -> memref<320000x128xf32, #tpu.memory_space<hbm>>
          tpu.enqueue_indirect_dma source(%dma_start3A_205 : memref<320000x128xf32, #tpu.memory_space<hbm>>) target(%arg13 : memref<16x128xf32, #tpu.memory_space<vmem>>) offsets(%get3A_189 : vector<16xi32>) semaphore(%arg24 : memref<!tpu.dma_semaphore, #tpu.memory_space<semaphore_mem>>)
          %dma_start3A_206 = arith.constant 0 : i32
          %dma_start3A_207 = arith.constant 0 : i32
          %dma_start3A_208 = tpu.memref_slice %arg2[%dma_start3A_206, %dma_start3A_207] : memref<320000x128xf32, #tpu.memory_space<hbm>> -> memref<320000x128xf32, #tpu.memory_space<hbm>>
          tpu.enqueue_indirect_dma source(%dma_start3A_208 : memref<320000x128xf32, #tpu.memory_space<hbm>>) target(%arg14 : memref<16x128xf32, #tpu.memory_space<vmem>>) offsets(%get3A_191 : vector<16xi32>) semaphore(%arg24 : memref<!tpu.dma_semaphore, #tpu.memory_space<semaphore_mem>>)
          %add3A_209 = vector.broadcast %mul3A_0 : i32 to vector<16xi32>
          %add3A_210 = arith.addi %get3A_187, %add3A_209 : vector<16xi32>
          %dma_start3A_211 = arith.constant 0 : i32
          %dma_start3A_212 = arith.constant 0 : i32
          %dma_start3A_213 = tpu.memref_slice %arg3[%dma_start3A_211, %dma_start3A_212] : memref<320000x128xf32, #tpu.memory_space<hbm>> -> memref<320000x128xf32, #tpu.memory_space<hbm>>
          tpu.enqueue_indirect_dma source(%dma_start3A_213 : memref<320000x128xf32, #tpu.memory_space<hbm>>) target(%arg15 : memref<16x128xf32, #tpu.memory_space<vmem>>) offsets(%add3A_210 : vector<16xi32>) semaphore(%arg24 : memref<!tpu.dma_semaphore, #tpu.memory_space<semaphore_mem>>)
          %dma_start3A_214 = arith.constant 0 : i32
          %dma_start3A_215 = arith.constant 0 : i32
          %dma_start3A_216 = tpu.memref_slice %arg2[%dma_start3A_214, %dma_start3A_215] : memref<320000x128xf32, #tpu.memory_space<hbm>> -> memref<320000x128xf32, #tpu.memory_space<hbm>>
          tpu.enqueue_indirect_dma source(%dma_start3A_216 : memref<320000x128xf32, #tpu.memory_space<hbm>>) target(%arg16 : memref<16x128xf32, #tpu.memory_space<vmem>>) offsets(%get3A_199 : vector<16xi32>) semaphore(%arg24 : memref<!tpu.dma_semaphore, #tpu.memory_space<semaphore_mem>>)
          %dma_start3A_217 = arith.constant 0 : i32
          %dma_start3A_218 = arith.constant 0 : i32
          %dma_start3A_219 = tpu.memref_slice %arg2[%dma_start3A_217, %dma_start3A_218] : memref<320000x128xf32, #tpu.memory_space<hbm>> -> memref<320000x128xf32, #tpu.memory_space<hbm>>
          tpu.enqueue_indirect_dma source(%dma_start3A_219 : memref<320000x128xf32, #tpu.memory_space<hbm>>) target(%arg17 : memref<16x128xf32, #tpu.memory_space<vmem>>) offsets(%get3A_203 : vector<16xi32>) semaphore(%arg24 : memref<!tpu.dma_semaphore, #tpu.memory_space<semaphore_mem>>)
          %add3A_220 = vector.broadcast %mul3A_0 : i32 to vector<16xi32>
          %add3A_221 = arith.addi %get3A_195, %add3A_220 : vector<16xi32>
          %dma_start3A_222 = arith.constant 0 : i32
          %dma_start3A_223 = arith.constant 0 : i32
          %dma_start3A_224 = tpu.memref_slice %arg3[%dma_start3A_222, %dma_start3A_223] : memref<320000x128xf32, #tpu.memory_space<hbm>> -> memref<320000x128xf32, #tpu.memory_space<hbm>>
          tpu.enqueue_indirect_dma source(%dma_start3A_224 : memref<320000x128xf32, #tpu.memory_space<hbm>>) target(%arg18 : memref<16x128xf32, #tpu.memory_space<vmem>>) offsets(%add3A_221 : vector<16xi32>) semaphore(%arg24 : memref<!tpu.dma_semaphore, #tpu.memory_space<semaphore_mem>>)
          %dma_wait3A = arith.constant 0 : i32
          %dma_wait3A_225 = arith.constant 0 : i32
          %dma_wait3A_226 = tpu.memref_slice %arg2[%dma_wait3A, %dma_wait3A_225] : memref<320000x128xf32, #tpu.memory_space<hbm>> -> memref<320000x128xf32, #tpu.memory_space<hbm>>
          tpu.wait_indirect_dma semaphore(%arg24 : memref<!tpu.dma_semaphore, #tpu.memory_space<semaphore_mem>>) src(%dma_wait3A_226 : memref<320000x128xf32, #tpu.memory_space<hbm>>) dst(%arg13 : memref<16x128xf32, #tpu.memory_space<vmem>>)
          %dma_wait3A_227 = arith.constant 0 : i32
          %dma_wait3A_228 = arith.constant 0 : i32
          %dma_wait3A_229 = tpu.memref_slice %arg2[%dma_wait3A_227, %dma_wait3A_228] : memref<320000x128xf32, #tpu.memory_space<hbm>> -> memref<320000x128xf32, #tpu.memory_space<hbm>>
          tpu.wait_indirect_dma semaphore(%arg24 : memref<!tpu.dma_semaphore, #tpu.memory_space<semaphore_mem>>) src(%dma_wait3A_229 : memref<320000x128xf32, #tpu.memory_space<hbm>>) dst(%arg14 : memref<16x128xf32, #tpu.memory_space<vmem>>)
          %dma_wait3A_230 = arith.constant 0 : i32
          %dma_wait3A_231 = arith.constant 0 : i32
          %dma_wait3A_232 = tpu.memref_slice %arg3[%dma_wait3A_230, %dma_wait3A_231] : memref<320000x128xf32, #tpu.memory_space<hbm>> -> memref<320000x128xf32, #tpu.memory_space<hbm>>
          tpu.wait_indirect_dma semaphore(%arg24 : memref<!tpu.dma_semaphore, #tpu.memory_space<semaphore_mem>>) src(%dma_wait3A_232 : memref<320000x128xf32, #tpu.memory_space<hbm>>) dst(%arg15 : memref<16x128xf32, #tpu.memory_space<vmem>>)
          %scan3A_233 = arith.constant 0 : i32
          %scan3A_234 = arith.constant 0 : i32
          %scan3A_235 = arith.constant 16 : i32
          %scan3A_236 = arith.addi %scan3A_234, %scan3A_235 : i32
          %scan3A_237 = arith.constant 1 : i32
          %scan3A_238 = scf.for %scan3A_438 = %scan3A_234 to %scan3A_236 step %scan3A_237 iter_args(%scan3A_439 = %scan3A_233) -> (i32)  : i32 {
            %broadcast_in_dim3A_440 = arith.constant 0.000000e+00 : f32
            %broadcast_in_dim3A_441 = vector.broadcast %broadcast_in_dim3A_440 : f32 to vector<16xf32>
            %get3A_442 = arith.index_cast %scan3A_438 : i32 to index
            %get3A_443 = arith.constant 0 : index
            %get3A_444 = tpu.vector_load %arg13[%get3A_442, %get3A_443] {strides = array<i32>} : memref<16x128xf32, #tpu.memory_space<vmem>>, vector<16xf32>,
            %get3A_445 = arith.index_cast %scan3A_438 : i32 to index
            %get3A_446 = arith.constant 0 : index
            %get3A_447 = tpu.vector_load %arg14[%get3A_445, %get3A_446] {strides = array<i32>} : memref<16x128xf32, #tpu.memory_space<vmem>>, vector<16xf32>,
            %add3A_448 = arith.addf %get3A_444, %get3A_447 : vector<16xf32>
            %get3A_449 = arith.index_cast %scan3A_438 : i32 to index
            %get3A_450 = arith.constant 0 : index
            %get3A_451 = tpu.vector_load %arg15[%get3A_449, %get3A_450] {strides = array<i32>} : memref<16x128xf32, #tpu.memory_space<vmem>>, vector<16xf32>,
            %add3A_452 = arith.addf %add3A_448, %get3A_451 : vector<16xf32>
            %gt3A = arith.constant 0.000000e+00 : f32
            %gt3A_453 = vector.broadcast %gt3A : f32 to vector<16xf32>
            %gt3A_454 = arith.cmpf ogt, %add3A_452, %gt3A_453 : vector<16xf32>
            %mul3A_455 = arith.constant 2.000000e-01 : f32
            %mul3A_456 = vector.broadcast %mul3A_455 : f32 to vector<16xf32>
            %mul3A_457 = arith.mulf %add3A_452, %mul3A_456 : vector<16xf32>
            %select_n3A_458 = arith.select %gt3A_454, %add3A_452, %mul3A_457 : vector<16xi1>, vector<16xf32>
            %get3A_459 = arith.constant 0 : index
            %get3A_460 = tpu.vector_load %arg21[%get3A_459] {strides = array<i32>} : memref<128xf32, #tpu.memory_space<vmem>>, vector<16xf32>,
            %mul3A_461 = arith.mulf %select_n3A_458, %get3A_460 : vector<16xf32>
            %add3A_462 = arith.addf %broadcast_in_dim3A_441, %mul3A_461 : vector<16xf32>
            %get3A_463 = arith.index_cast %scan3A_438 : i32 to index
            %get3A_464 = arith.constant 16 : index
            %get3A_465 = tpu.vector_load %arg13[%get3A_463, %get3A_464] {strides = array<i32>} : memref<16x128xf32, #tpu.memory_space<vmem>>, vector<16xf32>,
            %get3A_466 = arith.index_cast %scan3A_438 : i32 to index
            %get3A_467 = arith.constant 16 : index
            %get3A_468 = tpu.vector_load %arg14[%get3A_466, %get3A_467] {strides = array<i32>} : memref<16x128xf32, #tpu.memory_space<vmem>>, vector<16xf32>,
            %add3A_469 = arith.addf %get3A_465, %get3A_468 : vector<16xf32>
            %get3A_470 = arith.index_cast %scan3A_438 : i32 to index
            %get3A_471 = arith.constant 16 : index
            %get3A_472 = tpu.vector_load %arg15[%get3A_470, %get3A_471] {strides = array<i32>} : memref<16x128xf32, #tpu.memory_space<vmem>>, vector<16xf32>,
            %add3A_473 = arith.addf %add3A_469, %get3A_472 : vector<16xf32>
            %gt3A_474 = arith.constant 0.000000e+00 : f32
            %gt3A_475 = vector.broadcast %gt3A_474 : f32 to vector<16xf32>
            %gt3A_476 = arith.cmpf ogt, %add3A_473, %gt3A_475 : vector<16xf32>
            %mul3A_477 = arith.constant 2.000000e-01 : f32
            %mul3A_478 = vector.broadcast %mul3A_477 : f32 to vector<16xf32>
            %mul3A_479 = arith.mulf %add3A_473, %mul3A_478 : vector<16xf32>
            %select_n3A_480 = arith.select %gt3A_476, %add3A_473, %mul3A_479 : vector<16xi1>, vector<16xf32>
            %get3A_481 = arith.constant 16 : index
            %get3A_482 = tpu.vector_load %arg21[%get3A_481] {strides = array<i32>} : memref<128xf32, #tpu.memory_space<vmem>>, vector<16xf32>,
            %mul3A_483 = arith.mulf %select_n3A_480, %get3A_482 : vector<16xf32>
            %add3A_484 = arith.addf %add3A_462, %mul3A_483 : vector<16xf32>
            %get3A_485 = arith.index_cast %scan3A_438 : i32 to index
            %get3A_486 = arith.constant 32 : index
            %get3A_487 = tpu.vector_load %arg13[%get3A_485, %get3A_486] {strides = array<i32>} : memref<16x128xf32, #tpu.memory_space<vmem>>, vector<16xf32>,
            %get3A_488 = arith.index_cast %scan3A_438 : i32 to index
            %get3A_489 = arith.constant 32 : index
            %get3A_490 = tpu.vector_load %arg14[%get3A_488, %get3A_489] {strides = array<i32>} : memref<16x128xf32, #tpu.memory_space<vmem>>, vector<16xf32>,
            %add3A_491 = arith.addf %get3A_487, %get3A_490 : vector<16xf32>
            %get3A_492 = arith.index_cast %scan3A_438 : i32 to index
            %get3A_493 = arith.constant 32 : index
            %get3A_494 = tpu.vector_load %arg15[%get3A_492, %get3A_493] {strides = array<i32>} : memref<16x128xf32, #tpu.memory_space<vmem>>, vector<16xf32>,
            %add3A_495 = arith.addf %add3A_491, %get3A_494 : vector<16xf32>
            %gt3A_496 = arith.constant 0.000000e+00 : f32
            %gt3A_497 = vector.broadcast %gt3A_496 : f32 to vector<16xf32>
            %gt3A_498 = arith.cmpf ogt, %add3A_495, %gt3A_497 : vector<16xf32>
            %mul3A_499 = arith.constant 2.000000e-01 : f32
            %mul3A_500 = vector.broadcast %mul3A_499 : f32 to vector<16xf32>
            %mul3A_501 = arith.mulf %add3A_495, %mul3A_500 : vector<16xf32>
            %select_n3A_502 = arith.select %gt3A_498, %add3A_495, %mul3A_501 : vector<16xi1>, vector<16xf32>
            %get3A_503 = arith.constant 32 : index
            %get3A_504 = tpu.vector_load %arg21[%get3A_503] {strides = array<i32>} : memref<128xf32, #tpu.memory_space<vmem>>, vector<16xf32>,
            %mul3A_505 = arith.mulf %select_n3A_502, %get3A_504 : vector<16xf32>
            %add3A_506 = arith.addf %add3A_484, %mul3A_505 : vector<16xf32>
            %get3A_507 = arith.index_cast %scan3A_438 : i32 to index
            %get3A_508 = arith.constant 48 : index
            %get3A_509 = tpu.vector_load %arg13[%get3A_507, %get3A_508] {strides = array<i32>} : memref<16x128xf32, #tpu.memory_space<vmem>>, vector<16xf32>,
            %get3A_510 = arith.index_cast %scan3A_438 : i32 to index
            %get3A_511 = arith.constant 48 : index
            %get3A_512 = tpu.vector_load %arg14[%get3A_510, %get3A_511] {strides = array<i32>} : memref<16x128xf32, #tpu.memory_space<vmem>>, vector<16xf32>,
            %add3A_513 = arith.addf %get3A_509, %get3A_512 : vector<16xf32>
            %get3A_514 = arith.index_cast %scan3A_438 : i32 to index
            %get3A_515 = arith.constant 48 : index
            %get3A_516 = tpu.vector_load %arg15[%get3A_514, %get3A_515] {strides = array<i32>} : memref<16x128xf32, #tpu.memory_space<vmem>>, vector<16xf32>,
            %add3A_517 = arith.addf %add3A_513, %get3A_516 : vector<16xf32>
            %gt3A_518 = arith.constant 0.000000e+00 : f32
            %gt3A_519 = vector.broadcast %gt3A_518 : f32 to vector<16xf32>
            %gt3A_520 = arith.cmpf ogt, %add3A_517, %gt3A_519 : vector<16xf32>
            %mul3A_521 = arith.constant 2.000000e-01 : f32
            %mul3A_522 = vector.broadcast %mul3A_521 : f32 to vector<16xf32>
            %mul3A_523 = arith.mulf %add3A_517, %mul3A_522 : vector<16xf32>
            %select_n3A_524 = arith.select %gt3A_520, %add3A_517, %mul3A_523 : vector<16xi1>, vector<16xf32>
            %get3A_525 = arith.constant 48 : index
            %get3A_526 = tpu.vector_load %arg21[%get3A_525] {strides = array<i32>} : memref<128xf32, #tpu.memory_space<vmem>>, vector<16xf32>,
            %mul3A_527 = arith.mulf %select_n3A_524, %get3A_526 : vector<16xf32>
            %add3A_528 = arith.addf %add3A_506, %mul3A_527 : vector<16xf32>
            %get3A_529 = arith.index_cast %scan3A_438 : i32 to index
            %get3A_530 = arith.constant 64 : index
            %get3A_531 = tpu.vector_load %arg13[%get3A_529, %get3A_530] {strides = array<i32>} : memref<16x128xf32, #tpu.memory_space<vmem>>, vector<16xf32>,
            %get3A_532 = arith.index_cast %scan3A_438 : i32 to index
            %get3A_533 = arith.constant 64 : index
            %get3A_534 = tpu.vector_load %arg14[%get3A_532, %get3A_533] {strides = array<i32>} : memref<16x128xf32, #tpu.memory_space<vmem>>, vector<16xf32>,
            %add3A_535 = arith.addf %get3A_531, %get3A_534 : vector<16xf32>
            %get3A_536 = arith.index_cast %scan3A_438 : i32 to index
            %get3A_537 = arith.constant 64 : index
            %get3A_538 = tpu.vector_load %arg15[%get3A_536, %get3A_537] {strides = array<i32>} : memref<16x128xf32, #tpu.memory_space<vmem>>, vector<16xf32>,
            %add3A_539 = arith.addf %add3A_535, %get3A_538 : vector<16xf32>
            %gt3A_540 = arith.constant 0.000000e+00 : f32
            %gt3A_541 = vector.broadcast %gt3A_540 : f32 to vector<16xf32>
            %gt3A_542 = arith.cmpf ogt, %add3A_539, %gt3A_541 : vector<16xf32>
            %mul3A_543 = arith.constant 2.000000e-01 : f32
            %mul3A_544 = vector.broadcast %mul3A_543 : f32 to vector<16xf32>
            %mul3A_545 = arith.mulf %add3A_539, %mul3A_544 : vector<16xf32>
            %select_n3A_546 = arith.select %gt3A_542, %add3A_539, %mul3A_545 : vector<16xi1>, vector<16xf32>
            %get3A_547 = arith.constant 64 : index
            %get3A_548 = tpu.vector_load %arg21[%get3A_547] {strides = array<i32>} : memref<128xf32, #tpu.memory_space<vmem>>, vector<16xf32>,
            %mul3A_549 = arith.mulf %select_n3A_546, %get3A_548 : vector<16xf32>
            %add3A_550 = arith.addf %add3A_528, %mul3A_549 : vector<16xf32>
            %get3A_551 = arith.index_cast %scan3A_438 : i32 to index
            %get3A_552 = arith.constant 80 : index
            %get3A_553 = tpu.vector_load %arg13[%get3A_551, %get3A_552] {strides = array<i32>} : memref<16x128xf32, #tpu.memory_space<vmem>>, vector<16xf32>,
            %get3A_554 = arith.index_cast %scan3A_438 : i32 to index
            %get3A_555 = arith.constant 80 : index
            %get3A_556 = tpu.vector_load %arg14[%get3A_554, %get3A_555] {strides = array<i32>} : memref<16x128xf32, #tpu.memory_space<vmem>>, vector<16xf32>,
            %add3A_557 = arith.addf %get3A_553, %get3A_556 : vector<16xf32>
            %get3A_558 = arith.index_cast %scan3A_438 : i32 to index
            %get3A_559 = arith.constant 80 : index
            %get3A_560 = tpu.vector_load %arg15[%get3A_558, %get3A_559] {strides = array<i32>} : memref<16x128xf32, #tpu.memory_space<vmem>>, vector<16xf32>,
            %add3A_561 = arith.addf %add3A_557, %get3A_560 : vector<16xf32>
            %gt3A_562 = arith.constant 0.000000e+00 : f32
            %gt3A_563 = vector.broadcast %gt3A_562 : f32 to vector<16xf32>
            %gt3A_564 = arith.cmpf ogt, %add3A_561, %gt3A_563 : vector<16xf32>
            %mul3A_565 = arith.constant 2.000000e-01 : f32
            %mul3A_566 = vector.broadcast %mul3A_565 : f32 to vector<16xf32>
            %mul3A_567 = arith.mulf %add3A_561, %mul3A_566 : vector<16xf32>
            %select_n3A_568 = arith.select %gt3A_564, %add3A_561, %mul3A_567 : vector<16xi1>, vector<16xf32>
            %get3A_569 = arith.constant 80 : index
            %get3A_570 = tpu.vector_load %arg21[%get3A_569] {strides = array<i32>} : memref<128xf32, #tpu.memory_space<vmem>>, vector<16xf32>,
            %mul3A_571 = arith.mulf %select_n3A_568, %get3A_570 : vector<16xf32>
            %add3A_572 = arith.addf %add3A_550, %mul3A_571 : vector<16xf32>
            %get3A_573 = arith.index_cast %scan3A_438 : i32 to index
            %get3A_574 = arith.constant 96 : index
            %get3A_575 = tpu.vector_load %arg13[%get3A_573, %get3A_574] {strides = array<i32>} : memref<16x128xf32, #tpu.memory_space<vmem>>, vector<16xf32>,
            %get3A_576 = arith.index_cast %scan3A_438 : i32 to index
            %get3A_577 = arith.constant 96 : index
            %get3A_578 = tpu.vector_load %arg14[%get3A_576, %get3A_577] {strides = array<i32>} : memref<16x128xf32, #tpu.memory_space<vmem>>, vector<16xf32>,
            %add3A_579 = arith.addf %get3A_575, %get3A_578 : vector<16xf32>
            %get3A_580 = arith.index_cast %scan3A_438 : i32 to index
            %get3A_581 = arith.constant 96 : index
            %get3A_582 = tpu.vector_load %arg15[%get3A_580, %get3A_581] {strides = array<i32>} : memref<16x128xf32, #tpu.memory_space<vmem>>, vector<16xf32>,
            %add3A_583 = arith.addf %add3A_579, %get3A_582 : vector<16xf32>
            %gt3A_584 = arith.constant 0.000000e+00 : f32
            %gt3A_585 = vector.broadcast %gt3A_584 : f32 to vector<16xf32>
            %gt3A_586 = arith.cmpf ogt, %add3A_583, %gt3A_585 : vector<16xf32>
            %mul3A_587 = arith.constant 2.000000e-01 : f32
            %mul3A_588 = vector.broadcast %mul3A_587 : f32 to vector<16xf32>
            %mul3A_589 = arith.mulf %add3A_583, %mul3A_588 : vector<16xf32>
            %select_n3A_590 = arith.select %gt3A_586, %add3A_583, %mul3A_589 : vector<16xi1>, vector<16xf32>
            %get3A_591 = arith.constant 96 : index
            %get3A_592 = tpu.vector_load %arg21[%get3A_591] {strides = array<i32>} : memref<128xf32, #tpu.memory_space<vmem>>, vector<16xf32>,
            %mul3A_593 = arith.mulf %select_n3A_590, %get3A_592 : vector<16xf32>
            %add3A_594 = arith.addf %add3A_572, %mul3A_593 : vector<16xf32>
            %get3A_595 = arith.index_cast %scan3A_438 : i32 to index
            %get3A_596 = arith.constant 112 : index
            %get3A_597 = tpu.vector_load %arg13[%get3A_595, %get3A_596] {strides = array<i32>} : memref<16x128xf32, #tpu.memory_space<vmem>>, vector<16xf32>,
            %get3A_598 = arith.index_cast %scan3A_438 : i32 to index
            %get3A_599 = arith.constant 112 : index
            %get3A_600 = tpu.vector_load %arg14[%get3A_598, %get3A_599] {strides = array<i32>} : memref<16x128xf32, #tpu.memory_space<vmem>>, vector<16xf32>,
            %add3A_601 = arith.addf %get3A_597, %get3A_600 : vector<16xf32>
            %get3A_602 = arith.index_cast %scan3A_438 : i32 to index
            %get3A_603 = arith.constant 112 : index
            %get3A_604 = tpu.vector_load %arg15[%get3A_602, %get3A_603] {strides = array<i32>} : memref<16x128xf32, #tpu.memory_space<vmem>>, vector<16xf32>,
            %add3A_605 = arith.addf %add3A_601, %get3A_604 : vector<16xf32>
            %gt3A_606 = arith.constant 0.000000e+00 : f32
            %gt3A_607 = vector.broadcast %gt3A_606 : f32 to vector<16xf32>
            %gt3A_608 = arith.cmpf ogt, %add3A_605, %gt3A_607 : vector<16xf32>
            %mul3A_609 = arith.constant 2.000000e-01 : f32
            %mul3A_610 = vector.broadcast %mul3A_609 : f32 to vector<16xf32>
            %mul3A_611 = arith.mulf %add3A_605, %mul3A_610 : vector<16xf32>
            %select_n3A_612 = arith.select %gt3A_608, %add3A_605, %mul3A_611 : vector<16xi1>, vector<16xf32>
            %get3A_613 = arith.constant 112 : index
            %get3A_614 = tpu.vector_load %arg21[%get3A_613] {strides = array<i32>} : memref<128xf32, #tpu.memory_space<vmem>>, vector<16xf32>,
            %mul3A_615 = arith.mulf %select_n3A_612, %get3A_614 : vector<16xf32>
            %add3A_616 = arith.addf %add3A_594, %mul3A_615 : vector<16xf32>
            %swap3A = arith.index_cast %scan3A_438 : i32 to index
            %swap3A_617 = arith.constant 0 : index
            %swap3A_618 = tpu.vector_load %arg20[%swap3A, %swap3A_617] {strides = array<i32>} : memref<16x16xf32, #tpu.memory_space<vmem>>, vector<16xf32>,
            tpu.vector_store %arg20[%swap3A, %swap3A_617], %add3A_616 {strides = array<i32>} : memref<16x16xf32, #tpu.memory_space<vmem>>, vector<16xf32>,
            %scan3A_619 = arith.constant 0 : i32
            scf.yield %scan3A_619 : i32
          }
          %scan3A_239 = arith.constant 16 : i32
          %broadcast_in_dim3A_240 = arith.constant 0.000000e+00 : f32
          %broadcast_in_dim3A_241 = vector.broadcast %broadcast_in_dim3A_240 : f32 to vector<16xf32>
          %broadcast_in_dim3A_242 = arith.constant 0 : i32
          %broadcast_in_dim3A_243 = vector.broadcast %broadcast_in_dim3A_242 : i32 to vector<16xi32>
          %gather3A = tpu.vector_load_idx %arg20[%iota3A, %broadcast_in_dim3A_243] : memref<16x16xf32, #tpu.memory_space<vmem>>[vector<16xi32>, vector<16xi32>], vector<16xf32>,
          %add3A_244 = arith.addf %broadcast_in_dim3A_241, %gather3A : vector<16xf32>
          %broadcast_in_dim3A_245 = arith.constant 1 : i32
          %broadcast_in_dim3A_246 = vector.broadcast %broadcast_in_dim3A_245 : i32 to vector<16xi32>
          %gather3A_247 = tpu.vector_load_idx %arg20[%iota3A, %broadcast_in_dim3A_246] : memref<16x16xf32, #tpu.memory_space<vmem>>[vector<16xi32>, vector<16xi32>], vector<16xf32>,
          %add3A_248 = arith.addf %add3A_244, %gather3A_247 : vector<16xf32>
          %broadcast_in_dim3A_249 = arith.constant 2 : i32
          %broadcast_in_dim3A_250 = vector.broadcast %broadcast_in_dim3A_249 : i32 to vector<16xi32>
          %gather3A_251 = tpu.vector_load_idx %arg20[%iota3A, %broadcast_in_dim3A_250] : memref<16x16xf32, #tpu.memory_space<vmem>>[vector<16xi32>, vector<16xi32>], vector<16xf32>,
          %add3A_252 = arith.addf %add3A_248, %gather3A_251 : vector<16xf32>
          %broadcast_in_dim3A_253 = arith.constant 3 : i32
          %broadcast_in_dim3A_254 = vector.broadcast %broadcast_in_dim3A_253 : i32 to vector<16xi32>
          %gather3A_255 = tpu.vector_load_idx %arg20[%iota3A, %broadcast_in_dim3A_254] : memref<16x16xf32, #tpu.memory_space<vmem>>[vector<16xi32>, vector<16xi32>], vector<16xf32>,
          %add3A_256 = arith.addf %add3A_252, %gather3A_255 : vector<16xf32>
          %broadcast_in_dim3A_257 = arith.constant 4 : i32
          %broadcast_in_dim3A_258 = vector.broadcast %broadcast_in_dim3A_257 : i32 to vector<16xi32>
          %gather3A_259 = tpu.vector_load_idx %arg20[%iota3A, %broadcast_in_dim3A_258] : memref<16x16xf32, #tpu.memory_space<vmem>>[vector<16xi32>, vector<16xi32>], vector<16xf32>,
          %add3A_260 = arith.addf %add3A_256, %gather3A_259 : vector<16xf32>
          %broadcast_in_dim3A_261 = arith.constant 5 : i32
          %broadcast_in_dim3A_262 = vector.broadcast %broadcast_in_dim3A_261 : i32 to vector<16xi32>
          %gather3A_263 = tpu.vector_load_idx %arg20[%iota3A, %broadcast_in_dim3A_262] : memref<16x16xf32, #tpu.memory_space<vmem>>[vector<16xi32>, vector<16xi32>], vector<16xf32>,
          %add3A_264 = arith.addf %add3A_260, %gather3A_263 : vector<16xf32>
          %broadcast_in_dim3A_265 = arith.constant 6 : i32
          %broadcast_in_dim3A_266 = vector.broadcast %broadcast_in_dim3A_265 : i32 to vector<16xi32>
          %gather3A_267 = tpu.vector_load_idx %arg20[%iota3A, %broadcast_in_dim3A_266] : memref<16x16xf32, #tpu.memory_space<vmem>>[vector<16xi32>, vector<16xi32>], vector<16xf32>,
          %add3A_268 = arith.addf %add3A_264, %gather3A_267 : vector<16xf32>
          %broadcast_in_dim3A_269 = arith.constant 7 : i32
          %broadcast_in_dim3A_270 = vector.broadcast %broadcast_in_dim3A_269 : i32 to vector<16xi32>
          %gather3A_271 = tpu.vector_load_idx %arg20[%iota3A, %broadcast_in_dim3A_270] : memref<16x16xf32, #tpu.memory_space<vmem>>[vector<16xi32>, vector<16xi32>], vector<16xf32>,
          %add3A_272 = arith.addf %add3A_268, %gather3A_271 : vector<16xf32>
          %broadcast_in_dim3A_273 = arith.constant 8 : i32
          %broadcast_in_dim3A_274 = vector.broadcast %broadcast_in_dim3A_273 : i32 to vector<16xi32>
          %gather3A_275 = tpu.vector_load_idx %arg20[%iota3A, %broadcast_in_dim3A_274] : memref<16x16xf32, #tpu.memory_space<vmem>>[vector<16xi32>, vector<16xi32>], vector<16xf32>,
          %add3A_276 = arith.addf %add3A_272, %gather3A_275 : vector<16xf32>
          %broadcast_in_dim3A_277 = arith.constant 9 : i32
          %broadcast_in_dim3A_278 = vector.broadcast %broadcast_in_dim3A_277 : i32 to vector<16xi32>
          %gather3A_279 = tpu.vector_load_idx %arg20[%iota3A, %broadcast_in_dim3A_278] : memref<16x16xf32, #tpu.memory_space<vmem>>[vector<16xi32>, vector<16xi32>], vector<16xf32>,
          %add3A_280 = arith.addf %add3A_276, %gather3A_279 : vector<16xf32>
          %broadcast_in_dim3A_281 = arith.constant 10 : i32
          %broadcast_in_dim3A_282 = vector.broadcast %broadcast_in_dim3A_281 : i32 to vector<16xi32>
          %gather3A_283 = tpu.vector_load_idx %arg20[%iota3A, %broadcast_in_dim3A_282] : memref<16x16xf32, #tpu.memory_space<vmem>>[vector<16xi32>, vector<16xi32>], vector<16xf32>,
          %add3A_284 = arith.addf %add3A_280, %gather3A_283 : vector<16xf32>
          %broadcast_in_dim3A_285 = arith.constant 11 : i32
          %broadcast_in_dim3A_286 = vector.broadcast %broadcast_in_dim3A_285 : i32 to vector<16xi32>
          %gather3A_287 = tpu.vector_load_idx %arg20[%iota3A, %broadcast_in_dim3A_286] : memref<16x16xf32, #tpu.memory_space<vmem>>[vector<16xi32>, vector<16xi32>], vector<16xf32>,
          %add3A_288 = arith.addf %add3A_284, %gather3A_287 : vector<16xf32>
          %broadcast_in_dim3A_289 = arith.constant 12 : i32
          %broadcast_in_dim3A_290 = vector.broadcast %broadcast_in_dim3A_289 : i32 to vector<16xi32>
          %gather3A_291 = tpu.vector_load_idx %arg20[%iota3A, %broadcast_in_dim3A_290] : memref<16x16xf32, #tpu.memory_space<vmem>>[vector<16xi32>, vector<16xi32>], vector<16xf32>,
          %add3A_292 = arith.addf %add3A_288, %gather3A_291 : vector<16xf32>
          %broadcast_in_dim3A_293 = arith.constant 13 : i32
          %broadcast_in_dim3A_294 = vector.broadcast %broadcast_in_dim3A_293 : i32 to vector<16xi32>
          %gather3A_295 = tpu.vector_load_idx %arg20[%iota3A, %broadcast_in_dim3A_294] : memref<16x16xf32, #tpu.memory_space<vmem>>[vector<16xi32>, vector<16xi32>], vector<16xf32>,
          %add3A_296 = arith.addf %add3A_292, %gather3A_295 : vector<16xf32>
          %broadcast_in_dim3A_297 = arith.constant 14 : i32
          %broadcast_in_dim3A_298 = vector.broadcast %broadcast_in_dim3A_297 : i32 to vector<16xi32>
          %gather3A_299 = tpu.vector_load_idx %arg20[%iota3A, %broadcast_in_dim3A_298] : memref<16x16xf32, #tpu.memory_space<vmem>>[vector<16xi32>, vector<16xi32>], vector<16xf32>,
          %add3A_300 = arith.addf %add3A_296, %gather3A_299 : vector<16xf32>
          %broadcast_in_dim3A_301 = arith.constant 15 : i32
          %broadcast_in_dim3A_302 = vector.broadcast %broadcast_in_dim3A_301 : i32 to vector<16xi32>
          %gather3A_303 = tpu.vector_load_idx %arg20[%iota3A, %broadcast_in_dim3A_302] : memref<16x16xf32, #tpu.memory_space<vmem>>[vector<16xi32>, vector<16xi32>], vector<16xf32>,
          %add3A_304 = arith.addf %add3A_300, %gather3A_303 : vector<16xf32>
          %exp3A = math.exp %add3A_304 : vector<16xf32>
          %add3A_305 = vector.broadcast %mul3A_186 : i32 to vector<16xi32>
          %add3A_306 = arith.addi %add3A_305, %iota3A : vector<16xi32>
          %lt3A = vector.broadcast %scan3A_147 : i32 to vector<16xi32>
          %lt3A_307 = arith.cmpi slt, %add3A_306, %lt3A : vector<16xi32>
          %sub3A_308 = vector.broadcast %add3A_109 : i32 to vector<16xi32>
          %sub3A_309 = arith.subi %get3A_191, %sub3A_308 : vector<16xi32>
          %jit3A_310 = arith.constant 10000 : i32
          %broadcast_in_dim3A_311 = vector.broadcast %jit3A_310 : i32 to vector<16xi32>
          %select_n3A_312 = arith.select %lt3A_307, %sub3A_309, %broadcast_in_dim3A_311 : vector<16xi1>, vector<16xi32>
          %scan3A_313 = arith.constant 0 : i32
          %scan3A_314 = arith.constant 0 : i32
          %scan3A_315 = arith.constant 16 : i32
          %scan3A_316 = arith.addi %scan3A_314, %scan3A_315 : i32
          %scan3A_317 = arith.constant 1 : i32
          %scan3A_318 = scf.for %scan3A_438 = %scan3A_314 to %scan3A_316 step %scan3A_317 iter_args(%scan3A_439 = %scan3A_313) -> (i32)  : i32 {
            %broadcast_in_dim3A_440 = vector.broadcast %scan3A_438 : i32 to vector<16xi32>
            %lt3A_441 = arith.constant 0 : i32
            %lt3A_442 = vector.broadcast %lt3A_441 : i32 to vector<16xi32>
            %lt3A_443 = arith.cmpi slt, %broadcast_in_dim3A_440, %lt3A_442 : vector<16xi32>
            %add3A_444 = arith.constant 16 : i32
            %add3A_445 = vector.broadcast %add3A_444 : i32 to vector<16xi32>
            %add3A_446 = arith.addi %broadcast_in_dim3A_440, %add3A_445 : vector<16xi32>
            %select_n3A_447 = arith.select %lt3A_443, %add3A_446, %broadcast_in_dim3A_440 : vector<16xi1>, vector<16xi32>
            %reshape3A = vector.shape_cast %select_n3A_447 : vector<16xi32> to vector<16x1xi32>
            %gather3A_448 = vector.shape_cast %reshape3A : vector<16x1xi32> to vector<16xi32>
            %gather3A_449 = tpu.dynamic_gather %exp3A[%gather3A_448] in [0] : vector<16xf32>, vector<16xi32> -> vector<16xf32>
            %get3A_450 = arith.index_cast %scan3A_438 : i32 to index
            %get3A_451 = arith.constant 0 : index
            %get3A_452 = tpu.vector_load %arg13[%get3A_450, %get3A_451] {strides = array<i32>} : memref<16x128xf32, #tpu.memory_space<vmem>>, vector<16xf32>,
            %mul3A_453 = arith.mulf %get3A_452, %gather3A_449 : vector<16xf32>
            %swap3A = arith.index_cast %scan3A_438 : i32 to index
            %swap3A_454 = arith.constant 0 : index
            %swap3A_455 = tpu.vector_load %arg19[%swap3A, %swap3A_454] {strides = array<i32>} : memref<16x144xf32, #tpu.memory_space<vmem>>, vector<16xf32>,
            tpu.vector_store %arg19[%swap3A, %swap3A_454], %mul3A_453 {strides = array<i32>} : memref<16x144xf32, #tpu.memory_space<vmem>>, vector<16xf32>,
            %get3A_456 = arith.index_cast %scan3A_438 : i32 to index
            %get3A_457 = arith.constant 16 : index
            %get3A_458 = tpu.vector_load %arg13[%get3A_456, %get3A_457] {strides = array<i32>} : memref<16x128xf32, #tpu.memory_space<vmem>>, vector<16xf32>,
            %mul3A_459 = arith.mulf %get3A_458, %gather3A_449 : vector<16xf32>
            %swap3A_460 = arith.index_cast %scan3A_438 : i32 to index
            %swap3A_461 = arith.constant 16 : index
            %swap3A_462 = tpu.vector_load %arg19[%swap3A_460, %swap3A_461] {strides = array<i32>} : memref<16x144xf32, #tpu.memory_space<vmem>>, vector<16xf32>,
            tpu.vector_store %arg19[%swap3A_460, %swap3A_461], %mul3A_459 {strides = array<i32>} : memref<16x144xf32, #tpu.memory_space<vmem>>, vector<16xf32>,
            %get3A_463 = arith.index_cast %scan3A_438 : i32 to index
            %get3A_464 = arith.constant 32 : index
            %get3A_465 = tpu.vector_load %arg13[%get3A_463, %get3A_464] {strides = array<i32>} : memref<16x128xf32, #tpu.memory_space<vmem>>, vector<16xf32>,
            %mul3A_466 = arith.mulf %get3A_465, %gather3A_449 : vector<16xf32>
            %swap3A_467 = arith.index_cast %scan3A_438 : i32 to index
            %swap3A_468 = arith.constant 32 : index
            %swap3A_469 = tpu.vector_load %arg19[%swap3A_467, %swap3A_468] {strides = array<i32>} : memref<16x144xf32, #tpu.memory_space<vmem>>, vector<16xf32>,
            tpu.vector_store %arg19[%swap3A_467, %swap3A_468], %mul3A_466 {strides = array<i32>} : memref<16x144xf32, #tpu.memory_space<vmem>>, vector<16xf32>,
            %get3A_470 = arith.index_cast %scan3A_438 : i32 to index
            %get3A_471 = arith.constant 48 : index
            %get3A_472 = tpu.vector_load %arg13[%get3A_470, %get3A_471] {strides = array<i32>} : memref<16x128xf32, #tpu.memory_space<vmem>>, vector<16xf32>,
            %mul3A_473 = arith.mulf %get3A_472, %gather3A_449 : vector<16xf32>
            %swap3A_474 = arith.index_cast %scan3A_438 : i32 to index
            %swap3A_475 = arith.constant 48 : index
            %swap3A_476 = tpu.vector_load %arg19[%swap3A_474, %swap3A_475] {strides = array<i32>} : memref<16x144xf32, #tpu.memory_space<vmem>>, vector<16xf32>,
            tpu.vector_store %arg19[%swap3A_474, %swap3A_475], %mul3A_473 {strides = array<i32>} : memref<16x144xf32, #tpu.memory_space<vmem>>, vector<16xf32>,
            %get3A_477 = arith.index_cast %scan3A_438 : i32 to index
            %get3A_478 = arith.constant 64 : index
            %get3A_479 = tpu.vector_load %arg13[%get3A_477, %get3A_478] {strides = array<i32>} : memref<16x128xf32, #tpu.memory_space<vmem>>, vector<16xf32>,
            %mul3A_480 = arith.mulf %get3A_479, %gather3A_449 : vector<16xf32>
            %swap3A_481 = arith.index_cast %scan3A_438 : i32 to index
            %swap3A_482 = arith.constant 64 : index
            %swap3A_483 = tpu.vector_load %arg19[%swap3A_481, %swap3A_482] {strides = array<i32>} : memref<16x144xf32, #tpu.memory_space<vmem>>, vector<16xf32>,
            tpu.vector_store %arg19[%swap3A_481, %swap3A_482], %mul3A_480 {strides = array<i32>} : memref<16x144xf32, #tpu.memory_space<vmem>>, vector<16xf32>,
            %get3A_484 = arith.index_cast %scan3A_438 : i32 to index
            %get3A_485 = arith.constant 80 : index
            %get3A_486 = tpu.vector_load %arg13[%get3A_484, %get3A_485] {strides = array<i32>} : memref<16x128xf32, #tpu.memory_space<vmem>>, vector<16xf32>,
            %mul3A_487 = arith.mulf %get3A_486, %gather3A_449 : vector<16xf32>
            %swap3A_488 = arith.index_cast %scan3A_438 : i32 to index
            %swap3A_489 = arith.constant 80 : index
            %swap3A_490 = tpu.vector_load %arg19[%swap3A_488, %swap3A_489] {strides = array<i32>} : memref<16x144xf32, #tpu.memory_space<vmem>>, vector<16xf32>,
            tpu.vector_store %arg19[%swap3A_488, %swap3A_489], %mul3A_487 {strides = array<i32>} : memref<16x144xf32, #tpu.memory_space<vmem>>, vector<16xf32>,
            %get3A_491 = arith.index_cast %scan3A_438 : i32 to index
            %get3A_492 = arith.constant 96 : index
            %get3A_493 = tpu.vector_load %arg13[%get3A_491, %get3A_492] {strides = array<i32>} : memref<16x128xf32, #tpu.memory_space<vmem>>, vector<16xf32>,
            %mul3A_494 = arith.mulf %get3A_493, %gather3A_449 : vector<16xf32>
            %swap3A_495 = arith.index_cast %scan3A_438 : i32 to index
            %swap3A_496 = arith.constant 96 : index
            %swap3A_497 = tpu.vector_load %arg19[%swap3A_495, %swap3A_496] {strides = array<i32>} : memref<16x144xf32, #tpu.memory_space<vmem>>, vector<16xf32>,
            tpu.vector_store %arg19[%swap3A_495, %swap3A_496], %mul3A_494 {strides = array<i32>} : memref<16x144xf32, #tpu.memory_space<vmem>>, vector<16xf32>,
            %get3A_498 = arith.index_cast %scan3A_438 : i32 to index
            %get3A_499 = arith.constant 112 : index
            %get3A_500 = tpu.vector_load %arg13[%get3A_498, %get3A_499] {strides = array<i32>} : memref<16x128xf32, #tpu.memory_space<vmem>>, vector<16xf32>,
            %mul3A_501 = arith.mulf %get3A_500, %gather3A_449 : vector<16xf32>
            %swap3A_502 = arith.index_cast %scan3A_438 : i32 to index
            %swap3A_503 = arith.constant 112 : index
            %swap3A_504 = tpu.vector_load %arg19[%swap3A_502, %swap3A_503] {strides = array<i32>} : memref<16x144xf32, #tpu.memory_space<vmem>>, vector<16xf32>,
            tpu.vector_store %arg19[%swap3A_502, %swap3A_503], %mul3A_501 {strides = array<i32>} : memref<16x144xf32, #tpu.memory_space<vmem>>, vector<16xf32>,
            %scan3A_505 = arith.constant 0 : i32
            scf.yield %scan3A_505 : i32
          }
          %scan3A_319 = arith.constant 16 : i32
          %broadcast_in_dim3A_320 = arith.constant 128 : i32
          %broadcast_in_dim3A_321 = vector.broadcast %broadcast_in_dim3A_320 : i32 to vector<16xi32>
          tpu.vector_store_idx %arg19[%iota3A, %broadcast_in_dim3A_321], %exp3A : memref<16x144xf32, #tpu.memory_space<vmem>>[vector<16xi32>, vector<16xi32>], vector<16xf32>,
          %dma_start3A_322 = arith.constant 0 : i32
          %dma_start3A_323 = arith.constant 0 : i32
          %dma_start3A_324 = tpu.memref_slice %arg23[%dma_start3A_322, %dma_start3A_323] : memref<10040x144xf32, #tpu.memory_space<vmem_shared>> -> memref<10040x144xf32, #tpu.memory_space<vmem_shared>>
          tpu.enqueue_indirect_dma source(%arg19 : memref<16x144xf32, #tpu.memory_space<vmem>>) target(%dma_start3A_324 : memref<10040x144xf32, #tpu.memory_space<vmem_shared>>) offsets(%select_n3A_312 : vector<16xi32>) semaphore(%arg25 : memref<!tpu.dma_semaphore, #tpu.memory_space<semaphore_mem>>) {add = true}
          %dma_wait3A_325 = arith.constant 0 : i32
          %dma_wait3A_326 = arith.constant 0 : i32
          %dma_wait3A_327 = tpu.memref_slice %arg23[%dma_wait3A_325, %dma_wait3A_326] : memref<10040x144xf32, #tpu.memory_space<vmem_shared>> -> memref<10040x144xf32, #tpu.memory_space<vmem_shared>>
          tpu.wait_indirect_dma semaphore(%arg25 : memref<!tpu.dma_semaphore, #tpu.memory_space<semaphore_mem>>) src(%arg19 : memref<16x144xf32, #tpu.memory_space<vmem>>) dst(%dma_wait3A_327 : memref<10040x144xf32, #tpu.memory_space<vmem_shared>>)
          %dma_wait3A_328 = arith.constant 0 : i32
          %dma_wait3A_329 = arith.constant 0 : i32
          %dma_wait3A_330 = tpu.memref_slice %arg2[%dma_wait3A_328, %dma_wait3A_329] : memref<320000x128xf32, #tpu.memory_space<hbm>> -> memref<320000x128xf32, #tpu.memory_space<hbm>>
          tpu.wait_indirect_dma semaphore(%arg24 : memref<!tpu.dma_semaphore, #tpu.memory_space<semaphore_mem>>) src(%dma_wait3A_330 : memref<320000x128xf32, #tpu.memory_space<hbm>>) dst(%arg16 : memref<16x128xf32, #tpu.memory_space<vmem>>)
          %dma_wait3A_331 = arith.constant 0 : i32
          %dma_wait3A_332 = arith.constant 0 : i32
          %dma_wait3A_333 = tpu.memref_slice %arg2[%dma_wait3A_331, %dma_wait3A_332] : memref<320000x128xf32, #tpu.memory_space<hbm>> -> memref<320000x128xf32, #tpu.memory_space<hbm>>
          tpu.wait_indirect_dma semaphore(%arg24 : memref<!tpu.dma_semaphore, #tpu.memory_space<semaphore_mem>>) src(%dma_wait3A_333 : memref<320000x128xf32, #tpu.memory_space<hbm>>) dst(%arg17 : memref<16x128xf32, #tpu.memory_space<vmem>>)
          %dma_wait3A_334 = arith.constant 0 : i32
          %dma_wait3A_335 = arith.constant 0 : i32
          %dma_wait3A_336 = tpu.memref_slice %arg3[%dma_wait3A_334, %dma_wait3A_335] : memref<320000x128xf32, #tpu.memory_space<hbm>> -> memref<320000x128xf32, #tpu.memory_space<hbm>>
          tpu.wait_indirect_dma semaphore(%arg24 : memref<!tpu.dma_semaphore, #tpu.memory_space<semaphore_mem>>) src(%dma_wait3A_336 : memref<320000x128xf32, #tpu.memory_space<hbm>>) dst(%arg18 : memref<16x128xf32, #tpu.memory_space<vmem>>)
          %add3A_337 = arith.constant 16 : i32
          %add3A_338 = arith.addi %mul3A_186, %add3A_337 : i32
          %scan3A_339 = arith.constant 0 : i32
          %scan3A_340 = arith.constant 0 : i32
          %scan3A_341 = arith.constant 16 : i32
          %scan3A_342 = arith.addi %scan3A_340, %scan3A_341 : i32
          %scan3A_343 = arith.constant 1 : i32
          %scan3A_344 = scf.for %scan3A_438 = %scan3A_340 to %scan3A_342 step %scan3A_343 iter_args(%scan3A_439 = %scan3A_339) -> (i32)  : i32 {
            %broadcast_in_dim3A_440 = arith.constant 0.000000e+00 : f32
            %broadcast_in_dim3A_441 = vector.broadcast %broadcast_in_dim3A_440 : f32 to vector<16xf32>
            %get3A_442 = arith.index_cast %scan3A_438 : i32 to index
            %get3A_443 = arith.constant 0 : index
            %get3A_444 = tpu.vector_load %arg16[%get3A_442, %get3A_443] {strides = array<i32>} : memref<16x128xf32, #tpu.memory_space<vmem>>, vector<16xf32>,
            %get3A_445 = arith.index_cast %scan3A_438 : i32 to index
            %get3A_446 = arith.constant 0 : index
            %get3A_447 = tpu.vector_load %arg17[%get3A_445, %get3A_446] {strides = array<i32>} : memref<16x128xf32, #tpu.memory_space<vmem>>, vector<16xf32>,
            %add3A_448 = arith.addf %get3A_444, %get3A_447 : vector<16xf32>
            %get3A_449 = arith.index_cast %scan3A_438 : i32 to index
            %get3A_450 = arith.constant 0 : index
            %get3A_451 = tpu.vector_load %arg18[%get3A_449, %get3A_450] {strides = array<i32>} : memref<16x128xf32, #tpu.memory_space<vmem>>, vector<16xf32>,
            %add3A_452 = arith.addf %add3A_448, %get3A_451 : vector<16xf32>
            %gt3A = arith.constant 0.000000e+00 : f32
            %gt3A_453 = vector.broadcast %gt3A : f32 to vector<16xf32>
            %gt3A_454 = arith.cmpf ogt, %add3A_452, %gt3A_453 : vector<16xf32>
            %mul3A_455 = arith.constant 2.000000e-01 : f32
            %mul3A_456 = vector.broadcast %mul3A_455 : f32 to vector<16xf32>
            %mul3A_457 = arith.mulf %add3A_452, %mul3A_456 : vector<16xf32>
            %select_n3A_458 = arith.select %gt3A_454, %add3A_452, %mul3A_457 : vector<16xi1>, vector<16xf32>
            %get3A_459 = arith.constant 0 : index
            %get3A_460 = tpu.vector_load %arg21[%get3A_459] {strides = array<i32>} : memref<128xf32, #tpu.memory_space<vmem>>, vector<16xf32>,
            %mul3A_461 = arith.mulf %select_n3A_458, %get3A_460 : vector<16xf32>
            %add3A_462 = arith.addf %broadcast_in_dim3A_441, %mul3A_461 : vector<16xf32>
            %get3A_463 = arith.index_cast %scan3A_438 : i32 to index
            %get3A_464 = arith.constant 16 : index
            %get3A_465 = tpu.vector_load %arg16[%get3A_463, %get3A_464] {strides = array<i32>} : memref<16x128xf32, #tpu.memory_space<vmem>>, vector<16xf32>,
            %get3A_466 = arith.index_cast %scan3A_438 : i32 to index
            %get3A_467 = arith.constant 16 : index
            %get3A_468 = tpu.vector_load %arg17[%get3A_466, %get3A_467] {strides = array<i32>} : memref<16x128xf32, #tpu.memory_space<vmem>>, vector<16xf32>,
            %add3A_469 = arith.addf %get3A_465, %get3A_468 : vector<16xf32>
            %get3A_470 = arith.index_cast %scan3A_438 : i32 to index
            %get3A_471 = arith.constant 16 : index
            %get3A_472 = tpu.vector_load %arg18[%get3A_470, %get3A_471] {strides = array<i32>} : memref<16x128xf32, #tpu.memory_space<vmem>>, vector<16xf32>,
            %add3A_473 = arith.addf %add3A_469, %get3A_472 : vector<16xf32>
            %gt3A_474 = arith.constant 0.000000e+00 : f32
            %gt3A_475 = vector.broadcast %gt3A_474 : f32 to vector<16xf32>
            %gt3A_476 = arith.cmpf ogt, %add3A_473, %gt3A_475 : vector<16xf32>
            %mul3A_477 = arith.constant 2.000000e-01 : f32
            %mul3A_478 = vector.broadcast %mul3A_477 : f32 to vector<16xf32>
            %mul3A_479 = arith.mulf %add3A_473, %mul3A_478 : vector<16xf32>
            %select_n3A_480 = arith.select %gt3A_476, %add3A_473, %mul3A_479 : vector<16xi1>, vector<16xf32>
            %get3A_481 = arith.constant 16 : index
            %get3A_482 = tpu.vector_load %arg21[%get3A_481] {strides = array<i32>} : memref<128xf32, #tpu.memory_space<vmem>>, vector<16xf32>,
            %mul3A_483 = arith.mulf %select_n3A_480, %get3A_482 : vector<16xf32>
            %add3A_484 = arith.addf %add3A_462, %mul3A_483 : vector<16xf32>
            %get3A_485 = arith.index_cast %scan3A_438 : i32 to index
            %get3A_486 = arith.constant 32 : index
            %get3A_487 = tpu.vector_load %arg16[%get3A_485, %get3A_486] {strides = array<i32>} : memref<16x128xf32, #tpu.memory_space<vmem>>, vector<16xf32>,
            %get3A_488 = arith.index_cast %scan3A_438 : i32 to index
            %get3A_489 = arith.constant 32 : index
            %get3A_490 = tpu.vector_load %arg17[%get3A_488, %get3A_489] {strides = array<i32>} : memref<16x128xf32, #tpu.memory_space<vmem>>, vector<16xf32>,
            %add3A_491 = arith.addf %get3A_487, %get3A_490 : vector<16xf32>
            %get3A_492 = arith.index_cast %scan3A_438 : i32 to index
            %get3A_493 = arith.constant 32 : index
            %get3A_494 = tpu.vector_load %arg18[%get3A_492, %get3A_493] {strides = array<i32>} : memref<16x128xf32, #tpu.memory_space<vmem>>, vector<16xf32>,
            %add3A_495 = arith.addf %add3A_491, %get3A_494 : vector<16xf32>
            %gt3A_496 = arith.constant 0.000000e+00 : f32
            %gt3A_497 = vector.broadcast %gt3A_496 : f32 to vector<16xf32>
            %gt3A_498 = arith.cmpf ogt, %add3A_495, %gt3A_497 : vector<16xf32>
            %mul3A_499 = arith.constant 2.000000e-01 : f32
            %mul3A_500 = vector.broadcast %mul3A_499 : f32 to vector<16xf32>
            %mul3A_501 = arith.mulf %add3A_495, %mul3A_500 : vector<16xf32>
            %select_n3A_502 = arith.select %gt3A_498, %add3A_495, %mul3A_501 : vector<16xi1>, vector<16xf32>
            %get3A_503 = arith.constant 32 : index
            %get3A_504 = tpu.vector_load %arg21[%get3A_503] {strides = array<i32>} : memref<128xf32, #tpu.memory_space<vmem>>, vector<16xf32>,
            %mul3A_505 = arith.mulf %select_n3A_502, %get3A_504 : vector<16xf32>
            %add3A_506 = arith.addf %add3A_484, %mul3A_505 : vector<16xf32>
            %get3A_507 = arith.index_cast %scan3A_438 : i32 to index
            %get3A_508 = arith.constant 48 : index
            %get3A_509 = tpu.vector_load %arg16[%get3A_507, %get3A_508] {strides = array<i32>} : memref<16x128xf32, #tpu.memory_space<vmem>>, vector<16xf32>,
            %get3A_510 = arith.index_cast %scan3A_438 : i32 to index
            %get3A_511 = arith.constant 48 : index
            %get3A_512 = tpu.vector_load %arg17[%get3A_510, %get3A_511] {strides = array<i32>} : memref<16x128xf32, #tpu.memory_space<vmem>>, vector<16xf32>,
            %add3A_513 = arith.addf %get3A_509, %get3A_512 : vector<16xf32>
            %get3A_514 = arith.index_cast %scan3A_438 : i32 to index
            %get3A_515 = arith.constant 48 : index
            %get3A_516 = tpu.vector_load %arg18[%get3A_514, %get3A_515] {strides = array<i32>} : memref<16x128xf32, #tpu.memory_space<vmem>>, vector<16xf32>,
            %add3A_517 = arith.addf %add3A_513, %get3A_516 : vector<16xf32>
            %gt3A_518 = arith.constant 0.000000e+00 : f32
            %gt3A_519 = vector.broadcast %gt3A_518 : f32 to vector<16xf32>
            %gt3A_520 = arith.cmpf ogt, %add3A_517, %gt3A_519 : vector<16xf32>
            %mul3A_521 = arith.constant 2.000000e-01 : f32
            %mul3A_522 = vector.broadcast %mul3A_521 : f32 to vector<16xf32>
            %mul3A_523 = arith.mulf %add3A_517, %mul3A_522 : vector<16xf32>
            %select_n3A_524 = arith.select %gt3A_520, %add3A_517, %mul3A_523 : vector<16xi1>, vector<16xf32>
            %get3A_525 = arith.constant 48 : index
            %get3A_526 = tpu.vector_load %arg21[%get3A_525] {strides = array<i32>} : memref<128xf32, #tpu.memory_space<vmem>>, vector<16xf32>,
            %mul3A_527 = arith.mulf %select_n3A_524, %get3A_526 : vector<16xf32>
            %add3A_528 = arith.addf %add3A_506, %mul3A_527 : vector<16xf32>
            %get3A_529 = arith.index_cast %scan3A_438 : i32 to index
            %get3A_530 = arith.constant 64 : index
            %get3A_531 = tpu.vector_load %arg16[%get3A_529, %get3A_530] {strides = array<i32>} : memref<16x128xf32, #tpu.memory_space<vmem>>, vector<16xf32>,
            %get3A_532 = arith.index_cast %scan3A_438 : i32 to index
            %get3A_533 = arith.constant 64 : index
            %get3A_534 = tpu.vector_load %arg17[%get3A_532, %get3A_533] {strides = array<i32>} : memref<16x128xf32, #tpu.memory_space<vmem>>, vector<16xf32>,
            %add3A_535 = arith.addf %get3A_531, %get3A_534 : vector<16xf32>
            %get3A_536 = arith.index_cast %scan3A_438 : i32 to index
            %get3A_537 = arith.constant 64 : index
            %get3A_538 = tpu.vector_load %arg18[%get3A_536, %get3A_537] {strides = array<i32>} : memref<16x128xf32, #tpu.memory_space<vmem>>, vector<16xf32>,
            %add3A_539 = arith.addf %add3A_535, %get3A_538 : vector<16xf32>
            %gt3A_540 = arith.constant 0.000000e+00 : f32
            %gt3A_541 = vector.broadcast %gt3A_540 : f32 to vector<16xf32>
            %gt3A_542 = arith.cmpf ogt, %add3A_539, %gt3A_541 : vector<16xf32>
            %mul3A_543 = arith.constant 2.000000e-01 : f32
            %mul3A_544 = vector.broadcast %mul3A_543 : f32 to vector<16xf32>
            %mul3A_545 = arith.mulf %add3A_539, %mul3A_544 : vector<16xf32>
            %select_n3A_546 = arith.select %gt3A_542, %add3A_539, %mul3A_545 : vector<16xi1>, vector<16xf32>
            %get3A_547 = arith.constant 64 : index
            %get3A_548 = tpu.vector_load %arg21[%get3A_547] {strides = array<i32>} : memref<128xf32, #tpu.memory_space<vmem>>, vector<16xf32>,
            %mul3A_549 = arith.mulf %select_n3A_546, %get3A_548 : vector<16xf32>
            %add3A_550 = arith.addf %add3A_528, %mul3A_549 : vector<16xf32>
            %get3A_551 = arith.index_cast %scan3A_438 : i32 to index
            %get3A_552 = arith.constant 80 : index
            %get3A_553 = tpu.vector_load %arg16[%get3A_551, %get3A_552] {strides = array<i32>} : memref<16x128xf32, #tpu.memory_space<vmem>>, vector<16xf32>,
            %get3A_554 = arith.index_cast %scan3A_438 : i32 to index
            %get3A_555 = arith.constant 80 : index
            %get3A_556 = tpu.vector_load %arg17[%get3A_554, %get3A_555] {strides = array<i32>} : memref<16x128xf32, #tpu.memory_space<vmem>>, vector<16xf32>,
            %add3A_557 = arith.addf %get3A_553, %get3A_556 : vector<16xf32>
            %get3A_558 = arith.index_cast %scan3A_438 : i32 to index
            %get3A_559 = arith.constant 80 : index
            %get3A_560 = tpu.vector_load %arg18[%get3A_558, %get3A_559] {strides = array<i32>} : memref<16x128xf32, #tpu.memory_space<vmem>>, vector<16xf32>,
            %add3A_561 = arith.addf %add3A_557, %get3A_560 : vector<16xf32>
            %gt3A_562 = arith.constant 0.000000e+00 : f32
            %gt3A_563 = vector.broadcast %gt3A_562 : f32 to vector<16xf32>
            %gt3A_564 = arith.cmpf ogt, %add3A_561, %gt3A_563 : vector<16xf32>
            %mul3A_565 = arith.constant 2.000000e-01 : f32
            %mul3A_566 = vector.broadcast %mul3A_565 : f32 to vector<16xf32>
            %mul3A_567 = arith.mulf %add3A_561, %mul3A_566 : vector<16xf32>
            %select_n3A_568 = arith.select %gt3A_564, %add3A_561, %mul3A_567 : vector<16xi1>, vector<16xf32>
            %get3A_569 = arith.constant 80 : index
            %get3A_570 = tpu.vector_load %arg21[%get3A_569] {strides = array<i32>} : memref<128xf32, #tpu.memory_space<vmem>>, vector<16xf32>,
            %mul3A_571 = arith.mulf %select_n3A_568, %get3A_570 : vector<16xf32>
            %add3A_572 = arith.addf %add3A_550, %mul3A_571 : vector<16xf32>
            %get3A_573 = arith.index_cast %scan3A_438 : i32 to index
            %get3A_574 = arith.constant 96 : index
            %get3A_575 = tpu.vector_load %arg16[%get3A_573, %get3A_574] {strides = array<i32>} : memref<16x128xf32, #tpu.memory_space<vmem>>, vector<16xf32>,
            %get3A_576 = arith.index_cast %scan3A_438 : i32 to index
            %get3A_577 = arith.constant 96 : index
            %get3A_578 = tpu.vector_load %arg17[%get3A_576, %get3A_577] {strides = array<i32>} : memref<16x128xf32, #tpu.memory_space<vmem>>, vector<16xf32>,
            %add3A_579 = arith.addf %get3A_575, %get3A_578 : vector<16xf32>
            %get3A_580 = arith.index_cast %scan3A_438 : i32 to index
            %get3A_581 = arith.constant 96 : index
            %get3A_582 = tpu.vector_load %arg18[%get3A_580, %get3A_581] {strides = array<i32>} : memref<16x128xf32, #tpu.memory_space<vmem>>, vector<16xf32>,
            %add3A_583 = arith.addf %add3A_579, %get3A_582 : vector<16xf32>
            %gt3A_584 = arith.constant 0.000000e+00 : f32
            %gt3A_585 = vector.broadcast %gt3A_584 : f32 to vector<16xf32>
            %gt3A_586 = arith.cmpf ogt, %add3A_583, %gt3A_585 : vector<16xf32>
            %mul3A_587 = arith.constant 2.000000e-01 : f32
            %mul3A_588 = vector.broadcast %mul3A_587 : f32 to vector<16xf32>
            %mul3A_589 = arith.mulf %add3A_583, %mul3A_588 : vector<16xf32>
            %select_n3A_590 = arith.select %gt3A_586, %add3A_583, %mul3A_589 : vector<16xi1>, vector<16xf32>
            %get3A_591 = arith.constant 96 : index
            %get3A_592 = tpu.vector_load %arg21[%get3A_591] {strides = array<i32>} : memref<128xf32, #tpu.memory_space<vmem>>, vector<16xf32>,
            %mul3A_593 = arith.mulf %select_n3A_590, %get3A_592 : vector<16xf32>
            %add3A_594 = arith.addf %add3A_572, %mul3A_593 : vector<16xf32>
            %get3A_595 = arith.index_cast %scan3A_438 : i32 to index
            %get3A_596 = arith.constant 112 : index
            %get3A_597 = tpu.vector_load %arg16[%get3A_595, %get3A_596] {strides = array<i32>} : memref<16x128xf32, #tpu.memory_space<vmem>>, vector<16xf32>,
            %get3A_598 = arith.index_cast %scan3A_438 : i32 to index
            %get3A_599 = arith.constant 112 : index
            %get3A_600 = tpu.vector_load %arg17[%get3A_598, %get3A_599] {strides = array<i32>} : memref<16x128xf32, #tpu.memory_space<vmem>>, vector<16xf32>,
            %add3A_601 = arith.addf %get3A_597, %get3A_600 : vector<16xf32>
            %get3A_602 = arith.index_cast %scan3A_438 : i32 to index
            %get3A_603 = arith.constant 112 : index
            %get3A_604 = tpu.vector_load %arg18[%get3A_602, %get3A_603] {strides = array<i32>} : memref<16x128xf32, #tpu.memory_space<vmem>>, vector<16xf32>,
            %add3A_605 = arith.addf %add3A_601, %get3A_604 : vector<16xf32>
            %gt3A_606 = arith.constant 0.000000e+00 : f32
            %gt3A_607 = vector.broadcast %gt3A_606 : f32 to vector<16xf32>
            %gt3A_608 = arith.cmpf ogt, %add3A_605, %gt3A_607 : vector<16xf32>
            %mul3A_609 = arith.constant 2.000000e-01 : f32
            %mul3A_610 = vector.broadcast %mul3A_609 : f32 to vector<16xf32>
            %mul3A_611 = arith.mulf %add3A_605, %mul3A_610 : vector<16xf32>
            %select_n3A_612 = arith.select %gt3A_608, %add3A_605, %mul3A_611 : vector<16xi1>, vector<16xf32>
            %get3A_613 = arith.constant 112 : index
            %get3A_614 = tpu.vector_load %arg21[%get3A_613] {strides = array<i32>} : memref<128xf32, #tpu.memory_space<vmem>>, vector<16xf32>,
            %mul3A_615 = arith.mulf %select_n3A_612, %get3A_614 : vector<16xf32>
            %add3A_616 = arith.addf %add3A_594, %mul3A_615 : vector<16xf32>
            %swap3A = arith.index_cast %scan3A_438 : i32 to index
            %swap3A_617 = arith.constant 0 : index
            %swap3A_618 = tpu.vector_load %arg20[%swap3A, %swap3A_617] {strides = array<i32>} : memref<16x16xf32, #tpu.memory_space<vmem>>, vector<16xf32>,
            tpu.vector_store %arg20[%swap3A, %swap3A_617], %add3A_616 {strides = array<i32>} : memref<16x16xf32, #tpu.memory_space<vmem>>, vector<16xf32>,
            %scan3A_619 = arith.constant 0 : i32
            scf.yield %scan3A_619 : i32
          }
          %scan3A_345 = arith.constant 16 : i32
          %broadcast_in_dim3A_346 = arith.constant 0.000000e+00 : f32
          %broadcast_in_dim3A_347 = vector.broadcast %broadcast_in_dim3A_346 : f32 to vector<16xf32>
          %broadcast_in_dim3A_348 = arith.constant 0 : i32
          %broadcast_in_dim3A_349 = vector.broadcast %broadcast_in_dim3A_348 : i32 to vector<16xi32>
          %gather3A_350 = tpu.vector_load_idx %arg20[%iota3A, %broadcast_in_dim3A_349] : memref<16x16xf32, #tpu.memory_space<vmem>>[vector<16xi32>, vector<16xi32>], vector<16xf32>,
          %add3A_351 = arith.addf %broadcast_in_dim3A_347, %gather3A_350 : vector<16xf32>
          %broadcast_in_dim3A_352 = arith.constant 1 : i32
          %broadcast_in_dim3A_353 = vector.broadcast %broadcast_in_dim3A_352 : i32 to vector<16xi32>
          %gather3A_354 = tpu.vector_load_idx %arg20[%iota3A, %broadcast_in_dim3A_353] : memref<16x16xf32, #tpu.memory_space<vmem>>[vector<16xi32>, vector<16xi32>], vector<16xf32>,
          %add3A_355 = arith.addf %add3A_351, %gather3A_354 : vector<16xf32>
          %broadcast_in_dim3A_356 = arith.constant 2 : i32
          %broadcast_in_dim3A_357 = vector.broadcast %broadcast_in_dim3A_356 : i32 to vector<16xi32>
          %gather3A_358 = tpu.vector_load_idx %arg20[%iota3A, %broadcast_in_dim3A_357] : memref<16x16xf32, #tpu.memory_space<vmem>>[vector<16xi32>, vector<16xi32>], vector<16xf32>,
          %add3A_359 = arith.addf %add3A_355, %gather3A_358 : vector<16xf32>
          %broadcast_in_dim3A_360 = arith.constant 3 : i32
          %broadcast_in_dim3A_361 = vector.broadcast %broadcast_in_dim3A_360 : i32 to vector<16xi32>
          %gather3A_362 = tpu.vector_load_idx %arg20[%iota3A, %broadcast_in_dim3A_361] : memref<16x16xf32, #tpu.memory_space<vmem>>[vector<16xi32>, vector<16xi32>], vector<16xf32>,
          %add3A_363 = arith.addf %add3A_359, %gather3A_362 : vector<16xf32>
          %broadcast_in_dim3A_364 = arith.constant 4 : i32
          %broadcast_in_dim3A_365 = vector.broadcast %broadcast_in_dim3A_364 : i32 to vector<16xi32>
          %gather3A_366 = tpu.vector_load_idx %arg20[%iota3A, %broadcast_in_dim3A_365] : memref<16x16xf32, #tpu.memory_space<vmem>>[vector<16xi32>, vector<16xi32>], vector<16xf32>,
          %add3A_367 = arith.addf %add3A_363, %gather3A_366 : vector<16xf32>
          %broadcast_in_dim3A_368 = arith.constant 5 : i32
          %broadcast_in_dim3A_369 = vector.broadcast %broadcast_in_dim3A_368 : i32 to vector<16xi32>
          %gather3A_370 = tpu.vector_load_idx %arg20[%iota3A, %broadcast_in_dim3A_369] : memref<16x16xf32, #tpu.memory_space<vmem>>[vector<16xi32>, vector<16xi32>], vector<16xf32>,
          %add3A_371 = arith.addf %add3A_367, %gather3A_370 : vector<16xf32>
          %broadcast_in_dim3A_372 = arith.constant 6 : i32
          %broadcast_in_dim3A_373 = vector.broadcast %broadcast_in_dim3A_372 : i32 to vector<16xi32>
          %gather3A_374 = tpu.vector_load_idx %arg20[%iota3A, %broadcast_in_dim3A_373] : memref<16x16xf32, #tpu.memory_space<vmem>>[vector<16xi32>, vector<16xi32>], vector<16xf32>,
          %add3A_375 = arith.addf %add3A_371, %gather3A_374 : vector<16xf32>
          %broadcast_in_dim3A_376 = arith.constant 7 : i32
          %broadcast_in_dim3A_377 = vector.broadcast %broadcast_in_dim3A_376 : i32 to vector<16xi32>
          %gather3A_378 = tpu.vector_load_idx %arg20[%iota3A, %broadcast_in_dim3A_377] : memref<16x16xf32, #tpu.memory_space<vmem>>[vector<16xi32>, vector<16xi32>], vector<16xf32>,
          %add3A_379 = arith.addf %add3A_375, %gather3A_378 : vector<16xf32>
          %broadcast_in_dim3A_380 = arith.constant 8 : i32
          %broadcast_in_dim3A_381 = vector.broadcast %broadcast_in_dim3A_380 : i32 to vector<16xi32>
          %gather3A_382 = tpu.vector_load_idx %arg20[%iota3A, %broadcast_in_dim3A_381] : memref<16x16xf32, #tpu.memory_space<vmem>>[vector<16xi32>, vector<16xi32>], vector<16xf32>,
          %add3A_383 = arith.addf %add3A_379, %gather3A_382 : vector<16xf32>
          %broadcast_in_dim3A_384 = arith.constant 9 : i32
          %broadcast_in_dim3A_385 = vector.broadcast %broadcast_in_dim3A_384 : i32 to vector<16xi32>
          %gather3A_386 = tpu.vector_load_idx %arg20[%iota3A, %broadcast_in_dim3A_385] : memref<16x16xf32, #tpu.memory_space<vmem>>[vector<16xi32>, vector<16xi32>], vector<16xf32>,
          %add3A_387 = arith.addf %add3A_383, %gather3A_386 : vector<16xf32>
          %broadcast_in_dim3A_388 = arith.constant 10 : i32
          %broadcast_in_dim3A_389 = vector.broadcast %broadcast_in_dim3A_388 : i32 to vector<16xi32>
          %gather3A_390 = tpu.vector_load_idx %arg20[%iota3A, %broadcast_in_dim3A_389] : memref<16x16xf32, #tpu.memory_space<vmem>>[vector<16xi32>, vector<16xi32>], vector<16xf32>,
          %add3A_391 = arith.addf %add3A_387, %gather3A_390 : vector<16xf32>
          %broadcast_in_dim3A_392 = arith.constant 11 : i32
          %broadcast_in_dim3A_393 = vector.broadcast %broadcast_in_dim3A_392 : i32 to vector<16xi32>
          %gather3A_394 = tpu.vector_load_idx %arg20[%iota3A, %broadcast_in_dim3A_393] : memref<16x16xf32, #tpu.memory_space<vmem>>[vector<16xi32>, vector<16xi32>], vector<16xf32>,
          %add3A_395 = arith.addf %add3A_391, %gather3A_394 : vector<16xf32>
          %broadcast_in_dim3A_396 = arith.constant 12 : i32
          %broadcast_in_dim3A_397 = vector.broadcast %broadcast_in_dim3A_396 : i32 to vector<16xi32>
          %gather3A_398 = tpu.vector_load_idx %arg20[%iota3A, %broadcast_in_dim3A_397] : memref<16x16xf32, #tpu.memory_space<vmem>>[vector<16xi32>, vector<16xi32>], vector<16xf32>,
          %add3A_399 = arith.addf %add3A_395, %gather3A_398 : vector<16xf32>
          %broadcast_in_dim3A_400 = arith.constant 13 : i32
          %broadcast_in_dim3A_401 = vector.broadcast %broadcast_in_dim3A_400 : i32 to vector<16xi32>
          %gather3A_402 = tpu.vector_load_idx %arg20[%iota3A, %broadcast_in_dim3A_401] : memref<16x16xf32, #tpu.memory_space<vmem>>[vector<16xi32>, vector<16xi32>], vector<16xf32>,
          %add3A_403 = arith.addf %add3A_399, %gather3A_402 : vector<16xf32>
          %broadcast_in_dim3A_404 = arith.constant 14 : i32
          %broadcast_in_dim3A_405 = vector.broadcast %broadcast_in_dim3A_404 : i32 to vector<16xi32>
          %gather3A_406 = tpu.vector_load_idx %arg20[%iota3A, %broadcast_in_dim3A_405] : memref<16x16xf32, #tpu.memory_space<vmem>>[vector<16xi32>, vector<16xi32>], vector<16xf32>,
          %add3A_407 = arith.addf %add3A_403, %gather3A_406 : vector<16xf32>
          %broadcast_in_dim3A_408 = arith.constant 15 : i32
          %broadcast_in_dim3A_409 = vector.broadcast %broadcast_in_dim3A_408 : i32 to vector<16xi32>
          %gather3A_410 = tpu.vector_load_idx %arg20[%iota3A, %broadcast_in_dim3A_409] : memref<16x16xf32, #tpu.memory_space<vmem>>[vector<16xi32>, vector<16xi32>], vector<16xf32>,
          %add3A_411 = arith.addf %add3A_407, %gather3A_410 : vector<16xf32>
          %exp3A_412 = math.exp %add3A_411 : vector<16xf32>
          %add3A_413 = vector.broadcast %add3A_338 : i32 to vector<16xi32>
          %add3A_414 = arith.addi %add3A_413, %iota3A : vector<16xi32>
          %lt3A_415 = vector.broadcast %scan3A_147 : i32 to vector<16xi32>
          %lt3A_416 = arith.cmpi slt, %add3A_414, %lt3A_415 : vector<16xi32>
          %sub3A_417 = vector.broadcast %add3A_109 : i32 to vector<16xi32>
          %sub3A_418 = arith.subi %get3A_203, %sub3A_417 : vector<16xi32>
          %jit3A_419 = arith.constant 10000 : i32
          %broadcast_in_dim3A_420 = vector.broadcast %jit3A_419 : i32 to vector<16xi32>
          %select_n3A_421 = arith.select %lt3A_416, %sub3A_418, %broadcast_in_dim3A_420 : vector<16xi1>, vector<16xi32>
          %scan3A_422 = arith.constant 0 : i32
          %scan3A_423 = arith.constant 0 : i32
          %scan3A_424 = arith.constant 16 : i32
          %scan3A_425 = arith.addi %scan3A_423, %scan3A_424 : i32
          %scan3A_426 = arith.constant 1 : i32
          %scan3A_427 = scf.for %scan3A_438 = %scan3A_423 to %scan3A_425 step %scan3A_426 iter_args(%scan3A_439 = %scan3A_422) -> (i32)  : i32 {
            %broadcast_in_dim3A_440 = vector.broadcast %scan3A_438 : i32 to vector<16xi32>
            %lt3A_441 = arith.constant 0 : i32
            %lt3A_442 = vector.broadcast %lt3A_441 : i32 to vector<16xi32>
            %lt3A_443 = arith.cmpi slt, %broadcast_in_dim3A_440, %lt3A_442 : vector<16xi32>
            %add3A_444 = arith.constant 16 : i32
            %add3A_445 = vector.broadcast %add3A_444 : i32 to vector<16xi32>
            %add3A_446 = arith.addi %broadcast_in_dim3A_440, %add3A_445 : vector<16xi32>
            %select_n3A_447 = arith.select %lt3A_443, %add3A_446, %broadcast_in_dim3A_440 : vector<16xi1>, vector<16xi32>
            %reshape3A = vector.shape_cast %select_n3A_447 : vector<16xi32> to vector<16x1xi32>
            %gather3A_448 = vector.shape_cast %reshape3A : vector<16x1xi32> to vector<16xi32>
            %gather3A_449 = tpu.dynamic_gather %exp3A_412[%gather3A_448] in [0] : vector<16xf32>, vector<16xi32> -> vector<16xf32>
            %get3A_450 = arith.index_cast %scan3A_438 : i32 to index
            %get3A_451 = arith.constant 0 : index
            %get3A_452 = tpu.vector_load %arg16[%get3A_450, %get3A_451] {strides = array<i32>} : memref<16x128xf32, #tpu.memory_space<vmem>>, vector<16xf32>,
            %mul3A_453 = arith.mulf %get3A_452, %gather3A_449 : vector<16xf32>
            %swap3A = arith.index_cast %scan3A_438 : i32 to index
            %swap3A_454 = arith.constant 0 : index
            %swap3A_455 = tpu.vector_load %arg19[%swap3A, %swap3A_454] {strides = array<i32>} : memref<16x144xf32, #tpu.memory_space<vmem>>, vector<16xf32>,
            tpu.vector_store %arg19[%swap3A, %swap3A_454], %mul3A_453 {strides = array<i32>} : memref<16x144xf32, #tpu.memory_space<vmem>>, vector<16xf32>,
            %get3A_456 = arith.index_cast %scan3A_438 : i32 to index
            %get3A_457 = arith.constant 16 : index
            %get3A_458 = tpu.vector_load %arg16[%get3A_456, %get3A_457] {strides = array<i32>} : memref<16x128xf32, #tpu.memory_space<vmem>>, vector<16xf32>,
            %mul3A_459 = arith.mulf %get3A_458, %gather3A_449 : vector<16xf32>
            %swap3A_460 = arith.index_cast %scan3A_438 : i32 to index
            %swap3A_461 = arith.constant 16 : index
            %swap3A_462 = tpu.vector_load %arg19[%swap3A_460, %swap3A_461] {strides = array<i32>} : memref<16x144xf32, #tpu.memory_space<vmem>>, vector<16xf32>,
            tpu.vector_store %arg19[%swap3A_460, %swap3A_461], %mul3A_459 {strides = array<i32>} : memref<16x144xf32, #tpu.memory_space<vmem>>, vector<16xf32>,
            %get3A_463 = arith.index_cast %scan3A_438 : i32 to index
            %get3A_464 = arith.constant 32 : index
            %get3A_465 = tpu.vector_load %arg16[%get3A_463, %get3A_464] {strides = array<i32>} : memref<16x128xf32, #tpu.memory_space<vmem>>, vector<16xf32>,
            %mul3A_466 = arith.mulf %get3A_465, %gather3A_449 : vector<16xf32>
            %swap3A_467 = arith.index_cast %scan3A_438 : i32 to index
            %swap3A_468 = arith.constant 32 : index
            %swap3A_469 = tpu.vector_load %arg19[%swap3A_467, %swap3A_468] {strides = array<i32>} : memref<16x144xf32, #tpu.memory_space<vmem>>, vector<16xf32>,
            tpu.vector_store %arg19[%swap3A_467, %swap3A_468], %mul3A_466 {strides = array<i32>} : memref<16x144xf32, #tpu.memory_space<vmem>>, vector<16xf32>,
            %get3A_470 = arith.index_cast %scan3A_438 : i32 to index
            %get3A_471 = arith.constant 48 : index
            %get3A_472 = tpu.vector_load %arg16[%get3A_470, %get3A_471] {strides = array<i32>} : memref<16x128xf32, #tpu.memory_space<vmem>>, vector<16xf32>,
            %mul3A_473 = arith.mulf %get3A_472, %gather3A_449 : vector<16xf32>
            %swap3A_474 = arith.index_cast %scan3A_438 : i32 to index
            %swap3A_475 = arith.constant 48 : index
            %swap3A_476 = tpu.vector_load %arg19[%swap3A_474, %swap3A_475] {strides = array<i32>} : memref<16x144xf32, #tpu.memory_space<vmem>>, vector<16xf32>,
            tpu.vector_store %arg19[%swap3A_474, %swap3A_475], %mul3A_473 {strides = array<i32>} : memref<16x144xf32, #tpu.memory_space<vmem>>, vector<16xf32>,
            %get3A_477 = arith.index_cast %scan3A_438 : i32 to index
            %get3A_478 = arith.constant 64 : index
            %get3A_479 = tpu.vector_load %arg16[%get3A_477, %get3A_478] {strides = array<i32>} : memref<16x128xf32, #tpu.memory_space<vmem>>, vector<16xf32>,
            %mul3A_480 = arith.mulf %get3A_479, %gather3A_449 : vector<16xf32>
            %swap3A_481 = arith.index_cast %scan3A_438 : i32 to index
            %swap3A_482 = arith.constant 64 : index
            %swap3A_483 = tpu.vector_load %arg19[%swap3A_481, %swap3A_482] {strides = array<i32>} : memref<16x144xf32, #tpu.memory_space<vmem>>, vector<16xf32>,
            tpu.vector_store %arg19[%swap3A_481, %swap3A_482], %mul3A_480 {strides = array<i32>} : memref<16x144xf32, #tpu.memory_space<vmem>>, vector<16xf32>,
            %get3A_484 = arith.index_cast %scan3A_438 : i32 to index
            %get3A_485 = arith.constant 80 : index
            %get3A_486 = tpu.vector_load %arg16[%get3A_484, %get3A_485] {strides = array<i32>} : memref<16x128xf32, #tpu.memory_space<vmem>>, vector<16xf32>,
            %mul3A_487 = arith.mulf %get3A_486, %gather3A_449 : vector<16xf32>
            %swap3A_488 = arith.index_cast %scan3A_438 : i32 to index
            %swap3A_489 = arith.constant 80 : index
            %swap3A_490 = tpu.vector_load %arg19[%swap3A_488, %swap3A_489] {strides = array<i32>} : memref<16x144xf32, #tpu.memory_space<vmem>>, vector<16xf32>,
            tpu.vector_store %arg19[%swap3A_488, %swap3A_489], %mul3A_487 {strides = array<i32>} : memref<16x144xf32, #tpu.memory_space<vmem>>, vector<16xf32>,
            %get3A_491 = arith.index_cast %scan3A_438 : i32 to index
            %get3A_492 = arith.constant 96 : index
            %get3A_493 = tpu.vector_load %arg16[%get3A_491, %get3A_492] {strides = array<i32>} : memref<16x128xf32, #tpu.memory_space<vmem>>, vector<16xf32>,
            %mul3A_494 = arith.mulf %get3A_493, %gather3A_449 : vector<16xf32>
            %swap3A_495 = arith.index_cast %scan3A_438 : i32 to index
            %swap3A_496 = arith.constant 96 : index
            %swap3A_497 = tpu.vector_load %arg19[%swap3A_495, %swap3A_496] {strides = array<i32>} : memref<16x144xf32, #tpu.memory_space<vmem>>, vector<16xf32>,
            tpu.vector_store %arg19[%swap3A_495, %swap3A_496], %mul3A_494 {strides = array<i32>} : memref<16x144xf32, #tpu.memory_space<vmem>>, vector<16xf32>,
            %get3A_498 = arith.index_cast %scan3A_438 : i32 to index
            %get3A_499 = arith.constant 112 : index
            %get3A_500 = tpu.vector_load %arg16[%get3A_498, %get3A_499] {strides = array<i32>} : memref<16x128xf32, #tpu.memory_space<vmem>>, vector<16xf32>,
            %mul3A_501 = arith.mulf %get3A_500, %gather3A_449 : vector<16xf32>
            %swap3A_502 = arith.index_cast %scan3A_438 : i32 to index
            %swap3A_503 = arith.constant 112 : index
            %swap3A_504 = tpu.vector_load %arg19[%swap3A_502, %swap3A_503] {strides = array<i32>} : memref<16x144xf32, #tpu.memory_space<vmem>>, vector<16xf32>,
            tpu.vector_store %arg19[%swap3A_502, %swap3A_503], %mul3A_501 {strides = array<i32>} : memref<16x144xf32, #tpu.memory_space<vmem>>, vector<16xf32>,
            %scan3A_505 = arith.constant 0 : i32
            scf.yield %scan3A_505 : i32
          }
          %scan3A_428 = arith.constant 16 : i32
          %broadcast_in_dim3A_429 = arith.constant 128 : i32
          %broadcast_in_dim3A_430 = vector.broadcast %broadcast_in_dim3A_429 : i32 to vector<16xi32>
          tpu.vector_store_idx %arg19[%iota3A, %broadcast_in_dim3A_430], %exp3A_412 : memref<16x144xf32, #tpu.memory_space<vmem>>[vector<16xi32>, vector<16xi32>], vector<16xf32>,
          %dma_start3A_431 = arith.constant 0 : i32
          %dma_start3A_432 = arith.constant 0 : i32
          %dma_start3A_433 = tpu.memref_slice %arg23[%dma_start3A_431, %dma_start3A_432] : memref<10040x144xf32, #tpu.memory_space<vmem_shared>> -> memref<10040x144xf32, #tpu.memory_space<vmem_shared>>
          tpu.enqueue_indirect_dma source(%arg19 : memref<16x144xf32, #tpu.memory_space<vmem>>) target(%dma_start3A_433 : memref<10040x144xf32, #tpu.memory_space<vmem_shared>>) offsets(%select_n3A_421 : vector<16xi32>) semaphore(%arg25 : memref<!tpu.dma_semaphore, #tpu.memory_space<semaphore_mem>>) {add = true}
          %dma_wait3A_434 = arith.constant 0 : i32
          %dma_wait3A_435 = arith.constant 0 : i32
          %dma_wait3A_436 = tpu.memref_slice %arg23[%dma_wait3A_434, %dma_wait3A_435] : memref<10040x144xf32, #tpu.memory_space<vmem_shared>> -> memref<10040x144xf32, #tpu.memory_space<vmem_shared>>
          tpu.wait_indirect_dma semaphore(%arg25 : memref<!tpu.dma_semaphore, #tpu.memory_space<semaphore_mem>>) src(%arg19 : memref<16x144xf32, #tpu.memory_space<vmem>>) dst(%dma_wait3A_436 : memref<10040x144xf32, #tpu.memory_space<vmem_shared>>)
          %while3A_437 = arith.constant 0 : i32
          scf.yield %while3A_437 : i32
        }
        %scan3A_180 = arith.constant 0 : i32
        scf.yield %scan3A_180 : i32
      }
      %scan3A_123 = arith.constant 5 : i32
      %barrier3A_124 = arith.constant 0 : index
      tpu.barrier barrier_id(%barrier3A_124)
      %scan3A_125 = arith.constant 0 : i32
      %scan3A_126 = arith.constant 0 : i32
      %scan3A_127 = arith.constant 25 : i32
      %scan3A_128 = arith.addi %scan3A_126, %scan3A_127 : i32
      %scan3A_129 = arith.constant 1 : i32
      %scan3A_130 = scf.for %scan3A_134 = %scan3A_126 to %scan3A_128 step %scan3A_129 iter_args(%scan3A_135 = %scan3A_125) -> (i32)  : i32 {
        %mul3A_136 = arith.constant 16 : i32
        %mul3A_137 = arith.muli %scan3A_134, %mul3A_136 : i32
        %add3A_138 = arith.addi %arg1, %mul3A_137 : i32
        %lt3A = arith.constant 400 : i32
        %lt3A_139 = arith.cmpi slt, %add3A_138, %lt3A : i32
        %convert_element_type3A = arith.extui %lt3A_139 : i1 to i32
        %cond3A = arith.constant 0 : i32
        %cond3A_140 = arith.cmpi ne, %convert_element_type3A, %cond3A : i32
        scf.if %cond3A_140 {
          %mul3A_142 = arith.constant 25 : i32
          %mul3A_143 = arith.muli %add3A_138, %mul3A_142 : i32
          %mul3A_144 = arith.constant 25 : i32
          %mul3A_145 = arith.muli %add3A_138, %mul3A_144 : i32
          %add3A_146 = arith.addi %add3A_109, %mul3A_145 : i32
          "tpu.region"() ({
            %run_scoped3A = tpu.sem_alloc : memref<!tpu.dma_semaphore, #tpu.memory_space<semaphore_mem>>
            %dma_start3A = arith.constant 0 : i32
            %dma_start3A_147 = tpu.memref_slice %arg7[%add3A_146, %dma_start3A] : memref<320000x144xf32, #tpu.memory_space<hbm>> -> memref<25x144xf32, #tpu.memory_space<hbm>>
            %dma_start3A_148 = arith.constant 0 : i32
            %dma_start3A_149 = tpu.memref_slice %arg23[%mul3A_143, %dma_start3A_148] : memref<10040x144xf32, #tpu.memory_space<vmem_shared>> -> memref<25x144xf32, #tpu.memory_space<vmem_shared>>
            tpu.enqueue_dma source(%dma_start3A_149 : memref<25x144xf32, #tpu.memory_space<vmem_shared>>) target(%dma_start3A_147 : memref<25x144xf32, #tpu.memory_space<hbm>>) target_semaphore(%run_scoped3A : memref<!tpu.dma_semaphore, #tpu.memory_space<semaphore_mem>>)
            %dma_wait3A = arith.constant 0 : i32
            %dma_wait3A_150 = tpu.memref_slice %arg7[%add3A_146, %dma_wait3A] : memref<320000x144xf32, #tpu.memory_space<hbm>> -> memref<25x144xf32, #tpu.memory_space<hbm>>
            %dma_wait3A_151 = arith.constant 0 : i32
            %dma_wait3A_152 = tpu.memref_slice %arg23[%mul3A_143, %dma_wait3A_151] : memref<10040x144xf32, #tpu.memory_space<vmem_shared>> -> memref<25x144xf32, #tpu.memory_space<vmem_shared>>
            tpu.wait_dma2 semaphore(%run_scoped3A : memref<!tpu.dma_semaphore, #tpu.memory_space<semaphore_mem>>) src(%dma_wait3A_152 : memref<25x144xf32, #tpu.memory_space<vmem_shared>>) dst(%dma_wait3A_150 : memref<25x144xf32, #tpu.memory_space<hbm>>)
            tpu.yield
          }) : () -> ()
        } else {
        }
        %scan3A_141 = arith.constant 0 : i32
        scf.yield %scan3A_141 : i32
      }
      %scan3A_131 = arith.constant 25 : i32
      %barrier3A_132 = arith.constant 0 : index
      tpu.barrier barrier_id(%barrier3A_132)
      %scan3A_133 = arith.constant 0 : i32
      scf.yield %scan3A_133 : i32
    }
    %scan3A_102 = arith.constant 16 : i32
    return
  }
}

#map = affine_map<(d0, d1) -> (0, 0)>
#map1 = affine_map<(d0, d1) -> (0)>
module attributes {stable_mosaic.version = 14 : i64} {
  func.func @egat(%arg0: i32, %arg1: i32, %arg2: memref<10000x128xf32, #tpu.memory_space<hbm>>, %arg3: memref<320000x128xf32, #tpu.memory_space<hbm>>, %arg4: memref<320000xi32, #tpu.memory_space<hbm>>, %arg5: memref<320000xi32, #tpu.memory_space<hbm>>, %arg6: memref<128xf32, #tpu.memory_space<hbm>>, %arg7: memref<10000x144xf32, #tpu.memory_space<hbm>>, %arg8: memref<4000xi32, #tpu.memory_space<vmem>>, %arg9: memref<4000xi32, #tpu.memory_space<vmem>>, %arg10: memref<4016xi32, #tpu.memory_space<vmem>>, %arg11: memref<4016xi32, #tpu.memory_space<vmem>>, %arg12: memref<4016xi32, #tpu.memory_space<vmem>>, %arg13: memref<16x128xf32, #tpu.memory_space<vmem>>, %arg14: memref<16x128xf32, #tpu.memory_space<vmem>>, %arg15: memref<16x128xf32, #tpu.memory_space<vmem>>, %arg16: memref<16x128xf32, #tpu.memory_space<vmem>>, %arg17: memref<16x128xf32, #tpu.memory_space<vmem>>, %arg18: memref<16x128xf32, #tpu.memory_space<vmem>>, %arg19: memref<16x144xf32, #tpu.memory_space<vmem>>, %arg20: memref<16x16xf32, #tpu.memory_space<vmem>>, %arg21: memref<128xf32, #tpu.memory_space<vmem>>, %arg22: memref<25x144xf32, #tpu.memory_space<vmem>>, %arg23: memref<5040x144xf32, #tpu.memory_space<vmem_shared>>, %arg24: memref<!tpu.dma_semaphore, #tpu.memory_space<semaphore_mem>>, %arg25: memref<!tpu.dma_semaphore, #tpu.memory_space<semaphore_mem>>) attributes {dimension_semantics = [#tpu.dimension_semantics<core_parallel>, #tpu.dimension_semantics<subcore_parallel>], iteration_bounds = array<i64: 2, 16>, scalar_prefetch = 0 : i64, scratch_operands = 18 : i64, tpu.core_type = #tpu.core_type<sc_vector_subcore>, window_params = [{transform_indices = #map}, {transform_indices = #map}, {transform_indices = #map1}, {transform_indices = #map1}, {transform_indices = #map1}, {transform_indices = #map}]} {
    %mul3A = arith.constant 20000 : i32
    %mul3A_0 = arith.muli %arg1, %mul3A : i32
    %iota3A = tpu.iota {dimensions = array<i32: 0>} : vector<16xi32>
    "tpu.region"() ({
      %run_scoped3A = tpu.sem_alloc : memref<!tpu.dma_semaphore, #tpu.memory_space<semaphore_mem>>
      tpu.enqueue_dma source(%arg6 : memref<128xf32, #tpu.memory_space<hbm>>) target(%arg21 : memref<128xf32, #tpu.memory_space<vmem>>) target_semaphore(%run_scoped3A : memref<!tpu.dma_semaphore, #tpu.memory_space<semaphore_mem>>)
      tpu.wait_dma2 semaphore(%run_scoped3A : memref<!tpu.dma_semaphore, #tpu.memory_space<semaphore_mem>>) src(%arg6 : memref<128xf32, #tpu.memory_space<hbm>>) dst(%arg21 : memref<128xf32, #tpu.memory_space<vmem>>)
      tpu.yield
    }) : () -> ()
    %broadcast_in_dim3A = arith.constant 0 : i32
    %broadcast_in_dim3A_1 = vector.broadcast %broadcast_in_dim3A : i32 to vector<16xi32>
    %broadcast_in_dim3A_2 = arith.constant 0.000000e+00 : f32
    %broadcast_in_dim3A_3 = vector.broadcast %broadcast_in_dim3A_2 : f32 to vector<16xf32>
    %scan3A = arith.constant 0 : i32
    %scan3A_4 = arith.constant 0 : i32
    %scan3A_5 = arith.constant 251 : i32
    %scan3A_6 = arith.addi %scan3A_4, %scan3A_5 : i32
    %scan3A_7 = arith.constant 1 : i32
    %scan3A_8 = scf.for %scan3A_128 = %scan3A_4 to %scan3A_6 step %scan3A_7 iter_args(%scan3A_129 = %scan3A) -> (i32)  : i32 {
      %mul3A_130 = arith.constant 16 : i32
      %mul3A_131 = arith.muli %scan3A_128, %mul3A_130 : i32
      %swap3A = arith.index_cast %mul3A_131 : i32 to index
      %swap3A_132 = tpu.vector_load %arg10[%swap3A] {strides = array<i32>} : memref<4016xi32, #tpu.memory_space<vmem>>, vector<16xi32>,
      tpu.vector_store %arg10[%swap3A], %broadcast_in_dim3A_1 {strides = array<i32>} : memref<4016xi32, #tpu.memory_space<vmem>>, vector<16xi32>,
      %mul3A_133 = arith.constant 16 : i32
      %mul3A_134 = arith.muli %scan3A_128, %mul3A_133 : i32
      %swap3A_135 = arith.index_cast %mul3A_134 : i32 to index
      %swap3A_136 = tpu.vector_load %arg11[%swap3A_135] {strides = array<i32>} : memref<4016xi32, #tpu.memory_space<vmem>>, vector<16xi32>,
      tpu.vector_store %arg11[%swap3A_135], %broadcast_in_dim3A_1 {strides = array<i32>} : memref<4016xi32, #tpu.memory_space<vmem>>, vector<16xi32>,
      %mul3A_137 = arith.constant 16 : i32
      %mul3A_138 = arith.muli %scan3A_128, %mul3A_137 : i32
      %swap3A_139 = arith.index_cast %mul3A_138 : i32 to index
      %swap3A_140 = tpu.vector_load %arg12[%swap3A_139] {strides = array<i32>} : memref<4016xi32, #tpu.memory_space<vmem>>, vector<16xi32>,
      tpu.vector_store %arg12[%swap3A_139], %broadcast_in_dim3A_1 {strides = array<i32>} : memref<4016xi32, #tpu.memory_space<vmem>>, vector<16xi32>,
      %scan3A_141 = arith.constant 0 : i32
      scf.yield %scan3A_141 : i32
    }
    %scan3A_9 = arith.constant 251 : i32
    %scan3A_10 = arith.constant 0 : i32
    %scan3A_11 = arith.constant 0 : i32
    %scan3A_12 = arith.constant 25 : i32
    %scan3A_13 = arith.addi %scan3A_11, %scan3A_12 : i32
    %scan3A_14 = arith.constant 1 : i32
    %scan3A_15 = scf.for %scan3A_128 = %scan3A_11 to %scan3A_13 step %scan3A_14 iter_args(%scan3A_129 = %scan3A_10) -> (i32)  : i32 {
      %broadcast_in_dim3A_130 = arith.constant 0 : i32
      %broadcast_in_dim3A_131 = vector.broadcast %broadcast_in_dim3A_130 : i32 to vector<16xi32>
      %add3A_132 = vector.broadcast %scan3A_128 : i32 to vector<16xi32>
      %add3A_133 = arith.addi %broadcast_in_dim3A_131, %add3A_132 : vector<16xi32>
      %add3A_134 = arith.constant 0 : i32
      %add3A_135 = vector.broadcast %add3A_134 : i32 to vector<16xi32>
      %add3A_136 = arith.addi %add3A_135, %iota3A : vector<16xi32>
      tpu.vector_store_idx %arg22[%add3A_133, %add3A_136], %broadcast_in_dim3A_3 : memref<25x144xf32, #tpu.memory_space<vmem>>[vector<16xi32>, vector<16xi32>], vector<16xf32>,
      %add3A_137 = arith.constant 16 : i32
      %add3A_138 = vector.broadcast %add3A_137 : i32 to vector<16xi32>
      %add3A_139 = arith.addi %add3A_138, %iota3A : vector<16xi32>
      tpu.vector_store_idx %arg22[%add3A_133, %add3A_139], %broadcast_in_dim3A_3 : memref<25x144xf32, #tpu.memory_space<vmem>>[vector<16xi32>, vector<16xi32>], vector<16xf32>,
      %add3A_140 = arith.constant 32 : i32
      %add3A_141 = vector.broadcast %add3A_140 : i32 to vector<16xi32>
      %add3A_142 = arith.addi %add3A_141, %iota3A : vector<16xi32>
      tpu.vector_store_idx %arg22[%add3A_133, %add3A_142], %broadcast_in_dim3A_3 : memref<25x144xf32, #tpu.memory_space<vmem>>[vector<16xi32>, vector<16xi32>], vector<16xf32>,
      %add3A_143 = arith.constant 48 : i32
      %add3A_144 = vector.broadcast %add3A_143 : i32 to vector<16xi32>
      %add3A_145 = arith.addi %add3A_144, %iota3A : vector<16xi32>
      tpu.vector_store_idx %arg22[%add3A_133, %add3A_145], %broadcast_in_dim3A_3 : memref<25x144xf32, #tpu.memory_space<vmem>>[vector<16xi32>, vector<16xi32>], vector<16xf32>,
      %add3A_146 = arith.constant 64 : i32
      %add3A_147 = vector.broadcast %add3A_146 : i32 to vector<16xi32>
      %add3A_148 = arith.addi %add3A_147, %iota3A : vector<16xi32>
      tpu.vector_store_idx %arg22[%add3A_133, %add3A_148], %broadcast_in_dim3A_3 : memref<25x144xf32, #tpu.memory_space<vmem>>[vector<16xi32>, vector<16xi32>], vector<16xf32>,
      %add3A_149 = arith.constant 80 : i32
      %add3A_150 = vector.broadcast %add3A_149 : i32 to vector<16xi32>
      %add3A_151 = arith.addi %add3A_150, %iota3A : vector<16xi32>
      tpu.vector_store_idx %arg22[%add3A_133, %add3A_151], %broadcast_in_dim3A_3 : memref<25x144xf32, #tpu.memory_space<vmem>>[vector<16xi32>, vector<16xi32>], vector<16xf32>,
      %add3A_152 = arith.constant 96 : i32
      %add3A_153 = vector.broadcast %add3A_152 : i32 to vector<16xi32>
      %add3A_154 = arith.addi %add3A_153, %iota3A : vector<16xi32>
      tpu.vector_store_idx %arg22[%add3A_133, %add3A_154], %broadcast_in_dim3A_3 : memref<25x144xf32, #tpu.memory_space<vmem>>[vector<16xi32>, vector<16xi32>], vector<16xf32>,
      %add3A_155 = arith.constant 112 : i32
      %add3A_156 = vector.broadcast %add3A_155 : i32 to vector<16xi32>
      %add3A_157 = arith.addi %add3A_156, %iota3A : vector<16xi32>
      tpu.vector_store_idx %arg22[%add3A_133, %add3A_157], %broadcast_in_dim3A_3 : memref<25x144xf32, #tpu.memory_space<vmem>>[vector<16xi32>, vector<16xi32>], vector<16xf32>,
      %add3A_158 = arith.constant 128 : i32
      %add3A_159 = vector.broadcast %add3A_158 : i32 to vector<16xi32>
      %add3A_160 = arith.addi %add3A_159, %iota3A : vector<16xi32>
      tpu.vector_store_idx %arg22[%add3A_133, %add3A_160], %broadcast_in_dim3A_3 : memref<25x144xf32, #tpu.memory_space<vmem>>[vector<16xi32>, vector<16xi32>], vector<16xf32>,
      %scan3A_161 = arith.constant 0 : i32
      scf.yield %scan3A_161 : i32
    }
    %scan3A_16 = arith.constant 25 : i32
    %broadcast_in_dim3A_17 = arith.constant 0 : i32
    %broadcast_in_dim3A_18 = vector.broadcast %broadcast_in_dim3A_17 : i32 to vector<16xi32>
    %add3A = arith.constant 128 : i32
    %add3A_19 = vector.broadcast %add3A : i32 to vector<16xi32>
    %add3A_20 = arith.addi %add3A_19, %iota3A : vector<16xi32>
    tpu.vector_store_idx %arg19[%broadcast_in_dim3A_18, %add3A_20], %broadcast_in_dim3A_3 : memref<16x144xf32, #tpu.memory_space<vmem>>[vector<16xi32>, vector<16xi32>], vector<16xf32>,
    %broadcast_in_dim3A_21 = arith.constant 1 : i32
    %broadcast_in_dim3A_22 = vector.broadcast %broadcast_in_dim3A_21 : i32 to vector<16xi32>
    %add3A_23 = arith.constant 128 : i32
    %add3A_24 = vector.broadcast %add3A_23 : i32 to vector<16xi32>
    %add3A_25 = arith.addi %add3A_24, %iota3A : vector<16xi32>
    tpu.vector_store_idx %arg19[%broadcast_in_dim3A_22, %add3A_25], %broadcast_in_dim3A_3 : memref<16x144xf32, #tpu.memory_space<vmem>>[vector<16xi32>, vector<16xi32>], vector<16xf32>,
    %broadcast_in_dim3A_26 = arith.constant 2 : i32
    %broadcast_in_dim3A_27 = vector.broadcast %broadcast_in_dim3A_26 : i32 to vector<16xi32>
    %add3A_28 = arith.constant 128 : i32
    %add3A_29 = vector.broadcast %add3A_28 : i32 to vector<16xi32>
    %add3A_30 = arith.addi %add3A_29, %iota3A : vector<16xi32>
    tpu.vector_store_idx %arg19[%broadcast_in_dim3A_27, %add3A_30], %broadcast_in_dim3A_3 : memref<16x144xf32, #tpu.memory_space<vmem>>[vector<16xi32>, vector<16xi32>], vector<16xf32>,
    %broadcast_in_dim3A_31 = arith.constant 3 : i32
    %broadcast_in_dim3A_32 = vector.broadcast %broadcast_in_dim3A_31 : i32 to vector<16xi32>
    %add3A_33 = arith.constant 128 : i32
    %add3A_34 = vector.broadcast %add3A_33 : i32 to vector<16xi32>
    %add3A_35 = arith.addi %add3A_34, %iota3A : vector<16xi32>
    tpu.vector_store_idx %arg19[%broadcast_in_dim3A_32, %add3A_35], %broadcast_in_dim3A_3 : memref<16x144xf32, #tpu.memory_space<vmem>>[vector<16xi32>, vector<16xi32>], vector<16xf32>,
    %broadcast_in_dim3A_36 = arith.constant 4 : i32
    %broadcast_in_dim3A_37 = vector.broadcast %broadcast_in_dim3A_36 : i32 to vector<16xi32>
    %add3A_38 = arith.constant 128 : i32
    %add3A_39 = vector.broadcast %add3A_38 : i32 to vector<16xi32>
    %add3A_40 = arith.addi %add3A_39, %iota3A : vector<16xi32>
    tpu.vector_store_idx %arg19[%broadcast_in_dim3A_37, %add3A_40], %broadcast_in_dim3A_3 : memref<16x144xf32, #tpu.memory_space<vmem>>[vector<16xi32>, vector<16xi32>], vector<16xf32>,
    %broadcast_in_dim3A_41 = arith.constant 5 : i32
    %broadcast_in_dim3A_42 = vector.broadcast %broadcast_in_dim3A_41 : i32 to vector<16xi32>
    %add3A_43 = arith.constant 128 : i32
    %add3A_44 = vector.broadcast %add3A_43 : i32 to vector<16xi32>
    %add3A_45 = arith.addi %add3A_44, %iota3A : vector<16xi32>
    tpu.vector_store_idx %arg19[%broadcast_in_dim3A_42, %add3A_45], %broadcast_in_dim3A_3 : memref<16x144xf32, #tpu.memory_space<vmem>>[vector<16xi32>, vector<16xi32>], vector<16xf32>,
    %broadcast_in_dim3A_46 = arith.constant 6 : i32
    %broadcast_in_dim3A_47 = vector.broadcast %broadcast_in_dim3A_46 : i32 to vector<16xi32>
    %add3A_48 = arith.constant 128 : i32
    %add3A_49 = vector.broadcast %add3A_48 : i32 to vector<16xi32>
    %add3A_50 = arith.addi %add3A_49, %iota3A : vector<16xi32>
    tpu.vector_store_idx %arg19[%broadcast_in_dim3A_47, %add3A_50], %broadcast_in_dim3A_3 : memref<16x144xf32, #tpu.memory_space<vmem>>[vector<16xi32>, vector<16xi32>], vector<16xf32>,
    %broadcast_in_dim3A_51 = arith.constant 7 : i32
    %broadcast_in_dim3A_52 = vector.broadcast %broadcast_in_dim3A_51 : i32 to vector<16xi32>
    %add3A_53 = arith.constant 128 : i32
    %add3A_54 = vector.broadcast %add3A_53 : i32 to vector<16xi32>
    %add3A_55 = arith.addi %add3A_54, %iota3A : vector<16xi32>
    tpu.vector_store_idx %arg19[%broadcast_in_dim3A_52, %add3A_55], %broadcast_in_dim3A_3 : memref<16x144xf32, #tpu.memory_space<vmem>>[vector<16xi32>, vector<16xi32>], vector<16xf32>,
    %broadcast_in_dim3A_56 = arith.constant 8 : i32
    %broadcast_in_dim3A_57 = vector.broadcast %broadcast_in_dim3A_56 : i32 to vector<16xi32>
    %add3A_58 = arith.constant 128 : i32
    %add3A_59 = vector.broadcast %add3A_58 : i32 to vector<16xi32>
    %add3A_60 = arith.addi %add3A_59, %iota3A : vector<16xi32>
    tpu.vector_store_idx %arg19[%broadcast_in_dim3A_57, %add3A_60], %broadcast_in_dim3A_3 : memref<16x144xf32, #tpu.memory_space<vmem>>[vector<16xi32>, vector<16xi32>], vector<16xf32>,
    %broadcast_in_dim3A_61 = arith.constant 9 : i32
    %broadcast_in_dim3A_62 = vector.broadcast %broadcast_in_dim3A_61 : i32 to vector<16xi32>
    %add3A_63 = arith.constant 128 : i32
    %add3A_64 = vector.broadcast %add3A_63 : i32 to vector<16xi32>
    %add3A_65 = arith.addi %add3A_64, %iota3A : vector<16xi32>
    tpu.vector_store_idx %arg19[%broadcast_in_dim3A_62, %add3A_65], %broadcast_in_dim3A_3 : memref<16x144xf32, #tpu.memory_space<vmem>>[vector<16xi32>, vector<16xi32>], vector<16xf32>,
    %broadcast_in_dim3A_66 = arith.constant 10 : i32
    %broadcast_in_dim3A_67 = vector.broadcast %broadcast_in_dim3A_66 : i32 to vector<16xi32>
    %add3A_68 = arith.constant 128 : i32
    %add3A_69 = vector.broadcast %add3A_68 : i32 to vector<16xi32>
    %add3A_70 = arith.addi %add3A_69, %iota3A : vector<16xi32>
    tpu.vector_store_idx %arg19[%broadcast_in_dim3A_67, %add3A_70], %broadcast_in_dim3A_3 : memref<16x144xf32, #tpu.memory_space<vmem>>[vector<16xi32>, vector<16xi32>], vector<16xf32>,
    %broadcast_in_dim3A_71 = arith.constant 11 : i32
    %broadcast_in_dim3A_72 = vector.broadcast %broadcast_in_dim3A_71 : i32 to vector<16xi32>
    %add3A_73 = arith.constant 128 : i32
    %add3A_74 = vector.broadcast %add3A_73 : i32 to vector<16xi32>
    %add3A_75 = arith.addi %add3A_74, %iota3A : vector<16xi32>
    tpu.vector_store_idx %arg19[%broadcast_in_dim3A_72, %add3A_75], %broadcast_in_dim3A_3 : memref<16x144xf32, #tpu.memory_space<vmem>>[vector<16xi32>, vector<16xi32>], vector<16xf32>,
    %broadcast_in_dim3A_76 = arith.constant 12 : i32
    %broadcast_in_dim3A_77 = vector.broadcast %broadcast_in_dim3A_76 : i32 to vector<16xi32>
    %add3A_78 = arith.constant 128 : i32
    %add3A_79 = vector.broadcast %add3A_78 : i32 to vector<16xi32>
    %add3A_80 = arith.addi %add3A_79, %iota3A : vector<16xi32>
    tpu.vector_store_idx %arg19[%broadcast_in_dim3A_77, %add3A_80], %broadcast_in_dim3A_3 : memref<16x144xf32, #tpu.memory_space<vmem>>[vector<16xi32>, vector<16xi32>], vector<16xf32>,
    %broadcast_in_dim3A_81 = arith.constant 13 : i32
    %broadcast_in_dim3A_82 = vector.broadcast %broadcast_in_dim3A_81 : i32 to vector<16xi32>
    %add3A_83 = arith.constant 128 : i32
    %add3A_84 = vector.broadcast %add3A_83 : i32 to vector<16xi32>
    %add3A_85 = arith.addi %add3A_84, %iota3A : vector<16xi32>
    tpu.vector_store_idx %arg19[%broadcast_in_dim3A_82, %add3A_85], %broadcast_in_dim3A_3 : memref<16x144xf32, #tpu.memory_space<vmem>>[vector<16xi32>, vector<16xi32>], vector<16xf32>,
    %broadcast_in_dim3A_86 = arith.constant 14 : i32
    %broadcast_in_dim3A_87 = vector.broadcast %broadcast_in_dim3A_86 : i32 to vector<16xi32>
    %add3A_88 = arith.constant 128 : i32
    %add3A_89 = vector.broadcast %add3A_88 : i32 to vector<16xi32>
    %add3A_90 = arith.addi %add3A_89, %iota3A : vector<16xi32>
    tpu.vector_store_idx %arg19[%broadcast_in_dim3A_87, %add3A_90], %broadcast_in_dim3A_3 : memref<16x144xf32, #tpu.memory_space<vmem>>[vector<16xi32>, vector<16xi32>], vector<16xf32>,
    %broadcast_in_dim3A_91 = arith.constant 15 : i32
    %broadcast_in_dim3A_92 = vector.broadcast %broadcast_in_dim3A_91 : i32 to vector<16xi32>
    %add3A_93 = arith.constant 128 : i32
    %add3A_94 = vector.broadcast %add3A_93 : i32 to vector<16xi32>
    %add3A_95 = arith.addi %add3A_94, %iota3A : vector<16xi32>
    tpu.vector_store_idx %arg19[%broadcast_in_dim3A_92, %add3A_95], %broadcast_in_dim3A_3 : memref<16x144xf32, #tpu.memory_space<vmem>>[vector<16xi32>, vector<16xi32>], vector<16xf32>,
    %scan3A_96 = arith.constant 0 : i32
    %scan3A_97 = arith.constant 0 : i32
    %mul3A_98 = arith.constant 5000 : i32
    %mul3A_99 = arith.muli %arg0, %mul3A_98 : i32
    %mul3A_100 = arith.constant 5000 : i32
    %mul3A_101 = arith.muli %scan3A_97, %mul3A_100 : i32
    %add3A_102 = arith.addi %mul3A_99, %mul3A_101 : i32
    %scan3A_103 = arith.constant 0 : i32
    %scan3A_104 = arith.constant 0 : i32
    %scan3A_105 = arith.constant 13 : i32
    %scan3A_106 = arith.addi %scan3A_104, %scan3A_105 : i32
    %scan3A_107 = arith.constant 1 : i32
    %scan3A_108 = scf.for %scan3A_128 = %scan3A_104 to %scan3A_106 step %scan3A_107 iter_args(%scan3A_129 = %scan3A_103) -> (i32)  : i32 {
      %mul3A_130 = arith.constant 16 : i32
      %mul3A_131 = arith.muli %scan3A_128, %mul3A_130 : i32
      %add3A_132 = arith.addi %arg1, %mul3A_131 : i32
      %lt3A = arith.constant 201 : i32
      %lt3A_133 = arith.cmpi slt, %add3A_132, %lt3A : i32
      %convert_element_type3A = arith.extui %lt3A_133 : i1 to i32
      %cond3A = arith.constant 0 : i32
      %cond3A_134 = arith.cmpi ne, %convert_element_type3A, %cond3A : i32
      scf.if %cond3A_134 {
        %mul3A_136 = arith.constant 25 : i32
        %mul3A_137 = arith.muli %add3A_132, %mul3A_136 : i32
        "tpu.region"() ({
          %run_scoped3A = tpu.sem_alloc : memref<!tpu.dma_semaphore, #tpu.memory_space<semaphore_mem>>
          %dma_start3A = arith.constant 0 : i32
          %dma_start3A_138 = tpu.memref_slice %arg23[%mul3A_137, %dma_start3A] : memref<5040x144xf32, #tpu.memory_space<vmem_shared>> -> memref<25x144xf32, #tpu.memory_space<vmem_shared>>
          %dma_start3A_139 = arith.constant 0 : i32
          %dma_start3A_140 = tpu.memref_slice %arg23[%mul3A_137, %dma_start3A_139] : memref<5040x144xf32, #tpu.memory_space<vmem_shared>> -> memref<25x144xf32, #tpu.memory_space<vmem_shared>>
          tpu.enqueue_dma source(%arg22 : memref<25x144xf32, #tpu.memory_space<vmem>>) target(%dma_start3A_140 : memref<25x144xf32, #tpu.memory_space<vmem_shared>>) target_semaphore(%run_scoped3A : memref<!tpu.dma_semaphore, #tpu.memory_space<semaphore_mem>>)
          %dma_wait3A = arith.constant 0 : i32
          %dma_wait3A_141 = tpu.memref_slice %arg23[%mul3A_137, %dma_wait3A] : memref<5040x144xf32, #tpu.memory_space<vmem_shared>> -> memref<25x144xf32, #tpu.memory_space<vmem_shared>>
          %dma_wait3A_142 = arith.constant 0 : i32
          %dma_wait3A_143 = tpu.memref_slice %arg23[%mul3A_137, %dma_wait3A_142] : memref<5040x144xf32, #tpu.memory_space<vmem_shared>> -> memref<25x144xf32, #tpu.memory_space<vmem_shared>>
          tpu.wait_dma2 semaphore(%run_scoped3A : memref<!tpu.dma_semaphore, #tpu.memory_space<semaphore_mem>>) src(%arg22 : memref<25x144xf32, #tpu.memory_space<vmem>>) dst(%dma_wait3A_143 : memref<25x144xf32, #tpu.memory_space<vmem_shared>>)
          tpu.yield
        }) : () -> ()
      } else {
      }
      %scan3A_135 = arith.constant 0 : i32
      scf.yield %scan3A_135 : i32
    }
    %scan3A_109 = arith.constant 13 : i32
    %barrier3A = arith.constant 0 : index
    tpu.barrier barrier_id(%barrier3A)
    %scan3A_110 = arith.constant 0 : i32
    %scan3A_111 = arith.constant 0 : i32
    %scan3A_112 = arith.constant 5 : i32
    %scan3A_113 = arith.addi %scan3A_111, %scan3A_112 : i32
    %scan3A_114 = arith.constant 1 : i32
    %scan3A_115 = scf.for %scan3A_128 = %scan3A_111 to %scan3A_113 step %scan3A_114 iter_args(%scan3A_129 = %scan3A_110) -> (i32)  : i32 {
      %mul3A_130 = arith.constant 4000 : i32
      %mul3A_131 = arith.muli %scan3A_128, %mul3A_130 : i32
      %add3A_132 = arith.addi %mul3A_0, %mul3A_131 : i32
      "tpu.region"() ({
        %run_scoped3A = tpu.sem_alloc : memref<!tpu.dma_semaphore, #tpu.memory_space<semaphore_mem>>
        %dma_start3A = tpu.memref_slice %arg5[%add3A_132] : memref<320000xi32, #tpu.memory_space<hbm>> -> memref<4000xi32, #tpu.memory_space<hbm>>
        %dma_start3A_175 = tpu.memref_slice %arg5[%add3A_132] : memref<320000xi32, #tpu.memory_space<hbm>> -> memref<4000xi32, #tpu.memory_space<hbm>>
        tpu.enqueue_dma source(%dma_start3A_175 : memref<4000xi32, #tpu.memory_space<hbm>>) target(%arg8 : memref<4000xi32, #tpu.memory_space<vmem>>) target_semaphore(%run_scoped3A : memref<!tpu.dma_semaphore, #tpu.memory_space<semaphore_mem>>)
        %dma_wait3A = tpu.memref_slice %arg5[%add3A_132] : memref<320000xi32, #tpu.memory_space<hbm>> -> memref<4000xi32, #tpu.memory_space<hbm>>
        %dma_wait3A_176 = tpu.memref_slice %arg5[%add3A_132] : memref<320000xi32, #tpu.memory_space<hbm>> -> memref<4000xi32, #tpu.memory_space<hbm>>
        tpu.wait_dma2 semaphore(%run_scoped3A : memref<!tpu.dma_semaphore, #tpu.memory_space<semaphore_mem>>) src(%dma_wait3A_176 : memref<4000xi32, #tpu.memory_space<hbm>>) dst(%arg8 : memref<4000xi32, #tpu.memory_space<vmem>>)
        tpu.yield
      }) : () -> ()
      %mul3A_133 = arith.constant 4000 : i32
      %mul3A_134 = arith.muli %scan3A_128, %mul3A_133 : i32
      %add3A_135 = arith.addi %mul3A_0, %mul3A_134 : i32
      "tpu.region"() ({
        %run_scoped3A = tpu.sem_alloc : memref<!tpu.dma_semaphore, #tpu.memory_space<semaphore_mem>>
        %dma_start3A = tpu.memref_slice %arg4[%add3A_135] : memref<320000xi32, #tpu.memory_space<hbm>> -> memref<4000xi32, #tpu.memory_space<hbm>>
        %dma_start3A_175 = tpu.memref_slice %arg4[%add3A_135] : memref<320000xi32, #tpu.memory_space<hbm>> -> memref<4000xi32, #tpu.memory_space<hbm>>
        tpu.enqueue_dma source(%dma_start3A_175 : memref<4000xi32, #tpu.memory_space<hbm>>) target(%arg9 : memref<4000xi32, #tpu.memory_space<vmem>>) target_semaphore(%run_scoped3A : memref<!tpu.dma_semaphore, #tpu.memory_space<semaphore_mem>>)
        %dma_wait3A = tpu.memref_slice %arg4[%add3A_135] : memref<320000xi32, #tpu.memory_space<hbm>> -> memref<4000xi32, #tpu.memory_space<hbm>>
        %dma_wait3A_176 = tpu.memref_slice %arg4[%add3A_135] : memref<320000xi32, #tpu.memory_space<hbm>> -> memref<4000xi32, #tpu.memory_space<hbm>>
        tpu.wait_dma2 semaphore(%run_scoped3A : memref<!tpu.dma_semaphore, #tpu.memory_space<semaphore_mem>>) src(%dma_wait3A_176 : memref<4000xi32, #tpu.memory_space<hbm>>) dst(%arg9 : memref<4000xi32, #tpu.memory_space<vmem>>)
        tpu.yield
      }) : () -> ()
      %scan3A_136 = arith.constant 0 : i32
      %scan3A_137 = arith.constant 0 : i32
      %scan3A_138 = arith.constant 250 : i32
      %scan3A_139 = arith.addi %scan3A_137, %scan3A_138 : i32
      %scan3A_140 = arith.constant 1 : i32
      %scan3A_141 = scf.for %scan3A_175 = %scan3A_137 to %scan3A_139 step %scan3A_140 iter_args(%scan3A_176 = %scan3A_136) -> (i32)  : i32 {
        %mul3A_177 = arith.constant 16 : i32
        %mul3A_178 = arith.muli %scan3A_175, %mul3A_177 : i32
        %get3A = arith.index_cast %mul3A_178 : i32 to index
        %get3A_179 = tpu.vector_load %arg8[%get3A] {strides = array<i32>} : memref<4000xi32, #tpu.memory_space<vmem>>, vector<16xi32>,
        %mul3A_180 = arith.constant 16 : i32
        %mul3A_181 = arith.muli %scan3A_175, %mul3A_180 : i32
        %get3A_182 = arith.index_cast %mul3A_181 : i32 to index
        %get3A_183 = tpu.vector_load %arg9[%get3A_182] {strides = array<i32>} : memref<4000xi32, #tpu.memory_space<vmem>>, vector<16xi32>,
        %ge3A = vector.broadcast %add3A_102 : i32 to vector<16xi32>
        %ge3A_184 = arith.cmpi sge, %get3A_179, %ge3A : vector<16xi32>
        %add3A_185 = arith.constant 5000 : i32
        %add3A_186 = arith.addi %add3A_102, %add3A_185 : i32
        %lt3A = vector.broadcast %add3A_186 : i32 to vector<16xi32>
        %lt3A_187 = arith.cmpi slt, %get3A_179, %lt3A : vector<16xi32>
        %and3A_188 = arith.andi %ge3A_184, %lt3A_187 : vector<16xi1>
        %mul3A_189 = arith.constant 4000 : i32
        %mul3A_190 = arith.muli %scan3A_128, %mul3A_189 : i32
        %mul3A_191 = arith.constant 16 : i32
        %mul3A_192 = arith.muli %scan3A_175, %mul3A_191 : i32
        %add3A_193 = arith.addi %mul3A_190, %mul3A_192 : i32
        %add3A_194 = vector.broadcast %add3A_193 : i32 to vector<16xi32>
        %add3A_195 = arith.addi %add3A_194, %iota3A : vector<16xi32>
        %swap3A = arith.index_cast %scan3A_176 : i32 to index
        %swap3A_196 = tpu.vector_load %arg10[%swap3A] masked %and3A_188 {strides = array<i32>} : memref<4016xi32, #tpu.memory_space<vmem>>, vector<16xi32>, vector<16xi1>
        tpu.vector_store %arg10[%swap3A], %add3A_195 masked %and3A_188 {strides = array<i32>} : memref<4016xi32, #tpu.memory_space<vmem>>, vector<16xi32>, vector<16xi1>
        %swap3A_197 = arith.index_cast %scan3A_176 : i32 to index
        %swap3A_198 = tpu.vector_load %arg11[%swap3A_197] masked %and3A_188 {strides = array<i32>} : memref<4016xi32, #tpu.memory_space<vmem>>, vector<16xi32>, vector<16xi1>
        tpu.vector_store %arg11[%swap3A_197], %get3A_183 masked %and3A_188 {strides = array<i32>} : memref<4016xi32, #tpu.memory_space<vmem>>, vector<16xi32>, vector<16xi1>
        %swap3A_199 = arith.index_cast %scan3A_176 : i32 to index
        %swap3A_200 = tpu.vector_load %arg12[%swap3A_199] masked %and3A_188 {strides = array<i32>} : memref<4016xi32, #tpu.memory_space<vmem>>, vector<16xi32>, vector<16xi1>
        tpu.vector_store %arg12[%swap3A_199], %get3A_179 masked %and3A_188 {strides = array<i32>} : memref<4016xi32, #tpu.memory_space<vmem>>, vector<16xi32>, vector<16xi1>
        %convert_element_type3A = arith.extui %and3A_188 : vector<16xi1> to vector<16xi32>
        %reduce_sum3A = arith.constant true
        %reduce_sum3A_201 = vector.broadcast %reduce_sum3A : i1 to vector<16xi1>
        %reduce_sum3A_202 = tpu.scan <sum>, %convert_element_type3A masked %reduce_sum3A_201 : vector<16xi32>, vector<16xi1> -> vector<16xi32>
        %reduce_sum3A_203 = vector.extract %reduce_sum3A_202[15] : i32 from vector<16xi32>
        %add3A_204 = arith.addi %scan3A_176, %reduce_sum3A_203 : i32
        scf.yield %add3A_204 : i32
      }
      %scan3A_142 = arith.constant 250 : i32
      %add3A_143 = arith.constant 32 : i32
      %add3A_144 = arith.addi %scan3A_141, %add3A_143 : i32
      %sub3A = arith.constant 1 : i32
      %sub3A_145 = arith.subi %add3A_144, %sub3A : i32
      %jit3A = arith.constant 32 : i32
      %div3A = arith.divsi %sub3A_145, %jit3A : i32
      %sign3A = arith.constant 0 : i32
      %sign3A_146 = arith.cmpi sgt, %sub3A_145, %sign3A : i32
      %sign3A_147 = arith.extui %sign3A_146 : i1 to i32
      %sign3A_148 = arith.constant 0 : i32
      %sign3A_149 = arith.cmpi slt, %sub3A_145, %sign3A_148 : i32
      %sign3A_150 = arith.extui %sign3A_149 : i1 to i32
      %sign3A_151 = arith.subi %sign3A_147, %sign3A_150 : i32
      %sign3A_152 = arith.constant 0 : i32
      %sign3A_153 = arith.cmpi sgt, %jit3A, %sign3A_152 : i32
      %sign3A_154 = arith.extui %sign3A_153 : i1 to i32
      %sign3A_155 = arith.constant 0 : i32
      %sign3A_156 = arith.cmpi slt, %jit3A, %sign3A_155 : i32
      %sign3A_157 = arith.extui %sign3A_156 : i1 to i32
      %sign3A_158 = arith.subi %sign3A_154, %sign3A_157 : i32
      %ne3A = arith.cmpi ne, %sign3A_151, %sign3A_158 : i32
      %rem3A = arith.remsi %sub3A_145, %jit3A : i32
      %ne3A_159 = arith.constant 0 : i32
      %ne3A_160 = arith.cmpi ne, %rem3A, %ne3A_159 : i32
      %and3A = arith.andi %ne3A, %ne3A_160 : i1
      %sub3A_161 = arith.constant 1 : i32
      %sub3A_162 = arith.subi %div3A, %sub3A_161 : i32
      %select_n3A = arith.select %and3A, %sub3A_162, %div3A : i32
      %while3A = arith.constant 0 : i32
      %while3A_163 = arith.constant 0 : i32
      %while3A_164 = arith.subi %select_n3A, %while3A : i32
      %while3A_165 = arith.addi %while3A, %while3A_164 : i32
      %while3A_166 = arith.constant 1 : i32
      %while3A_167 = arith.divsi %while3A_164, %while3A_166 : i32
      %while3A_168 = arith.muli %while3A_167, %while3A_166 : i32
      %while3A_169 = arith.addi %while3A, %while3A_168 : i32
      %while3A_170 = arith.constant 1 : i32
      %while3A_171 = scf.for %while3A_175 = %while3A to %while3A_169 step %while3A_170 iter_args(%while3A_176 = %while3A_163) -> (i32)  : i32 {
        %mul3A_177 = arith.constant 2 : i32
        %mul3A_178 = arith.muli %while3A_175, %mul3A_177 : i32
        %mul3A_179 = arith.constant 16 : i32
        %mul3A_180 = arith.muli %mul3A_178, %mul3A_179 : i32
        %get3A = arith.index_cast %mul3A_180 : i32 to index
        %get3A_181 = tpu.vector_load %arg10[%get3A] {strides = array<i32>} : memref<4016xi32, #tpu.memory_space<vmem>>, vector<16xi32>,
        %get3A_182 = arith.index_cast %mul3A_180 : i32 to index
        %get3A_183 = tpu.vector_load %arg11[%get3A_182] {strides = array<i32>} : memref<4016xi32, #tpu.memory_space<vmem>>, vector<16xi32>,
        %get3A_184 = arith.index_cast %mul3A_180 : i32 to index
        %get3A_185 = tpu.vector_load %arg12[%get3A_184] {strides = array<i32>} : memref<4016xi32, #tpu.memory_space<vmem>>, vector<16xi32>,
        %add3A_186 = arith.constant 16 : i32
        %add3A_187 = arith.addi %mul3A_180, %add3A_186 : i32
        %get3A_188 = arith.index_cast %add3A_187 : i32 to index
        %get3A_189 = tpu.vector_load %arg10[%get3A_188] {strides = array<i32>} : memref<4016xi32, #tpu.memory_space<vmem>>, vector<16xi32>,
        %add3A_190 = arith.constant 16 : i32
        %add3A_191 = arith.addi %mul3A_180, %add3A_190 : i32
        %get3A_192 = arith.index_cast %add3A_191 : i32 to index
        %get3A_193 = tpu.vector_load %arg11[%get3A_192] {strides = array<i32>} : memref<4016xi32, #tpu.memory_space<vmem>>, vector<16xi32>,
        %add3A_194 = arith.constant 16 : i32
        %add3A_195 = arith.addi %mul3A_180, %add3A_194 : i32
        %get3A_196 = arith.index_cast %add3A_195 : i32 to index
        %get3A_197 = tpu.vector_load %arg12[%get3A_196] {strides = array<i32>} : memref<4016xi32, #tpu.memory_space<vmem>>, vector<16xi32>,
        %dma_start3A = arith.constant 0 : i32
        %dma_start3A_198 = arith.constant 0 : i32
        %dma_start3A_199 = tpu.memref_slice %arg2[%dma_start3A, %dma_start3A_198] : memref<10000x128xf32, #tpu.memory_space<hbm>> -> memref<10000x128xf32, #tpu.memory_space<hbm>>
        tpu.enqueue_indirect_dma source(%dma_start3A_199 : memref<10000x128xf32, #tpu.memory_space<hbm>>) target(%arg13 : memref<16x128xf32, #tpu.memory_space<vmem>>) offsets(%get3A_183 : vector<16xi32>) semaphore(%arg24 : memref<!tpu.dma_semaphore, #tpu.memory_space<semaphore_mem>>)
        %dma_start3A_200 = arith.constant 0 : i32
        %dma_start3A_201 = arith.constant 0 : i32
        %dma_start3A_202 = tpu.memref_slice %arg2[%dma_start3A_200, %dma_start3A_201] : memref<10000x128xf32, #tpu.memory_space<hbm>> -> memref<10000x128xf32, #tpu.memory_space<hbm>>
        tpu.enqueue_indirect_dma source(%dma_start3A_202 : memref<10000x128xf32, #tpu.memory_space<hbm>>) target(%arg14 : memref<16x128xf32, #tpu.memory_space<vmem>>) offsets(%get3A_185 : vector<16xi32>) semaphore(%arg24 : memref<!tpu.dma_semaphore, #tpu.memory_space<semaphore_mem>>)
        %add3A_203 = vector.broadcast %mul3A_0 : i32 to vector<16xi32>
        %add3A_204 = arith.addi %get3A_181, %add3A_203 : vector<16xi32>
        %dma_start3A_205 = arith.constant 0 : i32
        %dma_start3A_206 = arith.constant 0 : i32
        %dma_start3A_207 = tpu.memref_slice %arg3[%dma_start3A_205, %dma_start3A_206] : memref<320000x128xf32, #tpu.memory_space<hbm>> -> memref<320000x128xf32, #tpu.memory_space<hbm>>
        tpu.enqueue_indirect_dma source(%dma_start3A_207 : memref<320000x128xf32, #tpu.memory_space<hbm>>) target(%arg15 : memref<16x128xf32, #tpu.memory_space<vmem>>) offsets(%add3A_204 : vector<16xi32>) semaphore(%arg24 : memref<!tpu.dma_semaphore, #tpu.memory_space<semaphore_mem>>)
        %dma_start3A_208 = arith.constant 0 : i32
        %dma_start3A_209 = arith.constant 0 : i32
        %dma_start3A_210 = tpu.memref_slice %arg2[%dma_start3A_208, %dma_start3A_209] : memref<10000x128xf32, #tpu.memory_space<hbm>> -> memref<10000x128xf32, #tpu.memory_space<hbm>>
        tpu.enqueue_indirect_dma source(%dma_start3A_210 : memref<10000x128xf32, #tpu.memory_space<hbm>>) target(%arg16 : memref<16x128xf32, #tpu.memory_space<vmem>>) offsets(%get3A_193 : vector<16xi32>) semaphore(%arg24 : memref<!tpu.dma_semaphore, #tpu.memory_space<semaphore_mem>>)
        %dma_start3A_211 = arith.constant 0 : i32
        %dma_start3A_212 = arith.constant 0 : i32
        %dma_start3A_213 = tpu.memref_slice %arg2[%dma_start3A_211, %dma_start3A_212] : memref<10000x128xf32, #tpu.memory_space<hbm>> -> memref<10000x128xf32, #tpu.memory_space<hbm>>
        tpu.enqueue_indirect_dma source(%dma_start3A_213 : memref<10000x128xf32, #tpu.memory_space<hbm>>) target(%arg17 : memref<16x128xf32, #tpu.memory_space<vmem>>) offsets(%get3A_197 : vector<16xi32>) semaphore(%arg24 : memref<!tpu.dma_semaphore, #tpu.memory_space<semaphore_mem>>)
        %add3A_214 = vector.broadcast %mul3A_0 : i32 to vector<16xi32>
        %add3A_215 = arith.addi %get3A_189, %add3A_214 : vector<16xi32>
        %dma_start3A_216 = arith.constant 0 : i32
        %dma_start3A_217 = arith.constant 0 : i32
        %dma_start3A_218 = tpu.memref_slice %arg3[%dma_start3A_216, %dma_start3A_217] : memref<320000x128xf32, #tpu.memory_space<hbm>> -> memref<320000x128xf32, #tpu.memory_space<hbm>>
        tpu.enqueue_indirect_dma source(%dma_start3A_218 : memref<320000x128xf32, #tpu.memory_space<hbm>>) target(%arg18 : memref<16x128xf32, #tpu.memory_space<vmem>>) offsets(%add3A_215 : vector<16xi32>) semaphore(%arg24 : memref<!tpu.dma_semaphore, #tpu.memory_space<semaphore_mem>>)
        %dma_wait3A = arith.constant 0 : i32
        %dma_wait3A_219 = arith.constant 0 : i32
        %dma_wait3A_220 = tpu.memref_slice %arg2[%dma_wait3A, %dma_wait3A_219] : memref<10000x128xf32, #tpu.memory_space<hbm>> -> memref<10000x128xf32, #tpu.memory_space<hbm>>
        tpu.wait_indirect_dma semaphore(%arg24 : memref<!tpu.dma_semaphore, #tpu.memory_space<semaphore_mem>>) src(%dma_wait3A_220 : memref<10000x128xf32, #tpu.memory_space<hbm>>) dst(%arg13 : memref<16x128xf32, #tpu.memory_space<vmem>>)
        %dma_wait3A_221 = arith.constant 0 : i32
        %dma_wait3A_222 = arith.constant 0 : i32
        %dma_wait3A_223 = tpu.memref_slice %arg2[%dma_wait3A_221, %dma_wait3A_222] : memref<10000x128xf32, #tpu.memory_space<hbm>> -> memref<10000x128xf32, #tpu.memory_space<hbm>>
        tpu.wait_indirect_dma semaphore(%arg24 : memref<!tpu.dma_semaphore, #tpu.memory_space<semaphore_mem>>) src(%dma_wait3A_223 : memref<10000x128xf32, #tpu.memory_space<hbm>>) dst(%arg14 : memref<16x128xf32, #tpu.memory_space<vmem>>)
        %dma_wait3A_224 = arith.constant 0 : i32
        %dma_wait3A_225 = arith.constant 0 : i32
        %dma_wait3A_226 = tpu.memref_slice %arg3[%dma_wait3A_224, %dma_wait3A_225] : memref<320000x128xf32, #tpu.memory_space<hbm>> -> memref<320000x128xf32, #tpu.memory_space<hbm>>
        tpu.wait_indirect_dma semaphore(%arg24 : memref<!tpu.dma_semaphore, #tpu.memory_space<semaphore_mem>>) src(%dma_wait3A_226 : memref<320000x128xf32, #tpu.memory_space<hbm>>) dst(%arg15 : memref<16x128xf32, #tpu.memory_space<vmem>>)
        %scan3A_227 = arith.constant 0 : i32
        %scan3A_228 = arith.constant 0 : i32
        %scan3A_229 = arith.constant 16 : i32
        %scan3A_230 = arith.addi %scan3A_228, %scan3A_229 : i32
        %scan3A_231 = arith.constant 1 : i32
        %scan3A_232 = scf.for %scan3A_432 = %scan3A_228 to %scan3A_230 step %scan3A_231 iter_args(%scan3A_433 = %scan3A_227) -> (i32)  : i32 {
          %broadcast_in_dim3A_434 = arith.constant 0.000000e+00 : f32
          %broadcast_in_dim3A_435 = vector.broadcast %broadcast_in_dim3A_434 : f32 to vector<16xf32>
          %get3A_436 = arith.index_cast %scan3A_432 : i32 to index
          %get3A_437 = arith.constant 0 : index
          %get3A_438 = tpu.vector_load %arg13[%get3A_436, %get3A_437] {strides = array<i32>} : memref<16x128xf32, #tpu.memory_space<vmem>>, vector<16xf32>,
          %get3A_439 = arith.index_cast %scan3A_432 : i32 to index
          %get3A_440 = arith.constant 0 : index
          %get3A_441 = tpu.vector_load %arg14[%get3A_439, %get3A_440] {strides = array<i32>} : memref<16x128xf32, #tpu.memory_space<vmem>>, vector<16xf32>,
          %add3A_442 = arith.addf %get3A_438, %get3A_441 : vector<16xf32>
          %get3A_443 = arith.index_cast %scan3A_432 : i32 to index
          %get3A_444 = arith.constant 0 : index
          %get3A_445 = tpu.vector_load %arg15[%get3A_443, %get3A_444] {strides = array<i32>} : memref<16x128xf32, #tpu.memory_space<vmem>>, vector<16xf32>,
          %add3A_446 = arith.addf %add3A_442, %get3A_445 : vector<16xf32>
          %gt3A = arith.constant 0.000000e+00 : f32
          %gt3A_447 = vector.broadcast %gt3A : f32 to vector<16xf32>
          %gt3A_448 = arith.cmpf ogt, %add3A_446, %gt3A_447 : vector<16xf32>
          %mul3A_449 = arith.constant 2.000000e-01 : f32
          %mul3A_450 = vector.broadcast %mul3A_449 : f32 to vector<16xf32>
          %mul3A_451 = arith.mulf %add3A_446, %mul3A_450 : vector<16xf32>
          %select_n3A_452 = arith.select %gt3A_448, %add3A_446, %mul3A_451 : vector<16xi1>, vector<16xf32>
          %get3A_453 = arith.constant 0 : index
          %get3A_454 = tpu.vector_load %arg21[%get3A_453] {strides = array<i32>} : memref<128xf32, #tpu.memory_space<vmem>>, vector<16xf32>,
          %mul3A_455 = arith.mulf %select_n3A_452, %get3A_454 : vector<16xf32>
          %add3A_456 = arith.addf %broadcast_in_dim3A_435, %mul3A_455 : vector<16xf32>
          %get3A_457 = arith.index_cast %scan3A_432 : i32 to index
          %get3A_458 = arith.constant 16 : index
          %get3A_459 = tpu.vector_load %arg13[%get3A_457, %get3A_458] {strides = array<i32>} : memref<16x128xf32, #tpu.memory_space<vmem>>, vector<16xf32>,
          %get3A_460 = arith.index_cast %scan3A_432 : i32 to index
          %get3A_461 = arith.constant 16 : index
          %get3A_462 = tpu.vector_load %arg14[%get3A_460, %get3A_461] {strides = array<i32>} : memref<16x128xf32, #tpu.memory_space<vmem>>, vector<16xf32>,
          %add3A_463 = arith.addf %get3A_459, %get3A_462 : vector<16xf32>
          %get3A_464 = arith.index_cast %scan3A_432 : i32 to index
          %get3A_465 = arith.constant 16 : index
          %get3A_466 = tpu.vector_load %arg15[%get3A_464, %get3A_465] {strides = array<i32>} : memref<16x128xf32, #tpu.memory_space<vmem>>, vector<16xf32>,
          %add3A_467 = arith.addf %add3A_463, %get3A_466 : vector<16xf32>
          %gt3A_468 = arith.constant 0.000000e+00 : f32
          %gt3A_469 = vector.broadcast %gt3A_468 : f32 to vector<16xf32>
          %gt3A_470 = arith.cmpf ogt, %add3A_467, %gt3A_469 : vector<16xf32>
          %mul3A_471 = arith.constant 2.000000e-01 : f32
          %mul3A_472 = vector.broadcast %mul3A_471 : f32 to vector<16xf32>
          %mul3A_473 = arith.mulf %add3A_467, %mul3A_472 : vector<16xf32>
          %select_n3A_474 = arith.select %gt3A_470, %add3A_467, %mul3A_473 : vector<16xi1>, vector<16xf32>
          %get3A_475 = arith.constant 16 : index
          %get3A_476 = tpu.vector_load %arg21[%get3A_475] {strides = array<i32>} : memref<128xf32, #tpu.memory_space<vmem>>, vector<16xf32>,
          %mul3A_477 = arith.mulf %select_n3A_474, %get3A_476 : vector<16xf32>
          %add3A_478 = arith.addf %add3A_456, %mul3A_477 : vector<16xf32>
          %get3A_479 = arith.index_cast %scan3A_432 : i32 to index
          %get3A_480 = arith.constant 32 : index
          %get3A_481 = tpu.vector_load %arg13[%get3A_479, %get3A_480] {strides = array<i32>} : memref<16x128xf32, #tpu.memory_space<vmem>>, vector<16xf32>,
          %get3A_482 = arith.index_cast %scan3A_432 : i32 to index
          %get3A_483 = arith.constant 32 : index
          %get3A_484 = tpu.vector_load %arg14[%get3A_482, %get3A_483] {strides = array<i32>} : memref<16x128xf32, #tpu.memory_space<vmem>>, vector<16xf32>,
          %add3A_485 = arith.addf %get3A_481, %get3A_484 : vector<16xf32>
          %get3A_486 = arith.index_cast %scan3A_432 : i32 to index
          %get3A_487 = arith.constant 32 : index
          %get3A_488 = tpu.vector_load %arg15[%get3A_486, %get3A_487] {strides = array<i32>} : memref<16x128xf32, #tpu.memory_space<vmem>>, vector<16xf32>,
          %add3A_489 = arith.addf %add3A_485, %get3A_488 : vector<16xf32>
          %gt3A_490 = arith.constant 0.000000e+00 : f32
          %gt3A_491 = vector.broadcast %gt3A_490 : f32 to vector<16xf32>
          %gt3A_492 = arith.cmpf ogt, %add3A_489, %gt3A_491 : vector<16xf32>
          %mul3A_493 = arith.constant 2.000000e-01 : f32
          %mul3A_494 = vector.broadcast %mul3A_493 : f32 to vector<16xf32>
          %mul3A_495 = arith.mulf %add3A_489, %mul3A_494 : vector<16xf32>
          %select_n3A_496 = arith.select %gt3A_492, %add3A_489, %mul3A_495 : vector<16xi1>, vector<16xf32>
          %get3A_497 = arith.constant 32 : index
          %get3A_498 = tpu.vector_load %arg21[%get3A_497] {strides = array<i32>} : memref<128xf32, #tpu.memory_space<vmem>>, vector<16xf32>,
          %mul3A_499 = arith.mulf %select_n3A_496, %get3A_498 : vector<16xf32>
          %add3A_500 = arith.addf %add3A_478, %mul3A_499 : vector<16xf32>
          %get3A_501 = arith.index_cast %scan3A_432 : i32 to index
          %get3A_502 = arith.constant 48 : index
          %get3A_503 = tpu.vector_load %arg13[%get3A_501, %get3A_502] {strides = array<i32>} : memref<16x128xf32, #tpu.memory_space<vmem>>, vector<16xf32>,
          %get3A_504 = arith.index_cast %scan3A_432 : i32 to index
          %get3A_505 = arith.constant 48 : index
          %get3A_506 = tpu.vector_load %arg14[%get3A_504, %get3A_505] {strides = array<i32>} : memref<16x128xf32, #tpu.memory_space<vmem>>, vector<16xf32>,
          %add3A_507 = arith.addf %get3A_503, %get3A_506 : vector<16xf32>
          %get3A_508 = arith.index_cast %scan3A_432 : i32 to index
          %get3A_509 = arith.constant 48 : index
          %get3A_510 = tpu.vector_load %arg15[%get3A_508, %get3A_509] {strides = array<i32>} : memref<16x128xf32, #tpu.memory_space<vmem>>, vector<16xf32>,
          %add3A_511 = arith.addf %add3A_507, %get3A_510 : vector<16xf32>
          %gt3A_512 = arith.constant 0.000000e+00 : f32
          %gt3A_513 = vector.broadcast %gt3A_512 : f32 to vector<16xf32>
          %gt3A_514 = arith.cmpf ogt, %add3A_511, %gt3A_513 : vector<16xf32>
          %mul3A_515 = arith.constant 2.000000e-01 : f32
          %mul3A_516 = vector.broadcast %mul3A_515 : f32 to vector<16xf32>
          %mul3A_517 = arith.mulf %add3A_511, %mul3A_516 : vector<16xf32>
          %select_n3A_518 = arith.select %gt3A_514, %add3A_511, %mul3A_517 : vector<16xi1>, vector<16xf32>
          %get3A_519 = arith.constant 48 : index
          %get3A_520 = tpu.vector_load %arg21[%get3A_519] {strides = array<i32>} : memref<128xf32, #tpu.memory_space<vmem>>, vector<16xf32>,
          %mul3A_521 = arith.mulf %select_n3A_518, %get3A_520 : vector<16xf32>
          %add3A_522 = arith.addf %add3A_500, %mul3A_521 : vector<16xf32>
          %get3A_523 = arith.index_cast %scan3A_432 : i32 to index
          %get3A_524 = arith.constant 64 : index
          %get3A_525 = tpu.vector_load %arg13[%get3A_523, %get3A_524] {strides = array<i32>} : memref<16x128xf32, #tpu.memory_space<vmem>>, vector<16xf32>,
          %get3A_526 = arith.index_cast %scan3A_432 : i32 to index
          %get3A_527 = arith.constant 64 : index
          %get3A_528 = tpu.vector_load %arg14[%get3A_526, %get3A_527] {strides = array<i32>} : memref<16x128xf32, #tpu.memory_space<vmem>>, vector<16xf32>,
          %add3A_529 = arith.addf %get3A_525, %get3A_528 : vector<16xf32>
          %get3A_530 = arith.index_cast %scan3A_432 : i32 to index
          %get3A_531 = arith.constant 64 : index
          %get3A_532 = tpu.vector_load %arg15[%get3A_530, %get3A_531] {strides = array<i32>} : memref<16x128xf32, #tpu.memory_space<vmem>>, vector<16xf32>,
          %add3A_533 = arith.addf %add3A_529, %get3A_532 : vector<16xf32>
          %gt3A_534 = arith.constant 0.000000e+00 : f32
          %gt3A_535 = vector.broadcast %gt3A_534 : f32 to vector<16xf32>
          %gt3A_536 = arith.cmpf ogt, %add3A_533, %gt3A_535 : vector<16xf32>
          %mul3A_537 = arith.constant 2.000000e-01 : f32
          %mul3A_538 = vector.broadcast %mul3A_537 : f32 to vector<16xf32>
          %mul3A_539 = arith.mulf %add3A_533, %mul3A_538 : vector<16xf32>
          %select_n3A_540 = arith.select %gt3A_536, %add3A_533, %mul3A_539 : vector<16xi1>, vector<16xf32>
          %get3A_541 = arith.constant 64 : index
          %get3A_542 = tpu.vector_load %arg21[%get3A_541] {strides = array<i32>} : memref<128xf32, #tpu.memory_space<vmem>>, vector<16xf32>,
          %mul3A_543 = arith.mulf %select_n3A_540, %get3A_542 : vector<16xf32>
          %add3A_544 = arith.addf %add3A_522, %mul3A_543 : vector<16xf32>
          %get3A_545 = arith.index_cast %scan3A_432 : i32 to index
          %get3A_546 = arith.constant 80 : index
          %get3A_547 = tpu.vector_load %arg13[%get3A_545, %get3A_546] {strides = array<i32>} : memref<16x128xf32, #tpu.memory_space<vmem>>, vector<16xf32>,
          %get3A_548 = arith.index_cast %scan3A_432 : i32 to index
          %get3A_549 = arith.constant 80 : index
          %get3A_550 = tpu.vector_load %arg14[%get3A_548, %get3A_549] {strides = array<i32>} : memref<16x128xf32, #tpu.memory_space<vmem>>, vector<16xf32>,
          %add3A_551 = arith.addf %get3A_547, %get3A_550 : vector<16xf32>
          %get3A_552 = arith.index_cast %scan3A_432 : i32 to index
          %get3A_553 = arith.constant 80 : index
          %get3A_554 = tpu.vector_load %arg15[%get3A_552, %get3A_553] {strides = array<i32>} : memref<16x128xf32, #tpu.memory_space<vmem>>, vector<16xf32>,
          %add3A_555 = arith.addf %add3A_551, %get3A_554 : vector<16xf32>
          %gt3A_556 = arith.constant 0.000000e+00 : f32
          %gt3A_557 = vector.broadcast %gt3A_556 : f32 to vector<16xf32>
          %gt3A_558 = arith.cmpf ogt, %add3A_555, %gt3A_557 : vector<16xf32>
          %mul3A_559 = arith.constant 2.000000e-01 : f32
          %mul3A_560 = vector.broadcast %mul3A_559 : f32 to vector<16xf32>
          %mul3A_561 = arith.mulf %add3A_555, %mul3A_560 : vector<16xf32>
          %select_n3A_562 = arith.select %gt3A_558, %add3A_555, %mul3A_561 : vector<16xi1>, vector<16xf32>
          %get3A_563 = arith.constant 80 : index
          %get3A_564 = tpu.vector_load %arg21[%get3A_563] {strides = array<i32>} : memref<128xf32, #tpu.memory_space<vmem>>, vector<16xf32>,
          %mul3A_565 = arith.mulf %select_n3A_562, %get3A_564 : vector<16xf32>
          %add3A_566 = arith.addf %add3A_544, %mul3A_565 : vector<16xf32>
          %get3A_567 = arith.index_cast %scan3A_432 : i32 to index
          %get3A_568 = arith.constant 96 : index
          %get3A_569 = tpu.vector_load %arg13[%get3A_567, %get3A_568] {strides = array<i32>} : memref<16x128xf32, #tpu.memory_space<vmem>>, vector<16xf32>,
          %get3A_570 = arith.index_cast %scan3A_432 : i32 to index
          %get3A_571 = arith.constant 96 : index
          %get3A_572 = tpu.vector_load %arg14[%get3A_570, %get3A_571] {strides = array<i32>} : memref<16x128xf32, #tpu.memory_space<vmem>>, vector<16xf32>,
          %add3A_573 = arith.addf %get3A_569, %get3A_572 : vector<16xf32>
          %get3A_574 = arith.index_cast %scan3A_432 : i32 to index
          %get3A_575 = arith.constant 96 : index
          %get3A_576 = tpu.vector_load %arg15[%get3A_574, %get3A_575] {strides = array<i32>} : memref<16x128xf32, #tpu.memory_space<vmem>>, vector<16xf32>,
          %add3A_577 = arith.addf %add3A_573, %get3A_576 : vector<16xf32>
          %gt3A_578 = arith.constant 0.000000e+00 : f32
          %gt3A_579 = vector.broadcast %gt3A_578 : f32 to vector<16xf32>
          %gt3A_580 = arith.cmpf ogt, %add3A_577, %gt3A_579 : vector<16xf32>
          %mul3A_581 = arith.constant 2.000000e-01 : f32
          %mul3A_582 = vector.broadcast %mul3A_581 : f32 to vector<16xf32>
          %mul3A_583 = arith.mulf %add3A_577, %mul3A_582 : vector<16xf32>
          %select_n3A_584 = arith.select %gt3A_580, %add3A_577, %mul3A_583 : vector<16xi1>, vector<16xf32>
          %get3A_585 = arith.constant 96 : index
          %get3A_586 = tpu.vector_load %arg21[%get3A_585] {strides = array<i32>} : memref<128xf32, #tpu.memory_space<vmem>>, vector<16xf32>,
          %mul3A_587 = arith.mulf %select_n3A_584, %get3A_586 : vector<16xf32>
          %add3A_588 = arith.addf %add3A_566, %mul3A_587 : vector<16xf32>
          %get3A_589 = arith.index_cast %scan3A_432 : i32 to index
          %get3A_590 = arith.constant 112 : index
          %get3A_591 = tpu.vector_load %arg13[%get3A_589, %get3A_590] {strides = array<i32>} : memref<16x128xf32, #tpu.memory_space<vmem>>, vector<16xf32>,
          %get3A_592 = arith.index_cast %scan3A_432 : i32 to index
          %get3A_593 = arith.constant 112 : index
          %get3A_594 = tpu.vector_load %arg14[%get3A_592, %get3A_593] {strides = array<i32>} : memref<16x128xf32, #tpu.memory_space<vmem>>, vector<16xf32>,
          %add3A_595 = arith.addf %get3A_591, %get3A_594 : vector<16xf32>
          %get3A_596 = arith.index_cast %scan3A_432 : i32 to index
          %get3A_597 = arith.constant 112 : index
          %get3A_598 = tpu.vector_load %arg15[%get3A_596, %get3A_597] {strides = array<i32>} : memref<16x128xf32, #tpu.memory_space<vmem>>, vector<16xf32>,
          %add3A_599 = arith.addf %add3A_595, %get3A_598 : vector<16xf32>
          %gt3A_600 = arith.constant 0.000000e+00 : f32
          %gt3A_601 = vector.broadcast %gt3A_600 : f32 to vector<16xf32>
          %gt3A_602 = arith.cmpf ogt, %add3A_599, %gt3A_601 : vector<16xf32>
          %mul3A_603 = arith.constant 2.000000e-01 : f32
          %mul3A_604 = vector.broadcast %mul3A_603 : f32 to vector<16xf32>
          %mul3A_605 = arith.mulf %add3A_599, %mul3A_604 : vector<16xf32>
          %select_n3A_606 = arith.select %gt3A_602, %add3A_599, %mul3A_605 : vector<16xi1>, vector<16xf32>
          %get3A_607 = arith.constant 112 : index
          %get3A_608 = tpu.vector_load %arg21[%get3A_607] {strides = array<i32>} : memref<128xf32, #tpu.memory_space<vmem>>, vector<16xf32>,
          %mul3A_609 = arith.mulf %select_n3A_606, %get3A_608 : vector<16xf32>
          %add3A_610 = arith.addf %add3A_588, %mul3A_609 : vector<16xf32>
          %swap3A = arith.index_cast %scan3A_432 : i32 to index
          %swap3A_611 = arith.constant 0 : index
          %swap3A_612 = tpu.vector_load %arg20[%swap3A, %swap3A_611] {strides = array<i32>} : memref<16x16xf32, #tpu.memory_space<vmem>>, vector<16xf32>,
          tpu.vector_store %arg20[%swap3A, %swap3A_611], %add3A_610 {strides = array<i32>} : memref<16x16xf32, #tpu.memory_space<vmem>>, vector<16xf32>,
          %scan3A_613 = arith.constant 0 : i32
          scf.yield %scan3A_613 : i32
        }
        %scan3A_233 = arith.constant 16 : i32
        %broadcast_in_dim3A_234 = arith.constant 0.000000e+00 : f32
        %broadcast_in_dim3A_235 = vector.broadcast %broadcast_in_dim3A_234 : f32 to vector<16xf32>
        %broadcast_in_dim3A_236 = arith.constant 0 : i32
        %broadcast_in_dim3A_237 = vector.broadcast %broadcast_in_dim3A_236 : i32 to vector<16xi32>
        %gather3A = tpu.vector_load_idx %arg20[%iota3A, %broadcast_in_dim3A_237] : memref<16x16xf32, #tpu.memory_space<vmem>>[vector<16xi32>, vector<16xi32>], vector<16xf32>,
        %add3A_238 = arith.addf %broadcast_in_dim3A_235, %gather3A : vector<16xf32>
        %broadcast_in_dim3A_239 = arith.constant 1 : i32
        %broadcast_in_dim3A_240 = vector.broadcast %broadcast_in_dim3A_239 : i32 to vector<16xi32>
        %gather3A_241 = tpu.vector_load_idx %arg20[%iota3A, %broadcast_in_dim3A_240] : memref<16x16xf32, #tpu.memory_space<vmem>>[vector<16xi32>, vector<16xi32>], vector<16xf32>,
        %add3A_242 = arith.addf %add3A_238, %gather3A_241 : vector<16xf32>
        %broadcast_in_dim3A_243 = arith.constant 2 : i32
        %broadcast_in_dim3A_244 = vector.broadcast %broadcast_in_dim3A_243 : i32 to vector<16xi32>
        %gather3A_245 = tpu.vector_load_idx %arg20[%iota3A, %broadcast_in_dim3A_244] : memref<16x16xf32, #tpu.memory_space<vmem>>[vector<16xi32>, vector<16xi32>], vector<16xf32>,
        %add3A_246 = arith.addf %add3A_242, %gather3A_245 : vector<16xf32>
        %broadcast_in_dim3A_247 = arith.constant 3 : i32
        %broadcast_in_dim3A_248 = vector.broadcast %broadcast_in_dim3A_247 : i32 to vector<16xi32>
        %gather3A_249 = tpu.vector_load_idx %arg20[%iota3A, %broadcast_in_dim3A_248] : memref<16x16xf32, #tpu.memory_space<vmem>>[vector<16xi32>, vector<16xi32>], vector<16xf32>,
        %add3A_250 = arith.addf %add3A_246, %gather3A_249 : vector<16xf32>
        %broadcast_in_dim3A_251 = arith.constant 4 : i32
        %broadcast_in_dim3A_252 = vector.broadcast %broadcast_in_dim3A_251 : i32 to vector<16xi32>
        %gather3A_253 = tpu.vector_load_idx %arg20[%iota3A, %broadcast_in_dim3A_252] : memref<16x16xf32, #tpu.memory_space<vmem>>[vector<16xi32>, vector<16xi32>], vector<16xf32>,
        %add3A_254 = arith.addf %add3A_250, %gather3A_253 : vector<16xf32>
        %broadcast_in_dim3A_255 = arith.constant 5 : i32
        %broadcast_in_dim3A_256 = vector.broadcast %broadcast_in_dim3A_255 : i32 to vector<16xi32>
        %gather3A_257 = tpu.vector_load_idx %arg20[%iota3A, %broadcast_in_dim3A_256] : memref<16x16xf32, #tpu.memory_space<vmem>>[vector<16xi32>, vector<16xi32>], vector<16xf32>,
        %add3A_258 = arith.addf %add3A_254, %gather3A_257 : vector<16xf32>
        %broadcast_in_dim3A_259 = arith.constant 6 : i32
        %broadcast_in_dim3A_260 = vector.broadcast %broadcast_in_dim3A_259 : i32 to vector<16xi32>
        %gather3A_261 = tpu.vector_load_idx %arg20[%iota3A, %broadcast_in_dim3A_260] : memref<16x16xf32, #tpu.memory_space<vmem>>[vector<16xi32>, vector<16xi32>], vector<16xf32>,
        %add3A_262 = arith.addf %add3A_258, %gather3A_261 : vector<16xf32>
        %broadcast_in_dim3A_263 = arith.constant 7 : i32
        %broadcast_in_dim3A_264 = vector.broadcast %broadcast_in_dim3A_263 : i32 to vector<16xi32>
        %gather3A_265 = tpu.vector_load_idx %arg20[%iota3A, %broadcast_in_dim3A_264] : memref<16x16xf32, #tpu.memory_space<vmem>>[vector<16xi32>, vector<16xi32>], vector<16xf32>,
        %add3A_266 = arith.addf %add3A_262, %gather3A_265 : vector<16xf32>
        %broadcast_in_dim3A_267 = arith.constant 8 : i32
        %broadcast_in_dim3A_268 = vector.broadcast %broadcast_in_dim3A_267 : i32 to vector<16xi32>
        %gather3A_269 = tpu.vector_load_idx %arg20[%iota3A, %broadcast_in_dim3A_268] : memref<16x16xf32, #tpu.memory_space<vmem>>[vector<16xi32>, vector<16xi32>], vector<16xf32>,
        %add3A_270 = arith.addf %add3A_266, %gather3A_269 : vector<16xf32>
        %broadcast_in_dim3A_271 = arith.constant 9 : i32
        %broadcast_in_dim3A_272 = vector.broadcast %broadcast_in_dim3A_271 : i32 to vector<16xi32>
        %gather3A_273 = tpu.vector_load_idx %arg20[%iota3A, %broadcast_in_dim3A_272] : memref<16x16xf32, #tpu.memory_space<vmem>>[vector<16xi32>, vector<16xi32>], vector<16xf32>,
        %add3A_274 = arith.addf %add3A_270, %gather3A_273 : vector<16xf32>
        %broadcast_in_dim3A_275 = arith.constant 10 : i32
        %broadcast_in_dim3A_276 = vector.broadcast %broadcast_in_dim3A_275 : i32 to vector<16xi32>
        %gather3A_277 = tpu.vector_load_idx %arg20[%iota3A, %broadcast_in_dim3A_276] : memref<16x16xf32, #tpu.memory_space<vmem>>[vector<16xi32>, vector<16xi32>], vector<16xf32>,
        %add3A_278 = arith.addf %add3A_274, %gather3A_277 : vector<16xf32>
        %broadcast_in_dim3A_279 = arith.constant 11 : i32
        %broadcast_in_dim3A_280 = vector.broadcast %broadcast_in_dim3A_279 : i32 to vector<16xi32>
        %gather3A_281 = tpu.vector_load_idx %arg20[%iota3A, %broadcast_in_dim3A_280] : memref<16x16xf32, #tpu.memory_space<vmem>>[vector<16xi32>, vector<16xi32>], vector<16xf32>,
        %add3A_282 = arith.addf %add3A_278, %gather3A_281 : vector<16xf32>
        %broadcast_in_dim3A_283 = arith.constant 12 : i32
        %broadcast_in_dim3A_284 = vector.broadcast %broadcast_in_dim3A_283 : i32 to vector<16xi32>
        %gather3A_285 = tpu.vector_load_idx %arg20[%iota3A, %broadcast_in_dim3A_284] : memref<16x16xf32, #tpu.memory_space<vmem>>[vector<16xi32>, vector<16xi32>], vector<16xf32>,
        %add3A_286 = arith.addf %add3A_282, %gather3A_285 : vector<16xf32>
        %broadcast_in_dim3A_287 = arith.constant 13 : i32
        %broadcast_in_dim3A_288 = vector.broadcast %broadcast_in_dim3A_287 : i32 to vector<16xi32>
        %gather3A_289 = tpu.vector_load_idx %arg20[%iota3A, %broadcast_in_dim3A_288] : memref<16x16xf32, #tpu.memory_space<vmem>>[vector<16xi32>, vector<16xi32>], vector<16xf32>,
        %add3A_290 = arith.addf %add3A_286, %gather3A_289 : vector<16xf32>
        %broadcast_in_dim3A_291 = arith.constant 14 : i32
        %broadcast_in_dim3A_292 = vector.broadcast %broadcast_in_dim3A_291 : i32 to vector<16xi32>
        %gather3A_293 = tpu.vector_load_idx %arg20[%iota3A, %broadcast_in_dim3A_292] : memref<16x16xf32, #tpu.memory_space<vmem>>[vector<16xi32>, vector<16xi32>], vector<16xf32>,
        %add3A_294 = arith.addf %add3A_290, %gather3A_293 : vector<16xf32>
        %broadcast_in_dim3A_295 = arith.constant 15 : i32
        %broadcast_in_dim3A_296 = vector.broadcast %broadcast_in_dim3A_295 : i32 to vector<16xi32>
        %gather3A_297 = tpu.vector_load_idx %arg20[%iota3A, %broadcast_in_dim3A_296] : memref<16x16xf32, #tpu.memory_space<vmem>>[vector<16xi32>, vector<16xi32>], vector<16xf32>,
        %add3A_298 = arith.addf %add3A_294, %gather3A_297 : vector<16xf32>
        %exp3A = math.exp %add3A_298 : vector<16xf32>
        %add3A_299 = vector.broadcast %mul3A_180 : i32 to vector<16xi32>
        %add3A_300 = arith.addi %add3A_299, %iota3A : vector<16xi32>
        %lt3A = vector.broadcast %scan3A_141 : i32 to vector<16xi32>
        %lt3A_301 = arith.cmpi slt, %add3A_300, %lt3A : vector<16xi32>
        %sub3A_302 = vector.broadcast %add3A_102 : i32 to vector<16xi32>
        %sub3A_303 = arith.subi %get3A_185, %sub3A_302 : vector<16xi32>
        %jit3A_304 = arith.constant 5000 : i32
        %broadcast_in_dim3A_305 = vector.broadcast %jit3A_304 : i32 to vector<16xi32>
        %select_n3A_306 = arith.select %lt3A_301, %sub3A_303, %broadcast_in_dim3A_305 : vector<16xi1>, vector<16xi32>
        %scan3A_307 = arith.constant 0 : i32
        %scan3A_308 = arith.constant 0 : i32
        %scan3A_309 = arith.constant 16 : i32
        %scan3A_310 = arith.addi %scan3A_308, %scan3A_309 : i32
        %scan3A_311 = arith.constant 1 : i32
        %scan3A_312 = scf.for %scan3A_432 = %scan3A_308 to %scan3A_310 step %scan3A_311 iter_args(%scan3A_433 = %scan3A_307) -> (i32)  : i32 {
          %broadcast_in_dim3A_434 = vector.broadcast %scan3A_432 : i32 to vector<16xi32>
          %lt3A_435 = arith.constant 0 : i32
          %lt3A_436 = vector.broadcast %lt3A_435 : i32 to vector<16xi32>
          %lt3A_437 = arith.cmpi slt, %broadcast_in_dim3A_434, %lt3A_436 : vector<16xi32>
          %add3A_438 = arith.constant 16 : i32
          %add3A_439 = vector.broadcast %add3A_438 : i32 to vector<16xi32>
          %add3A_440 = arith.addi %broadcast_in_dim3A_434, %add3A_439 : vector<16xi32>
          %select_n3A_441 = arith.select %lt3A_437, %add3A_440, %broadcast_in_dim3A_434 : vector<16xi1>, vector<16xi32>
          %reshape3A = vector.shape_cast %select_n3A_441 : vector<16xi32> to vector<16x1xi32>
          %gather3A_442 = vector.shape_cast %reshape3A : vector<16x1xi32> to vector<16xi32>
          %gather3A_443 = tpu.dynamic_gather %exp3A[%gather3A_442] in [0] : vector<16xf32>, vector<16xi32> -> vector<16xf32>
          %get3A_444 = arith.index_cast %scan3A_432 : i32 to index
          %get3A_445 = arith.constant 0 : index
          %get3A_446 = tpu.vector_load %arg13[%get3A_444, %get3A_445] {strides = array<i32>} : memref<16x128xf32, #tpu.memory_space<vmem>>, vector<16xf32>,
          %mul3A_447 = arith.mulf %get3A_446, %gather3A_443 : vector<16xf32>
          %swap3A = arith.index_cast %scan3A_432 : i32 to index
          %swap3A_448 = arith.constant 0 : index
          %swap3A_449 = tpu.vector_load %arg19[%swap3A, %swap3A_448] {strides = array<i32>} : memref<16x144xf32, #tpu.memory_space<vmem>>, vector<16xf32>,
          tpu.vector_store %arg19[%swap3A, %swap3A_448], %mul3A_447 {strides = array<i32>} : memref<16x144xf32, #tpu.memory_space<vmem>>, vector<16xf32>,
          %get3A_450 = arith.index_cast %scan3A_432 : i32 to index
          %get3A_451 = arith.constant 16 : index
          %get3A_452 = tpu.vector_load %arg13[%get3A_450, %get3A_451] {strides = array<i32>} : memref<16x128xf32, #tpu.memory_space<vmem>>, vector<16xf32>,
          %mul3A_453 = arith.mulf %get3A_452, %gather3A_443 : vector<16xf32>
          %swap3A_454 = arith.index_cast %scan3A_432 : i32 to index
          %swap3A_455 = arith.constant 16 : index
          %swap3A_456 = tpu.vector_load %arg19[%swap3A_454, %swap3A_455] {strides = array<i32>} : memref<16x144xf32, #tpu.memory_space<vmem>>, vector<16xf32>,
          tpu.vector_store %arg19[%swap3A_454, %swap3A_455], %mul3A_453 {strides = array<i32>} : memref<16x144xf32, #tpu.memory_space<vmem>>, vector<16xf32>,
          %get3A_457 = arith.index_cast %scan3A_432 : i32 to index
          %get3A_458 = arith.constant 32 : index
          %get3A_459 = tpu.vector_load %arg13[%get3A_457, %get3A_458] {strides = array<i32>} : memref<16x128xf32, #tpu.memory_space<vmem>>, vector<16xf32>,
          %mul3A_460 = arith.mulf %get3A_459, %gather3A_443 : vector<16xf32>
          %swap3A_461 = arith.index_cast %scan3A_432 : i32 to index
          %swap3A_462 = arith.constant 32 : index
          %swap3A_463 = tpu.vector_load %arg19[%swap3A_461, %swap3A_462] {strides = array<i32>} : memref<16x144xf32, #tpu.memory_space<vmem>>, vector<16xf32>,
          tpu.vector_store %arg19[%swap3A_461, %swap3A_462], %mul3A_460 {strides = array<i32>} : memref<16x144xf32, #tpu.memory_space<vmem>>, vector<16xf32>,
          %get3A_464 = arith.index_cast %scan3A_432 : i32 to index
          %get3A_465 = arith.constant 48 : index
          %get3A_466 = tpu.vector_load %arg13[%get3A_464, %get3A_465] {strides = array<i32>} : memref<16x128xf32, #tpu.memory_space<vmem>>, vector<16xf32>,
          %mul3A_467 = arith.mulf %get3A_466, %gather3A_443 : vector<16xf32>
          %swap3A_468 = arith.index_cast %scan3A_432 : i32 to index
          %swap3A_469 = arith.constant 48 : index
          %swap3A_470 = tpu.vector_load %arg19[%swap3A_468, %swap3A_469] {strides = array<i32>} : memref<16x144xf32, #tpu.memory_space<vmem>>, vector<16xf32>,
          tpu.vector_store %arg19[%swap3A_468, %swap3A_469], %mul3A_467 {strides = array<i32>} : memref<16x144xf32, #tpu.memory_space<vmem>>, vector<16xf32>,
          %get3A_471 = arith.index_cast %scan3A_432 : i32 to index
          %get3A_472 = arith.constant 64 : index
          %get3A_473 = tpu.vector_load %arg13[%get3A_471, %get3A_472] {strides = array<i32>} : memref<16x128xf32, #tpu.memory_space<vmem>>, vector<16xf32>,
          %mul3A_474 = arith.mulf %get3A_473, %gather3A_443 : vector<16xf32>
          %swap3A_475 = arith.index_cast %scan3A_432 : i32 to index
          %swap3A_476 = arith.constant 64 : index
          %swap3A_477 = tpu.vector_load %arg19[%swap3A_475, %swap3A_476] {strides = array<i32>} : memref<16x144xf32, #tpu.memory_space<vmem>>, vector<16xf32>,
          tpu.vector_store %arg19[%swap3A_475, %swap3A_476], %mul3A_474 {strides = array<i32>} : memref<16x144xf32, #tpu.memory_space<vmem>>, vector<16xf32>,
          %get3A_478 = arith.index_cast %scan3A_432 : i32 to index
          %get3A_479 = arith.constant 80 : index
          %get3A_480 = tpu.vector_load %arg13[%get3A_478, %get3A_479] {strides = array<i32>} : memref<16x128xf32, #tpu.memory_space<vmem>>, vector<16xf32>,
          %mul3A_481 = arith.mulf %get3A_480, %gather3A_443 : vector<16xf32>
          %swap3A_482 = arith.index_cast %scan3A_432 : i32 to index
          %swap3A_483 = arith.constant 80 : index
          %swap3A_484 = tpu.vector_load %arg19[%swap3A_482, %swap3A_483] {strides = array<i32>} : memref<16x144xf32, #tpu.memory_space<vmem>>, vector<16xf32>,
          tpu.vector_store %arg19[%swap3A_482, %swap3A_483], %mul3A_481 {strides = array<i32>} : memref<16x144xf32, #tpu.memory_space<vmem>>, vector<16xf32>,
          %get3A_485 = arith.index_cast %scan3A_432 : i32 to index
          %get3A_486 = arith.constant 96 : index
          %get3A_487 = tpu.vector_load %arg13[%get3A_485, %get3A_486] {strides = array<i32>} : memref<16x128xf32, #tpu.memory_space<vmem>>, vector<16xf32>,
          %mul3A_488 = arith.mulf %get3A_487, %gather3A_443 : vector<16xf32>
          %swap3A_489 = arith.index_cast %scan3A_432 : i32 to index
          %swap3A_490 = arith.constant 96 : index
          %swap3A_491 = tpu.vector_load %arg19[%swap3A_489, %swap3A_490] {strides = array<i32>} : memref<16x144xf32, #tpu.memory_space<vmem>>, vector<16xf32>,
          tpu.vector_store %arg19[%swap3A_489, %swap3A_490], %mul3A_488 {strides = array<i32>} : memref<16x144xf32, #tpu.memory_space<vmem>>, vector<16xf32>,
          %get3A_492 = arith.index_cast %scan3A_432 : i32 to index
          %get3A_493 = arith.constant 112 : index
          %get3A_494 = tpu.vector_load %arg13[%get3A_492, %get3A_493] {strides = array<i32>} : memref<16x128xf32, #tpu.memory_space<vmem>>, vector<16xf32>,
          %mul3A_495 = arith.mulf %get3A_494, %gather3A_443 : vector<16xf32>
          %swap3A_496 = arith.index_cast %scan3A_432 : i32 to index
          %swap3A_497 = arith.constant 112 : index
          %swap3A_498 = tpu.vector_load %arg19[%swap3A_496, %swap3A_497] {strides = array<i32>} : memref<16x144xf32, #tpu.memory_space<vmem>>, vector<16xf32>,
          tpu.vector_store %arg19[%swap3A_496, %swap3A_497], %mul3A_495 {strides = array<i32>} : memref<16x144xf32, #tpu.memory_space<vmem>>, vector<16xf32>,
          %scan3A_499 = arith.constant 0 : i32
          scf.yield %scan3A_499 : i32
        }
        %scan3A_313 = arith.constant 16 : i32
        %broadcast_in_dim3A_314 = arith.constant 128 : i32
        %broadcast_in_dim3A_315 = vector.broadcast %broadcast_in_dim3A_314 : i32 to vector<16xi32>
        tpu.vector_store_idx %arg19[%iota3A, %broadcast_in_dim3A_315], %exp3A : memref<16x144xf32, #tpu.memory_space<vmem>>[vector<16xi32>, vector<16xi32>], vector<16xf32>,
        %dma_start3A_316 = arith.constant 0 : i32
        %dma_start3A_317 = arith.constant 0 : i32
        %dma_start3A_318 = tpu.memref_slice %arg23[%dma_start3A_316, %dma_start3A_317] : memref<5040x144xf32, #tpu.memory_space<vmem_shared>> -> memref<5040x144xf32, #tpu.memory_space<vmem_shared>>
        tpu.enqueue_indirect_dma source(%arg19 : memref<16x144xf32, #tpu.memory_space<vmem>>) target(%dma_start3A_318 : memref<5040x144xf32, #tpu.memory_space<vmem_shared>>) offsets(%select_n3A_306 : vector<16xi32>) semaphore(%arg25 : memref<!tpu.dma_semaphore, #tpu.memory_space<semaphore_mem>>) {add = true}
        %dma_wait3A_319 = arith.constant 0 : i32
        %dma_wait3A_320 = arith.constant 0 : i32
        %dma_wait3A_321 = tpu.memref_slice %arg23[%dma_wait3A_319, %dma_wait3A_320] : memref<5040x144xf32, #tpu.memory_space<vmem_shared>> -> memref<5040x144xf32, #tpu.memory_space<vmem_shared>>
        tpu.wait_indirect_dma semaphore(%arg25 : memref<!tpu.dma_semaphore, #tpu.memory_space<semaphore_mem>>) src(%arg19 : memref<16x144xf32, #tpu.memory_space<vmem>>) dst(%dma_wait3A_321 : memref<5040x144xf32, #tpu.memory_space<vmem_shared>>)
        %dma_wait3A_322 = arith.constant 0 : i32
        %dma_wait3A_323 = arith.constant 0 : i32
        %dma_wait3A_324 = tpu.memref_slice %arg2[%dma_wait3A_322, %dma_wait3A_323] : memref<10000x128xf32, #tpu.memory_space<hbm>> -> memref<10000x128xf32, #tpu.memory_space<hbm>>
        tpu.wait_indirect_dma semaphore(%arg24 : memref<!tpu.dma_semaphore, #tpu.memory_space<semaphore_mem>>) src(%dma_wait3A_324 : memref<10000x128xf32, #tpu.memory_space<hbm>>) dst(%arg16 : memref<16x128xf32, #tpu.memory_space<vmem>>)
        %dma_wait3A_325 = arith.constant 0 : i32
        %dma_wait3A_326 = arith.constant 0 : i32
        %dma_wait3A_327 = tpu.memref_slice %arg2[%dma_wait3A_325, %dma_wait3A_326] : memref<10000x128xf32, #tpu.memory_space<hbm>> -> memref<10000x128xf32, #tpu.memory_space<hbm>>
        tpu.wait_indirect_dma semaphore(%arg24 : memref<!tpu.dma_semaphore, #tpu.memory_space<semaphore_mem>>) src(%dma_wait3A_327 : memref<10000x128xf32, #tpu.memory_space<hbm>>) dst(%arg17 : memref<16x128xf32, #tpu.memory_space<vmem>>)
        %dma_wait3A_328 = arith.constant 0 : i32
        %dma_wait3A_329 = arith.constant 0 : i32
        %dma_wait3A_330 = tpu.memref_slice %arg3[%dma_wait3A_328, %dma_wait3A_329] : memref<320000x128xf32, #tpu.memory_space<hbm>> -> memref<320000x128xf32, #tpu.memory_space<hbm>>
        tpu.wait_indirect_dma semaphore(%arg24 : memref<!tpu.dma_semaphore, #tpu.memory_space<semaphore_mem>>) src(%dma_wait3A_330 : memref<320000x128xf32, #tpu.memory_space<hbm>>) dst(%arg18 : memref<16x128xf32, #tpu.memory_space<vmem>>)
        %add3A_331 = arith.constant 16 : i32
        %add3A_332 = arith.addi %mul3A_180, %add3A_331 : i32
        %scan3A_333 = arith.constant 0 : i32
        %scan3A_334 = arith.constant 0 : i32
        %scan3A_335 = arith.constant 16 : i32
        %scan3A_336 = arith.addi %scan3A_334, %scan3A_335 : i32
        %scan3A_337 = arith.constant 1 : i32
        %scan3A_338 = scf.for %scan3A_432 = %scan3A_334 to %scan3A_336 step %scan3A_337 iter_args(%scan3A_433 = %scan3A_333) -> (i32)  : i32 {
          %broadcast_in_dim3A_434 = arith.constant 0.000000e+00 : f32
          %broadcast_in_dim3A_435 = vector.broadcast %broadcast_in_dim3A_434 : f32 to vector<16xf32>
          %get3A_436 = arith.index_cast %scan3A_432 : i32 to index
          %get3A_437 = arith.constant 0 : index
          %get3A_438 = tpu.vector_load %arg16[%get3A_436, %get3A_437] {strides = array<i32>} : memref<16x128xf32, #tpu.memory_space<vmem>>, vector<16xf32>,
          %get3A_439 = arith.index_cast %scan3A_432 : i32 to index
          %get3A_440 = arith.constant 0 : index
          %get3A_441 = tpu.vector_load %arg17[%get3A_439, %get3A_440] {strides = array<i32>} : memref<16x128xf32, #tpu.memory_space<vmem>>, vector<16xf32>,
          %add3A_442 = arith.addf %get3A_438, %get3A_441 : vector<16xf32>
          %get3A_443 = arith.index_cast %scan3A_432 : i32 to index
          %get3A_444 = arith.constant 0 : index
          %get3A_445 = tpu.vector_load %arg18[%get3A_443, %get3A_444] {strides = array<i32>} : memref<16x128xf32, #tpu.memory_space<vmem>>, vector<16xf32>,
          %add3A_446 = arith.addf %add3A_442, %get3A_445 : vector<16xf32>
          %gt3A = arith.constant 0.000000e+00 : f32
          %gt3A_447 = vector.broadcast %gt3A : f32 to vector<16xf32>
          %gt3A_448 = arith.cmpf ogt, %add3A_446, %gt3A_447 : vector<16xf32>
          %mul3A_449 = arith.constant 2.000000e-01 : f32
          %mul3A_450 = vector.broadcast %mul3A_449 : f32 to vector<16xf32>
          %mul3A_451 = arith.mulf %add3A_446, %mul3A_450 : vector<16xf32>
          %select_n3A_452 = arith.select %gt3A_448, %add3A_446, %mul3A_451 : vector<16xi1>, vector<16xf32>
          %get3A_453 = arith.constant 0 : index
          %get3A_454 = tpu.vector_load %arg21[%get3A_453] {strides = array<i32>} : memref<128xf32, #tpu.memory_space<vmem>>, vector<16xf32>,
          %mul3A_455 = arith.mulf %select_n3A_452, %get3A_454 : vector<16xf32>
          %add3A_456 = arith.addf %broadcast_in_dim3A_435, %mul3A_455 : vector<16xf32>
          %get3A_457 = arith.index_cast %scan3A_432 : i32 to index
          %get3A_458 = arith.constant 16 : index
          %get3A_459 = tpu.vector_load %arg16[%get3A_457, %get3A_458] {strides = array<i32>} : memref<16x128xf32, #tpu.memory_space<vmem>>, vector<16xf32>,
          %get3A_460 = arith.index_cast %scan3A_432 : i32 to index
          %get3A_461 = arith.constant 16 : index
          %get3A_462 = tpu.vector_load %arg17[%get3A_460, %get3A_461] {strides = array<i32>} : memref<16x128xf32, #tpu.memory_space<vmem>>, vector<16xf32>,
          %add3A_463 = arith.addf %get3A_459, %get3A_462 : vector<16xf32>
          %get3A_464 = arith.index_cast %scan3A_432 : i32 to index
          %get3A_465 = arith.constant 16 : index
          %get3A_466 = tpu.vector_load %arg18[%get3A_464, %get3A_465] {strides = array<i32>} : memref<16x128xf32, #tpu.memory_space<vmem>>, vector<16xf32>,
          %add3A_467 = arith.addf %add3A_463, %get3A_466 : vector<16xf32>
          %gt3A_468 = arith.constant 0.000000e+00 : f32
          %gt3A_469 = vector.broadcast %gt3A_468 : f32 to vector<16xf32>
          %gt3A_470 = arith.cmpf ogt, %add3A_467, %gt3A_469 : vector<16xf32>
          %mul3A_471 = arith.constant 2.000000e-01 : f32
          %mul3A_472 = vector.broadcast %mul3A_471 : f32 to vector<16xf32>
          %mul3A_473 = arith.mulf %add3A_467, %mul3A_472 : vector<16xf32>
          %select_n3A_474 = arith.select %gt3A_470, %add3A_467, %mul3A_473 : vector<16xi1>, vector<16xf32>
          %get3A_475 = arith.constant 16 : index
          %get3A_476 = tpu.vector_load %arg21[%get3A_475] {strides = array<i32>} : memref<128xf32, #tpu.memory_space<vmem>>, vector<16xf32>,
          %mul3A_477 = arith.mulf %select_n3A_474, %get3A_476 : vector<16xf32>
          %add3A_478 = arith.addf %add3A_456, %mul3A_477 : vector<16xf32>
          %get3A_479 = arith.index_cast %scan3A_432 : i32 to index
          %get3A_480 = arith.constant 32 : index
          %get3A_481 = tpu.vector_load %arg16[%get3A_479, %get3A_480] {strides = array<i32>} : memref<16x128xf32, #tpu.memory_space<vmem>>, vector<16xf32>,
          %get3A_482 = arith.index_cast %scan3A_432 : i32 to index
          %get3A_483 = arith.constant 32 : index
          %get3A_484 = tpu.vector_load %arg17[%get3A_482, %get3A_483] {strides = array<i32>} : memref<16x128xf32, #tpu.memory_space<vmem>>, vector<16xf32>,
          %add3A_485 = arith.addf %get3A_481, %get3A_484 : vector<16xf32>
          %get3A_486 = arith.index_cast %scan3A_432 : i32 to index
          %get3A_487 = arith.constant 32 : index
          %get3A_488 = tpu.vector_load %arg18[%get3A_486, %get3A_487] {strides = array<i32>} : memref<16x128xf32, #tpu.memory_space<vmem>>, vector<16xf32>,
          %add3A_489 = arith.addf %add3A_485, %get3A_488 : vector<16xf32>
          %gt3A_490 = arith.constant 0.000000e+00 : f32
          %gt3A_491 = vector.broadcast %gt3A_490 : f32 to vector<16xf32>
          %gt3A_492 = arith.cmpf ogt, %add3A_489, %gt3A_491 : vector<16xf32>
          %mul3A_493 = arith.constant 2.000000e-01 : f32
          %mul3A_494 = vector.broadcast %mul3A_493 : f32 to vector<16xf32>
          %mul3A_495 = arith.mulf %add3A_489, %mul3A_494 : vector<16xf32>
          %select_n3A_496 = arith.select %gt3A_492, %add3A_489, %mul3A_495 : vector<16xi1>, vector<16xf32>
          %get3A_497 = arith.constant 32 : index
          %get3A_498 = tpu.vector_load %arg21[%get3A_497] {strides = array<i32>} : memref<128xf32, #tpu.memory_space<vmem>>, vector<16xf32>,
          %mul3A_499 = arith.mulf %select_n3A_496, %get3A_498 : vector<16xf32>
          %add3A_500 = arith.addf %add3A_478, %mul3A_499 : vector<16xf32>
          %get3A_501 = arith.index_cast %scan3A_432 : i32 to index
          %get3A_502 = arith.constant 48 : index
          %get3A_503 = tpu.vector_load %arg16[%get3A_501, %get3A_502] {strides = array<i32>} : memref<16x128xf32, #tpu.memory_space<vmem>>, vector<16xf32>,
          %get3A_504 = arith.index_cast %scan3A_432 : i32 to index
          %get3A_505 = arith.constant 48 : index
          %get3A_506 = tpu.vector_load %arg17[%get3A_504, %get3A_505] {strides = array<i32>} : memref<16x128xf32, #tpu.memory_space<vmem>>, vector<16xf32>,
          %add3A_507 = arith.addf %get3A_503, %get3A_506 : vector<16xf32>
          %get3A_508 = arith.index_cast %scan3A_432 : i32 to index
          %get3A_509 = arith.constant 48 : index
          %get3A_510 = tpu.vector_load %arg18[%get3A_508, %get3A_509] {strides = array<i32>} : memref<16x128xf32, #tpu.memory_space<vmem>>, vector<16xf32>,
          %add3A_511 = arith.addf %add3A_507, %get3A_510 : vector<16xf32>
          %gt3A_512 = arith.constant 0.000000e+00 : f32
          %gt3A_513 = vector.broadcast %gt3A_512 : f32 to vector<16xf32>
          %gt3A_514 = arith.cmpf ogt, %add3A_511, %gt3A_513 : vector<16xf32>
          %mul3A_515 = arith.constant 2.000000e-01 : f32
          %mul3A_516 = vector.broadcast %mul3A_515 : f32 to vector<16xf32>
          %mul3A_517 = arith.mulf %add3A_511, %mul3A_516 : vector<16xf32>
          %select_n3A_518 = arith.select %gt3A_514, %add3A_511, %mul3A_517 : vector<16xi1>, vector<16xf32>
          %get3A_519 = arith.constant 48 : index
          %get3A_520 = tpu.vector_load %arg21[%get3A_519] {strides = array<i32>} : memref<128xf32, #tpu.memory_space<vmem>>, vector<16xf32>,
          %mul3A_521 = arith.mulf %select_n3A_518, %get3A_520 : vector<16xf32>
          %add3A_522 = arith.addf %add3A_500, %mul3A_521 : vector<16xf32>
          %get3A_523 = arith.index_cast %scan3A_432 : i32 to index
          %get3A_524 = arith.constant 64 : index
          %get3A_525 = tpu.vector_load %arg16[%get3A_523, %get3A_524] {strides = array<i32>} : memref<16x128xf32, #tpu.memory_space<vmem>>, vector<16xf32>,
          %get3A_526 = arith.index_cast %scan3A_432 : i32 to index
          %get3A_527 = arith.constant 64 : index
          %get3A_528 = tpu.vector_load %arg17[%get3A_526, %get3A_527] {strides = array<i32>} : memref<16x128xf32, #tpu.memory_space<vmem>>, vector<16xf32>,
          %add3A_529 = arith.addf %get3A_525, %get3A_528 : vector<16xf32>
          %get3A_530 = arith.index_cast %scan3A_432 : i32 to index
          %get3A_531 = arith.constant 64 : index
          %get3A_532 = tpu.vector_load %arg18[%get3A_530, %get3A_531] {strides = array<i32>} : memref<16x128xf32, #tpu.memory_space<vmem>>, vector<16xf32>,
          %add3A_533 = arith.addf %add3A_529, %get3A_532 : vector<16xf32>
          %gt3A_534 = arith.constant 0.000000e+00 : f32
          %gt3A_535 = vector.broadcast %gt3A_534 : f32 to vector<16xf32>
          %gt3A_536 = arith.cmpf ogt, %add3A_533, %gt3A_535 : vector<16xf32>
          %mul3A_537 = arith.constant 2.000000e-01 : f32
          %mul3A_538 = vector.broadcast %mul3A_537 : f32 to vector<16xf32>
          %mul3A_539 = arith.mulf %add3A_533, %mul3A_538 : vector<16xf32>
          %select_n3A_540 = arith.select %gt3A_536, %add3A_533, %mul3A_539 : vector<16xi1>, vector<16xf32>
          %get3A_541 = arith.constant 64 : index
          %get3A_542 = tpu.vector_load %arg21[%get3A_541] {strides = array<i32>} : memref<128xf32, #tpu.memory_space<vmem>>, vector<16xf32>,
          %mul3A_543 = arith.mulf %select_n3A_540, %get3A_542 : vector<16xf32>
          %add3A_544 = arith.addf %add3A_522, %mul3A_543 : vector<16xf32>
          %get3A_545 = arith.index_cast %scan3A_432 : i32 to index
          %get3A_546 = arith.constant 80 : index
          %get3A_547 = tpu.vector_load %arg16[%get3A_545, %get3A_546] {strides = array<i32>} : memref<16x128xf32, #tpu.memory_space<vmem>>, vector<16xf32>,
          %get3A_548 = arith.index_cast %scan3A_432 : i32 to index
          %get3A_549 = arith.constant 80 : index
          %get3A_550 = tpu.vector_load %arg17[%get3A_548, %get3A_549] {strides = array<i32>} : memref<16x128xf32, #tpu.memory_space<vmem>>, vector<16xf32>,
          %add3A_551 = arith.addf %get3A_547, %get3A_550 : vector<16xf32>
          %get3A_552 = arith.index_cast %scan3A_432 : i32 to index
          %get3A_553 = arith.constant 80 : index
          %get3A_554 = tpu.vector_load %arg18[%get3A_552, %get3A_553] {strides = array<i32>} : memref<16x128xf32, #tpu.memory_space<vmem>>, vector<16xf32>,
          %add3A_555 = arith.addf %add3A_551, %get3A_554 : vector<16xf32>
          %gt3A_556 = arith.constant 0.000000e+00 : f32
          %gt3A_557 = vector.broadcast %gt3A_556 : f32 to vector<16xf32>
          %gt3A_558 = arith.cmpf ogt, %add3A_555, %gt3A_557 : vector<16xf32>
          %mul3A_559 = arith.constant 2.000000e-01 : f32
          %mul3A_560 = vector.broadcast %mul3A_559 : f32 to vector<16xf32>
          %mul3A_561 = arith.mulf %add3A_555, %mul3A_560 : vector<16xf32>
          %select_n3A_562 = arith.select %gt3A_558, %add3A_555, %mul3A_561 : vector<16xi1>, vector<16xf32>
          %get3A_563 = arith.constant 80 : index
          %get3A_564 = tpu.vector_load %arg21[%get3A_563] {strides = array<i32>} : memref<128xf32, #tpu.memory_space<vmem>>, vector<16xf32>,
          %mul3A_565 = arith.mulf %select_n3A_562, %get3A_564 : vector<16xf32>
          %add3A_566 = arith.addf %add3A_544, %mul3A_565 : vector<16xf32>
          %get3A_567 = arith.index_cast %scan3A_432 : i32 to index
          %get3A_568 = arith.constant 96 : index
          %get3A_569 = tpu.vector_load %arg16[%get3A_567, %get3A_568] {strides = array<i32>} : memref<16x128xf32, #tpu.memory_space<vmem>>, vector<16xf32>,
          %get3A_570 = arith.index_cast %scan3A_432 : i32 to index
          %get3A_571 = arith.constant 96 : index
          %get3A_572 = tpu.vector_load %arg17[%get3A_570, %get3A_571] {strides = array<i32>} : memref<16x128xf32, #tpu.memory_space<vmem>>, vector<16xf32>,
          %add3A_573 = arith.addf %get3A_569, %get3A_572 : vector<16xf32>
          %get3A_574 = arith.index_cast %scan3A_432 : i32 to index
          %get3A_575 = arith.constant 96 : index
          %get3A_576 = tpu.vector_load %arg18[%get3A_574, %get3A_575] {strides = array<i32>} : memref<16x128xf32, #tpu.memory_space<vmem>>, vector<16xf32>,
          %add3A_577 = arith.addf %add3A_573, %get3A_576 : vector<16xf32>
          %gt3A_578 = arith.constant 0.000000e+00 : f32
          %gt3A_579 = vector.broadcast %gt3A_578 : f32 to vector<16xf32>
          %gt3A_580 = arith.cmpf ogt, %add3A_577, %gt3A_579 : vector<16xf32>
          %mul3A_581 = arith.constant 2.000000e-01 : f32
          %mul3A_582 = vector.broadcast %mul3A_581 : f32 to vector<16xf32>
          %mul3A_583 = arith.mulf %add3A_577, %mul3A_582 : vector<16xf32>
          %select_n3A_584 = arith.select %gt3A_580, %add3A_577, %mul3A_583 : vector<16xi1>, vector<16xf32>
          %get3A_585 = arith.constant 96 : index
          %get3A_586 = tpu.vector_load %arg21[%get3A_585] {strides = array<i32>} : memref<128xf32, #tpu.memory_space<vmem>>, vector<16xf32>,
          %mul3A_587 = arith.mulf %select_n3A_584, %get3A_586 : vector<16xf32>
          %add3A_588 = arith.addf %add3A_566, %mul3A_587 : vector<16xf32>
          %get3A_589 = arith.index_cast %scan3A_432 : i32 to index
          %get3A_590 = arith.constant 112 : index
          %get3A_591 = tpu.vector_load %arg16[%get3A_589, %get3A_590] {strides = array<i32>} : memref<16x128xf32, #tpu.memory_space<vmem>>, vector<16xf32>,
          %get3A_592 = arith.index_cast %scan3A_432 : i32 to index
          %get3A_593 = arith.constant 112 : index
          %get3A_594 = tpu.vector_load %arg17[%get3A_592, %get3A_593] {strides = array<i32>} : memref<16x128xf32, #tpu.memory_space<vmem>>, vector<16xf32>,
          %add3A_595 = arith.addf %get3A_591, %get3A_594 : vector<16xf32>
          %get3A_596 = arith.index_cast %scan3A_432 : i32 to index
          %get3A_597 = arith.constant 112 : index
          %get3A_598 = tpu.vector_load %arg18[%get3A_596, %get3A_597] {strides = array<i32>} : memref<16x128xf32, #tpu.memory_space<vmem>>, vector<16xf32>,
          %add3A_599 = arith.addf %add3A_595, %get3A_598 : vector<16xf32>
          %gt3A_600 = arith.constant 0.000000e+00 : f32
          %gt3A_601 = vector.broadcast %gt3A_600 : f32 to vector<16xf32>
          %gt3A_602 = arith.cmpf ogt, %add3A_599, %gt3A_601 : vector<16xf32>
          %mul3A_603 = arith.constant 2.000000e-01 : f32
          %mul3A_604 = vector.broadcast %mul3A_603 : f32 to vector<16xf32>
          %mul3A_605 = arith.mulf %add3A_599, %mul3A_604 : vector<16xf32>
          %select_n3A_606 = arith.select %gt3A_602, %add3A_599, %mul3A_605 : vector<16xi1>, vector<16xf32>
          %get3A_607 = arith.constant 112 : index
          %get3A_608 = tpu.vector_load %arg21[%get3A_607] {strides = array<i32>} : memref<128xf32, #tpu.memory_space<vmem>>, vector<16xf32>,
          %mul3A_609 = arith.mulf %select_n3A_606, %get3A_608 : vector<16xf32>
          %add3A_610 = arith.addf %add3A_588, %mul3A_609 : vector<16xf32>
          %swap3A = arith.index_cast %scan3A_432 : i32 to index
          %swap3A_611 = arith.constant 0 : index
          %swap3A_612 = tpu.vector_load %arg20[%swap3A, %swap3A_611] {strides = array<i32>} : memref<16x16xf32, #tpu.memory_space<vmem>>, vector<16xf32>,
          tpu.vector_store %arg20[%swap3A, %swap3A_611], %add3A_610 {strides = array<i32>} : memref<16x16xf32, #tpu.memory_space<vmem>>, vector<16xf32>,
          %scan3A_613 = arith.constant 0 : i32
          scf.yield %scan3A_613 : i32
        }
        %scan3A_339 = arith.constant 16 : i32
        %broadcast_in_dim3A_340 = arith.constant 0.000000e+00 : f32
        %broadcast_in_dim3A_341 = vector.broadcast %broadcast_in_dim3A_340 : f32 to vector<16xf32>
        %broadcast_in_dim3A_342 = arith.constant 0 : i32
        %broadcast_in_dim3A_343 = vector.broadcast %broadcast_in_dim3A_342 : i32 to vector<16xi32>
        %gather3A_344 = tpu.vector_load_idx %arg20[%iota3A, %broadcast_in_dim3A_343] : memref<16x16xf32, #tpu.memory_space<vmem>>[vector<16xi32>, vector<16xi32>], vector<16xf32>,
        %add3A_345 = arith.addf %broadcast_in_dim3A_341, %gather3A_344 : vector<16xf32>
        %broadcast_in_dim3A_346 = arith.constant 1 : i32
        %broadcast_in_dim3A_347 = vector.broadcast %broadcast_in_dim3A_346 : i32 to vector<16xi32>
        %gather3A_348 = tpu.vector_load_idx %arg20[%iota3A, %broadcast_in_dim3A_347] : memref<16x16xf32, #tpu.memory_space<vmem>>[vector<16xi32>, vector<16xi32>], vector<16xf32>,
        %add3A_349 = arith.addf %add3A_345, %gather3A_348 : vector<16xf32>
        %broadcast_in_dim3A_350 = arith.constant 2 : i32
        %broadcast_in_dim3A_351 = vector.broadcast %broadcast_in_dim3A_350 : i32 to vector<16xi32>
        %gather3A_352 = tpu.vector_load_idx %arg20[%iota3A, %broadcast_in_dim3A_351] : memref<16x16xf32, #tpu.memory_space<vmem>>[vector<16xi32>, vector<16xi32>], vector<16xf32>,
        %add3A_353 = arith.addf %add3A_349, %gather3A_352 : vector<16xf32>
        %broadcast_in_dim3A_354 = arith.constant 3 : i32
        %broadcast_in_dim3A_355 = vector.broadcast %broadcast_in_dim3A_354 : i32 to vector<16xi32>
        %gather3A_356 = tpu.vector_load_idx %arg20[%iota3A, %broadcast_in_dim3A_355] : memref<16x16xf32, #tpu.memory_space<vmem>>[vector<16xi32>, vector<16xi32>], vector<16xf32>,
        %add3A_357 = arith.addf %add3A_353, %gather3A_356 : vector<16xf32>
        %broadcast_in_dim3A_358 = arith.constant 4 : i32
        %broadcast_in_dim3A_359 = vector.broadcast %broadcast_in_dim3A_358 : i32 to vector<16xi32>
        %gather3A_360 = tpu.vector_load_idx %arg20[%iota3A, %broadcast_in_dim3A_359] : memref<16x16xf32, #tpu.memory_space<vmem>>[vector<16xi32>, vector<16xi32>], vector<16xf32>,
        %add3A_361 = arith.addf %add3A_357, %gather3A_360 : vector<16xf32>
        %broadcast_in_dim3A_362 = arith.constant 5 : i32
        %broadcast_in_dim3A_363 = vector.broadcast %broadcast_in_dim3A_362 : i32 to vector<16xi32>
        %gather3A_364 = tpu.vector_load_idx %arg20[%iota3A, %broadcast_in_dim3A_363] : memref<16x16xf32, #tpu.memory_space<vmem>>[vector<16xi32>, vector<16xi32>], vector<16xf32>,
        %add3A_365 = arith.addf %add3A_361, %gather3A_364 : vector<16xf32>
        %broadcast_in_dim3A_366 = arith.constant 6 : i32
        %broadcast_in_dim3A_367 = vector.broadcast %broadcast_in_dim3A_366 : i32 to vector<16xi32>
        %gather3A_368 = tpu.vector_load_idx %arg20[%iota3A, %broadcast_in_dim3A_367] : memref<16x16xf32, #tpu.memory_space<vmem>>[vector<16xi32>, vector<16xi32>], vector<16xf32>,
        %add3A_369 = arith.addf %add3A_365, %gather3A_368 : vector<16xf32>
        %broadcast_in_dim3A_370 = arith.constant 7 : i32
        %broadcast_in_dim3A_371 = vector.broadcast %broadcast_in_dim3A_370 : i32 to vector<16xi32>
        %gather3A_372 = tpu.vector_load_idx %arg20[%iota3A, %broadcast_in_dim3A_371] : memref<16x16xf32, #tpu.memory_space<vmem>>[vector<16xi32>, vector<16xi32>], vector<16xf32>,
        %add3A_373 = arith.addf %add3A_369, %gather3A_372 : vector<16xf32>
        %broadcast_in_dim3A_374 = arith.constant 8 : i32
        %broadcast_in_dim3A_375 = vector.broadcast %broadcast_in_dim3A_374 : i32 to vector<16xi32>
        %gather3A_376 = tpu.vector_load_idx %arg20[%iota3A, %broadcast_in_dim3A_375] : memref<16x16xf32, #tpu.memory_space<vmem>>[vector<16xi32>, vector<16xi32>], vector<16xf32>,
        %add3A_377 = arith.addf %add3A_373, %gather3A_376 : vector<16xf32>
        %broadcast_in_dim3A_378 = arith.constant 9 : i32
        %broadcast_in_dim3A_379 = vector.broadcast %broadcast_in_dim3A_378 : i32 to vector<16xi32>
        %gather3A_380 = tpu.vector_load_idx %arg20[%iota3A, %broadcast_in_dim3A_379] : memref<16x16xf32, #tpu.memory_space<vmem>>[vector<16xi32>, vector<16xi32>], vector<16xf32>,
        %add3A_381 = arith.addf %add3A_377, %gather3A_380 : vector<16xf32>
        %broadcast_in_dim3A_382 = arith.constant 10 : i32
        %broadcast_in_dim3A_383 = vector.broadcast %broadcast_in_dim3A_382 : i32 to vector<16xi32>
        %gather3A_384 = tpu.vector_load_idx %arg20[%iota3A, %broadcast_in_dim3A_383] : memref<16x16xf32, #tpu.memory_space<vmem>>[vector<16xi32>, vector<16xi32>], vector<16xf32>,
        %add3A_385 = arith.addf %add3A_381, %gather3A_384 : vector<16xf32>
        %broadcast_in_dim3A_386 = arith.constant 11 : i32
        %broadcast_in_dim3A_387 = vector.broadcast %broadcast_in_dim3A_386 : i32 to vector<16xi32>
        %gather3A_388 = tpu.vector_load_idx %arg20[%iota3A, %broadcast_in_dim3A_387] : memref<16x16xf32, #tpu.memory_space<vmem>>[vector<16xi32>, vector<16xi32>], vector<16xf32>,
        %add3A_389 = arith.addf %add3A_385, %gather3A_388 : vector<16xf32>
        %broadcast_in_dim3A_390 = arith.constant 12 : i32
        %broadcast_in_dim3A_391 = vector.broadcast %broadcast_in_dim3A_390 : i32 to vector<16xi32>
        %gather3A_392 = tpu.vector_load_idx %arg20[%iota3A, %broadcast_in_dim3A_391] : memref<16x16xf32, #tpu.memory_space<vmem>>[vector<16xi32>, vector<16xi32>], vector<16xf32>,
        %add3A_393 = arith.addf %add3A_389, %gather3A_392 : vector<16xf32>
        %broadcast_in_dim3A_394 = arith.constant 13 : i32
        %broadcast_in_dim3A_395 = vector.broadcast %broadcast_in_dim3A_394 : i32 to vector<16xi32>
        %gather3A_396 = tpu.vector_load_idx %arg20[%iota3A, %broadcast_in_dim3A_395] : memref<16x16xf32, #tpu.memory_space<vmem>>[vector<16xi32>, vector<16xi32>], vector<16xf32>,
        %add3A_397 = arith.addf %add3A_393, %gather3A_396 : vector<16xf32>
        %broadcast_in_dim3A_398 = arith.constant 14 : i32
        %broadcast_in_dim3A_399 = vector.broadcast %broadcast_in_dim3A_398 : i32 to vector<16xi32>
        %gather3A_400 = tpu.vector_load_idx %arg20[%iota3A, %broadcast_in_dim3A_399] : memref<16x16xf32, #tpu.memory_space<vmem>>[vector<16xi32>, vector<16xi32>], vector<16xf32>,
        %add3A_401 = arith.addf %add3A_397, %gather3A_400 : vector<16xf32>
        %broadcast_in_dim3A_402 = arith.constant 15 : i32
        %broadcast_in_dim3A_403 = vector.broadcast %broadcast_in_dim3A_402 : i32 to vector<16xi32>
        %gather3A_404 = tpu.vector_load_idx %arg20[%iota3A, %broadcast_in_dim3A_403] : memref<16x16xf32, #tpu.memory_space<vmem>>[vector<16xi32>, vector<16xi32>], vector<16xf32>,
        %add3A_405 = arith.addf %add3A_401, %gather3A_404 : vector<16xf32>
        %exp3A_406 = math.exp %add3A_405 : vector<16xf32>
        %add3A_407 = vector.broadcast %add3A_332 : i32 to vector<16xi32>
        %add3A_408 = arith.addi %add3A_407, %iota3A : vector<16xi32>
        %lt3A_409 = vector.broadcast %scan3A_141 : i32 to vector<16xi32>
        %lt3A_410 = arith.cmpi slt, %add3A_408, %lt3A_409 : vector<16xi32>
        %sub3A_411 = vector.broadcast %add3A_102 : i32 to vector<16xi32>
        %sub3A_412 = arith.subi %get3A_197, %sub3A_411 : vector<16xi32>
        %jit3A_413 = arith.constant 5000 : i32
        %broadcast_in_dim3A_414 = vector.broadcast %jit3A_413 : i32 to vector<16xi32>
        %select_n3A_415 = arith.select %lt3A_410, %sub3A_412, %broadcast_in_dim3A_414 : vector<16xi1>, vector<16xi32>
        %scan3A_416 = arith.constant 0 : i32
        %scan3A_417 = arith.constant 0 : i32
        %scan3A_418 = arith.constant 16 : i32
        %scan3A_419 = arith.addi %scan3A_417, %scan3A_418 : i32
        %scan3A_420 = arith.constant 1 : i32
        %scan3A_421 = scf.for %scan3A_432 = %scan3A_417 to %scan3A_419 step %scan3A_420 iter_args(%scan3A_433 = %scan3A_416) -> (i32)  : i32 {
          %broadcast_in_dim3A_434 = vector.broadcast %scan3A_432 : i32 to vector<16xi32>
          %lt3A_435 = arith.constant 0 : i32
          %lt3A_436 = vector.broadcast %lt3A_435 : i32 to vector<16xi32>
          %lt3A_437 = arith.cmpi slt, %broadcast_in_dim3A_434, %lt3A_436 : vector<16xi32>
          %add3A_438 = arith.constant 16 : i32
          %add3A_439 = vector.broadcast %add3A_438 : i32 to vector<16xi32>
          %add3A_440 = arith.addi %broadcast_in_dim3A_434, %add3A_439 : vector<16xi32>
          %select_n3A_441 = arith.select %lt3A_437, %add3A_440, %broadcast_in_dim3A_434 : vector<16xi1>, vector<16xi32>
          %reshape3A = vector.shape_cast %select_n3A_441 : vector<16xi32> to vector<16x1xi32>
          %gather3A_442 = vector.shape_cast %reshape3A : vector<16x1xi32> to vector<16xi32>
          %gather3A_443 = tpu.dynamic_gather %exp3A_406[%gather3A_442] in [0] : vector<16xf32>, vector<16xi32> -> vector<16xf32>
          %get3A_444 = arith.index_cast %scan3A_432 : i32 to index
          %get3A_445 = arith.constant 0 : index
          %get3A_446 = tpu.vector_load %arg16[%get3A_444, %get3A_445] {strides = array<i32>} : memref<16x128xf32, #tpu.memory_space<vmem>>, vector<16xf32>,
          %mul3A_447 = arith.mulf %get3A_446, %gather3A_443 : vector<16xf32>
          %swap3A = arith.index_cast %scan3A_432 : i32 to index
          %swap3A_448 = arith.constant 0 : index
          %swap3A_449 = tpu.vector_load %arg19[%swap3A, %swap3A_448] {strides = array<i32>} : memref<16x144xf32, #tpu.memory_space<vmem>>, vector<16xf32>,
          tpu.vector_store %arg19[%swap3A, %swap3A_448], %mul3A_447 {strides = array<i32>} : memref<16x144xf32, #tpu.memory_space<vmem>>, vector<16xf32>,
          %get3A_450 = arith.index_cast %scan3A_432 : i32 to index
          %get3A_451 = arith.constant 16 : index
          %get3A_452 = tpu.vector_load %arg16[%get3A_450, %get3A_451] {strides = array<i32>} : memref<16x128xf32, #tpu.memory_space<vmem>>, vector<16xf32>,
          %mul3A_453 = arith.mulf %get3A_452, %gather3A_443 : vector<16xf32>
          %swap3A_454 = arith.index_cast %scan3A_432 : i32 to index
          %swap3A_455 = arith.constant 16 : index
          %swap3A_456 = tpu.vector_load %arg19[%swap3A_454, %swap3A_455] {strides = array<i32>} : memref<16x144xf32, #tpu.memory_space<vmem>>, vector<16xf32>,
          tpu.vector_store %arg19[%swap3A_454, %swap3A_455], %mul3A_453 {strides = array<i32>} : memref<16x144xf32, #tpu.memory_space<vmem>>, vector<16xf32>,
          %get3A_457 = arith.index_cast %scan3A_432 : i32 to index
          %get3A_458 = arith.constant 32 : index
          %get3A_459 = tpu.vector_load %arg16[%get3A_457, %get3A_458] {strides = array<i32>} : memref<16x128xf32, #tpu.memory_space<vmem>>, vector<16xf32>,
          %mul3A_460 = arith.mulf %get3A_459, %gather3A_443 : vector<16xf32>
          %swap3A_461 = arith.index_cast %scan3A_432 : i32 to index
          %swap3A_462 = arith.constant 32 : index
          %swap3A_463 = tpu.vector_load %arg19[%swap3A_461, %swap3A_462] {strides = array<i32>} : memref<16x144xf32, #tpu.memory_space<vmem>>, vector<16xf32>,
          tpu.vector_store %arg19[%swap3A_461, %swap3A_462], %mul3A_460 {strides = array<i32>} : memref<16x144xf32, #tpu.memory_space<vmem>>, vector<16xf32>,
          %get3A_464 = arith.index_cast %scan3A_432 : i32 to index
          %get3A_465 = arith.constant 48 : index
          %get3A_466 = tpu.vector_load %arg16[%get3A_464, %get3A_465] {strides = array<i32>} : memref<16x128xf32, #tpu.memory_space<vmem>>, vector<16xf32>,
          %mul3A_467 = arith.mulf %get3A_466, %gather3A_443 : vector<16xf32>
          %swap3A_468 = arith.index_cast %scan3A_432 : i32 to index
          %swap3A_469 = arith.constant 48 : index
          %swap3A_470 = tpu.vector_load %arg19[%swap3A_468, %swap3A_469] {strides = array<i32>} : memref<16x144xf32, #tpu.memory_space<vmem>>, vector<16xf32>,
          tpu.vector_store %arg19[%swap3A_468, %swap3A_469], %mul3A_467 {strides = array<i32>} : memref<16x144xf32, #tpu.memory_space<vmem>>, vector<16xf32>,
          %get3A_471 = arith.index_cast %scan3A_432 : i32 to index
          %get3A_472 = arith.constant 64 : index
          %get3A_473 = tpu.vector_load %arg16[%get3A_471, %get3A_472] {strides = array<i32>} : memref<16x128xf32, #tpu.memory_space<vmem>>, vector<16xf32>,
          %mul3A_474 = arith.mulf %get3A_473, %gather3A_443 : vector<16xf32>
          %swap3A_475 = arith.index_cast %scan3A_432 : i32 to index
          %swap3A_476 = arith.constant 64 : index
          %swap3A_477 = tpu.vector_load %arg19[%swap3A_475, %swap3A_476] {strides = array<i32>} : memref<16x144xf32, #tpu.memory_space<vmem>>, vector<16xf32>,
          tpu.vector_store %arg19[%swap3A_475, %swap3A_476], %mul3A_474 {strides = array<i32>} : memref<16x144xf32, #tpu.memory_space<vmem>>, vector<16xf32>,
          %get3A_478 = arith.index_cast %scan3A_432 : i32 to index
          %get3A_479 = arith.constant 80 : index
          %get3A_480 = tpu.vector_load %arg16[%get3A_478, %get3A_479] {strides = array<i32>} : memref<16x128xf32, #tpu.memory_space<vmem>>, vector<16xf32>,
          %mul3A_481 = arith.mulf %get3A_480, %gather3A_443 : vector<16xf32>
          %swap3A_482 = arith.index_cast %scan3A_432 : i32 to index
          %swap3A_483 = arith.constant 80 : index
          %swap3A_484 = tpu.vector_load %arg19[%swap3A_482, %swap3A_483] {strides = array<i32>} : memref<16x144xf32, #tpu.memory_space<vmem>>, vector<16xf32>,
          tpu.vector_store %arg19[%swap3A_482, %swap3A_483], %mul3A_481 {strides = array<i32>} : memref<16x144xf32, #tpu.memory_space<vmem>>, vector<16xf32>,
          %get3A_485 = arith.index_cast %scan3A_432 : i32 to index
          %get3A_486 = arith.constant 96 : index
          %get3A_487 = tpu.vector_load %arg16[%get3A_485, %get3A_486] {strides = array<i32>} : memref<16x128xf32, #tpu.memory_space<vmem>>, vector<16xf32>,
          %mul3A_488 = arith.mulf %get3A_487, %gather3A_443 : vector<16xf32>
          %swap3A_489 = arith.index_cast %scan3A_432 : i32 to index
          %swap3A_490 = arith.constant 96 : index
          %swap3A_491 = tpu.vector_load %arg19[%swap3A_489, %swap3A_490] {strides = array<i32>} : memref<16x144xf32, #tpu.memory_space<vmem>>, vector<16xf32>,
          tpu.vector_store %arg19[%swap3A_489, %swap3A_490], %mul3A_488 {strides = array<i32>} : memref<16x144xf32, #tpu.memory_space<vmem>>, vector<16xf32>,
          %get3A_492 = arith.index_cast %scan3A_432 : i32 to index
          %get3A_493 = arith.constant 112 : index
          %get3A_494 = tpu.vector_load %arg16[%get3A_492, %get3A_493] {strides = array<i32>} : memref<16x128xf32, #tpu.memory_space<vmem>>, vector<16xf32>,
          %mul3A_495 = arith.mulf %get3A_494, %gather3A_443 : vector<16xf32>
          %swap3A_496 = arith.index_cast %scan3A_432 : i32 to index
          %swap3A_497 = arith.constant 112 : index
          %swap3A_498 = tpu.vector_load %arg19[%swap3A_496, %swap3A_497] {strides = array<i32>} : memref<16x144xf32, #tpu.memory_space<vmem>>, vector<16xf32>,
          tpu.vector_store %arg19[%swap3A_496, %swap3A_497], %mul3A_495 {strides = array<i32>} : memref<16x144xf32, #tpu.memory_space<vmem>>, vector<16xf32>,
          %scan3A_499 = arith.constant 0 : i32
          scf.yield %scan3A_499 : i32
        }
        %scan3A_422 = arith.constant 16 : i32
        %broadcast_in_dim3A_423 = arith.constant 128 : i32
        %broadcast_in_dim3A_424 = vector.broadcast %broadcast_in_dim3A_423 : i32 to vector<16xi32>
        tpu.vector_store_idx %arg19[%iota3A, %broadcast_in_dim3A_424], %exp3A_406 : memref<16x144xf32, #tpu.memory_space<vmem>>[vector<16xi32>, vector<16xi32>], vector<16xf32>,
        %dma_start3A_425 = arith.constant 0 : i32
        %dma_start3A_426 = arith.constant 0 : i32
        %dma_start3A_427 = tpu.memref_slice %arg23[%dma_start3A_425, %dma_start3A_426] : memref<5040x144xf32, #tpu.memory_space<vmem_shared>> -> memref<5040x144xf32, #tpu.memory_space<vmem_shared>>
        tpu.enqueue_indirect_dma source(%arg19 : memref<16x144xf32, #tpu.memory_space<vmem>>) target(%dma_start3A_427 : memref<5040x144xf32, #tpu.memory_space<vmem_shared>>) offsets(%select_n3A_415 : vector<16xi32>) semaphore(%arg25 : memref<!tpu.dma_semaphore, #tpu.memory_space<semaphore_mem>>) {add = true}
        %dma_wait3A_428 = arith.constant 0 : i32
        %dma_wait3A_429 = arith.constant 0 : i32
        %dma_wait3A_430 = tpu.memref_slice %arg23[%dma_wait3A_428, %dma_wait3A_429] : memref<5040x144xf32, #tpu.memory_space<vmem_shared>> -> memref<5040x144xf32, #tpu.memory_space<vmem_shared>>
        tpu.wait_indirect_dma semaphore(%arg25 : memref<!tpu.dma_semaphore, #tpu.memory_space<semaphore_mem>>) src(%arg19 : memref<16x144xf32, #tpu.memory_space<vmem>>) dst(%dma_wait3A_430 : memref<5040x144xf32, #tpu.memory_space<vmem_shared>>)
        %while3A_431 = arith.constant 0 : i32
        scf.yield %while3A_431 : i32
      }
      %while3A_172 = arith.constant 1 : i32
      %while3A_173 = scf.for %while3A_175 = %while3A_169 to %while3A_165 step %while3A_172 iter_args(%while3A_176 = %while3A_171) -> (i32)  : i32 {
        %mul3A_177 = arith.constant 2 : i32
        %mul3A_178 = arith.muli %while3A_175, %mul3A_177 : i32
        %mul3A_179 = arith.constant 16 : i32
        %mul3A_180 = arith.muli %mul3A_178, %mul3A_179 : i32
        %get3A = arith.index_cast %mul3A_180 : i32 to index
        %get3A_181 = tpu.vector_load %arg10[%get3A] {strides = array<i32>} : memref<4016xi32, #tpu.memory_space<vmem>>, vector<16xi32>,
        %get3A_182 = arith.index_cast %mul3A_180 : i32 to index
        %get3A_183 = tpu.vector_load %arg11[%get3A_182] {strides = array<i32>} : memref<4016xi32, #tpu.memory_space<vmem>>, vector<16xi32>,
        %get3A_184 = arith.index_cast %mul3A_180 : i32 to index
        %get3A_185 = tpu.vector_load %arg12[%get3A_184] {strides = array<i32>} : memref<4016xi32, #tpu.memory_space<vmem>>, vector<16xi32>,
        %add3A_186 = arith.constant 16 : i32
        %add3A_187 = arith.addi %mul3A_180, %add3A_186 : i32
        %get3A_188 = arith.index_cast %add3A_187 : i32 to index
        %get3A_189 = tpu.vector_load %arg10[%get3A_188] {strides = array<i32>} : memref<4016xi32, #tpu.memory_space<vmem>>, vector<16xi32>,
        %add3A_190 = arith.constant 16 : i32
        %add3A_191 = arith.addi %mul3A_180, %add3A_190 : i32
        %get3A_192 = arith.index_cast %add3A_191 : i32 to index
        %get3A_193 = tpu.vector_load %arg11[%get3A_192] {strides = array<i32>} : memref<4016xi32, #tpu.memory_space<vmem>>, vector<16xi32>,
        %add3A_194 = arith.constant 16 : i32
        %add3A_195 = arith.addi %mul3A_180, %add3A_194 : i32
        %get3A_196 = arith.index_cast %add3A_195 : i32 to index
        %get3A_197 = tpu.vector_load %arg12[%get3A_196] {strides = array<i32>} : memref<4016xi32, #tpu.memory_space<vmem>>, vector<16xi32>,
        %dma_start3A = arith.constant 0 : i32
        %dma_start3A_198 = arith.constant 0 : i32
        %dma_start3A_199 = tpu.memref_slice %arg2[%dma_start3A, %dma_start3A_198] : memref<10000x128xf32, #tpu.memory_space<hbm>> -> memref<10000x128xf32, #tpu.memory_space<hbm>>
        tpu.enqueue_indirect_dma source(%dma_start3A_199 : memref<10000x128xf32, #tpu.memory_space<hbm>>) target(%arg13 : memref<16x128xf32, #tpu.memory_space<vmem>>) offsets(%get3A_183 : vector<16xi32>) semaphore(%arg24 : memref<!tpu.dma_semaphore, #tpu.memory_space<semaphore_mem>>)
        %dma_start3A_200 = arith.constant 0 : i32
        %dma_start3A_201 = arith.constant 0 : i32
        %dma_start3A_202 = tpu.memref_slice %arg2[%dma_start3A_200, %dma_start3A_201] : memref<10000x128xf32, #tpu.memory_space<hbm>> -> memref<10000x128xf32, #tpu.memory_space<hbm>>
        tpu.enqueue_indirect_dma source(%dma_start3A_202 : memref<10000x128xf32, #tpu.memory_space<hbm>>) target(%arg14 : memref<16x128xf32, #tpu.memory_space<vmem>>) offsets(%get3A_185 : vector<16xi32>) semaphore(%arg24 : memref<!tpu.dma_semaphore, #tpu.memory_space<semaphore_mem>>)
        %add3A_203 = vector.broadcast %mul3A_0 : i32 to vector<16xi32>
        %add3A_204 = arith.addi %get3A_181, %add3A_203 : vector<16xi32>
        %dma_start3A_205 = arith.constant 0 : i32
        %dma_start3A_206 = arith.constant 0 : i32
        %dma_start3A_207 = tpu.memref_slice %arg3[%dma_start3A_205, %dma_start3A_206] : memref<320000x128xf32, #tpu.memory_space<hbm>> -> memref<320000x128xf32, #tpu.memory_space<hbm>>
        tpu.enqueue_indirect_dma source(%dma_start3A_207 : memref<320000x128xf32, #tpu.memory_space<hbm>>) target(%arg15 : memref<16x128xf32, #tpu.memory_space<vmem>>) offsets(%add3A_204 : vector<16xi32>) semaphore(%arg24 : memref<!tpu.dma_semaphore, #tpu.memory_space<semaphore_mem>>)
        %dma_start3A_208 = arith.constant 0 : i32
        %dma_start3A_209 = arith.constant 0 : i32
        %dma_start3A_210 = tpu.memref_slice %arg2[%dma_start3A_208, %dma_start3A_209] : memref<10000x128xf32, #tpu.memory_space<hbm>> -> memref<10000x128xf32, #tpu.memory_space<hbm>>
        tpu.enqueue_indirect_dma source(%dma_start3A_210 : memref<10000x128xf32, #tpu.memory_space<hbm>>) target(%arg16 : memref<16x128xf32, #tpu.memory_space<vmem>>) offsets(%get3A_193 : vector<16xi32>) semaphore(%arg24 : memref<!tpu.dma_semaphore, #tpu.memory_space<semaphore_mem>>)
        %dma_start3A_211 = arith.constant 0 : i32
        %dma_start3A_212 = arith.constant 0 : i32
        %dma_start3A_213 = tpu.memref_slice %arg2[%dma_start3A_211, %dma_start3A_212] : memref<10000x128xf32, #tpu.memory_space<hbm>> -> memref<10000x128xf32, #tpu.memory_space<hbm>>
        tpu.enqueue_indirect_dma source(%dma_start3A_213 : memref<10000x128xf32, #tpu.memory_space<hbm>>) target(%arg17 : memref<16x128xf32, #tpu.memory_space<vmem>>) offsets(%get3A_197 : vector<16xi32>) semaphore(%arg24 : memref<!tpu.dma_semaphore, #tpu.memory_space<semaphore_mem>>)
        %add3A_214 = vector.broadcast %mul3A_0 : i32 to vector<16xi32>
        %add3A_215 = arith.addi %get3A_189, %add3A_214 : vector<16xi32>
        %dma_start3A_216 = arith.constant 0 : i32
        %dma_start3A_217 = arith.constant 0 : i32
        %dma_start3A_218 = tpu.memref_slice %arg3[%dma_start3A_216, %dma_start3A_217] : memref<320000x128xf32, #tpu.memory_space<hbm>> -> memref<320000x128xf32, #tpu.memory_space<hbm>>
        tpu.enqueue_indirect_dma source(%dma_start3A_218 : memref<320000x128xf32, #tpu.memory_space<hbm>>) target(%arg18 : memref<16x128xf32, #tpu.memory_space<vmem>>) offsets(%add3A_215 : vector<16xi32>) semaphore(%arg24 : memref<!tpu.dma_semaphore, #tpu.memory_space<semaphore_mem>>)
        %dma_wait3A = arith.constant 0 : i32
        %dma_wait3A_219 = arith.constant 0 : i32
        %dma_wait3A_220 = tpu.memref_slice %arg2[%dma_wait3A, %dma_wait3A_219] : memref<10000x128xf32, #tpu.memory_space<hbm>> -> memref<10000x128xf32, #tpu.memory_space<hbm>>
        tpu.wait_indirect_dma semaphore(%arg24 : memref<!tpu.dma_semaphore, #tpu.memory_space<semaphore_mem>>) src(%dma_wait3A_220 : memref<10000x128xf32, #tpu.memory_space<hbm>>) dst(%arg13 : memref<16x128xf32, #tpu.memory_space<vmem>>)
        %dma_wait3A_221 = arith.constant 0 : i32
        %dma_wait3A_222 = arith.constant 0 : i32
        %dma_wait3A_223 = tpu.memref_slice %arg2[%dma_wait3A_221, %dma_wait3A_222] : memref<10000x128xf32, #tpu.memory_space<hbm>> -> memref<10000x128xf32, #tpu.memory_space<hbm>>
        tpu.wait_indirect_dma semaphore(%arg24 : memref<!tpu.dma_semaphore, #tpu.memory_space<semaphore_mem>>) src(%dma_wait3A_223 : memref<10000x128xf32, #tpu.memory_space<hbm>>) dst(%arg14 : memref<16x128xf32, #tpu.memory_space<vmem>>)
        %dma_wait3A_224 = arith.constant 0 : i32
        %dma_wait3A_225 = arith.constant 0 : i32
        %dma_wait3A_226 = tpu.memref_slice %arg3[%dma_wait3A_224, %dma_wait3A_225] : memref<320000x128xf32, #tpu.memory_space<hbm>> -> memref<320000x128xf32, #tpu.memory_space<hbm>>
        tpu.wait_indirect_dma semaphore(%arg24 : memref<!tpu.dma_semaphore, #tpu.memory_space<semaphore_mem>>) src(%dma_wait3A_226 : memref<320000x128xf32, #tpu.memory_space<hbm>>) dst(%arg15 : memref<16x128xf32, #tpu.memory_space<vmem>>)
        %scan3A_227 = arith.constant 0 : i32
        %scan3A_228 = arith.constant 0 : i32
        %scan3A_229 = arith.constant 16 : i32
        %scan3A_230 = arith.addi %scan3A_228, %scan3A_229 : i32
        %scan3A_231 = arith.constant 1 : i32
        %scan3A_232 = scf.for %scan3A_432 = %scan3A_228 to %scan3A_230 step %scan3A_231 iter_args(%scan3A_433 = %scan3A_227) -> (i32)  : i32 {
          %broadcast_in_dim3A_434 = arith.constant 0.000000e+00 : f32
          %broadcast_in_dim3A_435 = vector.broadcast %broadcast_in_dim3A_434 : f32 to vector<16xf32>
          %get3A_436 = arith.index_cast %scan3A_432 : i32 to index
          %get3A_437 = arith.constant 0 : index
          %get3A_438 = tpu.vector_load %arg13[%get3A_436, %get3A_437] {strides = array<i32>} : memref<16x128xf32, #tpu.memory_space<vmem>>, vector<16xf32>,
          %get3A_439 = arith.index_cast %scan3A_432 : i32 to index
          %get3A_440 = arith.constant 0 : index
          %get3A_441 = tpu.vector_load %arg14[%get3A_439, %get3A_440] {strides = array<i32>} : memref<16x128xf32, #tpu.memory_space<vmem>>, vector<16xf32>,
          %add3A_442 = arith.addf %get3A_438, %get3A_441 : vector<16xf32>
          %get3A_443 = arith.index_cast %scan3A_432 : i32 to index
          %get3A_444 = arith.constant 0 : index
          %get3A_445 = tpu.vector_load %arg15[%get3A_443, %get3A_444] {strides = array<i32>} : memref<16x128xf32, #tpu.memory_space<vmem>>, vector<16xf32>,
          %add3A_446 = arith.addf %add3A_442, %get3A_445 : vector<16xf32>
          %gt3A = arith.constant 0.000000e+00 : f32
          %gt3A_447 = vector.broadcast %gt3A : f32 to vector<16xf32>
          %gt3A_448 = arith.cmpf ogt, %add3A_446, %gt3A_447 : vector<16xf32>
          %mul3A_449 = arith.constant 2.000000e-01 : f32
          %mul3A_450 = vector.broadcast %mul3A_449 : f32 to vector<16xf32>
          %mul3A_451 = arith.mulf %add3A_446, %mul3A_450 : vector<16xf32>
          %select_n3A_452 = arith.select %gt3A_448, %add3A_446, %mul3A_451 : vector<16xi1>, vector<16xf32>
          %get3A_453 = arith.constant 0 : index
          %get3A_454 = tpu.vector_load %arg21[%get3A_453] {strides = array<i32>} : memref<128xf32, #tpu.memory_space<vmem>>, vector<16xf32>,
          %mul3A_455 = arith.mulf %select_n3A_452, %get3A_454 : vector<16xf32>
          %add3A_456 = arith.addf %broadcast_in_dim3A_435, %mul3A_455 : vector<16xf32>
          %get3A_457 = arith.index_cast %scan3A_432 : i32 to index
          %get3A_458 = arith.constant 16 : index
          %get3A_459 = tpu.vector_load %arg13[%get3A_457, %get3A_458] {strides = array<i32>} : memref<16x128xf32, #tpu.memory_space<vmem>>, vector<16xf32>,
          %get3A_460 = arith.index_cast %scan3A_432 : i32 to index
          %get3A_461 = arith.constant 16 : index
          %get3A_462 = tpu.vector_load %arg14[%get3A_460, %get3A_461] {strides = array<i32>} : memref<16x128xf32, #tpu.memory_space<vmem>>, vector<16xf32>,
          %add3A_463 = arith.addf %get3A_459, %get3A_462 : vector<16xf32>
          %get3A_464 = arith.index_cast %scan3A_432 : i32 to index
          %get3A_465 = arith.constant 16 : index
          %get3A_466 = tpu.vector_load %arg15[%get3A_464, %get3A_465] {strides = array<i32>} : memref<16x128xf32, #tpu.memory_space<vmem>>, vector<16xf32>,
          %add3A_467 = arith.addf %add3A_463, %get3A_466 : vector<16xf32>
          %gt3A_468 = arith.constant 0.000000e+00 : f32
          %gt3A_469 = vector.broadcast %gt3A_468 : f32 to vector<16xf32>
          %gt3A_470 = arith.cmpf ogt, %add3A_467, %gt3A_469 : vector<16xf32>
          %mul3A_471 = arith.constant 2.000000e-01 : f32
          %mul3A_472 = vector.broadcast %mul3A_471 : f32 to vector<16xf32>
          %mul3A_473 = arith.mulf %add3A_467, %mul3A_472 : vector<16xf32>
          %select_n3A_474 = arith.select %gt3A_470, %add3A_467, %mul3A_473 : vector<16xi1>, vector<16xf32>
          %get3A_475 = arith.constant 16 : index
          %get3A_476 = tpu.vector_load %arg21[%get3A_475] {strides = array<i32>} : memref<128xf32, #tpu.memory_space<vmem>>, vector<16xf32>,
          %mul3A_477 = arith.mulf %select_n3A_474, %get3A_476 : vector<16xf32>
          %add3A_478 = arith.addf %add3A_456, %mul3A_477 : vector<16xf32>
          %get3A_479 = arith.index_cast %scan3A_432 : i32 to index
          %get3A_480 = arith.constant 32 : index
          %get3A_481 = tpu.vector_load %arg13[%get3A_479, %get3A_480] {strides = array<i32>} : memref<16x128xf32, #tpu.memory_space<vmem>>, vector<16xf32>,
          %get3A_482 = arith.index_cast %scan3A_432 : i32 to index
          %get3A_483 = arith.constant 32 : index
          %get3A_484 = tpu.vector_load %arg14[%get3A_482, %get3A_483] {strides = array<i32>} : memref<16x128xf32, #tpu.memory_space<vmem>>, vector<16xf32>,
          %add3A_485 = arith.addf %get3A_481, %get3A_484 : vector<16xf32>
          %get3A_486 = arith.index_cast %scan3A_432 : i32 to index
          %get3A_487 = arith.constant 32 : index
          %get3A_488 = tpu.vector_load %arg15[%get3A_486, %get3A_487] {strides = array<i32>} : memref<16x128xf32, #tpu.memory_space<vmem>>, vector<16xf32>,
          %add3A_489 = arith.addf %add3A_485, %get3A_488 : vector<16xf32>
          %gt3A_490 = arith.constant 0.000000e+00 : f32
          %gt3A_491 = vector.broadcast %gt3A_490 : f32 to vector<16xf32>
          %gt3A_492 = arith.cmpf ogt, %add3A_489, %gt3A_491 : vector<16xf32>
          %mul3A_493 = arith.constant 2.000000e-01 : f32
          %mul3A_494 = vector.broadcast %mul3A_493 : f32 to vector<16xf32>
          %mul3A_495 = arith.mulf %add3A_489, %mul3A_494 : vector<16xf32>
          %select_n3A_496 = arith.select %gt3A_492, %add3A_489, %mul3A_495 : vector<16xi1>, vector<16xf32>
          %get3A_497 = arith.constant 32 : index
          %get3A_498 = tpu.vector_load %arg21[%get3A_497] {strides = array<i32>} : memref<128xf32, #tpu.memory_space<vmem>>, vector<16xf32>,
          %mul3A_499 = arith.mulf %select_n3A_496, %get3A_498 : vector<16xf32>
          %add3A_500 = arith.addf %add3A_478, %mul3A_499 : vector<16xf32>
          %get3A_501 = arith.index_cast %scan3A_432 : i32 to index
          %get3A_502 = arith.constant 48 : index
          %get3A_503 = tpu.vector_load %arg13[%get3A_501, %get3A_502] {strides = array<i32>} : memref<16x128xf32, #tpu.memory_space<vmem>>, vector<16xf32>,
          %get3A_504 = arith.index_cast %scan3A_432 : i32 to index
          %get3A_505 = arith.constant 48 : index
          %get3A_506 = tpu.vector_load %arg14[%get3A_504, %get3A_505] {strides = array<i32>} : memref<16x128xf32, #tpu.memory_space<vmem>>, vector<16xf32>,
          %add3A_507 = arith.addf %get3A_503, %get3A_506 : vector<16xf32>
          %get3A_508 = arith.index_cast %scan3A_432 : i32 to index
          %get3A_509 = arith.constant 48 : index
          %get3A_510 = tpu.vector_load %arg15[%get3A_508, %get3A_509] {strides = array<i32>} : memref<16x128xf32, #tpu.memory_space<vmem>>, vector<16xf32>,
          %add3A_511 = arith.addf %add3A_507, %get3A_510 : vector<16xf32>
          %gt3A_512 = arith.constant 0.000000e+00 : f32
          %gt3A_513 = vector.broadcast %gt3A_512 : f32 to vector<16xf32>
          %gt3A_514 = arith.cmpf ogt, %add3A_511, %gt3A_513 : vector<16xf32>
          %mul3A_515 = arith.constant 2.000000e-01 : f32
          %mul3A_516 = vector.broadcast %mul3A_515 : f32 to vector<16xf32>
          %mul3A_517 = arith.mulf %add3A_511, %mul3A_516 : vector<16xf32>
          %select_n3A_518 = arith.select %gt3A_514, %add3A_511, %mul3A_517 : vector<16xi1>, vector<16xf32>
          %get3A_519 = arith.constant 48 : index
          %get3A_520 = tpu.vector_load %arg21[%get3A_519] {strides = array<i32>} : memref<128xf32, #tpu.memory_space<vmem>>, vector<16xf32>,
          %mul3A_521 = arith.mulf %select_n3A_518, %get3A_520 : vector<16xf32>
          %add3A_522 = arith.addf %add3A_500, %mul3A_521 : vector<16xf32>
          %get3A_523 = arith.index_cast %scan3A_432 : i32 to index
          %get3A_524 = arith.constant 64 : index
          %get3A_525 = tpu.vector_load %arg13[%get3A_523, %get3A_524] {strides = array<i32>} : memref<16x128xf32, #tpu.memory_space<vmem>>, vector<16xf32>,
          %get3A_526 = arith.index_cast %scan3A_432 : i32 to index
          %get3A_527 = arith.constant 64 : index
          %get3A_528 = tpu.vector_load %arg14[%get3A_526, %get3A_527] {strides = array<i32>} : memref<16x128xf32, #tpu.memory_space<vmem>>, vector<16xf32>,
          %add3A_529 = arith.addf %get3A_525, %get3A_528 : vector<16xf32>
          %get3A_530 = arith.index_cast %scan3A_432 : i32 to index
          %get3A_531 = arith.constant 64 : index
          %get3A_532 = tpu.vector_load %arg15[%get3A_530, %get3A_531] {strides = array<i32>} : memref<16x128xf32, #tpu.memory_space<vmem>>, vector<16xf32>,
          %add3A_533 = arith.addf %add3A_529, %get3A_532 : vector<16xf32>
          %gt3A_534 = arith.constant 0.000000e+00 : f32
          %gt3A_535 = vector.broadcast %gt3A_534 : f32 to vector<16xf32>
          %gt3A_536 = arith.cmpf ogt, %add3A_533, %gt3A_535 : vector<16xf32>
          %mul3A_537 = arith.constant 2.000000e-01 : f32
          %mul3A_538 = vector.broadcast %mul3A_537 : f32 to vector<16xf32>
          %mul3A_539 = arith.mulf %add3A_533, %mul3A_538 : vector<16xf32>
          %select_n3A_540 = arith.select %gt3A_536, %add3A_533, %mul3A_539 : vector<16xi1>, vector<16xf32>
          %get3A_541 = arith.constant 64 : index
          %get3A_542 = tpu.vector_load %arg21[%get3A_541] {strides = array<i32>} : memref<128xf32, #tpu.memory_space<vmem>>, vector<16xf32>,
          %mul3A_543 = arith.mulf %select_n3A_540, %get3A_542 : vector<16xf32>
          %add3A_544 = arith.addf %add3A_522, %mul3A_543 : vector<16xf32>
          %get3A_545 = arith.index_cast %scan3A_432 : i32 to index
          %get3A_546 = arith.constant 80 : index
          %get3A_547 = tpu.vector_load %arg13[%get3A_545, %get3A_546] {strides = array<i32>} : memref<16x128xf32, #tpu.memory_space<vmem>>, vector<16xf32>,
          %get3A_548 = arith.index_cast %scan3A_432 : i32 to index
          %get3A_549 = arith.constant 80 : index
          %get3A_550 = tpu.vector_load %arg14[%get3A_548, %get3A_549] {strides = array<i32>} : memref<16x128xf32, #tpu.memory_space<vmem>>, vector<16xf32>,
          %add3A_551 = arith.addf %get3A_547, %get3A_550 : vector<16xf32>
          %get3A_552 = arith.index_cast %scan3A_432 : i32 to index
          %get3A_553 = arith.constant 80 : index
          %get3A_554 = tpu.vector_load %arg15[%get3A_552, %get3A_553] {strides = array<i32>} : memref<16x128xf32, #tpu.memory_space<vmem>>, vector<16xf32>,
          %add3A_555 = arith.addf %add3A_551, %get3A_554 : vector<16xf32>
          %gt3A_556 = arith.constant 0.000000e+00 : f32
          %gt3A_557 = vector.broadcast %gt3A_556 : f32 to vector<16xf32>
          %gt3A_558 = arith.cmpf ogt, %add3A_555, %gt3A_557 : vector<16xf32>
          %mul3A_559 = arith.constant 2.000000e-01 : f32
          %mul3A_560 = vector.broadcast %mul3A_559 : f32 to vector<16xf32>
          %mul3A_561 = arith.mulf %add3A_555, %mul3A_560 : vector<16xf32>
          %select_n3A_562 = arith.select %gt3A_558, %add3A_555, %mul3A_561 : vector<16xi1>, vector<16xf32>
          %get3A_563 = arith.constant 80 : index
          %get3A_564 = tpu.vector_load %arg21[%get3A_563] {strides = array<i32>} : memref<128xf32, #tpu.memory_space<vmem>>, vector<16xf32>,
          %mul3A_565 = arith.mulf %select_n3A_562, %get3A_564 : vector<16xf32>
          %add3A_566 = arith.addf %add3A_544, %mul3A_565 : vector<16xf32>
          %get3A_567 = arith.index_cast %scan3A_432 : i32 to index
          %get3A_568 = arith.constant 96 : index
          %get3A_569 = tpu.vector_load %arg13[%get3A_567, %get3A_568] {strides = array<i32>} : memref<16x128xf32, #tpu.memory_space<vmem>>, vector<16xf32>,
          %get3A_570 = arith.index_cast %scan3A_432 : i32 to index
          %get3A_571 = arith.constant 96 : index
          %get3A_572 = tpu.vector_load %arg14[%get3A_570, %get3A_571] {strides = array<i32>} : memref<16x128xf32, #tpu.memory_space<vmem>>, vector<16xf32>,
          %add3A_573 = arith.addf %get3A_569, %get3A_572 : vector<16xf32>
          %get3A_574 = arith.index_cast %scan3A_432 : i32 to index
          %get3A_575 = arith.constant 96 : index
          %get3A_576 = tpu.vector_load %arg15[%get3A_574, %get3A_575] {strides = array<i32>} : memref<16x128xf32, #tpu.memory_space<vmem>>, vector<16xf32>,
          %add3A_577 = arith.addf %add3A_573, %get3A_576 : vector<16xf32>
          %gt3A_578 = arith.constant 0.000000e+00 : f32
          %gt3A_579 = vector.broadcast %gt3A_578 : f32 to vector<16xf32>
          %gt3A_580 = arith.cmpf ogt, %add3A_577, %gt3A_579 : vector<16xf32>
          %mul3A_581 = arith.constant 2.000000e-01 : f32
          %mul3A_582 = vector.broadcast %mul3A_581 : f32 to vector<16xf32>
          %mul3A_583 = arith.mulf %add3A_577, %mul3A_582 : vector<16xf32>
          %select_n3A_584 = arith.select %gt3A_580, %add3A_577, %mul3A_583 : vector<16xi1>, vector<16xf32>
          %get3A_585 = arith.constant 96 : index
          %get3A_586 = tpu.vector_load %arg21[%get3A_585] {strides = array<i32>} : memref<128xf32, #tpu.memory_space<vmem>>, vector<16xf32>,
          %mul3A_587 = arith.mulf %select_n3A_584, %get3A_586 : vector<16xf32>
          %add3A_588 = arith.addf %add3A_566, %mul3A_587 : vector<16xf32>
          %get3A_589 = arith.index_cast %scan3A_432 : i32 to index
          %get3A_590 = arith.constant 112 : index
          %get3A_591 = tpu.vector_load %arg13[%get3A_589, %get3A_590] {strides = array<i32>} : memref<16x128xf32, #tpu.memory_space<vmem>>, vector<16xf32>,
          %get3A_592 = arith.index_cast %scan3A_432 : i32 to index
          %get3A_593 = arith.constant 112 : index
          %get3A_594 = tpu.vector_load %arg14[%get3A_592, %get3A_593] {strides = array<i32>} : memref<16x128xf32, #tpu.memory_space<vmem>>, vector<16xf32>,
          %add3A_595 = arith.addf %get3A_591, %get3A_594 : vector<16xf32>
          %get3A_596 = arith.index_cast %scan3A_432 : i32 to index
          %get3A_597 = arith.constant 112 : index
          %get3A_598 = tpu.vector_load %arg15[%get3A_596, %get3A_597] {strides = array<i32>} : memref<16x128xf32, #tpu.memory_space<vmem>>, vector<16xf32>,
          %add3A_599 = arith.addf %add3A_595, %get3A_598 : vector<16xf32>
          %gt3A_600 = arith.constant 0.000000e+00 : f32
          %gt3A_601 = vector.broadcast %gt3A_600 : f32 to vector<16xf32>
          %gt3A_602 = arith.cmpf ogt, %add3A_599, %gt3A_601 : vector<16xf32>
          %mul3A_603 = arith.constant 2.000000e-01 : f32
          %mul3A_604 = vector.broadcast %mul3A_603 : f32 to vector<16xf32>
          %mul3A_605 = arith.mulf %add3A_599, %mul3A_604 : vector<16xf32>
          %select_n3A_606 = arith.select %gt3A_602, %add3A_599, %mul3A_605 : vector<16xi1>, vector<16xf32>
          %get3A_607 = arith.constant 112 : index
          %get3A_608 = tpu.vector_load %arg21[%get3A_607] {strides = array<i32>} : memref<128xf32, #tpu.memory_space<vmem>>, vector<16xf32>,
          %mul3A_609 = arith.mulf %select_n3A_606, %get3A_608 : vector<16xf32>
          %add3A_610 = arith.addf %add3A_588, %mul3A_609 : vector<16xf32>
          %swap3A = arith.index_cast %scan3A_432 : i32 to index
          %swap3A_611 = arith.constant 0 : index
          %swap3A_612 = tpu.vector_load %arg20[%swap3A, %swap3A_611] {strides = array<i32>} : memref<16x16xf32, #tpu.memory_space<vmem>>, vector<16xf32>,
          tpu.vector_store %arg20[%swap3A, %swap3A_611], %add3A_610 {strides = array<i32>} : memref<16x16xf32, #tpu.memory_space<vmem>>, vector<16xf32>,
          %scan3A_613 = arith.constant 0 : i32
          scf.yield %scan3A_613 : i32
        }
        %scan3A_233 = arith.constant 16 : i32
        %broadcast_in_dim3A_234 = arith.constant 0.000000e+00 : f32
        %broadcast_in_dim3A_235 = vector.broadcast %broadcast_in_dim3A_234 : f32 to vector<16xf32>
        %broadcast_in_dim3A_236 = arith.constant 0 : i32
        %broadcast_in_dim3A_237 = vector.broadcast %broadcast_in_dim3A_236 : i32 to vector<16xi32>
        %gather3A = tpu.vector_load_idx %arg20[%iota3A, %broadcast_in_dim3A_237] : memref<16x16xf32, #tpu.memory_space<vmem>>[vector<16xi32>, vector<16xi32>], vector<16xf32>,
        %add3A_238 = arith.addf %broadcast_in_dim3A_235, %gather3A : vector<16xf32>
        %broadcast_in_dim3A_239 = arith.constant 1 : i32
        %broadcast_in_dim3A_240 = vector.broadcast %broadcast_in_dim3A_239 : i32 to vector<16xi32>
        %gather3A_241 = tpu.vector_load_idx %arg20[%iota3A, %broadcast_in_dim3A_240] : memref<16x16xf32, #tpu.memory_space<vmem>>[vector<16xi32>, vector<16xi32>], vector<16xf32>,
        %add3A_242 = arith.addf %add3A_238, %gather3A_241 : vector<16xf32>
        %broadcast_in_dim3A_243 = arith.constant 2 : i32
        %broadcast_in_dim3A_244 = vector.broadcast %broadcast_in_dim3A_243 : i32 to vector<16xi32>
        %gather3A_245 = tpu.vector_load_idx %arg20[%iota3A, %broadcast_in_dim3A_244] : memref<16x16xf32, #tpu.memory_space<vmem>>[vector<16xi32>, vector<16xi32>], vector<16xf32>,
        %add3A_246 = arith.addf %add3A_242, %gather3A_245 : vector<16xf32>
        %broadcast_in_dim3A_247 = arith.constant 3 : i32
        %broadcast_in_dim3A_248 = vector.broadcast %broadcast_in_dim3A_247 : i32 to vector<16xi32>
        %gather3A_249 = tpu.vector_load_idx %arg20[%iota3A, %broadcast_in_dim3A_248] : memref<16x16xf32, #tpu.memory_space<vmem>>[vector<16xi32>, vector<16xi32>], vector<16xf32>,
        %add3A_250 = arith.addf %add3A_246, %gather3A_249 : vector<16xf32>
        %broadcast_in_dim3A_251 = arith.constant 4 : i32
        %broadcast_in_dim3A_252 = vector.broadcast %broadcast_in_dim3A_251 : i32 to vector<16xi32>
        %gather3A_253 = tpu.vector_load_idx %arg20[%iota3A, %broadcast_in_dim3A_252] : memref<16x16xf32, #tpu.memory_space<vmem>>[vector<16xi32>, vector<16xi32>], vector<16xf32>,
        %add3A_254 = arith.addf %add3A_250, %gather3A_253 : vector<16xf32>
        %broadcast_in_dim3A_255 = arith.constant 5 : i32
        %broadcast_in_dim3A_256 = vector.broadcast %broadcast_in_dim3A_255 : i32 to vector<16xi32>
        %gather3A_257 = tpu.vector_load_idx %arg20[%iota3A, %broadcast_in_dim3A_256] : memref<16x16xf32, #tpu.memory_space<vmem>>[vector<16xi32>, vector<16xi32>], vector<16xf32>,
        %add3A_258 = arith.addf %add3A_254, %gather3A_257 : vector<16xf32>
        %broadcast_in_dim3A_259 = arith.constant 6 : i32
        %broadcast_in_dim3A_260 = vector.broadcast %broadcast_in_dim3A_259 : i32 to vector<16xi32>
        %gather3A_261 = tpu.vector_load_idx %arg20[%iota3A, %broadcast_in_dim3A_260] : memref<16x16xf32, #tpu.memory_space<vmem>>[vector<16xi32>, vector<16xi32>], vector<16xf32>,
        %add3A_262 = arith.addf %add3A_258, %gather3A_261 : vector<16xf32>
        %broadcast_in_dim3A_263 = arith.constant 7 : i32
        %broadcast_in_dim3A_264 = vector.broadcast %broadcast_in_dim3A_263 : i32 to vector<16xi32>
        %gather3A_265 = tpu.vector_load_idx %arg20[%iota3A, %broadcast_in_dim3A_264] : memref<16x16xf32, #tpu.memory_space<vmem>>[vector<16xi32>, vector<16xi32>], vector<16xf32>,
        %add3A_266 = arith.addf %add3A_262, %gather3A_265 : vector<16xf32>
        %broadcast_in_dim3A_267 = arith.constant 8 : i32
        %broadcast_in_dim3A_268 = vector.broadcast %broadcast_in_dim3A_267 : i32 to vector<16xi32>
        %gather3A_269 = tpu.vector_load_idx %arg20[%iota3A, %broadcast_in_dim3A_268] : memref<16x16xf32, #tpu.memory_space<vmem>>[vector<16xi32>, vector<16xi32>], vector<16xf32>,
        %add3A_270 = arith.addf %add3A_266, %gather3A_269 : vector<16xf32>
        %broadcast_in_dim3A_271 = arith.constant 9 : i32
        %broadcast_in_dim3A_272 = vector.broadcast %broadcast_in_dim3A_271 : i32 to vector<16xi32>
        %gather3A_273 = tpu.vector_load_idx %arg20[%iota3A, %broadcast_in_dim3A_272] : memref<16x16xf32, #tpu.memory_space<vmem>>[vector<16xi32>, vector<16xi32>], vector<16xf32>,
        %add3A_274 = arith.addf %add3A_270, %gather3A_273 : vector<16xf32>
        %broadcast_in_dim3A_275 = arith.constant 10 : i32
        %broadcast_in_dim3A_276 = vector.broadcast %broadcast_in_dim3A_275 : i32 to vector<16xi32>
        %gather3A_277 = tpu.vector_load_idx %arg20[%iota3A, %broadcast_in_dim3A_276] : memref<16x16xf32, #tpu.memory_space<vmem>>[vector<16xi32>, vector<16xi32>], vector<16xf32>,
        %add3A_278 = arith.addf %add3A_274, %gather3A_277 : vector<16xf32>
        %broadcast_in_dim3A_279 = arith.constant 11 : i32
        %broadcast_in_dim3A_280 = vector.broadcast %broadcast_in_dim3A_279 : i32 to vector<16xi32>
        %gather3A_281 = tpu.vector_load_idx %arg20[%iota3A, %broadcast_in_dim3A_280] : memref<16x16xf32, #tpu.memory_space<vmem>>[vector<16xi32>, vector<16xi32>], vector<16xf32>,
        %add3A_282 = arith.addf %add3A_278, %gather3A_281 : vector<16xf32>
        %broadcast_in_dim3A_283 = arith.constant 12 : i32
        %broadcast_in_dim3A_284 = vector.broadcast %broadcast_in_dim3A_283 : i32 to vector<16xi32>
        %gather3A_285 = tpu.vector_load_idx %arg20[%iota3A, %broadcast_in_dim3A_284] : memref<16x16xf32, #tpu.memory_space<vmem>>[vector<16xi32>, vector<16xi32>], vector<16xf32>,
        %add3A_286 = arith.addf %add3A_282, %gather3A_285 : vector<16xf32>
        %broadcast_in_dim3A_287 = arith.constant 13 : i32
        %broadcast_in_dim3A_288 = vector.broadcast %broadcast_in_dim3A_287 : i32 to vector<16xi32>
        %gather3A_289 = tpu.vector_load_idx %arg20[%iota3A, %broadcast_in_dim3A_288] : memref<16x16xf32, #tpu.memory_space<vmem>>[vector<16xi32>, vector<16xi32>], vector<16xf32>,
        %add3A_290 = arith.addf %add3A_286, %gather3A_289 : vector<16xf32>
        %broadcast_in_dim3A_291 = arith.constant 14 : i32
        %broadcast_in_dim3A_292 = vector.broadcast %broadcast_in_dim3A_291 : i32 to vector<16xi32>
        %gather3A_293 = tpu.vector_load_idx %arg20[%iota3A, %broadcast_in_dim3A_292] : memref<16x16xf32, #tpu.memory_space<vmem>>[vector<16xi32>, vector<16xi32>], vector<16xf32>,
        %add3A_294 = arith.addf %add3A_290, %gather3A_293 : vector<16xf32>
        %broadcast_in_dim3A_295 = arith.constant 15 : i32
        %broadcast_in_dim3A_296 = vector.broadcast %broadcast_in_dim3A_295 : i32 to vector<16xi32>
        %gather3A_297 = tpu.vector_load_idx %arg20[%iota3A, %broadcast_in_dim3A_296] : memref<16x16xf32, #tpu.memory_space<vmem>>[vector<16xi32>, vector<16xi32>], vector<16xf32>,
        %add3A_298 = arith.addf %add3A_294, %gather3A_297 : vector<16xf32>
        %exp3A = math.exp %add3A_298 : vector<16xf32>
        %add3A_299 = vector.broadcast %mul3A_180 : i32 to vector<16xi32>
        %add3A_300 = arith.addi %add3A_299, %iota3A : vector<16xi32>
        %lt3A = vector.broadcast %scan3A_141 : i32 to vector<16xi32>
        %lt3A_301 = arith.cmpi slt, %add3A_300, %lt3A : vector<16xi32>
        %sub3A_302 = vector.broadcast %add3A_102 : i32 to vector<16xi32>
        %sub3A_303 = arith.subi %get3A_185, %sub3A_302 : vector<16xi32>
        %jit3A_304 = arith.constant 5000 : i32
        %broadcast_in_dim3A_305 = vector.broadcast %jit3A_304 : i32 to vector<16xi32>
        %select_n3A_306 = arith.select %lt3A_301, %sub3A_303, %broadcast_in_dim3A_305 : vector<16xi1>, vector<16xi32>
        %scan3A_307 = arith.constant 0 : i32
        %scan3A_308 = arith.constant 0 : i32
        %scan3A_309 = arith.constant 16 : i32
        %scan3A_310 = arith.addi %scan3A_308, %scan3A_309 : i32
        %scan3A_311 = arith.constant 1 : i32
        %scan3A_312 = scf.for %scan3A_432 = %scan3A_308 to %scan3A_310 step %scan3A_311 iter_args(%scan3A_433 = %scan3A_307) -> (i32)  : i32 {
          %broadcast_in_dim3A_434 = vector.broadcast %scan3A_432 : i32 to vector<16xi32>
          %lt3A_435 = arith.constant 0 : i32
          %lt3A_436 = vector.broadcast %lt3A_435 : i32 to vector<16xi32>
          %lt3A_437 = arith.cmpi slt, %broadcast_in_dim3A_434, %lt3A_436 : vector<16xi32>
          %add3A_438 = arith.constant 16 : i32
          %add3A_439 = vector.broadcast %add3A_438 : i32 to vector<16xi32>
          %add3A_440 = arith.addi %broadcast_in_dim3A_434, %add3A_439 : vector<16xi32>
          %select_n3A_441 = arith.select %lt3A_437, %add3A_440, %broadcast_in_dim3A_434 : vector<16xi1>, vector<16xi32>
          %reshape3A = vector.shape_cast %select_n3A_441 : vector<16xi32> to vector<16x1xi32>
          %gather3A_442 = vector.shape_cast %reshape3A : vector<16x1xi32> to vector<16xi32>
          %gather3A_443 = tpu.dynamic_gather %exp3A[%gather3A_442] in [0] : vector<16xf32>, vector<16xi32> -> vector<16xf32>
          %get3A_444 = arith.index_cast %scan3A_432 : i32 to index
          %get3A_445 = arith.constant 0 : index
          %get3A_446 = tpu.vector_load %arg13[%get3A_444, %get3A_445] {strides = array<i32>} : memref<16x128xf32, #tpu.memory_space<vmem>>, vector<16xf32>,
          %mul3A_447 = arith.mulf %get3A_446, %gather3A_443 : vector<16xf32>
          %swap3A = arith.index_cast %scan3A_432 : i32 to index
          %swap3A_448 = arith.constant 0 : index
          %swap3A_449 = tpu.vector_load %arg19[%swap3A, %swap3A_448] {strides = array<i32>} : memref<16x144xf32, #tpu.memory_space<vmem>>, vector<16xf32>,
          tpu.vector_store %arg19[%swap3A, %swap3A_448], %mul3A_447 {strides = array<i32>} : memref<16x144xf32, #tpu.memory_space<vmem>>, vector<16xf32>,
          %get3A_450 = arith.index_cast %scan3A_432 : i32 to index
          %get3A_451 = arith.constant 16 : index
          %get3A_452 = tpu.vector_load %arg13[%get3A_450, %get3A_451] {strides = array<i32>} : memref<16x128xf32, #tpu.memory_space<vmem>>, vector<16xf32>,
          %mul3A_453 = arith.mulf %get3A_452, %gather3A_443 : vector<16xf32>
          %swap3A_454 = arith.index_cast %scan3A_432 : i32 to index
          %swap3A_455 = arith.constant 16 : index
          %swap3A_456 = tpu.vector_load %arg19[%swap3A_454, %swap3A_455] {strides = array<i32>} : memref<16x144xf32, #tpu.memory_space<vmem>>, vector<16xf32>,
          tpu.vector_store %arg19[%swap3A_454, %swap3A_455], %mul3A_453 {strides = array<i32>} : memref<16x144xf32, #tpu.memory_space<vmem>>, vector<16xf32>,
          %get3A_457 = arith.index_cast %scan3A_432 : i32 to index
          %get3A_458 = arith.constant 32 : index
          %get3A_459 = tpu.vector_load %arg13[%get3A_457, %get3A_458] {strides = array<i32>} : memref<16x128xf32, #tpu.memory_space<vmem>>, vector<16xf32>,
          %mul3A_460 = arith.mulf %get3A_459, %gather3A_443 : vector<16xf32>
          %swap3A_461 = arith.index_cast %scan3A_432 : i32 to index
          %swap3A_462 = arith.constant 32 : index
          %swap3A_463 = tpu.vector_load %arg19[%swap3A_461, %swap3A_462] {strides = array<i32>} : memref<16x144xf32, #tpu.memory_space<vmem>>, vector<16xf32>,
          tpu.vector_store %arg19[%swap3A_461, %swap3A_462], %mul3A_460 {strides = array<i32>} : memref<16x144xf32, #tpu.memory_space<vmem>>, vector<16xf32>,
          %get3A_464 = arith.index_cast %scan3A_432 : i32 to index
          %get3A_465 = arith.constant 48 : index
          %get3A_466 = tpu.vector_load %arg13[%get3A_464, %get3A_465] {strides = array<i32>} : memref<16x128xf32, #tpu.memory_space<vmem>>, vector<16xf32>,
          %mul3A_467 = arith.mulf %get3A_466, %gather3A_443 : vector<16xf32>
          %swap3A_468 = arith.index_cast %scan3A_432 : i32 to index
          %swap3A_469 = arith.constant 48 : index
          %swap3A_470 = tpu.vector_load %arg19[%swap3A_468, %swap3A_469] {strides = array<i32>} : memref<16x144xf32, #tpu.memory_space<vmem>>, vector<16xf32>,
          tpu.vector_store %arg19[%swap3A_468, %swap3A_469], %mul3A_467 {strides = array<i32>} : memref<16x144xf32, #tpu.memory_space<vmem>>, vector<16xf32>,
          %get3A_471 = arith.index_cast %scan3A_432 : i32 to index
          %get3A_472 = arith.constant 64 : index
          %get3A_473 = tpu.vector_load %arg13[%get3A_471, %get3A_472] {strides = array<i32>} : memref<16x128xf32, #tpu.memory_space<vmem>>, vector<16xf32>,
          %mul3A_474 = arith.mulf %get3A_473, %gather3A_443 : vector<16xf32>
          %swap3A_475 = arith.index_cast %scan3A_432 : i32 to index
          %swap3A_476 = arith.constant 64 : index
          %swap3A_477 = tpu.vector_load %arg19[%swap3A_475, %swap3A_476] {strides = array<i32>} : memref<16x144xf32, #tpu.memory_space<vmem>>, vector<16xf32>,
          tpu.vector_store %arg19[%swap3A_475, %swap3A_476], %mul3A_474 {strides = array<i32>} : memref<16x144xf32, #tpu.memory_space<vmem>>, vector<16xf32>,
          %get3A_478 = arith.index_cast %scan3A_432 : i32 to index
          %get3A_479 = arith.constant 80 : index
          %get3A_480 = tpu.vector_load %arg13[%get3A_478, %get3A_479] {strides = array<i32>} : memref<16x128xf32, #tpu.memory_space<vmem>>, vector<16xf32>,
          %mul3A_481 = arith.mulf %get3A_480, %gather3A_443 : vector<16xf32>
          %swap3A_482 = arith.index_cast %scan3A_432 : i32 to index
          %swap3A_483 = arith.constant 80 : index
          %swap3A_484 = tpu.vector_load %arg19[%swap3A_482, %swap3A_483] {strides = array<i32>} : memref<16x144xf32, #tpu.memory_space<vmem>>, vector<16xf32>,
          tpu.vector_store %arg19[%swap3A_482, %swap3A_483], %mul3A_481 {strides = array<i32>} : memref<16x144xf32, #tpu.memory_space<vmem>>, vector<16xf32>,
          %get3A_485 = arith.index_cast %scan3A_432 : i32 to index
          %get3A_486 = arith.constant 96 : index
          %get3A_487 = tpu.vector_load %arg13[%get3A_485, %get3A_486] {strides = array<i32>} : memref<16x128xf32, #tpu.memory_space<vmem>>, vector<16xf32>,
          %mul3A_488 = arith.mulf %get3A_487, %gather3A_443 : vector<16xf32>
          %swap3A_489 = arith.index_cast %scan3A_432 : i32 to index
          %swap3A_490 = arith.constant 96 : index
          %swap3A_491 = tpu.vector_load %arg19[%swap3A_489, %swap3A_490] {strides = array<i32>} : memref<16x144xf32, #tpu.memory_space<vmem>>, vector<16xf32>,
          tpu.vector_store %arg19[%swap3A_489, %swap3A_490], %mul3A_488 {strides = array<i32>} : memref<16x144xf32, #tpu.memory_space<vmem>>, vector<16xf32>,
          %get3A_492 = arith.index_cast %scan3A_432 : i32 to index
          %get3A_493 = arith.constant 112 : index
          %get3A_494 = tpu.vector_load %arg13[%get3A_492, %get3A_493] {strides = array<i32>} : memref<16x128xf32, #tpu.memory_space<vmem>>, vector<16xf32>,
          %mul3A_495 = arith.mulf %get3A_494, %gather3A_443 : vector<16xf32>
          %swap3A_496 = arith.index_cast %scan3A_432 : i32 to index
          %swap3A_497 = arith.constant 112 : index
          %swap3A_498 = tpu.vector_load %arg19[%swap3A_496, %swap3A_497] {strides = array<i32>} : memref<16x144xf32, #tpu.memory_space<vmem>>, vector<16xf32>,
          tpu.vector_store %arg19[%swap3A_496, %swap3A_497], %mul3A_495 {strides = array<i32>} : memref<16x144xf32, #tpu.memory_space<vmem>>, vector<16xf32>,
          %scan3A_499 = arith.constant 0 : i32
          scf.yield %scan3A_499 : i32
        }
        %scan3A_313 = arith.constant 16 : i32
        %broadcast_in_dim3A_314 = arith.constant 128 : i32
        %broadcast_in_dim3A_315 = vector.broadcast %broadcast_in_dim3A_314 : i32 to vector<16xi32>
        tpu.vector_store_idx %arg19[%iota3A, %broadcast_in_dim3A_315], %exp3A : memref<16x144xf32, #tpu.memory_space<vmem>>[vector<16xi32>, vector<16xi32>], vector<16xf32>,
        %dma_start3A_316 = arith.constant 0 : i32
        %dma_start3A_317 = arith.constant 0 : i32
        %dma_start3A_318 = tpu.memref_slice %arg23[%dma_start3A_316, %dma_start3A_317] : memref<5040x144xf32, #tpu.memory_space<vmem_shared>> -> memref<5040x144xf32, #tpu.memory_space<vmem_shared>>
        tpu.enqueue_indirect_dma source(%arg19 : memref<16x144xf32, #tpu.memory_space<vmem>>) target(%dma_start3A_318 : memref<5040x144xf32, #tpu.memory_space<vmem_shared>>) offsets(%select_n3A_306 : vector<16xi32>) semaphore(%arg25 : memref<!tpu.dma_semaphore, #tpu.memory_space<semaphore_mem>>) {add = true}
        %dma_wait3A_319 = arith.constant 0 : i32
        %dma_wait3A_320 = arith.constant 0 : i32
        %dma_wait3A_321 = tpu.memref_slice %arg23[%dma_wait3A_319, %dma_wait3A_320] : memref<5040x144xf32, #tpu.memory_space<vmem_shared>> -> memref<5040x144xf32, #tpu.memory_space<vmem_shared>>
        tpu.wait_indirect_dma semaphore(%arg25 : memref<!tpu.dma_semaphore, #tpu.memory_space<semaphore_mem>>) src(%arg19 : memref<16x144xf32, #tpu.memory_space<vmem>>) dst(%dma_wait3A_321 : memref<5040x144xf32, #tpu.memory_space<vmem_shared>>)
        %dma_wait3A_322 = arith.constant 0 : i32
        %dma_wait3A_323 = arith.constant 0 : i32
        %dma_wait3A_324 = tpu.memref_slice %arg2[%dma_wait3A_322, %dma_wait3A_323] : memref<10000x128xf32, #tpu.memory_space<hbm>> -> memref<10000x128xf32, #tpu.memory_space<hbm>>
        tpu.wait_indirect_dma semaphore(%arg24 : memref<!tpu.dma_semaphore, #tpu.memory_space<semaphore_mem>>) src(%dma_wait3A_324 : memref<10000x128xf32, #tpu.memory_space<hbm>>) dst(%arg16 : memref<16x128xf32, #tpu.memory_space<vmem>>)
        %dma_wait3A_325 = arith.constant 0 : i32
        %dma_wait3A_326 = arith.constant 0 : i32
        %dma_wait3A_327 = tpu.memref_slice %arg2[%dma_wait3A_325, %dma_wait3A_326] : memref<10000x128xf32, #tpu.memory_space<hbm>> -> memref<10000x128xf32, #tpu.memory_space<hbm>>
        tpu.wait_indirect_dma semaphore(%arg24 : memref<!tpu.dma_semaphore, #tpu.memory_space<semaphore_mem>>) src(%dma_wait3A_327 : memref<10000x128xf32, #tpu.memory_space<hbm>>) dst(%arg17 : memref<16x128xf32, #tpu.memory_space<vmem>>)
        %dma_wait3A_328 = arith.constant 0 : i32
        %dma_wait3A_329 = arith.constant 0 : i32
        %dma_wait3A_330 = tpu.memref_slice %arg3[%dma_wait3A_328, %dma_wait3A_329] : memref<320000x128xf32, #tpu.memory_space<hbm>> -> memref<320000x128xf32, #tpu.memory_space<hbm>>
        tpu.wait_indirect_dma semaphore(%arg24 : memref<!tpu.dma_semaphore, #tpu.memory_space<semaphore_mem>>) src(%dma_wait3A_330 : memref<320000x128xf32, #tpu.memory_space<hbm>>) dst(%arg18 : memref<16x128xf32, #tpu.memory_space<vmem>>)
        %add3A_331 = arith.constant 16 : i32
        %add3A_332 = arith.addi %mul3A_180, %add3A_331 : i32
        %scan3A_333 = arith.constant 0 : i32
        %scan3A_334 = arith.constant 0 : i32
        %scan3A_335 = arith.constant 16 : i32
        %scan3A_336 = arith.addi %scan3A_334, %scan3A_335 : i32
        %scan3A_337 = arith.constant 1 : i32
        %scan3A_338 = scf.for %scan3A_432 = %scan3A_334 to %scan3A_336 step %scan3A_337 iter_args(%scan3A_433 = %scan3A_333) -> (i32)  : i32 {
          %broadcast_in_dim3A_434 = arith.constant 0.000000e+00 : f32
          %broadcast_in_dim3A_435 = vector.broadcast %broadcast_in_dim3A_434 : f32 to vector<16xf32>
          %get3A_436 = arith.index_cast %scan3A_432 : i32 to index
          %get3A_437 = arith.constant 0 : index
          %get3A_438 = tpu.vector_load %arg16[%get3A_436, %get3A_437] {strides = array<i32>} : memref<16x128xf32, #tpu.memory_space<vmem>>, vector<16xf32>,
          %get3A_439 = arith.index_cast %scan3A_432 : i32 to index
          %get3A_440 = arith.constant 0 : index
          %get3A_441 = tpu.vector_load %arg17[%get3A_439, %get3A_440] {strides = array<i32>} : memref<16x128xf32, #tpu.memory_space<vmem>>, vector<16xf32>,
          %add3A_442 = arith.addf %get3A_438, %get3A_441 : vector<16xf32>
          %get3A_443 = arith.index_cast %scan3A_432 : i32 to index
          %get3A_444 = arith.constant 0 : index
          %get3A_445 = tpu.vector_load %arg18[%get3A_443, %get3A_444] {strides = array<i32>} : memref<16x128xf32, #tpu.memory_space<vmem>>, vector<16xf32>,
          %add3A_446 = arith.addf %add3A_442, %get3A_445 : vector<16xf32>
          %gt3A = arith.constant 0.000000e+00 : f32
          %gt3A_447 = vector.broadcast %gt3A : f32 to vector<16xf32>
          %gt3A_448 = arith.cmpf ogt, %add3A_446, %gt3A_447 : vector<16xf32>
          %mul3A_449 = arith.constant 2.000000e-01 : f32
          %mul3A_450 = vector.broadcast %mul3A_449 : f32 to vector<16xf32>
          %mul3A_451 = arith.mulf %add3A_446, %mul3A_450 : vector<16xf32>
          %select_n3A_452 = arith.select %gt3A_448, %add3A_446, %mul3A_451 : vector<16xi1>, vector<16xf32>
          %get3A_453 = arith.constant 0 : index
          %get3A_454 = tpu.vector_load %arg21[%get3A_453] {strides = array<i32>} : memref<128xf32, #tpu.memory_space<vmem>>, vector<16xf32>,
          %mul3A_455 = arith.mulf %select_n3A_452, %get3A_454 : vector<16xf32>
          %add3A_456 = arith.addf %broadcast_in_dim3A_435, %mul3A_455 : vector<16xf32>
          %get3A_457 = arith.index_cast %scan3A_432 : i32 to index
          %get3A_458 = arith.constant 16 : index
          %get3A_459 = tpu.vector_load %arg16[%get3A_457, %get3A_458] {strides = array<i32>} : memref<16x128xf32, #tpu.memory_space<vmem>>, vector<16xf32>,
          %get3A_460 = arith.index_cast %scan3A_432 : i32 to index
          %get3A_461 = arith.constant 16 : index
          %get3A_462 = tpu.vector_load %arg17[%get3A_460, %get3A_461] {strides = array<i32>} : memref<16x128xf32, #tpu.memory_space<vmem>>, vector<16xf32>,
          %add3A_463 = arith.addf %get3A_459, %get3A_462 : vector<16xf32>
          %get3A_464 = arith.index_cast %scan3A_432 : i32 to index
          %get3A_465 = arith.constant 16 : index
          %get3A_466 = tpu.vector_load %arg18[%get3A_464, %get3A_465] {strides = array<i32>} : memref<16x128xf32, #tpu.memory_space<vmem>>, vector<16xf32>,
          %add3A_467 = arith.addf %add3A_463, %get3A_466 : vector<16xf32>
          %gt3A_468 = arith.constant 0.000000e+00 : f32
          %gt3A_469 = vector.broadcast %gt3A_468 : f32 to vector<16xf32>
          %gt3A_470 = arith.cmpf ogt, %add3A_467, %gt3A_469 : vector<16xf32>
          %mul3A_471 = arith.constant 2.000000e-01 : f32
          %mul3A_472 = vector.broadcast %mul3A_471 : f32 to vector<16xf32>
          %mul3A_473 = arith.mulf %add3A_467, %mul3A_472 : vector<16xf32>
          %select_n3A_474 = arith.select %gt3A_470, %add3A_467, %mul3A_473 : vector<16xi1>, vector<16xf32>
          %get3A_475 = arith.constant 16 : index
          %get3A_476 = tpu.vector_load %arg21[%get3A_475] {strides = array<i32>} : memref<128xf32, #tpu.memory_space<vmem>>, vector<16xf32>,
          %mul3A_477 = arith.mulf %select_n3A_474, %get3A_476 : vector<16xf32>
          %add3A_478 = arith.addf %add3A_456, %mul3A_477 : vector<16xf32>
          %get3A_479 = arith.index_cast %scan3A_432 : i32 to index
          %get3A_480 = arith.constant 32 : index
          %get3A_481 = tpu.vector_load %arg16[%get3A_479, %get3A_480] {strides = array<i32>} : memref<16x128xf32, #tpu.memory_space<vmem>>, vector<16xf32>,
          %get3A_482 = arith.index_cast %scan3A_432 : i32 to index
          %get3A_483 = arith.constant 32 : index
          %get3A_484 = tpu.vector_load %arg17[%get3A_482, %get3A_483] {strides = array<i32>} : memref<16x128xf32, #tpu.memory_space<vmem>>, vector<16xf32>,
          %add3A_485 = arith.addf %get3A_481, %get3A_484 : vector<16xf32>
          %get3A_486 = arith.index_cast %scan3A_432 : i32 to index
          %get3A_487 = arith.constant 32 : index
          %get3A_488 = tpu.vector_load %arg18[%get3A_486, %get3A_487] {strides = array<i32>} : memref<16x128xf32, #tpu.memory_space<vmem>>, vector<16xf32>,
          %add3A_489 = arith.addf %add3A_485, %get3A_488 : vector<16xf32>
          %gt3A_490 = arith.constant 0.000000e+00 : f32
          %gt3A_491 = vector.broadcast %gt3A_490 : f32 to vector<16xf32>
          %gt3A_492 = arith.cmpf ogt, %add3A_489, %gt3A_491 : vector<16xf32>
          %mul3A_493 = arith.constant 2.000000e-01 : f32
          %mul3A_494 = vector.broadcast %mul3A_493 : f32 to vector<16xf32>
          %mul3A_495 = arith.mulf %add3A_489, %mul3A_494 : vector<16xf32>
          %select_n3A_496 = arith.select %gt3A_492, %add3A_489, %mul3A_495 : vector<16xi1>, vector<16xf32>
          %get3A_497 = arith.constant 32 : index
          %get3A_498 = tpu.vector_load %arg21[%get3A_497] {strides = array<i32>} : memref<128xf32, #tpu.memory_space<vmem>>, vector<16xf32>,
          %mul3A_499 = arith.mulf %select_n3A_496, %get3A_498 : vector<16xf32>
          %add3A_500 = arith.addf %add3A_478, %mul3A_499 : vector<16xf32>
          %get3A_501 = arith.index_cast %scan3A_432 : i32 to index
          %get3A_502 = arith.constant 48 : index
          %get3A_503 = tpu.vector_load %arg16[%get3A_501, %get3A_502] {strides = array<i32>} : memref<16x128xf32, #tpu.memory_space<vmem>>, vector<16xf32>,
          %get3A_504 = arith.index_cast %scan3A_432 : i32 to index
          %get3A_505 = arith.constant 48 : index
          %get3A_506 = tpu.vector_load %arg17[%get3A_504, %get3A_505] {strides = array<i32>} : memref<16x128xf32, #tpu.memory_space<vmem>>, vector<16xf32>,
          %add3A_507 = arith.addf %get3A_503, %get3A_506 : vector<16xf32>
          %get3A_508 = arith.index_cast %scan3A_432 : i32 to index
          %get3A_509 = arith.constant 48 : index
          %get3A_510 = tpu.vector_load %arg18[%get3A_508, %get3A_509] {strides = array<i32>} : memref<16x128xf32, #tpu.memory_space<vmem>>, vector<16xf32>,
          %add3A_511 = arith.addf %add3A_507, %get3A_510 : vector<16xf32>
          %gt3A_512 = arith.constant 0.000000e+00 : f32
          %gt3A_513 = vector.broadcast %gt3A_512 : f32 to vector<16xf32>
          %gt3A_514 = arith.cmpf ogt, %add3A_511, %gt3A_513 : vector<16xf32>
          %mul3A_515 = arith.constant 2.000000e-01 : f32
          %mul3A_516 = vector.broadcast %mul3A_515 : f32 to vector<16xf32>
          %mul3A_517 = arith.mulf %add3A_511, %mul3A_516 : vector<16xf32>
          %select_n3A_518 = arith.select %gt3A_514, %add3A_511, %mul3A_517 : vector<16xi1>, vector<16xf32>
          %get3A_519 = arith.constant 48 : index
          %get3A_520 = tpu.vector_load %arg21[%get3A_519] {strides = array<i32>} : memref<128xf32, #tpu.memory_space<vmem>>, vector<16xf32>,
          %mul3A_521 = arith.mulf %select_n3A_518, %get3A_520 : vector<16xf32>
          %add3A_522 = arith.addf %add3A_500, %mul3A_521 : vector<16xf32>
          %get3A_523 = arith.index_cast %scan3A_432 : i32 to index
          %get3A_524 = arith.constant 64 : index
          %get3A_525 = tpu.vector_load %arg16[%get3A_523, %get3A_524] {strides = array<i32>} : memref<16x128xf32, #tpu.memory_space<vmem>>, vector<16xf32>,
          %get3A_526 = arith.index_cast %scan3A_432 : i32 to index
          %get3A_527 = arith.constant 64 : index
          %get3A_528 = tpu.vector_load %arg17[%get3A_526, %get3A_527] {strides = array<i32>} : memref<16x128xf32, #tpu.memory_space<vmem>>, vector<16xf32>,
          %add3A_529 = arith.addf %get3A_525, %get3A_528 : vector<16xf32>
          %get3A_530 = arith.index_cast %scan3A_432 : i32 to index
          %get3A_531 = arith.constant 64 : index
          %get3A_532 = tpu.vector_load %arg18[%get3A_530, %get3A_531] {strides = array<i32>} : memref<16x128xf32, #tpu.memory_space<vmem>>, vector<16xf32>,
          %add3A_533 = arith.addf %add3A_529, %get3A_532 : vector<16xf32>
          %gt3A_534 = arith.constant 0.000000e+00 : f32
          %gt3A_535 = vector.broadcast %gt3A_534 : f32 to vector<16xf32>
          %gt3A_536 = arith.cmpf ogt, %add3A_533, %gt3A_535 : vector<16xf32>
          %mul3A_537 = arith.constant 2.000000e-01 : f32
          %mul3A_538 = vector.broadcast %mul3A_537 : f32 to vector<16xf32>
          %mul3A_539 = arith.mulf %add3A_533, %mul3A_538 : vector<16xf32>
          %select_n3A_540 = arith.select %gt3A_536, %add3A_533, %mul3A_539 : vector<16xi1>, vector<16xf32>
          %get3A_541 = arith.constant 64 : index
          %get3A_542 = tpu.vector_load %arg21[%get3A_541] {strides = array<i32>} : memref<128xf32, #tpu.memory_space<vmem>>, vector<16xf32>,
          %mul3A_543 = arith.mulf %select_n3A_540, %get3A_542 : vector<16xf32>
          %add3A_544 = arith.addf %add3A_522, %mul3A_543 : vector<16xf32>
          %get3A_545 = arith.index_cast %scan3A_432 : i32 to index
          %get3A_546 = arith.constant 80 : index
          %get3A_547 = tpu.vector_load %arg16[%get3A_545, %get3A_546] {strides = array<i32>} : memref<16x128xf32, #tpu.memory_space<vmem>>, vector<16xf32>,
          %get3A_548 = arith.index_cast %scan3A_432 : i32 to index
          %get3A_549 = arith.constant 80 : index
          %get3A_550 = tpu.vector_load %arg17[%get3A_548, %get3A_549] {strides = array<i32>} : memref<16x128xf32, #tpu.memory_space<vmem>>, vector<16xf32>,
          %add3A_551 = arith.addf %get3A_547, %get3A_550 : vector<16xf32>
          %get3A_552 = arith.index_cast %scan3A_432 : i32 to index
          %get3A_553 = arith.constant 80 : index
          %get3A_554 = tpu.vector_load %arg18[%get3A_552, %get3A_553] {strides = array<i32>} : memref<16x128xf32, #tpu.memory_space<vmem>>, vector<16xf32>,
          %add3A_555 = arith.addf %add3A_551, %get3A_554 : vector<16xf32>
          %gt3A_556 = arith.constant 0.000000e+00 : f32
          %gt3A_557 = vector.broadcast %gt3A_556 : f32 to vector<16xf32>
          %gt3A_558 = arith.cmpf ogt, %add3A_555, %gt3A_557 : vector<16xf32>
          %mul3A_559 = arith.constant 2.000000e-01 : f32
          %mul3A_560 = vector.broadcast %mul3A_559 : f32 to vector<16xf32>
          %mul3A_561 = arith.mulf %add3A_555, %mul3A_560 : vector<16xf32>
          %select_n3A_562 = arith.select %gt3A_558, %add3A_555, %mul3A_561 : vector<16xi1>, vector<16xf32>
          %get3A_563 = arith.constant 80 : index
          %get3A_564 = tpu.vector_load %arg21[%get3A_563] {strides = array<i32>} : memref<128xf32, #tpu.memory_space<vmem>>, vector<16xf32>,
          %mul3A_565 = arith.mulf %select_n3A_562, %get3A_564 : vector<16xf32>
          %add3A_566 = arith.addf %add3A_544, %mul3A_565 : vector<16xf32>
          %get3A_567 = arith.index_cast %scan3A_432 : i32 to index
          %get3A_568 = arith.constant 96 : index
          %get3A_569 = tpu.vector_load %arg16[%get3A_567, %get3A_568] {strides = array<i32>} : memref<16x128xf32, #tpu.memory_space<vmem>>, vector<16xf32>,
          %get3A_570 = arith.index_cast %scan3A_432 : i32 to index
          %get3A_571 = arith.constant 96 : index
          %get3A_572 = tpu.vector_load %arg17[%get3A_570, %get3A_571] {strides = array<i32>} : memref<16x128xf32, #tpu.memory_space<vmem>>, vector<16xf32>,
          %add3A_573 = arith.addf %get3A_569, %get3A_572 : vector<16xf32>
          %get3A_574 = arith.index_cast %scan3A_432 : i32 to index
          %get3A_575 = arith.constant 96 : index
          %get3A_576 = tpu.vector_load %arg18[%get3A_574, %get3A_575] {strides = array<i32>} : memref<16x128xf32, #tpu.memory_space<vmem>>, vector<16xf32>,
          %add3A_577 = arith.addf %add3A_573, %get3A_576 : vector<16xf32>
          %gt3A_578 = arith.constant 0.000000e+00 : f32
          %gt3A_579 = vector.broadcast %gt3A_578 : f32 to vector<16xf32>
          %gt3A_580 = arith.cmpf ogt, %add3A_577, %gt3A_579 : vector<16xf32>
          %mul3A_581 = arith.constant 2.000000e-01 : f32
          %mul3A_582 = vector.broadcast %mul3A_581 : f32 to vector<16xf32>
          %mul3A_583 = arith.mulf %add3A_577, %mul3A_582 : vector<16xf32>
          %select_n3A_584 = arith.select %gt3A_580, %add3A_577, %mul3A_583 : vector<16xi1>, vector<16xf32>
          %get3A_585 = arith.constant 96 : index
          %get3A_586 = tpu.vector_load %arg21[%get3A_585] {strides = array<i32>} : memref<128xf32, #tpu.memory_space<vmem>>, vector<16xf32>,
          %mul3A_587 = arith.mulf %select_n3A_584, %get3A_586 : vector<16xf32>
          %add3A_588 = arith.addf %add3A_566, %mul3A_587 : vector<16xf32>
          %get3A_589 = arith.index_cast %scan3A_432 : i32 to index
          %get3A_590 = arith.constant 112 : index
          %get3A_591 = tpu.vector_load %arg16[%get3A_589, %get3A_590] {strides = array<i32>} : memref<16x128xf32, #tpu.memory_space<vmem>>, vector<16xf32>,
          %get3A_592 = arith.index_cast %scan3A_432 : i32 to index
          %get3A_593 = arith.constant 112 : index
          %get3A_594 = tpu.vector_load %arg17[%get3A_592, %get3A_593] {strides = array<i32>} : memref<16x128xf32, #tpu.memory_space<vmem>>, vector<16xf32>,
          %add3A_595 = arith.addf %get3A_591, %get3A_594 : vector<16xf32>
          %get3A_596 = arith.index_cast %scan3A_432 : i32 to index
          %get3A_597 = arith.constant 112 : index
          %get3A_598 = tpu.vector_load %arg18[%get3A_596, %get3A_597] {strides = array<i32>} : memref<16x128xf32, #tpu.memory_space<vmem>>, vector<16xf32>,
          %add3A_599 = arith.addf %add3A_595, %get3A_598 : vector<16xf32>
          %gt3A_600 = arith.constant 0.000000e+00 : f32
          %gt3A_601 = vector.broadcast %gt3A_600 : f32 to vector<16xf32>
          %gt3A_602 = arith.cmpf ogt, %add3A_599, %gt3A_601 : vector<16xf32>
          %mul3A_603 = arith.constant 2.000000e-01 : f32
          %mul3A_604 = vector.broadcast %mul3A_603 : f32 to vector<16xf32>
          %mul3A_605 = arith.mulf %add3A_599, %mul3A_604 : vector<16xf32>
          %select_n3A_606 = arith.select %gt3A_602, %add3A_599, %mul3A_605 : vector<16xi1>, vector<16xf32>
          %get3A_607 = arith.constant 112 : index
          %get3A_608 = tpu.vector_load %arg21[%get3A_607] {strides = array<i32>} : memref<128xf32, #tpu.memory_space<vmem>>, vector<16xf32>,
          %mul3A_609 = arith.mulf %select_n3A_606, %get3A_608 : vector<16xf32>
          %add3A_610 = arith.addf %add3A_588, %mul3A_609 : vector<16xf32>
          %swap3A = arith.index_cast %scan3A_432 : i32 to index
          %swap3A_611 = arith.constant 0 : index
          %swap3A_612 = tpu.vector_load %arg20[%swap3A, %swap3A_611] {strides = array<i32>} : memref<16x16xf32, #tpu.memory_space<vmem>>, vector<16xf32>,
          tpu.vector_store %arg20[%swap3A, %swap3A_611], %add3A_610 {strides = array<i32>} : memref<16x16xf32, #tpu.memory_space<vmem>>, vector<16xf32>,
          %scan3A_613 = arith.constant 0 : i32
          scf.yield %scan3A_613 : i32
        }
        %scan3A_339 = arith.constant 16 : i32
        %broadcast_in_dim3A_340 = arith.constant 0.000000e+00 : f32
        %broadcast_in_dim3A_341 = vector.broadcast %broadcast_in_dim3A_340 : f32 to vector<16xf32>
        %broadcast_in_dim3A_342 = arith.constant 0 : i32
        %broadcast_in_dim3A_343 = vector.broadcast %broadcast_in_dim3A_342 : i32 to vector<16xi32>
        %gather3A_344 = tpu.vector_load_idx %arg20[%iota3A, %broadcast_in_dim3A_343] : memref<16x16xf32, #tpu.memory_space<vmem>>[vector<16xi32>, vector<16xi32>], vector<16xf32>,
        %add3A_345 = arith.addf %broadcast_in_dim3A_341, %gather3A_344 : vector<16xf32>
        %broadcast_in_dim3A_346 = arith.constant 1 : i32
        %broadcast_in_dim3A_347 = vector.broadcast %broadcast_in_dim3A_346 : i32 to vector<16xi32>
        %gather3A_348 = tpu.vector_load_idx %arg20[%iota3A, %broadcast_in_dim3A_347] : memref<16x16xf32, #tpu.memory_space<vmem>>[vector<16xi32>, vector<16xi32>], vector<16xf32>,
        %add3A_349 = arith.addf %add3A_345, %gather3A_348 : vector<16xf32>
        %broadcast_in_dim3A_350 = arith.constant 2 : i32
        %broadcast_in_dim3A_351 = vector.broadcast %broadcast_in_dim3A_350 : i32 to vector<16xi32>
        %gather3A_352 = tpu.vector_load_idx %arg20[%iota3A, %broadcast_in_dim3A_351] : memref<16x16xf32, #tpu.memory_space<vmem>>[vector<16xi32>, vector<16xi32>], vector<16xf32>,
        %add3A_353 = arith.addf %add3A_349, %gather3A_352 : vector<16xf32>
        %broadcast_in_dim3A_354 = arith.constant 3 : i32
        %broadcast_in_dim3A_355 = vector.broadcast %broadcast_in_dim3A_354 : i32 to vector<16xi32>
        %gather3A_356 = tpu.vector_load_idx %arg20[%iota3A, %broadcast_in_dim3A_355] : memref<16x16xf32, #tpu.memory_space<vmem>>[vector<16xi32>, vector<16xi32>], vector<16xf32>,
        %add3A_357 = arith.addf %add3A_353, %gather3A_356 : vector<16xf32>
        %broadcast_in_dim3A_358 = arith.constant 4 : i32
        %broadcast_in_dim3A_359 = vector.broadcast %broadcast_in_dim3A_358 : i32 to vector<16xi32>
        %gather3A_360 = tpu.vector_load_idx %arg20[%iota3A, %broadcast_in_dim3A_359] : memref<16x16xf32, #tpu.memory_space<vmem>>[vector<16xi32>, vector<16xi32>], vector<16xf32>,
        %add3A_361 = arith.addf %add3A_357, %gather3A_360 : vector<16xf32>
        %broadcast_in_dim3A_362 = arith.constant 5 : i32
        %broadcast_in_dim3A_363 = vector.broadcast %broadcast_in_dim3A_362 : i32 to vector<16xi32>
        %gather3A_364 = tpu.vector_load_idx %arg20[%iota3A, %broadcast_in_dim3A_363] : memref<16x16xf32, #tpu.memory_space<vmem>>[vector<16xi32>, vector<16xi32>], vector<16xf32>,
        %add3A_365 = arith.addf %add3A_361, %gather3A_364 : vector<16xf32>
        %broadcast_in_dim3A_366 = arith.constant 6 : i32
        %broadcast_in_dim3A_367 = vector.broadcast %broadcast_in_dim3A_366 : i32 to vector<16xi32>
        %gather3A_368 = tpu.vector_load_idx %arg20[%iota3A, %broadcast_in_dim3A_367] : memref<16x16xf32, #tpu.memory_space<vmem>>[vector<16xi32>, vector<16xi32>], vector<16xf32>,
        %add3A_369 = arith.addf %add3A_365, %gather3A_368 : vector<16xf32>
        %broadcast_in_dim3A_370 = arith.constant 7 : i32
        %broadcast_in_dim3A_371 = vector.broadcast %broadcast_in_dim3A_370 : i32 to vector<16xi32>
        %gather3A_372 = tpu.vector_load_idx %arg20[%iota3A, %broadcast_in_dim3A_371] : memref<16x16xf32, #tpu.memory_space<vmem>>[vector<16xi32>, vector<16xi32>], vector<16xf32>,
        %add3A_373 = arith.addf %add3A_369, %gather3A_372 : vector<16xf32>
        %broadcast_in_dim3A_374 = arith.constant 8 : i32
        %broadcast_in_dim3A_375 = vector.broadcast %broadcast_in_dim3A_374 : i32 to vector<16xi32>
        %gather3A_376 = tpu.vector_load_idx %arg20[%iota3A, %broadcast_in_dim3A_375] : memref<16x16xf32, #tpu.memory_space<vmem>>[vector<16xi32>, vector<16xi32>], vector<16xf32>,
        %add3A_377 = arith.addf %add3A_373, %gather3A_376 : vector<16xf32>
        %broadcast_in_dim3A_378 = arith.constant 9 : i32
        %broadcast_in_dim3A_379 = vector.broadcast %broadcast_in_dim3A_378 : i32 to vector<16xi32>
        %gather3A_380 = tpu.vector_load_idx %arg20[%iota3A, %broadcast_in_dim3A_379] : memref<16x16xf32, #tpu.memory_space<vmem>>[vector<16xi32>, vector<16xi32>], vector<16xf32>,
        %add3A_381 = arith.addf %add3A_377, %gather3A_380 : vector<16xf32>
        %broadcast_in_dim3A_382 = arith.constant 10 : i32
        %broadcast_in_dim3A_383 = vector.broadcast %broadcast_in_dim3A_382 : i32 to vector<16xi32>
        %gather3A_384 = tpu.vector_load_idx %arg20[%iota3A, %broadcast_in_dim3A_383] : memref<16x16xf32, #tpu.memory_space<vmem>>[vector<16xi32>, vector<16xi32>], vector<16xf32>,
        %add3A_385 = arith.addf %add3A_381, %gather3A_384 : vector<16xf32>
        %broadcast_in_dim3A_386 = arith.constant 11 : i32
        %broadcast_in_dim3A_387 = vector.broadcast %broadcast_in_dim3A_386 : i32 to vector<16xi32>
        %gather3A_388 = tpu.vector_load_idx %arg20[%iota3A, %broadcast_in_dim3A_387] : memref<16x16xf32, #tpu.memory_space<vmem>>[vector<16xi32>, vector<16xi32>], vector<16xf32>,
        %add3A_389 = arith.addf %add3A_385, %gather3A_388 : vector<16xf32>
        %broadcast_in_dim3A_390 = arith.constant 12 : i32
        %broadcast_in_dim3A_391 = vector.broadcast %broadcast_in_dim3A_390 : i32 to vector<16xi32>
        %gather3A_392 = tpu.vector_load_idx %arg20[%iota3A, %broadcast_in_dim3A_391] : memref<16x16xf32, #tpu.memory_space<vmem>>[vector<16xi32>, vector<16xi32>], vector<16xf32>,
        %add3A_393 = arith.addf %add3A_389, %gather3A_392 : vector<16xf32>
        %broadcast_in_dim3A_394 = arith.constant 13 : i32
        %broadcast_in_dim3A_395 = vector.broadcast %broadcast_in_dim3A_394 : i32 to vector<16xi32>
        %gather3A_396 = tpu.vector_load_idx %arg20[%iota3A, %broadcast_in_dim3A_395] : memref<16x16xf32, #tpu.memory_space<vmem>>[vector<16xi32>, vector<16xi32>], vector<16xf32>,
        %add3A_397 = arith.addf %add3A_393, %gather3A_396 : vector<16xf32>
        %broadcast_in_dim3A_398 = arith.constant 14 : i32
        %broadcast_in_dim3A_399 = vector.broadcast %broadcast_in_dim3A_398 : i32 to vector<16xi32>
        %gather3A_400 = tpu.vector_load_idx %arg20[%iota3A, %broadcast_in_dim3A_399] : memref<16x16xf32, #tpu.memory_space<vmem>>[vector<16xi32>, vector<16xi32>], vector<16xf32>,
        %add3A_401 = arith.addf %add3A_397, %gather3A_400 : vector<16xf32>
        %broadcast_in_dim3A_402 = arith.constant 15 : i32
        %broadcast_in_dim3A_403 = vector.broadcast %broadcast_in_dim3A_402 : i32 to vector<16xi32>
        %gather3A_404 = tpu.vector_load_idx %arg20[%iota3A, %broadcast_in_dim3A_403] : memref<16x16xf32, #tpu.memory_space<vmem>>[vector<16xi32>, vector<16xi32>], vector<16xf32>,
        %add3A_405 = arith.addf %add3A_401, %gather3A_404 : vector<16xf32>
        %exp3A_406 = math.exp %add3A_405 : vector<16xf32>
        %add3A_407 = vector.broadcast %add3A_332 : i32 to vector<16xi32>
        %add3A_408 = arith.addi %add3A_407, %iota3A : vector<16xi32>
        %lt3A_409 = vector.broadcast %scan3A_141 : i32 to vector<16xi32>
        %lt3A_410 = arith.cmpi slt, %add3A_408, %lt3A_409 : vector<16xi32>
        %sub3A_411 = vector.broadcast %add3A_102 : i32 to vector<16xi32>
        %sub3A_412 = arith.subi %get3A_197, %sub3A_411 : vector<16xi32>
        %jit3A_413 = arith.constant 5000 : i32
        %broadcast_in_dim3A_414 = vector.broadcast %jit3A_413 : i32 to vector<16xi32>
        %select_n3A_415 = arith.select %lt3A_410, %sub3A_412, %broadcast_in_dim3A_414 : vector<16xi1>, vector<16xi32>
        %scan3A_416 = arith.constant 0 : i32
        %scan3A_417 = arith.constant 0 : i32
        %scan3A_418 = arith.constant 16 : i32
        %scan3A_419 = arith.addi %scan3A_417, %scan3A_418 : i32
        %scan3A_420 = arith.constant 1 : i32
        %scan3A_421 = scf.for %scan3A_432 = %scan3A_417 to %scan3A_419 step %scan3A_420 iter_args(%scan3A_433 = %scan3A_416) -> (i32)  : i32 {
          %broadcast_in_dim3A_434 = vector.broadcast %scan3A_432 : i32 to vector<16xi32>
          %lt3A_435 = arith.constant 0 : i32
          %lt3A_436 = vector.broadcast %lt3A_435 : i32 to vector<16xi32>
          %lt3A_437 = arith.cmpi slt, %broadcast_in_dim3A_434, %lt3A_436 : vector<16xi32>
          %add3A_438 = arith.constant 16 : i32
          %add3A_439 = vector.broadcast %add3A_438 : i32 to vector<16xi32>
          %add3A_440 = arith.addi %broadcast_in_dim3A_434, %add3A_439 : vector<16xi32>
          %select_n3A_441 = arith.select %lt3A_437, %add3A_440, %broadcast_in_dim3A_434 : vector<16xi1>, vector<16xi32>
          %reshape3A = vector.shape_cast %select_n3A_441 : vector<16xi32> to vector<16x1xi32>
          %gather3A_442 = vector.shape_cast %reshape3A : vector<16x1xi32> to vector<16xi32>
          %gather3A_443 = tpu.dynamic_gather %exp3A_406[%gather3A_442] in [0] : vector<16xf32>, vector<16xi32> -> vector<16xf32>
          %get3A_444 = arith.index_cast %scan3A_432 : i32 to index
          %get3A_445 = arith.constant 0 : index
          %get3A_446 = tpu.vector_load %arg16[%get3A_444, %get3A_445] {strides = array<i32>} : memref<16x128xf32, #tpu.memory_space<vmem>>, vector<16xf32>,
          %mul3A_447 = arith.mulf %get3A_446, %gather3A_443 : vector<16xf32>
          %swap3A = arith.index_cast %scan3A_432 : i32 to index
          %swap3A_448 = arith.constant 0 : index
          %swap3A_449 = tpu.vector_load %arg19[%swap3A, %swap3A_448] {strides = array<i32>} : memref<16x144xf32, #tpu.memory_space<vmem>>, vector<16xf32>,
          tpu.vector_store %arg19[%swap3A, %swap3A_448], %mul3A_447 {strides = array<i32>} : memref<16x144xf32, #tpu.memory_space<vmem>>, vector<16xf32>,
          %get3A_450 = arith.index_cast %scan3A_432 : i32 to index
          %get3A_451 = arith.constant 16 : index
          %get3A_452 = tpu.vector_load %arg16[%get3A_450, %get3A_451] {strides = array<i32>} : memref<16x128xf32, #tpu.memory_space<vmem>>, vector<16xf32>,
          %mul3A_453 = arith.mulf %get3A_452, %gather3A_443 : vector<16xf32>
          %swap3A_454 = arith.index_cast %scan3A_432 : i32 to index
          %swap3A_455 = arith.constant 16 : index
          %swap3A_456 = tpu.vector_load %arg19[%swap3A_454, %swap3A_455] {strides = array<i32>} : memref<16x144xf32, #tpu.memory_space<vmem>>, vector<16xf32>,
          tpu.vector_store %arg19[%swap3A_454, %swap3A_455], %mul3A_453 {strides = array<i32>} : memref<16x144xf32, #tpu.memory_space<vmem>>, vector<16xf32>,
          %get3A_457 = arith.index_cast %scan3A_432 : i32 to index
          %get3A_458 = arith.constant 32 : index
          %get3A_459 = tpu.vector_load %arg16[%get3A_457, %get3A_458] {strides = array<i32>} : memref<16x128xf32, #tpu.memory_space<vmem>>, vector<16xf32>,
          %mul3A_460 = arith.mulf %get3A_459, %gather3A_443 : vector<16xf32>
          %swap3A_461 = arith.index_cast %scan3A_432 : i32 to index
          %swap3A_462 = arith.constant 32 : index
          %swap3A_463 = tpu.vector_load %arg19[%swap3A_461, %swap3A_462] {strides = array<i32>} : memref<16x144xf32, #tpu.memory_space<vmem>>, vector<16xf32>,
          tpu.vector_store %arg19[%swap3A_461, %swap3A_462], %mul3A_460 {strides = array<i32>} : memref<16x144xf32, #tpu.memory_space<vmem>>, vector<16xf32>,
          %get3A_464 = arith.index_cast %scan3A_432 : i32 to index
          %get3A_465 = arith.constant 48 : index
          %get3A_466 = tpu.vector_load %arg16[%get3A_464, %get3A_465] {strides = array<i32>} : memref<16x128xf32, #tpu.memory_space<vmem>>, vector<16xf32>,
          %mul3A_467 = arith.mulf %get3A_466, %gather3A_443 : vector<16xf32>
          %swap3A_468 = arith.index_cast %scan3A_432 : i32 to index
          %swap3A_469 = arith.constant 48 : index
          %swap3A_470 = tpu.vector_load %arg19[%swap3A_468, %swap3A_469] {strides = array<i32>} : memref<16x144xf32, #tpu.memory_space<vmem>>, vector<16xf32>,
          tpu.vector_store %arg19[%swap3A_468, %swap3A_469], %mul3A_467 {strides = array<i32>} : memref<16x144xf32, #tpu.memory_space<vmem>>, vector<16xf32>,
          %get3A_471 = arith.index_cast %scan3A_432 : i32 to index
          %get3A_472 = arith.constant 64 : index
          %get3A_473 = tpu.vector_load %arg16[%get3A_471, %get3A_472] {strides = array<i32>} : memref<16x128xf32, #tpu.memory_space<vmem>>, vector<16xf32>,
          %mul3A_474 = arith.mulf %get3A_473, %gather3A_443 : vector<16xf32>
          %swap3A_475 = arith.index_cast %scan3A_432 : i32 to index
          %swap3A_476 = arith.constant 64 : index
          %swap3A_477 = tpu.vector_load %arg19[%swap3A_475, %swap3A_476] {strides = array<i32>} : memref<16x144xf32, #tpu.memory_space<vmem>>, vector<16xf32>,
          tpu.vector_store %arg19[%swap3A_475, %swap3A_476], %mul3A_474 {strides = array<i32>} : memref<16x144xf32, #tpu.memory_space<vmem>>, vector<16xf32>,
          %get3A_478 = arith.index_cast %scan3A_432 : i32 to index
          %get3A_479 = arith.constant 80 : index
          %get3A_480 = tpu.vector_load %arg16[%get3A_478, %get3A_479] {strides = array<i32>} : memref<16x128xf32, #tpu.memory_space<vmem>>, vector<16xf32>,
          %mul3A_481 = arith.mulf %get3A_480, %gather3A_443 : vector<16xf32>
          %swap3A_482 = arith.index_cast %scan3A_432 : i32 to index
          %swap3A_483 = arith.constant 80 : index
          %swap3A_484 = tpu.vector_load %arg19[%swap3A_482, %swap3A_483] {strides = array<i32>} : memref<16x144xf32, #tpu.memory_space<vmem>>, vector<16xf32>,
          tpu.vector_store %arg19[%swap3A_482, %swap3A_483], %mul3A_481 {strides = array<i32>} : memref<16x144xf32, #tpu.memory_space<vmem>>, vector<16xf32>,
          %get3A_485 = arith.index_cast %scan3A_432 : i32 to index
          %get3A_486 = arith.constant 96 : index
          %get3A_487 = tpu.vector_load %arg16[%get3A_485, %get3A_486] {strides = array<i32>} : memref<16x128xf32, #tpu.memory_space<vmem>>, vector<16xf32>,
          %mul3A_488 = arith.mulf %get3A_487, %gather3A_443 : vector<16xf32>
          %swap3A_489 = arith.index_cast %scan3A_432 : i32 to index
          %swap3A_490 = arith.constant 96 : index
          %swap3A_491 = tpu.vector_load %arg19[%swap3A_489, %swap3A_490] {strides = array<i32>} : memref<16x144xf32, #tpu.memory_space<vmem>>, vector<16xf32>,
          tpu.vector_store %arg19[%swap3A_489, %swap3A_490], %mul3A_488 {strides = array<i32>} : memref<16x144xf32, #tpu.memory_space<vmem>>, vector<16xf32>,
          %get3A_492 = arith.index_cast %scan3A_432 : i32 to index
          %get3A_493 = arith.constant 112 : index
          %get3A_494 = tpu.vector_load %arg16[%get3A_492, %get3A_493] {strides = array<i32>} : memref<16x128xf32, #tpu.memory_space<vmem>>, vector<16xf32>,
          %mul3A_495 = arith.mulf %get3A_494, %gather3A_443 : vector<16xf32>
          %swap3A_496 = arith.index_cast %scan3A_432 : i32 to index
          %swap3A_497 = arith.constant 112 : index
          %swap3A_498 = tpu.vector_load %arg19[%swap3A_496, %swap3A_497] {strides = array<i32>} : memref<16x144xf32, #tpu.memory_space<vmem>>, vector<16xf32>,
          tpu.vector_store %arg19[%swap3A_496, %swap3A_497], %mul3A_495 {strides = array<i32>} : memref<16x144xf32, #tpu.memory_space<vmem>>, vector<16xf32>,
          %scan3A_499 = arith.constant 0 : i32
          scf.yield %scan3A_499 : i32
        }
        %scan3A_422 = arith.constant 16 : i32
        %broadcast_in_dim3A_423 = arith.constant 128 : i32
        %broadcast_in_dim3A_424 = vector.broadcast %broadcast_in_dim3A_423 : i32 to vector<16xi32>
        tpu.vector_store_idx %arg19[%iota3A, %broadcast_in_dim3A_424], %exp3A_406 : memref<16x144xf32, #tpu.memory_space<vmem>>[vector<16xi32>, vector<16xi32>], vector<16xf32>,
        %dma_start3A_425 = arith.constant 0 : i32
        %dma_start3A_426 = arith.constant 0 : i32
        %dma_start3A_427 = tpu.memref_slice %arg23[%dma_start3A_425, %dma_start3A_426] : memref<5040x144xf32, #tpu.memory_space<vmem_shared>> -> memref<5040x144xf32, #tpu.memory_space<vmem_shared>>
        tpu.enqueue_indirect_dma source(%arg19 : memref<16x144xf32, #tpu.memory_space<vmem>>) target(%dma_start3A_427 : memref<5040x144xf32, #tpu.memory_space<vmem_shared>>) offsets(%select_n3A_415 : vector<16xi32>) semaphore(%arg25 : memref<!tpu.dma_semaphore, #tpu.memory_space<semaphore_mem>>) {add = true}
        %dma_wait3A_428 = arith.constant 0 : i32
        %dma_wait3A_429 = arith.constant 0 : i32
        %dma_wait3A_430 = tpu.memref_slice %arg23[%dma_wait3A_428, %dma_wait3A_429] : memref<5040x144xf32, #tpu.memory_space<vmem_shared>> -> memref<5040x144xf32, #tpu.memory_space<vmem_shared>>
        tpu.wait_indirect_dma semaphore(%arg25 : memref<!tpu.dma_semaphore, #tpu.memory_space<semaphore_mem>>) src(%arg19 : memref<16x144xf32, #tpu.memory_space<vmem>>) dst(%dma_wait3A_430 : memref<5040x144xf32, #tpu.memory_space<vmem_shared>>)
        %while3A_431 = arith.constant 0 : i32
        scf.yield %while3A_431 : i32
      }
      %scan3A_174 = arith.constant 0 : i32
      scf.yield %scan3A_174 : i32
    }
    %scan3A_116 = arith.constant 5 : i32
    %barrier3A_117 = arith.constant 0 : index
    tpu.barrier barrier_id(%barrier3A_117)
    %scan3A_118 = arith.constant 0 : i32
    %scan3A_119 = arith.constant 0 : i32
    %scan3A_120 = arith.constant 13 : i32
    %scan3A_121 = arith.addi %scan3A_119, %scan3A_120 : i32
    %scan3A_122 = arith.constant 1 : i32
    %scan3A_123 = scf.for %scan3A_128 = %scan3A_119 to %scan3A_121 step %scan3A_122 iter_args(%scan3A_129 = %scan3A_118) -> (i32)  : i32 {
      %mul3A_130 = arith.constant 16 : i32
      %mul3A_131 = arith.muli %scan3A_128, %mul3A_130 : i32
      %add3A_132 = arith.addi %arg1, %mul3A_131 : i32
      %lt3A = arith.constant 200 : i32
      %lt3A_133 = arith.cmpi slt, %add3A_132, %lt3A : i32
      %convert_element_type3A = arith.extui %lt3A_133 : i1 to i32
      %cond3A = arith.constant 0 : i32
      %cond3A_134 = arith.cmpi ne, %convert_element_type3A, %cond3A : i32
      scf.if %cond3A_134 {
        %mul3A_136 = arith.constant 25 : i32
        %mul3A_137 = arith.muli %add3A_132, %mul3A_136 : i32
        %mul3A_138 = arith.constant 25 : i32
        %mul3A_139 = arith.muli %add3A_132, %mul3A_138 : i32
        %add3A_140 = arith.addi %add3A_102, %mul3A_139 : i32
        "tpu.region"() ({
          %run_scoped3A = tpu.sem_alloc : memref<!tpu.dma_semaphore, #tpu.memory_space<semaphore_mem>>
          %dma_start3A = arith.constant 0 : i32
          %dma_start3A_141 = tpu.memref_slice %arg7[%add3A_140, %dma_start3A] : memref<10000x144xf32, #tpu.memory_space<hbm>> -> memref<25x144xf32, #tpu.memory_space<hbm>>
          %dma_start3A_142 = arith.constant 0 : i32
          %dma_start3A_143 = tpu.memref_slice %arg23[%mul3A_137, %dma_start3A_142] : memref<5040x144xf32, #tpu.memory_space<vmem_shared>> -> memref<25x144xf32, #tpu.memory_space<vmem_shared>>
          tpu.enqueue_dma source(%dma_start3A_143 : memref<25x144xf32, #tpu.memory_space<vmem_shared>>) target(%dma_start3A_141 : memref<25x144xf32, #tpu.memory_space<hbm>>) target_semaphore(%run_scoped3A : memref<!tpu.dma_semaphore, #tpu.memory_space<semaphore_mem>>)
          %dma_wait3A = arith.constant 0 : i32
          %dma_wait3A_144 = tpu.memref_slice %arg7[%add3A_140, %dma_wait3A] : memref<10000x144xf32, #tpu.memory_space<hbm>> -> memref<25x144xf32, #tpu.memory_space<hbm>>
          %dma_wait3A_145 = arith.constant 0 : i32
          %dma_wait3A_146 = tpu.memref_slice %arg23[%mul3A_137, %dma_wait3A_145] : memref<5040x144xf32, #tpu.memory_space<vmem_shared>> -> memref<25x144xf32, #tpu.memory_space<vmem_shared>>
          tpu.wait_dma2 semaphore(%run_scoped3A : memref<!tpu.dma_semaphore, #tpu.memory_space<semaphore_mem>>) src(%dma_wait3A_146 : memref<25x144xf32, #tpu.memory_space<vmem_shared>>) dst(%dma_wait3A_144 : memref<25x144xf32, #tpu.memory_space<hbm>>)
          tpu.yield
        }) : () -> ()
      } else {
      }
      %scan3A_135 = arith.constant 0 : i32
      scf.yield %scan3A_135 : i32
    }
    %scan3A_124 = arith.constant 13 : i32
    %barrier3A_125 = arith.constant 0 : index
    tpu.barrier barrier_id(%barrier3A_125)
    %scan3A_126 = arith.constant 0 : i32
    %scan3A_127 = arith.constant 1 : i32
    return
  }
}

module attributes {stable_mosaic.version = 14 : i64} {
  func.func @_mm_kernel(%arg0: i32, %arg1: memref<2048x128xf32, #tpu.memory_space<vmem>>, %arg2: memref<128x128xf32, #tpu.memory_space<vmem>>, %arg3: memref<2048x128xf32, #tpu.memory_space<vmem>>) attributes {dimension_semantics = [#tpu.dimension_semantics<arbitrary>], iteration_bounds = array<i64: 5>, scalar_prefetch = 0 : i64, scratch_operands = 0 : i64, tpu.core_type = #tpu.core_type<tc>, window_params = [{transform_indices = @transform_0, window_bounds = array<i64: 2048, 128>}, {pipeline_mode = #tpu.pipeline_mode<synchronous>, transform_indices = @transform_1, window_bounds = array<i64: 128, 128>}, {transform_indices = @transform_2, window_bounds = array<i64: 2048, 128>}]} {
    %get3A = arith.constant 0 : index
    %get3A_0 = arith.constant 0 : index
    %get3A_1 = vector.load %arg1[%get3A, %get3A_0] : memref<2048x128xf32, #tpu.memory_space<vmem>>, vector<2048x128xf32>
    %get3A_2 = arith.constant 0 : index
    %get3A_3 = arith.constant 0 : index
    %get3A_4 = vector.load %arg2[%get3A_2, %get3A_3] : memref<128x128xf32, #tpu.memory_space<vmem>>, vector<128x128xf32>
    %dot_general3A = arith.constant dense<0.000000e+00> : vector<2048x128xf32>
    %dot_general3A_5 = tpu.matmul %get3A_1, %get3A_4, %dot_general3A {dimension_numbers = #tpu.dot_dimension_numbers<[1], [0], [0], [1], [0, 0, 1, 1], [], []>, transpose_lhs_hint = false} : vector<2048x128xf32>, vector<128x128xf32>, vector<2048x128xf32> -> vector<2048x128xf32>
    %swap3A = arith.constant 0 : index
    %swap3A_6 = arith.constant 0 : index
    %swap3A_7 = vector.load %arg3[%swap3A, %swap3A_6] : memref<2048x128xf32, #tpu.memory_space<vmem>>, vector<2048x128xf32>
    tpu.vector_store %arg3[%swap3A, %swap3A_6], %dot_general3A_5 {strides = array<i32>} : memref<2048x128xf32, #tpu.memory_space<vmem>>, vector<2048x128xf32>,
    return
  }
  func.func @transform_0(%arg0: i32) -> (i32, i32) {
    %c0_i32 = arith.constant 0 : i32
    %c0_i32_0 = arith.constant 0 : i32
    return %arg0, %c0_i32 : i32, i32
  }
  func.func @transform_1(%arg0: i32) -> (i32, i32) {
    %c0_i32 = arith.constant 0 : i32
    %c0_i32_0 = arith.constant 0 : i32
    %c0_i32_1 = arith.constant 0 : i32
    return %c0_i32, %c0_i32_0 : i32, i32
  }
  func.func @transform_2(%arg0: i32) -> (i32, i32) {
    %c0_i32 = arith.constant 0 : i32
    %c0_i32_0 = arith.constant 0 : i32
    return %arg0, %c0_i32 : i32, i32
  }
}

module attributes {stable_mosaic.version = 14 : i64} {
  func.func @_mm_kernel(%arg0: i32, %arg1: memref<2048x16xf32, #tpu.memory_space<vmem>>, %arg2: memref<16x128xf32, #tpu.memory_space<vmem>>, %arg3: memref<2048x128xf32, #tpu.memory_space<vmem>>) attributes {dimension_semantics = [#tpu.dimension_semantics<arbitrary>], iteration_bounds = array<i64: 157>, scalar_prefetch = 0 : i64, scratch_operands = 0 : i64, tpu.core_type = #tpu.core_type<tc>, window_params = [{transform_indices = @transform_0, window_bounds = array<i64: 2048, 16>}, {pipeline_mode = #tpu.pipeline_mode<synchronous>, transform_indices = @transform_1, window_bounds = array<i64: 16, 128>}, {transform_indices = @transform_2, window_bounds = array<i64: 2048, 128>}]} {
    %get3A = arith.constant 0 : index
    %get3A_0 = arith.constant 0 : index
    %get3A_1 = vector.load %arg1[%get3A, %get3A_0] : memref<2048x16xf32, #tpu.memory_space<vmem>>, vector<2048x16xf32>
    %get3A_2 = arith.constant 0 : index
    %get3A_3 = arith.constant 0 : index
    %get3A_4 = vector.load %arg2[%get3A_2, %get3A_3] : memref<16x128xf32, #tpu.memory_space<vmem>>, vector<16x128xf32>
    %dot_general3A = arith.constant dense<0.000000e+00> : vector<2048x128xf32>
    %dot_general3A_5 = tpu.matmul %get3A_1, %get3A_4, %dot_general3A {dimension_numbers = #tpu.dot_dimension_numbers<[1], [0], [0], [1], [0, 0, 1, 1], [], []>, transpose_lhs_hint = false} : vector<2048x16xf32>, vector<16x128xf32>, vector<2048x128xf32> -> vector<2048x128xf32>
    %swap3A = arith.constant 0 : index
    %swap3A_6 = arith.constant 0 : index
    %swap3A_7 = vector.load %arg3[%swap3A, %swap3A_6] : memref<2048x128xf32, #tpu.memory_space<vmem>>, vector<2048x128xf32>
    tpu.vector_store %arg3[%swap3A, %swap3A_6], %dot_general3A_5 {strides = array<i32>} : memref<2048x128xf32, #tpu.memory_space<vmem>>, vector<2048x128xf32>,
    return
  }
  func.func @transform_0(%arg0: i32) -> (i32, i32) {
    %c0_i32 = arith.constant 0 : i32
    %c0_i32_0 = arith.constant 0 : i32
    return %arg0, %c0_i32 : i32, i32
  }
  func.func @transform_1(%arg0: i32) -> (i32, i32) {
    %c0_i32 = arith.constant 0 : i32
    %c0_i32_0 = arith.constant 0 : i32
    %c0_i32_1 = arith.constant 0 : i32
    return %c0_i32, %c0_i32_0 : i32, i32
  }
  func.func @transform_2(%arg0: i32) -> (i32, i32) {
    %c0_i32 = arith.constant 0 : i32
    %c0_i32_0 = arith.constant 0 : i32
    return %arg0, %c0_i32 : i32, i32
  }
}

module attributes {stable_mosaic.version = 14 : i64} {
  func.func @_mm_kernel(%arg0: i32, %arg1: memref<2048x128xf32, #tpu.memory_space<vmem>>, %arg2: memref<128x128xf32, #tpu.memory_space<vmem>>, %arg3: memref<2048x128xf32, #tpu.memory_space<vmem>>) attributes {dimension_semantics = [#tpu.dimension_semantics<arbitrary>], iteration_bounds = array<i64: 157>, scalar_prefetch = 0 : i64, scratch_operands = 0 : i64, tpu.core_type = #tpu.core_type<tc>, window_params = [{transform_indices = @transform_0, window_bounds = array<i64: 2048, 128>}, {pipeline_mode = #tpu.pipeline_mode<synchronous>, transform_indices = @transform_1, window_bounds = array<i64: 128, 128>}, {transform_indices = @transform_2, window_bounds = array<i64: 2048, 128>}]} {
    %get3A = arith.constant 0 : index
    %get3A_0 = arith.constant 0 : index
    %get3A_1 = vector.load %arg1[%get3A, %get3A_0] : memref<2048x128xf32, #tpu.memory_space<vmem>>, vector<2048x128xf32>
    %get3A_2 = arith.constant 0 : index
    %get3A_3 = arith.constant 0 : index
    %get3A_4 = vector.load %arg2[%get3A_2, %get3A_3] : memref<128x128xf32, #tpu.memory_space<vmem>>, vector<128x128xf32>
    %dot_general3A = arith.constant dense<0.000000e+00> : vector<2048x128xf32>
    %dot_general3A_5 = tpu.matmul %get3A_1, %get3A_4, %dot_general3A {dimension_numbers = #tpu.dot_dimension_numbers<[1], [0], [0], [1], [0, 0, 1, 1], [], []>, transpose_lhs_hint = false} : vector<2048x128xf32>, vector<128x128xf32>, vector<2048x128xf32> -> vector<2048x128xf32>
    %swap3A = arith.constant 0 : index
    %swap3A_6 = arith.constant 0 : index
    %swap3A_7 = vector.load %arg3[%swap3A, %swap3A_6] : memref<2048x128xf32, #tpu.memory_space<vmem>>, vector<2048x128xf32>
    tpu.vector_store %arg3[%swap3A, %swap3A_6], %dot_general3A_5 {strides = array<i32>} : memref<2048x128xf32, #tpu.memory_space<vmem>>, vector<2048x128xf32>,
    return
  }
  func.func @transform_0(%arg0: i32) -> (i32, i32) {
    %c0_i32 = arith.constant 0 : i32
    %c0_i32_0 = arith.constant 0 : i32
    return %arg0, %c0_i32 : i32, i32
  }
  func.func @transform_1(%arg0: i32) -> (i32, i32) {
    %c0_i32 = arith.constant 0 : i32
    %c0_i32_0 = arith.constant 0 : i32
    %c0_i32_1 = arith.constant 0 : i32
    return %c0_i32, %c0_i32_0 : i32, i32
  }
  func.func @transform_2(%arg0: i32) -> (i32, i32) {
    %c0_i32 = arith.constant 0 : i32
    %c0_i32_0 = arith.constant 0 : i32
    return %arg0, %c0_i32 : i32, i32
  }
}

module attributes {stable_mosaic.version = 14 : i64} {
  func.func @_fin_kernel(%arg0: i32, %arg1: memref<2048x144xf32, #tpu.memory_space<vmem>>, %arg2: memref<2048x128xf32, #tpu.memory_space<vmem>>) attributes {dimension_semantics = [#tpu.dimension_semantics<arbitrary>], iteration_bounds = array<i64: 5>, scalar_prefetch = 0 : i64, scratch_operands = 0 : i64, tpu.core_type = #tpu.core_type<tc>, window_params = [{transform_indices = @transform_0, window_bounds = array<i64: 2048, 144>}, {transform_indices = @transform_1, window_bounds = array<i64: 2048, 128>}]} {
    %get3A = arith.constant 0 : index
    %get3A_0 = arith.constant 0 : index
    %get3A_1 = vector.load %arg1[%get3A, %get3A_0] : memref<2048x144xf32, #tpu.memory_space<vmem>>, vector<2048x144xf32>
    %slice3A = vector.extract_strided_slice %get3A_1 {offsets = [0, 0], sizes = [2048, 128], strides = [1, 1]} : vector<2048x144xf32> to vector<2048x128xf32>
    %slice3A_2 = vector.extract_strided_slice %get3A_1 {offsets = [0, 128], sizes = [2048, 1], strides = [1, 1]} : vector<2048x144xf32> to vector<2048x1xf32>
    %add3A = arith.constant 9.99999971E-10 : f32
    %add3A_3 = vector.broadcast %add3A : f32 to vector<2048x1xf32>
    %add3A_4 = arith.addf %slice3A_2, %add3A_3 : vector<2048x1xf32>
    %div3A = vector.broadcast %add3A_4 : vector<2048x1xf32> to vector<2048x128xf32>
    %div3A_5 = arith.divf %slice3A, %div3A : vector<2048x128xf32>
    %gt3A = arith.constant 0.000000e+00 : f32
    %gt3A_6 = vector.broadcast %gt3A : f32 to vector<2048x128xf32>
    %gt3A_7 = arith.cmpf ogt, %div3A_5, %gt3A_6 : vector<2048x128xf32>
    %min3A = arith.constant 0.000000e+00 : f32
    %min3A_8 = vector.broadcast %min3A : f32 to vector<2048x128xf32>
    %min3A_9 = arith.minimumf %div3A_5, %min3A_8 : vector<2048x128xf32>
    %exp3A = math.exp %min3A_9 : vector<2048x128xf32>
    %sub3A = arith.constant 1.000000e+00 : f32
    %sub3A_10 = vector.broadcast %sub3A : f32 to vector<2048x128xf32>
    %sub3A_11 = arith.subf %exp3A, %sub3A_10 : vector<2048x128xf32>
    %select_n3A = arith.select %gt3A_7, %div3A_5, %sub3A_11 : vector<2048x128xi1>, vector<2048x128xf32>
    %swap3A = arith.constant 0 : index
    %swap3A_12 = arith.constant 0 : index
    %swap3A_13 = vector.load %arg2[%swap3A, %swap3A_12] : memref<2048x128xf32, #tpu.memory_space<vmem>>, vector<2048x128xf32>
    tpu.vector_store %arg2[%swap3A, %swap3A_12], %select_n3A {strides = array<i32>} : memref<2048x128xf32, #tpu.memory_space<vmem>>, vector<2048x128xf32>,
    return
  }
  func.func @transform_0(%arg0: i32) -> (i32, i32) {
    %c0_i32 = arith.constant 0 : i32
    %c0_i32_0 = arith.constant 0 : i32
    return %arg0, %c0_i32 : i32, i32
  }
  func.func @transform_1(%arg0: i32) -> (i32, i32) {
    %c0_i32 = arith.constant 0 : i32
    %c0_i32_0 = arith.constant 0 : i32
    return %arg0, %c0_i32 : i32, i32
  }
}

module attributes {stable_mosaic.version = 14 : i64} {
  func.func @_fin_kernel(%arg0: i32, %arg1: memref<2048x144xf32, #tpu.memory_space<vmem>>, %arg2: memref<2048x128xf32, #tpu.memory_space<vmem>>) attributes {dimension_semantics = [#tpu.dimension_semantics<arbitrary>], iteration_bounds = array<i64: 157>, scalar_prefetch = 0 : i64, scratch_operands = 0 : i64, tpu.core_type = #tpu.core_type<tc>, window_params = [{transform_indices = @transform_0, window_bounds = array<i64: 2048, 144>}, {transform_indices = @transform_1, window_bounds = array<i64: 2048, 128>}]} {
    %get3A = arith.constant 0 : index
    %get3A_0 = arith.constant 0 : index
    %get3A_1 = vector.load %arg1[%get3A, %get3A_0] : memref<2048x144xf32, #tpu.memory_space<vmem>>, vector<2048x144xf32>
    %slice3A = vector.extract_strided_slice %get3A_1 {offsets = [0, 0], sizes = [2048, 128], strides = [1, 1]} : vector<2048x144xf32> to vector<2048x128xf32>
    %slice3A_2 = vector.extract_strided_slice %get3A_1 {offsets = [0, 128], sizes = [2048, 1], strides = [1, 1]} : vector<2048x144xf32> to vector<2048x1xf32>
    %add3A = arith.constant 9.99999971E-10 : f32
    %add3A_3 = vector.broadcast %add3A : f32 to vector<2048x1xf32>
    %add3A_4 = arith.addf %slice3A_2, %add3A_3 : vector<2048x1xf32>
    %div3A = vector.broadcast %add3A_4 : vector<2048x1xf32> to vector<2048x128xf32>
    %div3A_5 = arith.divf %slice3A, %div3A : vector<2048x128xf32>
    %gt3A = arith.constant 0.000000e+00 : f32
    %gt3A_6 = vector.broadcast %gt3A : f32 to vector<2048x128xf32>
    %gt3A_7 = arith.cmpf ogt, %div3A_5, %gt3A_6 : vector<2048x128xf32>
    %min3A = arith.constant 0.000000e+00 : f32
    %min3A_8 = vector.broadcast %min3A : f32 to vector<2048x128xf32>
    %min3A_9 = arith.minimumf %div3A_5, %min3A_8 : vector<2048x128xf32>
    %exp3A = math.exp %min3A_9 : vector<2048x128xf32>
    %sub3A = arith.constant 1.000000e+00 : f32
    %sub3A_10 = vector.broadcast %sub3A : f32 to vector<2048x128xf32>
    %sub3A_11 = arith.subf %exp3A, %sub3A_10 : vector<2048x128xf32>
    %select_n3A = arith.select %gt3A_7, %div3A_5, %sub3A_11 : vector<2048x128xi1>, vector<2048x128xf32>
    %swap3A = arith.constant 0 : index
    %swap3A_12 = arith.constant 0 : index
    %swap3A_13 = vector.load %arg2[%swap3A, %swap3A_12] : memref<2048x128xf32, #tpu.memory_space<vmem>>, vector<2048x128xf32>
    tpu.vector_store %arg2[%swap3A, %swap3A_12], %select_n3A {strides = array<i32>} : memref<2048x128xf32, #tpu.memory_space<vmem>>, vector<2048x128xf32>,
    return
  }
  func.func @transform_0(%arg0: i32) -> (i32, i32) {
    %c0_i32 = arith.constant 0 : i32
    %c0_i32_0 = arith.constant 0 : i32
    return %arg0, %c0_i32 : i32, i32
  }
  func.func @transform_1(%arg0: i32) -> (i32, i32) {
    %c0_i32 = arith.constant 0 : i32
    %c0_i32_0 = arith.constant 0 : i32
    return %arg0, %c0_i32 : i32, i32
  }
}

</mosaic_0001>

<sc_bundles>
// kernel: kernel.10.cloned.1.call-start
scs
__scs_entry_jumppad:
0x0: {  	(pc) =	sbr.rel $0x88, $3  }
0x1: {  	(tag) =	ssettag $0x0;
	lr =	simm.s32 $0x1  }
0x2: {  	[smem:$0x3F96] =	sst lr;
	_ =	strace $0xD0000000  }
0x3: {  	_ = 	snop  }
0x4: {  	_ = 	snop  }
0x5: {  	_ = 	snop  }
0x6: {  	_ = 	snop  }
0x7: {  	_ = 	snop  }
__scs_overlays_trampoline_lowered:
0x8: {  	[smem:$0x3FA5] =	sst s0  }
0x9: {  	[smem:$0x3FA6] =	sst s1  }
0xa: {  	[smem:$0x3FA7] =	sst s2  }
0xb: {  	[smem:$0x3FA8] =	sst s3  }
0xc: {  	[smem:$0x3FA9] =	sst s4  }
0xd: {  	[smem:$0x3FAA] =	sst s5  }
0xe: {  	[smem:$0x3FAB] =	sst s6  }
0xf: {  	[smem:$0x3FAC] =	sst s7  }
0x10: {  	[smem:$0x3FAD] =	sst s8  }
0x11: {  	[smem:$0x3FAE] =	sst s9;
	s0 =	simm.s32 @!p0 $0x0  }
0x12: {  	s1 =	sld [smem:$0x3F94];
	s0 =	simm.s32 @p0 $0x1  }
0x13: {  	[smem:$0x3FAF] =	sst s0;
	s0 =	simm.s32 @!p1 $0x0  }
0x14: {  	s2 =	sld [smem:$0x3F93];
	s0 =	simm.s32 @p1 $0x1  }
0x15: {  	[smem:$0x3FB0] =	sst s0;
	s0 =	simm.s32 @!p2 $0x0  }
0x16: {  	s3 =	sld [smem:$0x3FDB];
	s0 =	simm.s32 @p2 $0x1  }
0x17: {  	s4 =	simm.s32 $0x1BF5;
	[smem:$0x3FB2] =	sst s0  }
0x18: {  	s0 =	sld [smem:$0x3F95];
	_ =	swait.ge [sflag:s4], $0x0  }
0x19: {  	s7 =	sld [smem:$0x3F96]  }
0x1a: {  	s8 =	sadd.s32 $0xFFFFE003, lr  }
0x1b: {  	s9 =	sadd.s32 $0xFFFFFEF7, lr;
	s5 =	simm.s32 $0xFFFFFFFF;
	p2 =	slt.u32 s8, $0xFFFFF086  }
0x1c: {  	p1 =	slt.u32 s9, $0xF7A;
	s5 =	simm.s32 @!p2 $0x0  }
0x1d: {  	s5 =	simm.s32 @p1 $0x1;
	p0 =	seq.s32 s7, s2  }
0x1e: {  	s7 =	smul.u32 @!p0 $0xF7A, s2;
	p2 =	seq.s32 @!p0 s5, $0x0  }
0x1f: {  	s9 =	smul.u32 $0xF7A, s1;
	s8 =	simm.s32 @!p0 $0x1BF5;
	p2 =	por !p2, p0  }
0x20: {  	[sflag:s8] =	ssyncset.s32 @!p0 $0xFFFFF086;
	s6 =	sadd.s32 @!p0 s3, s7;
	s7 =	simm.s32 @!p0 $0x108  }
0x21: {  	s3 =	sadd.s32 s3, s9;
	s6 =	sadd.s32 @!p0 $0x88, s6;
	s7 =	simm.s32 @p2 $0x1082  }
0x22: {  	[simem:s7], [sflag:s8] =	dma.local @!p0 [hbm:s6], $0xF7A  }
0x23: {  	s9 =	sor.u32 $0xD0000000, s2;
	s6 =	simm.s32 $0x108;
	_ =	swait.ge @!p0 [sflag:s8], $0x0  }
0x24: {  	s3 =	sadd.s32 $0x88, s3;
	s6 =	simm.s32 @!p1 $0x1082;
	[sflag:s4] =	ssyncset.s32 $0xFFFFF086  }
0x25: {  	[simem:s6], [sflag:s4] =	dma.local [hbm:s3], $0xF7A  }
0x26: {  	[smem:$0x3F96] =	sst s1;
	(tag) =	ssettag s2;
	_ =	strace s9  }
0x27: {  	s1 =	sld [smem:$0x3FA6]  }
0x28: {  	s2 =	sld [smem:$0x3FA7]  }
0x29: {  	s4 =	sld [smem:$0x3FA9]  }
0x2a: {  	p0 =	seq.s32 s5, $0x0;
	s5 =	sld [smem:$0x3FAA]  }
0x2b: {  	s6 =	sld [smem:$0x3FAB]  }
0x2c: {  	s7 =	sld [smem:$0x3FAC]  }
0x2d: {  	s3 =	simm.s32 $0x108;
	s8 =	sld [smem:$0x3FAD]  }
0x2e: {  	s3 =	simm.s32 @!p0 $0x1082;
	s9 =	sld [smem:$0x3FAE]  }
0x2f: {  	lr =	sadd.s32 s0, s3;
	s0 =	sld [smem:$0x3FA5]  }
0x30: {  	s3 =	sld [smem:$0x3FA8]  }
0x31: {  	[smem:$0x3FB1] =	sst s10  }
0x32: {  	s10 =	sld [smem:$0x3FAF];
	_ =	sdelay $0x3  }
0x33: {  	p0 =	seq.s32 s10, $0x1;
	s10 =	sld [smem:$0x3FB1];
	_ =	sdelay $0x3  }
0x34: {  	[smem:$0x3FB1] =	sst s10  }
0x35: {  	s10 =	sld [smem:$0x3FB0];
	_ =	sdelay $0x3  }
0x36: {  	p1 =	seq.s32 s10, $0x1;
	s10 =	sld [smem:$0x3FB1];
	_ =	sdelay $0x3  }
0x37: {  	[smem:$0x3FB1] =	sst s10  }
0x38: {  	s10 =	sld [smem:$0x3FB2]  }
0x39: {  	_ = 	snop;
	(pc) =	sbr.ind lr, $3  }
0x3a: {  	_ = 	snop  }
0x3b: {  	_ = 	snop  }
0x3c: {  	p2 =	seq.s32 s10, $0x1;
	s10 =	sld [smem:$0x3FB1]  }
0x3d: {  	_ =	shalt  }
0x3e: {  	_ =	shalt  }
0x3f: {  	_ =	shalt  }
0x40: {  	_ =	shalt  }
0x41: {  	_ =	shalt  }
0x42: {  	_ =	shalt  }
0x43: {  	_ =	shalt  }
0x44: {  	_ =	shalt  }
0x45: {  	_ =	shalt  }
0x46: {  	_ =	shalt  }
0x47: {  	_ =	shalt  }
0x48: {  	_ =	shalt  }
0x49: {  	_ =	shalt  }
0x4a: {  	_ =	shalt  }
0x4b: {  	_ =	shalt  }
0x4c: {  	_ =	shalt  }
0x4d: {  	_ =	shalt  }
0x4e: {  	_ =	shalt  }
0x4f: {  	_ =	shalt  }
0x50: {  	_ =	shalt  }
0x51: {  	_ =	shalt  }
0x52: {  	_ =	shalt  }
0x53: {  	_ =	shalt  }
0x54: {  	_ =	shalt  }
0x55: {  	_ =	shalt  }
0x56: {  	_ =	shalt  }
0x57: {  	_ =	shalt  }
0x58: {  	_ =	shalt  }
0x59: {  	_ =	shalt  }
0x5a: {  	_ =	shalt  }
0x5b: {  	_ =	shalt  }
0x5c: {  	_ =	shalt  }
0x5d: {  	_ =	shalt  }
0x5e: {  	_ =	shalt  }
0x5f: {  	_ =	shalt  }
0x60: {  	_ =	shalt  }
0x61: {  	_ =	shalt  }
0x62: {  	_ =	shalt  }
0x63: {  	_ =	shalt  }
0x64: {  	_ =	shalt  }
0x65: {  	_ =	shalt  }
0x66: {  	_ =	shalt  }
0x67: {  	_ =	shalt  }
0x68: {  	_ =	shalt  }
0x69: {  	_ =	shalt  }
0x6a: {  	_ =	shalt  }
0x6b: {  	_ =	shalt  }
0x6c: {  	_ =	shalt  }
0x6d: {  	_ =	shalt  }
0x6e: {  	_ =	shalt  }
0x6f: {  	_ =	shalt  }
0x70: {  	_ =	shalt  }
0x71: {  	_ =	shalt  }
0x72: {  	_ =	shalt  }
0x73: {  	_ =	shalt  }
0x74: {  	_ =	shalt  }
0x75: {  	_ =	shalt  }
0x76: {  	_ =	shalt  }
0x77: {  	_ =	shalt  }
0x78: {  	_ =	shalt  }
0x79: {  	_ =	shalt  }
0x7a: {  	_ =	shalt  }
0x7b: {  	_ =	shalt  }
0x7c: {  	_ =	shalt  }
0x7d: {  	_ =	shalt  }
0x7e: {  	_ =	shalt  }
0x7f: {  	_ =	shalt  }
0x80: {  	_ =	shalt  }
0x81: {  	_ =	shalt  }
0x82: {  	_ =	shalt  }
0x83: {  	_ =	shalt  }
0x84: {  	_ =	shalt  }
0x85: {  	_ =	shalt  }
0x86: {  	_ =	shalt  }
0x87: {  	_ =	shalt  }
.Lfunc_end0:
.L_simem_size_0:
called_computation_lowered:
.L_overlay_start_0:
0x88: {  	s2 =	sld [smem:$0x3FD9]  }
0x89: {  	s3 =	sld [smem:$0x3FFE];
	_ =	sdelay $0x1  }
0x8a: {  	s1 =	srdreg.scid  }
0x8b: {  	s0 =	sand.u32 $0x1, s1  }
0x8c: {  	s14 =	sshll.u32 s0, $0xA;
	s2 =	sadd.s32 s3, s2  }
0x8d: {  	s2 =	sadd.s32 s2, s14  }
0x8e: {  	[smem:$0x3FBD] =	sst s2  }
0x8f: {  	_ = 	snop  }
0x90: {  	s2 =	sld [smem:$0x3FD0];
	_ =	sdelay $0x2  }
0x91: {  	s4 =	simm.s32 $0xB;
	s5 =	simm.s32 $0x10;
	s15 =	sld [smem:$0x3FC2]  }
0x92: {  	[smem:s5], [sflag:s4] =	dma.local [hbm:s2], $0x1  }
0x93: {  	_ =	swait.eq [sflag:s4], $0x1  }
0x94: {  	[sflag:s4] =	ssyncset.done $0x0  }
0x95: {  	[sflag:s4] =	ssyncadd.s32 $0xFFFFFFFF  }
0x96: {  	s16 =	sld [smem:$0x10];
	(tm) =	ssettm $0x1  }
0x97: {  	s17 =	sld [smem:$0x3FFB];
	_ =	sdelay $0x3  }
0x98: {  	_ =	strace s17  }
0x99: {  	s4 =	sld [smem:$0x3FFC];
	_ =	sdelay $0x3  }
0x9a: {  	_ =	strace s4  }
0x9b: {  	s4 =	sld [smem:$0x3FFD];
	_ =	sdelay $0x3  }
0x9c: {  	_ =	strace s4  }
0x9d: {  	_ =	strace $0x8FFFFFFF  }
0x9e: {  	s18 =	sld [smem:$0x3FDB];
	_ =	sdelay $0x1  }
0x9f: {  	s19 =	simm.s32 $_scs_section_size  }
0xa0: {  	s6 =	simm.s32 $_size__tile_overlayer_lowered;
	s7 =	simm.s32 $_tile_overlayer_lowered  }
0xa1: {  	s22 =	simm.s32 $0x1BFF;
	s21 =	sshll.u32 s7, $0x1;
	s4 =	sadd.s32 s19, s18  }
0xa2: {  	s8 =	simm.s32 $0x0;
	s20 =	sshll.u32 s6, $0x1;
	s6 =	sadd.s32 s21, s4  }
0xa3: {  	[timem:s8], [sflag:s22] =	dma.local [hbm:s6], s20  }
0xa4: {  	_ =	swait.ge [sflag:s22], s20  }
0xa5: {  	s5 =	ssub.s32 $0x0, s20;
	[sflag:s22] =	ssyncset.done $0x0  }
0xa6: {  	[sflag:s22] =	ssyncadd.s32 s5;
	_ =	sdelay $0x1  }
0xa7: {  	s23 =	simm.s32 $0x1B8B  }
0xa8: {  	_ =	swait.ge [sflag:s23], $0x1  }
0xa9: {  	[sflag:s23] =	ssyncset.done $0x0  }
0xaa: {  	s25 =	simm.s32 $0x1B8E;
	s24 =	sld [smem:$0x3FFE];
	[sflag:s23] =	ssyncadd.s32 $0xFFFFFFFF  }
0xab: {  	s26 =	simm.s32 $execute0_lowered;
	[smem:$0x3FD2] =	sst s25  }
0xac: {  	s6 =	sshll.u32 s26, $0x1;
	_ =	strace $0x80000046;
	[dreg:$0x1] =	wrdreg $0xFFFFFFFF  }
0xad: {  	s28 =	simm.s32 $_size_execute0_lowered;
	s4 =	sadd.s32 s4, s6;
	[dreg:$0x0] =	wrdreg $0x0  }
0xae: {  	s6 =	sshll.u32 s28, $0x1;
	[dreg:$0x2] =	wrdreg s4  }
0xaf: {  	[dreg:$0x3] =	wrdreg s6  }
0xb0: {  	[dreg:$0x4] =	wrdreg $0xC0  }
0xb1: {  	_ =	task [dreg:s8], $0x5FFFF  }
0xb2: {  	[dreg:$0x1] =	wrdreg $0xFFFFFFFF  }
0xb3: {  	[dreg:$0x0] =	wrdreg $0x60  }
0xb4: {  	[dreg:$0x2] =	wrdreg s16  }
0xb5: {  	[dreg:$0x3] =	wrdreg s24  }
0xb6: {  	[dreg:$0x4] =	wrdreg s15  }
0xb7: {  	[dreg:$0x5] =	wrdreg $0x96E00  }
0xb8: {  	[dreg:$0x6] =	wrdreg $0x9  }
0xb9: {  	_ =	task.clear_ibuf [dreg:s8], $0x7FFFF;
	_ =	strace $0x90000046  }
0xba: {  	s29 =	simm.s32 $0x9;
	_ =	strace $0x80000048  }
0xbb: {  	_ =	swait.ge [sflag:s29], $0x1  }
0xbc: {  	[sflag:s29] =	ssyncadd.s32 $0xFFFFFFFF  }
0xbd: {  	_ =	strace $0x90000048  }
0xbe: {  	_ =	sfence  }
0xbf: {  	s30 =	sld [smem:$0x0];
	_ =	sdelay $0x2  }
0xc0: {  	s31 =	sshll.u32 s1, $0xD;
	s1 =	sshrl.u32 s1, $0x2  }
0xc1: {  	s3 =	sand.u32 $0x4000, s31;
	s1 =	sadd.s32 s1, s30  }
0xc2: {  	s0 =	sor.u32 s3, s0;
	s1 =	sshll.u32 s1, $0x11  }
0xc3: {  	s0 =	sor.u32 s1, s0  }
0xc4: {  	s0 =	sadd.s32 $0x8F2B, s0  }
0xc5: {  	[sflag:s0] =	ssyncadd.remote.s32 $0x1  }
0xc6: {  	_ =	sfence.sel $0xFFFF  }
0xc7: {  	[dreg:$0x0] =	wrdreg $0xFFFFFFFF;
	(pc) =	sbr.abs _section_cstart, $3  }
0xc8: {  	[dreg:$0x1] =	wrdreg $0xFFFFFFFF  }
0xc9: {  	_ =	task.clear_ibuf [dreg:s8], $0x2FFFF;
	_ =	strace $0x9FFFFFFF  }
0xca: {  	(tm) =	ssettm $0x7FFFFFFF  }
0xcb: {  	_ =	shalt  }
tec
execute0_lowered:
.L_overlay_start_1:
0x0: {  	(tag) =	ssettag $0x1  }
0x1: {  	s0 =	rddreg [dreg:$0x0]  }
0x2: {  	s1 =	rddreg [dreg:$0x1]  }
0x3: {  	s2 =	srdreg.scid;
	s4 =	rddreg [dreg:$0x3];
	s7 =	simm.s32 $0x0  }
0x4: {  	s28 =	simm.s32 $0x88D0;
	s29 =	simm.s32 $0x7E50;
	s3 =	sand.u32 $0x1, s2  }
0x5: {  	s31 =	simm.s32 $0x1;
	s2 =	stileid.u32;
	s5 =	smul.u32 $0x1388, s3  }
0x6: {  	[smem:$0x7FF] =	sst s7;
	s7 =	sadd.s32 $0x14600, s1;
	s6 =	smul.u32 $0x4E20, s2  }
0x7: {  	s8 =	sadd.s32 $0xA800, s1;
	s9 =	sadd.s32 $0xA00, s1;
	s12 =	smul.u32 $0x3840, s2  }
0x8: {  	s10 =	ssub.s32 $0x2, s3;
	s3 =	smul.u32 $0x15F90, s3;
	s16 =	sor.u32 $0xC0, s2  }
0x9: {  	s23 =	smul.u32 $0x1C2, s2;
	s11 =	sadd.s32 $0x1388, s5;
	v0 =	vmov s5;
	s5 =	sshrl.u32 s12, $0x2  }
0xa: {  	v3 =	vimm.s32 $0x0;
	v4 =	vlaneseq.u32;
	_ =	strace $0x80000047;
	s18 =	smul.u32 $0x3840, s16;
	s21 =	sadd.s32 s5, s4  }
0xb: {  	v5 =	vimm.f32 $0.0e+00;
	vm0 =	vmmov $0xffff;
	v6 =	vor.u32 $0x10, v4;
	p0 =	sgt.u32 s16, $0xC8;
	s14 =	sadd.s32 $0x1C200, s21;
	[dreg:$0x5] =	wrdreg s21  }
0xc: {  	v7 =	vor.u32 $0x20, v4;
	v8 =	vor.u32 $0x30, v4;
	v9 =	vor.u32 $0x40, v4;
	s1 =	sadd.s32 s3, s1;
	s15 =	sadd.s32 $0x2A300, s21;
	[dreg:$0x8] =	wrdreg s14  }
0xd: {  	v10 =	vor.u32 $0x50, v4;
	v11 =	vor.u32 $0x60, v4;
	v12 =	vor.u32 $0x70, v4;
	s3 =	simm.s32 $0x5650;
	s5 =	sadd.s32 $0x38400, s21;
	[dreg:$0x9] =	wrdreg s15  }
0xe: {  	v13 =	vor.u32 $0x80, v4;
	v14 =	vor.u32 $0x110, v4;
	v17 =	vor.u32 $0x2C0, v4;
	s12 =	simm.s32 $0x0;
	s17 =	sadd.s32 $0x46500, s21;
	[dreg:$0xa] =	wrdreg s5  }
0xf: {  	v18 =	vor.u32 $0x350, v4;
	v19 =	vor.u32 $0x3E0, v4;
	v1 =	vmov s11;
	s11 =	sshrl.u32 s10, $0x1;
	s19 =	sadd.s32 $0x54600, s21;
	[dreg:$0xb] =	wrdreg s17  }
0x10: {  	v20 =	vor.u32 $0x470, v4;
	v21 =	vor.u32 $0x500, v4;
	v22 =	vor.u32 $0x590, v4;
	s1 =	sadd.s32 s23, s1;
	s20 =	sadd.s32 $0x62700, s21;
	[dreg:$0xc] =	wrdreg s19  }
0x11: {  	v23 =	vor.u32 $0x620, v4;
	v24 =	vor.u32 $0x6B0, v4;
	v25 =	vor.u32 $0x740, v4;
	s10 =	ssub.s32 s10, s11;
	s24 =	sadd.s32 $0x70800, s21;
	[dreg:$0xd] =	wrdreg s20  }
0x12: {  	v26 =	vmul.u32 $0x10, v4;
	v27 =	vor.u32 $0x7D0, v4;
	v28 =	vor.u32 $0x860, v4;
	s22 =	sadd.s32 $0xE100, s21;
	s25 =	sadd.s32 $0x7E900, s21;
	[dreg:$0xe] =	wrdreg s24  }
0x13: {  	v29 =	vor.u32 $0x8F0, v4;
	v45 =	vmul.u32 $0x90, v4;
	[tilespmem:$0x1FFD0] =	vst v14;
	v14 =	vor.u32 $0x1A0, v4;
	s26 =	sadd.s32 $0x8CA00, s21;
	s30 =	sadd.s32 $0x9AB00, s21;
	[dreg:$0xf] =	wrdreg s25  }
0x14: {  	[tilespmem:$0x1FFE0] =	vst v14;
	v14 =	vor.u32 $0x230, v4;
	v30 =	vor.u32 $0x1, v26;
	v31 =	vor.u32 $0x2, v26;
	s1 =	sadd.s32 $0x4F6600, s1;
	s11 =	simm.s32 $0x6E50;
	[dreg:$0x10] =	wrdreg s26  }
0x15: {  	v32 =	vor.u32 $0x3, v26;
	v33 =	vor.u32 $0x4, v26;
	v34 =	vor.u32 $0x5, v26;
	s13 =	smax.u32 s10, $0x1;
	[dreg:$0x11] =	wrdreg s30;
	s5 =	sshrl.u32 s18, $0x2  }
0x16: {  	v35 =	vor.u32 $0x6, v26;
	v36 =	vor.u32 $0x7, v26;
	v37 =	vor.u32 $0x8, v26;
	[dreg:$0x13] =	wrdreg s1;
	s26 =	simm.s32 $0x3;
	s1 =	simm.s32 $0x4E50  }
0x17: {  	v38 =	vor.u32 $0x9, v26;
	v39 =	vor.u32 $0xA, v26;
	v40 =	vor.u32 $0xB, v26;
	s25 =	simm.s32 $0x6650;
	s14 =	simm.s32 $0x8750;
	[dreg:$0x7] =	wrdreg s22  }
0x18: {  	v41 =	vor.u32 $0xC, v26;
	v42 =	vor.u32 $0xD, v26;
	v43 =	vor.u32 $0xE, v26;
	s15 =	simm.s32 $0x2;
	[dreg:$0x6] =	wrdreg s13;
	s5 =	sadd.s32 s5, s4  }
0x19: {  	v44 =	vor.u32 $0xF, v26;
	v45 =	vadd.s32 $0x80, v45;
	v2 =	vmov s6;
	[tilespmem:$0x1FFF0] =	vst v14;
	s13 =	simm.s32 $0x7650;
	[dreg:$0x12] =	wrdreg s5;
	s5 =	simm.s32 $0x5E50  }
.LBB2_1:
0x1a: {  	[dreg:$0x14] =	wrdreg s12  }
0x1b: {  	s10 =	rddreg [dreg:$0x2];
	s30 =	simm.s32 $0x0;
	s16 =	simm.s32 $0x8850  }
0x1c: {  	[tilespmem:s16], [sflag:$0x3] =	stream.linear.gather [hbm4b:s10+s30], $0x80, $0x38;
	[tilespmem:$0x14810] =	vst v63  }
0x1d: {  	_ =	swait.ge [sflag:s26], $0x80  }
0x1e: {  	[sflag:s26] =	ssyncset.done $0x0  }
0x1f: {  	s10 =	simm.s32 $0x0;
	[sflag:s26] =	ssyncadd.s32 $0xFFFFFF80  }
.LBB2_2:
0x20: {  	p1 =	sne.s32 s10, $0x3E80  }
.Ltmp0:
0x21: {  	_ = 	snop;
	(pc) =	sbr.rel @p1 .LBB2_2-.Ltmp0, $4  }
0x22: {  	s12 =	sshra.s32 s10, $0x2  }
0x23: {  	[tilespmem:s12+$0x1F40] =	vst v3  }
0x24: {  	[tilespmem:s12+$0x2EF0] =	vst v3  }
0x25: {  	s10 =	sadd.s32 $0x40, s10;
	[tilespmem:s12+$0x3EA0] =	vst v3  }
0x26: {  	s10 =	simm.s32 $0x0  }
0x27: {  	v46 =	vmov s10  }
0x28: {  	v46 =	vmul.u32 $0x90, v46;
	_ =	sdelay $0x1  }
0x29: {  	v47 =	vbroadcast v46, $0x0;
	_ =	sdelay $0x1  }
0x2a: {  	v46 =	vor.u32 v4, v47  }
0x2b: {  	v48 =	vadd.s32 v6, v47  }
0x2c: {  	v49 =	vadd.s32 v7, v47  }
0x2d: {  	s30 =	simm.s32 $0x1;
	v50 =	vadd.s32 v8, v47  }
0x2e: {  	v52 =	vmov s30;
	v51 =	vadd.s32 v9, v47  }
0x2f: {  	v62 =	vmul.u32 $0x90, v52;
	v53 =	vadd.s32 v10, v47;
	[tilespmem:v46+s28+$0x0] =	vst.idx.msk $0xffff, v5  }
0x30: {  	v63 =	vadd.s32 v11, v47;
	[tilespmem:v48+s28+$0x0] =	vst.idx.msk $0xffff, v5  }
0x31: {  	v54 =	vadd.s32 v12, v47;
	v46 =	vbroadcast v62, $0x0;
	[tilespmem:v49+s28+$0x0] =	vst.idx.msk $0xffff, v5  }
0x32: {  	v49 =	vadd.s32 v13, v47;
	[tilespmem:v50+s28+$0x0] =	vst.idx.msk $0xffff, v5  }
0x33: {  	v48 =	vor.u32 v4, v46;
	[tilespmem:v51+s28+$0x0] =	vst.idx.msk $0xffff, v5  }
0x34: {  	v51 =	vadd.s32 v6, v46;
	[tilespmem:v53+s28+$0x0] =	vst.idx.msk $0xffff, v5  }
0x35: {  	v52 =	vadd.s32 v7, v46;
	[tilespmem:v63+s28+$0x0] =	vst.idx.msk $0xffff, v5  }
0x36: {  	s10 =	simm.s32 $0x2;
	v47 =	vadd.s32 v9, v46;
	v50 =	vadd.s32 v8, v46;
	[tilespmem:v54+s28+$0x0] =	vst.idx.msk $0xffff, v5  }
.LBB2_4:
0x37: {  	v53 =	vmov s10;
	p1 =	sne.s32 s10, $0x18;
	s10 =	sadd.s32 $0x1, s10;
	[tilespmem:v49+s28+$0x0] =	vst.idx.msk $0xffff, v5  }
0x38: {  	v49 =	vmul.u32 $0x90, v53;
	[tilespmem:v48+s28+$0x0] =	vst.idx.msk $0xffff, v5;
	v53 =	vadd.s32 v10, v46  }
0x39: {  	v54 =	vadd.s32 v11, v46;
	[tilespmem:v51+s28+$0x0] =	vst.idx.msk $0xffff, v5  }
0x3a: {  	v55 =	vadd.s32 v12, v46;
	v51 =	vbroadcast v49, $0x0;
	[tilespmem:v52+s28+$0x0] =	vst.idx.msk $0xffff, v5  }
.Ltmp1:
0x3b: {  	v49 =	vadd.s32 v13, v46;
	[tilespmem:v50+s28+$0x0] =	vst.idx.msk $0xffff, v5;
	(pc) =	sbr.rel @p1 .LBB2_4-.Ltmp1, $4  }
0x3c: {  	v48 =	vor.u32 v4, v51;
	[tilespmem:v47+s28+$0x0] =	vst.idx.msk $0xffff, v5;
	v47 =	vadd.s32 v9, v51;
	v46 =	vmov v51  }
0x3d: {  	v51 =	vadd.s32 v6, v46;
	[tilespmem:v53+s28+$0x0] =	vst.idx.msk $0xffff, v5  }
0x3e: {  	v52 =	vadd.s32 v7, v46;
	[tilespmem:v54+s28+$0x0] =	vst.idx.msk $0xffff, v5  }
0x3f: {  	v50 =	vadd.s32 v8, v46;
	[tilespmem:v55+s28+$0x0] =	vst.idx.msk $0xffff, v5  }
0x40: {  	_ =	sdelay $0x3  }
0x41: {  	[tilespmem:v49+s28+$0x0] =	vst.idx.msk $0xffff, v5  }
0x42: {  	v60 =	vadd.s32 v10, v46;
	[tilespmem:v48+s28+$0x0] =	vst.idx.msk $0xffff, v5  }
0x43: {  	v61 =	vadd.s32 v11, v46;
	[tilespmem:v51+s28+$0x0] =	vst.idx.msk $0xffff, v5  }
0x44: {  	v62 =	vadd.s32 v12, v46;
	v14 =	vld [tilespmem:$0x1FFD0];
	[tilespmem:v52+s28+$0x0] =	vst.idx.msk $0xffff, v5  }
0x45: {  	v63 =	vadd.s32 v13, v46;
	[tilespmem:v50+s28+$0x0] =	vst.idx.msk $0xffff, v5  }
0x46: {  	[tilespmem:v47+s28+$0x0] =	vst.idx.msk $0xffff, v5  }
0x47: {  	[tilespmem:v60+s28+$0x0] =	vst.idx.msk $0xffff, v5  }
0x48: {  	[tilespmem:v61+s28+$0x0] =	vst.idx.msk $0xffff, v5  }
0x49: {  	[tilespmem:v62+s28+$0x0] =	vst.idx.msk $0xffff, v5  }
0x4a: {  	[tilespmem:v63+s28+$0x0] =	vst.idx.msk $0xffff, v5  }
0x4b: {  	[tilespmem:v13+s29+$0x0] =	vst.idx.msk $0xffff, v5  }
0x4c: {  	[tilespmem:v14+s29+$0x0] =	vst.idx.msk $0xffff, v5;
	v14 =	vld [tilespmem:$0x1FFE0];
	_ =	sdelay $0x7  }
0x4d: {  	[tilespmem:v14+s29+$0x0] =	vst.idx.msk $0xffff, v5;
	v14 =	vld [tilespmem:$0x1FFF0];
	_ =	sdelay $0x7  }
0x4e: {  	[tilespmem:v14+s29+$0x0] =	vst.idx.msk $0xffff, v5  }
0x4f: {  	[tilespmem:v17+s29+$0x0] =	vst.idx.msk $0xffff, v5  }
0x50: {  	[tilespmem:v18+s29+$0x0] =	vst.idx.msk $0xffff, v5  }
0x51: {  	[tilespmem:v19+s29+$0x0] =	vst.idx.msk $0xffff, v5  }
0x52: {  	[tilespmem:v20+s29+$0x0] =	vst.idx.msk $0xffff, v5  }
0x53: {  	[tilespmem:v21+s29+$0x0] =	vst.idx.msk $0xffff, v5  }
0x54: {  	[tilespmem:v22+s29+$0x0] =	vst.idx.msk $0xffff, v5  }
0x55: {  	[tilespmem:v23+s29+$0x0] =	vst.idx.msk $0xffff, v5  }
0x56: {  	[tilespmem:v24+s29+$0x0] =	vst.idx.msk $0xffff, v5  }
0x57: {  	[tilespmem:v25+s29+$0x0] =	vst.idx.msk $0xffff, v5  }
0x58: {  	[tilespmem:v27+s29+$0x0] =	vst.idx.msk $0xffff, v5  }
0x59: {  	[tilespmem:v28+s29+$0x0] =	vst.idx.msk $0xffff, v5  }
0x5a: {  	[tilespmem:v29+s29+$0x0] =	vst.idx.msk $0xffff, v5  }
0x5b: {  	[spmem:s21] =	stream.linear.scatter [tilespmem:s28], [sflag:$0x3], $0xE10, $0x38;
	[tilespmem:$0x14810] =	vst v63  }
0x5c: {  	_ =	swait.ge [sflag:s26], $0xE10  }
0x5d: {  	[sflag:s26] =	ssyncset.done $0x0  }
0x5e: {  	[sflag:s26] =	ssyncadd.s32 $0xFFFFF1F0  }
0x5f: {  	[spmem:s22] =	stream.linear.scatter [tilespmem:s28], [sflag:$0x3], $0xE10, $0x38;
	[tilespmem:$0x14810] =	vst v63  }
0x60: {  	_ =	swait.ge [sflag:s26], $0xE10  }
0x61: {  	[sflag:s26] =	ssyncset.done $0x0  }
0x62: {  	s10 =	rddreg [dreg:$0x8];
	[sflag:s26] =	ssyncadd.s32 $0xFFFFF1F0  }
0x63: {  	[spmem:s10] =	stream.linear.scatter [tilespmem:s28], [sflag:$0x3], $0xE10, $0x38;
	[tilespmem:$0x14810] =	vst v63  }
0x64: {  	_ =	swait.ge [sflag:s26], $0xE10  }
0x65: {  	[sflag:s26] =	ssyncset.done $0x0  }
0x66: {  	s17 =	rddreg [dreg:$0x9];
	[sflag:s26] =	ssyncadd.s32 $0xFFFFF1F0  }
0x67: {  	[spmem:s17] =	stream.linear.scatter [tilespmem:s28], [sflag:$0x3], $0xE10, $0x38;
	[tilespmem:$0x14810] =	vst v63  }
0x68: {  	_ =	swait.ge [sflag:s26], $0xE10  }
0x69: {  	[sflag:s26] =	ssyncset.done $0x0  }
0x6a: {  	s18 =	rddreg [dreg:$0xa];
	[sflag:s26] =	ssyncadd.s32 $0xFFFFF1F0  }
0x6b: {  	[spmem:s18] =	stream.linear.scatter [tilespmem:s28], [sflag:$0x3], $0xE10, $0x38;
	[tilespmem:$0x14810] =	vst v63  }
0x6c: {  	_ =	swait.ge [sflag:s26], $0xE10  }
0x6d: {  	[sflag:s26] =	ssyncset.done $0x0  }
0x6e: {  	s19 =	rddreg [dreg:$0xb];
	[sflag:s26] =	ssyncadd.s32 $0xFFFFF1F0  }
0x6f: {  	[spmem:s19] =	stream.linear.scatter [tilespmem:s28], [sflag:$0x3], $0xE10, $0x38;
	[tilespmem:$0x14810] =	vst v63  }
0x70: {  	_ =	swait.ge [sflag:s26], $0xE10  }
0x71: {  	[sflag:s26] =	ssyncset.done $0x0  }
0x72: {  	s20 =	rddreg [dreg:$0xc];
	[sflag:s26] =	ssyncadd.s32 $0xFFFFF1F0  }
0x73: {  	[spmem:s20] =	stream.linear.scatter [tilespmem:s28], [sflag:$0x3], $0xE10, $0x38;
	[tilespmem:$0x14810] =	vst v63  }
0x74: {  	_ =	swait.ge [sflag:s26], $0xE10  }
0x75: {  	[sflag:s26] =	ssyncset.done $0x0  }
0x76: {  	s21 =	rddreg [dreg:$0xd];
	[sflag:s26] =	ssyncadd.s32 $0xFFFFF1F0  }
0x77: {  	[spmem:s21] =	stream.linear.scatter [tilespmem:s28], [sflag:$0x3], $0xE10, $0x38;
	[tilespmem:$0x14810] =	vst v63  }
0x78: {  	_ =	swait.ge [sflag:s26], $0xE10  }
0x79: {  	[sflag:s26] =	ssyncset.done $0x0  }
0x7a: {  	s22 =	rddreg [dreg:$0xe];
	[sflag:s26] =	ssyncadd.s32 $0xFFFFF1F0  }
0x7b: {  	[spmem:s22] =	stream.linear.scatter [tilespmem:s28], [sflag:$0x3], $0xE10, $0x38;
	[tilespmem:$0x14810] =	vst v63  }
0x7c: {  	_ =	swait.ge [sflag:s26], $0xE10  }
0x7d: {  	[sflag:s26] =	ssyncset.done $0x0  }
0x7e: {  	s23 =	rddreg [dreg:$0xf];
	[sflag:s26] =	ssyncadd.s32 $0xFFFFF1F0  }
0x7f: {  	[spmem:s23] =	stream.linear.scatter [tilespmem:s28], [sflag:$0x3], $0xE10, $0x38;
	[tilespmem:$0x14810] =	vst v63  }
0x80: {  	_ =	swait.ge [sflag:s26], $0xE10  }
0x81: {  	[sflag:s26] =	ssyncset.done $0x0  }
0x82: {  	s24 =	rddreg [dreg:$0x10];
	[sflag:s26] =	ssyncadd.s32 $0xFFFFF1F0  }
0x83: {  	[spmem:s24] =	stream.linear.scatter [tilespmem:s28], [sflag:$0x3], $0xE10, $0x38;
	[tilespmem:$0x14810] =	vst v63  }
0x84: {  	_ =	swait.ge [sflag:s26], $0xE10  }
0x85: {  	[sflag:s26] =	ssyncset.done $0x0  }
0x86: {  	s30 =	rddreg [dreg:$0x11];
	[sflag:s26] =	ssyncadd.s32 $0xFFFFF1F0  }
0x87: {  	[spmem:s30] =	stream.linear.scatter [tilespmem:s28], [sflag:$0x3], $0xE10, $0x38;
	[tilespmem:$0x14810] =	vst v63  }
0x88: {  	_ =	swait.ge [sflag:s26], $0xE10  }
0x89: {  	[sflag:s26] =	ssyncset.done $0x0  }
0x8a: {  	s10 =	simm.s32 @!p0 $0x88D0;
	s12 =	rddreg [dreg:$0x12];
	[sflag:s26] =	ssyncadd.s32 $0xFFFFF1F0  }
0x8b: {  	[spmem:s12] =	stream.linear.scatter @!p0 [tilespmem:s10], [sflag:$0x3], $0xE10, $0x38;
	[tilespmem:$0x14810] =	vst v63  }
0x8c: {  	s10 =	simm.s32 @!p0 $0x3  }
.Ltmp2:
0x8d: {  	_ =	swait.ge @!p0 [sflag:s10], $0xE10;
	(pc) =	sbr.rel .LBB2_6-.Ltmp2, $4  }
0x8e: {  	[sflag:s10] =	ssyncset.done @!p0 $0x0  }
0x8f: {  	[sflag:s10] =	ssyncadd.s32 @!p0 $0xFFFFF1F0  }
0x90: {  	[bflag:$0x0] =	sbarrier.arrive $0xFFFF  }
0x91: {  	s17 =	simm.s32 $0x0;
	s18 =	simm.s32 $0x0;
	s19 =	simm.s32 $0x0  }
.LBB2_19:
0x92: {  	s19 =	sadd.s32 $0x1, s19  }
0x93: {  	p1 =	sne.s32 s19, $0x5  }
.Ltmp3:
0x94: {  	_ = 	snop;
	(pc) =	sbr.rel @!p1 .LBB2_20-.Ltmp3, $2  }
0x95: {  	_ =	sdelay $0x2  }
0x96: {  	s18 =	sadd.s32 $0xFA0, s18  }
.LBB2_6:
0x97: {  	s10 =	smul.u32 $0xFA0, s19;
	_ =	sdelay $0x1  }
0x98: {  	s10 =	sadd.s32 s6, s10  }
0x99: {  	s10 =	sshrl.u32 s10, $0x3  }
0x9a: {  	s12 =	sadd.s32 s9, s10  }
0x9b: {  	[tilespmem:s17], [sflag:$0x3] =	stream.linear.gather [hbm4b:s12+s17], $0xFA0, $0x38;
	[tilespmem:$0x14810] =	vst v63  }
0x9c: {  	_ =	swait.ge [sflag:s26], $0xFA0  }
0x9d: {  	[sflag:s26] =	ssyncset.done $0x0  }
0x9e: {  	s24 =	simm.s32 $0xFA0;
	s10 =	sadd.s32 s8, s10;
	[sflag:s26] =	ssyncadd.s32 $0xFFFFF060  }
0x9f: {  	[tilespmem:s24], [sflag:$0x3] =	stream.linear.gather [hbm4b:s10+s17], $0xFA0, $0x38;
	[tilespmem:$0x14810] =	vst v63  }
0xa0: {  	_ =	swait.ge [sflag:s26], $0xFA0  }
0xa1: {  	[sflag:s26] =	ssyncset.done $0x0  }
0xa2: {  	s30 =	simm.s32 $0x0;
	[sflag:s26] =	ssyncadd.s32 $0xFFFFF060  }
0xa3: {  	v46 =	vld [tilespmem:s30+$0x0];
	_ =	sdelay $0x4  }
0xa4: {  	vm1 =	vge.s32 v46, v0;
	vm2 =	vlt.s32 v46, v1  }
0xa5: {  	vm1 =	vmand vm1, vm2  }
0xa6: {  	v47 =	vsel vm1, $0x1, v3  }
0xa7: {  	(xrf0) =	vadd.scan.msk.s32 $0xffff, v47;
	_ =	sdelay $0x1  }
0xa8: {  	v48 =	vld [tilespmem:s30+$0xFA0];
	_ =	sdelay $0x2  }
0xa9: {  	v62 =	vor.u32 s18, v4  }
0xaa: {  	[tilespmem:s17+$0x1F40] =	vst.msk vm1, v62;
	v63, _, _ =	vpop (xrf0)  }
0xab: {  	[tilespmem:s17+$0x2EF0] =	vst.msk vm1, v48;
	(v2sf) =	vpush v63, $0xF  }
0xac: {  	s20 =	simm.s32 $0x10;
	[tilespmem:s17+$0x3EA0] =	vst.msk vm1, v46  }
0xad: {  	s16 =	simm.s32 $0x80;
	s12 =	simm.s32 $0x0;
	s10 =	smov.u32 s18;
	v46 =	vld [tilespmem:s20+$0xFA0]  }
.LBB2_7:
0xae: {  	p1 =	sne.s32 s16, $0x3E40;
	v47 =	vld [tilespmem:s20+$0x0];
	_ =	sdelay $0x4  }
0xaf: {  	vm1 =	vge.s32 v47, v0;
	vm2 =	vlt.s32 v47, v1  }
0xb0: {  	vm1 =	vmand vm1, vm2  }
0xb1: {  	v48 =	vsel vm1, $0x1, v3  }
0xb2: {  	(xrf0) =	vadd.scan.msk.s32 $0xffff, v48;
	_ =	sdelay $0x3  }
0xb3: {  	s10 =	sadd.s32 $0x10, s10;
	s20 =	spop (v2sf)  }
.Ltmp4:
0xb4: {  	v14 =	vor.u32 s10, v4;
	s12 =	sadd.s32 s12, s20;
	(pc) =	sbr.rel @p1 .LBB2_7-.Ltmp4, $4  }
0xb5: {  	[tilespmem:s12+$0x1F40] =	vst.msk vm1, v14;
	v48, _, _ =	vpop (xrf0)  }
0xb6: {  	[tilespmem:s12+$0x2EF0] =	vst.msk vm1, v46;
	(v2sf) =	vpush v48, $0xF  }
0xb7: {  	s20 =	sshra.s32 s16, $0x2;
	[tilespmem:s12+$0x3EA0] =	vst.msk vm1, v47  }
0xb8: {  	s16 =	sadd.s32 $0x40, s16;
	v46 =	vld [tilespmem:s20+$0xFA0]  }
0xb9: {  	v47 =	vld [tilespmem:s20+$0x0];
	_ =	sdelay $0x4  }
0xba: {  	vm1 =	vge.s32 v47, v0;
	vm2 =	vlt.s32 v47, v1  }
0xbb: {  	vm1 =	vmand vm1, vm2  }
0xbc: {  	v48 =	vsel vm1, $0x1, v3  }
0xbd: {  	(xrf0) =	vadd.scan.msk.s32 $0xffff, v48;
	_ =	sdelay $0x5  }
0xbe: {  	v48, _, _ =	vpop (xrf0)  }
0xbf: {  	(v2sf) =	vpush v48, $0xF;
	_ =	sdelay $0xd  }
0xc0: {  	s16 =	spop (v2sf)  }
0xc1: {  	s16 =	sadd.s32 s12, s16;
	s22 =	spop (v2sf)  }
0xc2: {  	s12 =	sadd.s32 s16, s22  }
0xc3: {  	s23 =	sadd.s32 $0x1F, s12  }
0xc4: {  	s21 =	sand.u32 $0x1F, s23  }
0xc5: {  	s24 =	sshra.s32 s23, $0x1F;
	p2 =	slt.s32 s23, $0x1;
	p1 =	sne.s32 s21, $0x0  }
0xc6: {  	s21 =	sshrl.u32 s24, $0x1B;
	p1 =	por !p2, !p1  }
0xc7: {  	s20 =	sadd.s32 s21, s23;
	s21 =	simm.s32 $0x1;
	p1 =	por !p1, !p1  }
0xc8: {  	s30 =	sshra.s32 s20, $0x5;
	s21 =	simm.s32 @!p1 $0x0  }
0xc9: {  	s20 =	ssub.s32 s30, s21  }
0xca: {  	p1 =	slt.s32 s20, $0x1  }
.Ltmp5:
0xcb: {  	s10 =	sadd.s32 $0x10, s10;
	(pc) =	sbr.rel @p1 .LBB2_19-.Ltmp5, $4  }
0xcc: {  	v63 =	vor.u32 s10, v4  }
0xcd: {  	[tilespmem:s16+$0x1F40] =	vst.msk vm1, v63  }
0xce: {  	[tilespmem:s16+$0x2EF0] =	vst.msk vm1, v46  }
0xcf: {  	[tilespmem:s16+$0x3EA0] =	vst.msk vm1, v47  }
0xd0: {  	v46 =	vmov s12;
	s21 =	simm.s32 $0x0;
	s22 =	simm.s32 $0x0  }
.LBB2_10:
0xd1: {  	s12 =	sshll.u32 s22, $0x5  }
0xd2: {  	v49 =	vld [tilespmem:s12+$0x2EF0]  }
0xd3: {  	v50 =	vld [tilespmem:s12+$0x1F40]  }
0xd4: {  	v48 =	vld [tilespmem:s12+$0x3EA0];
	_ =	sdelay $0x3  }
0xd5: {  	v52 =	vld [tilespmem:s12+$0x2F00]  }
0xd6: {  	v51 =	vld [tilespmem:s12+$0x1F50];
	v50 =	vadd.s32 v2, v50  }
0xd7: {  	v47 =	vld [tilespmem:s12+$0x3EB0];
	[tilespmem:s1], [sflag:$0x1] =	stream.indirect_vreg.gather [hbm4b:s0+s21], $0x80, v49, vm0, $0xb8  }
0xd8: {  	_ = 	snop  }
0xd9: {  	[tilespmem:s3], [sflag:$0x1] =	stream.indirect_vreg.gather [hbm4b:s0+s21], $0x80, v48, vm0, $0xb8;
	[tilespmem:$0x14810] =	vst v63  }
0xda: {  	_ = 	snop  }
0xdb: {  	[tilespmem:s5], [sflag:$0x1] =	stream.indirect_vreg.gather [hbm4b:s7+s21], $0x80, v50, vm0, $0xb8;
	[tilespmem:$0x14810] =	vst v63  }
0xdc: {  	v59 =	vadd.s32 v2, v51  }
0xdd: {  	[tilespmem:s25], [sflag:$0x1] =	stream.indirect_vreg.gather [hbm4b:s0+s21], $0x80, v52, vm0, $0xb8;
	[tilespmem:$0x14810] =	vst v63  }
0xde: {  	_ = 	snop  }
0xdf: {  	[tilespmem:s11], [sflag:$0x1] =	stream.indirect_vreg.gather [hbm4b:s0+s21], $0x80, v47, vm0, $0xb8;
	[tilespmem:$0x14810] =	vst v63  }
0xe0: {  	_ = 	snop  }
0xe1: {  	[tilespmem:s13], [sflag:$0x1] =	stream.indirect_vreg.gather [hbm4b:s7+s21], $0x80, v59, vm0, $0xb8;
	[tilespmem:$0x14810] =	vst v63  }
0xe2: {  	_ =	swait.ge [sflag:s31], $0x800  }
0xe3: {  	[sflag:s31] =	ssyncset.done $0x0  }
0xe4: {  	[sflag:s31] =	ssyncadd.s32 $0xFFFFF800  }
0xe5: {  	_ =	swait.ge [sflag:s31], $0x800  }
0xe6: {  	[sflag:s31] =	ssyncset.done $0x0  }
0xe7: {  	[sflag:s31] =	ssyncadd.s32 $0xFFFFF800  }
0xe8: {  	_ =	swait.ge [sflag:s31], $0x800  }
0xe9: {  	[sflag:s31] =	ssyncset.done $0x0  }
0xea: {  	s10 =	simm.s32 $0x0;
	[sflag:s31] =	ssyncadd.s32 $0xFFFFF800  }
0xeb: {  	v49 =	vld [tilespmem:s10+$0x56C0]  }
0xec: {  	v50 =	vld [tilespmem:s10+$0x4EC0]  }
0xed: {  	v51 =	vld [tilespmem:s10+$0x56B0]  }
0xee: {  	v52 =	vld [tilespmem:s10+$0x4EB0]  }
0xef: {  	v53 =	vld [tilespmem:$0x8850]  }
0xf0: {  	v54 =	vld [tilespmem:s10+$0x56A0]  }
0xf1: {  	v55 =	vld [tilespmem:s10+$0x4EA0]  }
0xf2: {  	v56 =	vld [tilespmem:s10+$0x5690]  }
0xf3: {  	v57 =	vld [tilespmem:s10+$0x5680]  }
0xf4: {  	v58 =	vld [tilespmem:s10+$0x5E60]  }
0xf5: {  	v59 =	vld [tilespmem:s10+$0x5E50]  }
0xf6: {  	v60 =	vld [tilespmem:s10+$0x5650]  }
0xf7: {  	v61 =	vld [tilespmem:s10+$0x4E50]  }
0xf8: {  	v62 =	vld [tilespmem:s10+$0x5660]  }
0xf9: {  	v63 =	vld [tilespmem:s10+$0x4E60]  }
0xfa: {  	v14 =	vld [tilespmem:s10+$0x5670]  }
0xfb: {  	v15 =	vld [tilespmem:s10+$0x4E70]  }
0xfc: {  	v60 =	vadd.f32 v60, v61;
	v61 =	vld [tilespmem:s10+$0x4E80]  }
0xfd: {  	v16 =	vld [tilespmem:s10+$0x5E70]  }
0xfe: {  	v59 =	vadd.f32 v59, v60;
	v60 =	vadd.f32 v62, v63;
	v62 =	vld [tilespmem:s10+$0x4E90]  }
0xff: {  	v51 =	vadd.f32 v51, v52;
	v49 =	vadd.f32 v49, v50;
	v63 =	vld [tilespmem:s10+$0x5E80]  }
0x100: {  	v14 =	vadd.f32 v14, v15;
	v50 =	vmul.f32 $2.000000030e-01, v59;
	v52 =	vadd.f32 v58, v60;
	v58 =	vld [tilespmem:$0x8860]  }
0x101: {  	v54 =	vadd.f32 v54, v55;
	vm1 =	vgt.f32 v59, $0.0e+00;
	v15 =	vadd.f32 v57, v61;
	v57 =	vld [tilespmem:s10+$0x5E90]  }
0x102: {  	v14 =	vadd.f32 v16, v14;
	v16 =	vld [tilespmem:$0x8870];
	v50 =	vsel vm1, v59, v50;
	v60 =	vmul.f32 $2.000000030e-01, v52  }
0x103: {  	vm1 =	vgt.f32 v52, $0.0e+00;
	v50 =	vmul.f32 v50, v53;
	v61 =	vadd.f32 v56, v62;
	v56 =	vld [tilespmem:s10+$0x5EA0]  }
0x104: {  	v59 =	vld [tilespmem:$0x8880];
	v62 =	vmul.f32 $2.000000030e-01, v14;
	v15 =	vadd.f32 v63, v15;
	v52 =	vsel vm1, v52, v60  }
0x105: {  	vm1 =	vgt.f32 v14, $0.0e+00;
	v50 =	vadd.f32 $0.0e+00, v50;
	v52 =	vmul.f32 v52, v58;
	v58 =	vld [tilespmem:s10+$0x5EB0]  }
0x106: {  	v60 =	vld [tilespmem:$0x8890];
	v14 =	vsel vm1, v14, v62;
	v63 =	vmul.f32 $2.000000030e-01, v15;
	v53 =	vadd.f32 v57, v61  }
0x107: {  	vm1 =	vgt.f32 v15, $0.0e+00;
	v14 =	vmul.f32 v14, v16;
	v16 =	vld [tilespmem:s10+$0x5EC0];
	v50 =	vadd.f32 v52, v50  }
0x108: {  	v62 =	vld [tilespmem:$0x88A0];
	v15 =	vsel vm1, v15, v63;
	v61 =	vmul.f32 $2.000000030e-01, v53;
	v54 =	vadd.f32 v56, v54  }
0x109: {  	v15 =	vmul.f32 v15, v59;
	vm1 =	vgt.f32 v53, $0.0e+00;
	v14 =	vadd.f32 v14, v50  }
0x10a: {  	v63 =	vsel vm1, v53, v61;
	v56 =	vmul.f32 $2.000000030e-01, v54;
	v51 =	vadd.f32 v58, v51;
	v58 =	vld [tilespmem:$0x88B0]  }
0x10b: {  	vm1 =	vgt.f32 v54, $0.0e+00;
	v14 =	vadd.f32 v15, v14;
	v15 =	vmul.f32 v63, v60  }
0x10c: {  	v61 =	vld [tilespmem:$0x88C0];
	v16 =	vadd.f32 v16, v49;
	v59 =	vsel vm1, v54, v56;
	v60 =	vmul.f32 $2.000000030e-01, v51  }
0x10d: {  	vm1 =	vgt.f32 v51, $0.0e+00;
	v14 =	vadd.f32 v15, v14;
	v15 =	vmul.f32 v59, v62  }
0x10e: {  	v63 =	vmul.f32 $2.000000030e-01, v16;
	v62 =	vsel vm1, v51, v60  }
0x10f: {  	vm1 =	vgt.f32 v16, $0.0e+00;
	v14 =	vadd.f32 v15, v14;
	v15 =	vmul.f32 v62, v58  }
0x110: {  	v16 =	vsel vm1, v16, v63  }
0x111: {  	v14 =	vadd.f32 v15, v14;
	v15 =	vmul.f32 v16, v61;
	_ =	sdelay $0x1  }
0x112: {  	v14 =	vadd.f32 v15, v14  }
0x113: {  	s24 =	simm.s32 $0x8750  }
0x114: {  	s10 =	simm.s32 $0x80;
	[tilespmem:s24+$0x0] =	vst v14  }
0x115: {  	v52 =	vld [tilespmem:s10+$0x56C0]  }
0x116: {  	v54 =	vld [tilespmem:s10+$0x4EC0]  }
0x117: {  	v55 =	vld [tilespmem:s10+$0x56B0]  }
0x118: {  	v57 =	vld [tilespmem:s10+$0x4EB0]  }
0x119: {  	v49 =	vld [tilespmem:$0x8850]  }
0x11a: {  	v51 =	vld [tilespmem:s10+$0x56A0]  }
0x11b: {  	v53 =	vld [tilespmem:s10+$0x4EA0]  }
0x11c: {  	v50 =	vld [tilespmem:s10+$0x5690]  }
0x11d: {  	v56 =	vld [tilespmem:s10+$0x5680]  }
0x11e: {  	v58 =	vld [tilespmem:s10+$0x5E60]  }
0x11f: {  	v59 =	vld [tilespmem:s10+$0x5E50]  }
0x120: {  	s16 =	simm.s32 $0x400;
	s23 =	sor.u32 $0x10, s12;
	v60 =	vld [tilespmem:s10+$0x5650]  }
.LBB2_11:
0x121: {  	p1 =	sne.s32 s16, $0x1E00;
	v14 =	vld [tilespmem:s10+$0x4E50]  }
0x122: {  	v15 =	vld [tilespmem:s10+$0x5660]  }
0x123: {  	v16 =	vld [tilespmem:s10+$0x4E60]  }
0x124: {  	v61 =	vld [tilespmem:s10+$0x5670]  }
0x125: {  	v62 =	vld [tilespmem:s10+$0x4E70]  }
0x126: {  	v14 =	vadd.f32 v60, v14;
	v60 =	vld [tilespmem:s10+$0x4E80]  }
0x127: {  	v63 =	vld [tilespmem:s10+$0x5E70]  }
0x128: {  	v14 =	vadd.f32 v59, v14;
	v15 =	vadd.f32 v15, v16;
	v16 =	vld [tilespmem:s10+$0x4E90]  }
0x129: {  	v55 =	vadd.f32 v55, v57;
	v52 =	vadd.f32 v52, v54;
	v59 =	vld [tilespmem:s10+$0x5E80]  }
0x12a: {  	v54 =	vmul.f32 $2.000000030e-01, v14;
	v15 =	vadd.f32 v58, v15;
	v57 =	vld [tilespmem:$0x8860];
	v58 =	vadd.f32 v61, v62  }
0x12b: {  	v51 =	vadd.f32 v51, v53;
	vm1 =	vgt.f32 v14, $0.0e+00;
	v56 =	vadd.f32 v56, v60;
	v60 =	vld [tilespmem:s10+$0x5E90]  }
0x12c: {  	v14 =	vsel vm1, v14, v54;
	v53 =	vmul.f32 $2.000000030e-01, v15;
	v54 =	vadd.f32 v63, v58;
	v58 =	vld [tilespmem:$0x8870]  }
0x12d: {  	vm1 =	vgt.f32 v15, $0.0e+00;
	v14 =	vmul.f32 v14, v49;
	v16 =	vadd.f32 v50, v16;
	v49 =	vld [tilespmem:s10+$0x5EA0]  }
0x12e: {  	v15 =	vsel vm1, v15, v53;
	v50 =	vmul.f32 $2.000000030e-01, v54;
	v53 =	vadd.f32 v59, v56;
	v56 =	vld [tilespmem:$0x8880]  }
0x12f: {  	vm1 =	vgt.f32 v54, $0.0e+00;
	v14 =	vadd.f32 $0.0e+00, v14;
	v15 =	vmul.f32 v15, v57;
	v57 =	vld [tilespmem:s10+$0x5EB0]  }
0x130: {  	v50 =	vsel vm1, v54, v50;
	v54 =	vmul.f32 $2.000000030e-01, v53;
	v16 =	vadd.f32 v60, v16;
	v59 =	vld [tilespmem:$0x8890]  }
0x131: {  	vm1 =	vgt.f32 v53, $0.0e+00;
	v14 =	vadd.f32 v15, v14;
	v15 =	vmul.f32 v50, v58;
	v50 =	vld [tilespmem:s10+$0x5EC0]  }
0x132: {  	v53 =	vsel vm1, v53, v54;
	v54 =	vmul.f32 $2.000000030e-01, v16;
	v49 =	vadd.f32 v49, v51;
	v51 =	vld [tilespmem:$0x88A0]  }
0x133: {  	vm1 =	vgt.f32 v16, $0.0e+00;
	v14 =	vadd.f32 v15, v14;
	v15 =	vmul.f32 v53, v56  }
0x134: {  	v16 =	vsel vm1, v16, v54;
	v53 =	vmul.f32 $2.000000030e-01, v49;
	v54 =	vadd.f32 v57, v55;
	v55 =	vld [tilespmem:$0x88B0]  }
0x135: {  	vm1 =	vgt.f32 v49, $0.0e+00;
	v14 =	vadd.f32 v15, v14;
	v15 =	vmul.f32 v16, v59  }
0x136: {  	v16 =	vsel vm1, v49, v53;
	v49 =	vmul.f32 $2.000000030e-01, v54;
	v50 =	vadd.f32 v50, v52;
	v52 =	vld [tilespmem:$0x88C0]  }
0x137: {  	vm1 =	vgt.f32 v54, $0.0e+00;
	v14 =	vadd.f32 v15, v14;
	v15 =	vmul.f32 v16, v51  }
0x138: {  	v16 =	vsel vm1, v54, v49;
	v49 =	vmul.f32 $2.000000030e-01, v50  }
0x139: {  	vm1 =	vgt.f32 v50, $0.0e+00;
	v14 =	vadd.f32 v15, v14;
	v15 =	vmul.f32 v16, v55  }
0x13a: {  	v16 =	vsel vm1, v50, v49  }
0x13b: {  	v14 =	vadd.f32 v15, v14;
	v15 =	vmul.f32 v16, v52;
	_ =	sdelay $0x1  }
0x13c: {  	v14 =	vadd.f32 v15, v14  }
0x13d: {  	s24 =	sadd.s32 $0x10, s24  }
0x13e: {  	s10 =	sshra.s32 s16, $0x2;
	[tilespmem:s24+$0x0] =	vst v14  }
0x13f: {  	v52 =	vld [tilespmem:s10+$0x56C0]  }
0x140: {  	v54 =	vld [tilespmem:s10+$0x4EC0]  }
0x141: {  	v55 =	vld [tilespmem:s10+$0x56B0]  }
0x142: {  	v57 =	vld [tilespmem:s10+$0x4EB0]  }
0x143: {  	v49 =	vld [tilespmem:$0x8850]  }
0x144: {  	v51 =	vld [tilespmem:s10+$0x56A0]  }
0x145: {  	v53 =	vld [tilespmem:s10+$0x4EA0]  }
.Ltmp6:
0x146: {  	v50 =	vld [tilespmem:s10+$0x5690];
	(pc) =	sbr.rel @p1 .LBB2_11-.Ltmp6, $4  }
0x147: {  	v56 =	vld [tilespmem:s10+$0x5680]  }
0x148: {  	v58 =	vld [tilespmem:s10+$0x5E60]  }
0x149: {  	v59 =	vld [tilespmem:s10+$0x5E50]  }
0x14a: {  	s16 =	sadd.s32 $0x200, s16;
	v60 =	vld [tilespmem:s10+$0x5650]  }
0x14b: {  	v14 =	vld [tilespmem:s10+$0x4E50]  }
0x14c: {  	v15 =	vld [tilespmem:s10+$0x5660]  }
0x14d: {  	v16 =	vld [tilespmem:s10+$0x4E60]  }
0x14e: {  	v61 =	vld [tilespmem:s10+$0x5670]  }
0x14f: {  	v62 =	vld [tilespmem:s10+$0x4E70]  }
0x150: {  	v14 =	vadd.f32 v60, v14;
	v60 =	vld [tilespmem:s10+$0x4E80]  }
0x151: {  	v63 =	vld [tilespmem:s10+$0x5E70]  }
0x152: {  	v15 =	vadd.f32 v15, v16;
	v16 =	vld [tilespmem:s10+$0x4E90];
	v14 =	vadd.f32 v59, v14  }
0x153: {  	v55 =	vadd.f32 v55, v57;
	v52 =	vadd.f32 v52, v54;
	v59 =	vld [tilespmem:s10+$0x5E80]  }
0x154: {  	v57 =	vld [tilespmem:$0x8860];
	v15 =	vadd.f32 v58, v15;
	v58 =	vadd.f32 v61, v62;
	v54 =	vmul.f32 $2.000000030e-01, v14  }
0x155: {  	v51 =	vadd.f32 v51, v53;
	vm1 =	vgt.f32 v14, $0.0e+00;
	v56 =	vadd.f32 v56, v60;
	v60 =	vld [tilespmem:s10+$0x5E90]  }
0x156: {  	v62 =	vmul.f32 $2.000000030e-01, v15;
	v14 =	vsel vm1, v14, v54;
	v54 =	vadd.f32 v63, v58;
	v58 =	vld [tilespmem:$0x8870]  }
0x157: {  	v16 =	vadd.f32 v50, v16;
	vm1 =	vgt.f32 v15, $0.0e+00;
	v14 =	vmul.f32 v14, v49;
	v49 =	vld [tilespmem:s10+$0x5EA0]  }
0x158: {  	v61 =	vld [tilespmem:$0x8880];
	v15 =	vsel vm1, v15, v62;
	v53 =	vadd.f32 v59, v56;
	v63 =	vmul.f32 $2.000000030e-01, v54  }
0x159: {  	v62 =	vld [tilespmem:s10+$0x5EB0];
	v15 =	vmul.f32 v15, v57;
	vm1 =	vgt.f32 v54, $0.0e+00;
	v14 =	vadd.f32 $0.0e+00, v14  }
0x15a: {  	v59 =	vld [tilespmem:$0x8890];
	v50 =	vsel vm1, v54, v63;
	v63 =	vmul.f32 $2.000000030e-01, v53;
	v16 =	vadd.f32 v60, v16  }
0x15b: {  	vm1 =	vgt.f32 v53, $0.0e+00;
	v14 =	vadd.f32 v15, v14;
	v15 =	vmul.f32 v50, v58;
	v50 =	vld [tilespmem:s10+$0x5EC0]  }
0x15c: {  	v60 =	vld [tilespmem:$0x88A0];
	v53 =	vsel vm1, v53, v63;
	v58 =	vmul.f32 $2.000000030e-01, v16;
	v49 =	vadd.f32 v49, v51  }
0x15d: {  	vm1 =	vgt.f32 v16, $0.0e+00;
	v14 =	vadd.f32 v15, v14;
	v15 =	vmul.f32 v53, v61  }
0x15e: {  	v62 =	vadd.f32 v62, v55;
	v63 =	vld [tilespmem:$0x88B0];
	v16 =	vsel vm1, v16, v58;
	v61 =	vmul.f32 $2.000000030e-01, v49  }
0x15f: {  	vm1 =	vgt.f32 v49, $0.0e+00;
	v14 =	vadd.f32 v15, v14;
	v15 =	vmul.f32 v16, v59  }
0x160: {  	v57 =	vld [tilespmem:$0x88C0];
	v56 =	vmul.f32 $2.000000030e-01, v62;
	v16 =	vsel vm1, v49, v61;
	v50 =	vadd.f32 v50, v52  }
0x161: {  	vm1 =	vgt.f32 v62, $0.0e+00;
	v14 =	vadd.f32 v15, v14;
	v15 =	vmul.f32 v16, v60  }
0x162: {  	v16 =	vsel vm1, v62, v56;
	v58 =	vmul.f32 $2.000000030e-01, v50  }
0x163: {  	vm1 =	vgt.f32 v50, $0.0e+00;
	v14 =	vadd.f32 v15, v14;
	v15 =	vmul.f32 v16, v63  }
0x164: {  	v16 =	vsel vm1, v50, v58  }
0x165: {  	v14 =	vadd.f32 v15, v14;
	v15 =	vmul.f32 v16, v57;
	_ =	sdelay $0x1  }
0x166: {  	v14 =	vadd.f32 v15, v14  }
0x167: {  	s16 =	sadd.s32 $0x10, s24  }
0x168: {  	[tilespmem:s16+$0x0] =	vst v14  }
0x169: {  	v14 =	vld.idx.msk [tilespmem:v26+s14+$0x0], $0xffff;
	_ =	sdelay $0x1  }
0x16a: {  	v15 =	vld.idx.msk [tilespmem:v30+s14+$0x0], $0xffff;
	_ =	sdelay $0x1  }
0x16b: {  	v16 =	vld.idx.msk [tilespmem:v31+s14+$0x0], $0xffff  }
0x16c: {  	v14 =	vadd.f32 $0.0e+00, v14  }
0x16d: {  	v59 =	vld.idx.msk [tilespmem:v32+s14+$0x0], $0xffff  }
0x16e: {  	v14 =	vadd.f32 v15, v14  }
0x16f: {  	v15 =	vld.idx.msk [tilespmem:v33+s14+$0x0], $0xffff  }
0x170: {  	v14 =	vadd.f32 v16, v14  }
0x171: {  	v16 =	vld.idx.msk [tilespmem:v34+s14+$0x0], $0xffff  }
0x172: {  	v14 =	vadd.f32 v59, v14  }
0x173: {  	v60 =	vld.idx.msk [tilespmem:v35+s14+$0x0], $0xffff  }
0x174: {  	v14 =	vadd.f32 v15, v14  }
0x175: {  	v15 =	vld.idx.msk [tilespmem:v36+s14+$0x0], $0xffff  }
0x176: {  	v14 =	vadd.f32 v16, v14  }
0x177: {  	v16 =	vld.idx.msk [tilespmem:v37+s14+$0x0], $0xffff  }
0x178: {  	v14 =	vadd.f32 v60, v14  }
0x179: {  	v61 =	vld.idx.msk [tilespmem:v38+s14+$0x0], $0xffff  }
0x17a: {  	v14 =	vadd.f32 v15, v14  }
0x17b: {  	v15 =	vld.idx.msk [tilespmem:v39+s14+$0x0], $0xffff  }
0x17c: {  	v14 =	vadd.f32 v16, v14  }
0x17d: {  	v16 =	vld.idx.msk [tilespmem:v40+s14+$0x0], $0xffff  }
0x17e: {  	v14 =	vadd.f32 v61, v14  }
0x17f: {  	v62 =	vld.idx.msk [tilespmem:v41+s14+$0x0], $0xffff  }
0x180: {  	v14 =	vadd.f32 v15, v14  }
0x181: {  	v15 =	vld.idx.msk [tilespmem:v42+s14+$0x0], $0xffff  }
0x182: {  	v14 =	vadd.f32 v16, v14  }
0x183: {  	v16 =	vld.idx.msk [tilespmem:v43+s14+$0x0], $0xffff  }
0x184: {  	v14 =	vadd.f32 v62, v14  }
0x185: {  	v63 =	vld.idx.msk [tilespmem:v44+s14+$0x0], $0xffff  }
0x186: {  	v14 =	vadd.f32 v15, v14;
	_ =	sdelay $0x1  }
0x187: {  	v14 =	vadd.f32 v16, v14;
	_ =	sdelay $0x1  }
0x188: {  	v14 =	vadd.f32 v63, v14;
	_ =	sdelay $0x1  }
0x189: {  	v14 =	vmul.f32 $1.442695020e+00, v14;
	_ =	sdelay $0x1  }
0x18a: {  	(erf) = vpow2.f32 v14;
	_ =	sdelay $0x5  }
0x18b: {  	s16 =	simm.s32 $0x4E90  }
0x18c: {  	v14 =	vld [tilespmem:s16+$0xFFFFFFC0]  }
0x18d: {  	s24 =	simm.s32 $0x0  }
0x18e: {  	v15 =	vmov s24;
	v49 =	vpop (erf)  }
0x18f: {  	v15 =	vperm.xlane v49, v15;
	_ =	sdelay $0x1  }
0x190: {  	v14 =	vmul.f32 v14, v15  }
0x191: {  	s10 =	simm.s32 $0x7E90  }
0x192: {  	[tilespmem:s10+$0xFFFFFFC0] =	vst v14  }
0x193: {  	v14 =	vld [tilespmem:s16+$0xFFFFFFD0];
	_ =	sdelay $0x4  }
0x194: {  	v14 =	vmul.f32 v14, v15;
	_ =	sdelay $0x1  }
0x195: {  	[tilespmem:s10+$0xFFFFFFD0] =	vst v14  }
0x196: {  	v14 =	vld [tilespmem:s16+$0xFFFFFFE0];
	_ =	sdelay $0x4  }
0x197: {  	v14 =	vmul.f32 v14, v15;
	_ =	sdelay $0x1  }
0x198: {  	[tilespmem:s10+$0xFFFFFFE0] =	vst v14  }
0x199: {  	v14 =	vld [tilespmem:s16+$0xFFFFFFF0];
	_ =	sdelay $0x4  }
0x19a: {  	v14 =	vmul.f32 v14, v15;
	_ =	sdelay $0x1  }
0x19b: {  	[tilespmem:s10+$0xFFFFFFF0] =	vst v14  }
0x19c: {  	v14 =	vld [tilespmem:s16+$0x0];
	_ =	sdelay $0x4  }
0x19d: {  	v14 =	vmul.f32 v14, v15;
	_ =	sdelay $0x1  }
0x19e: {  	[tilespmem:s10+$0x0] =	vst v14  }
0x19f: {  	v14 =	vld [tilespmem:s16+$0x10];
	_ =	sdelay $0x4  }
0x1a0: {  	v14 =	vmul.f32 v14, v15;
	_ =	sdelay $0x1  }
0x1a1: {  	[tilespmem:s10+$0x10] =	vst v14  }
0x1a2: {  	v14 =	vld [tilespmem:s16+$0x20];
	_ =	sdelay $0x4  }
0x1a3: {  	v14 =	vmul.f32 v14, v15;
	_ =	sdelay $0x1  }
0x1a4: {  	[tilespmem:s10+$0x20] =	vst v14  }
0x1a5: {  	v14 =	vld [tilespmem:s16+$0x30];
	_ =	sdelay $0x4  }
0x1a6: {  	v14 =	vmul.f32 v14, v15;
	_ =	sdelay $0x1  }
0x1a7: {  	s16 =	simm.s32 $0x4F10;
	[tilespmem:s10+$0x30] =	vst v14  }
0x1a8: {  	s30 =	simm.s32 $0x2;
	s24 =	simm.s32 $0x1;
	v50 =	vld [tilespmem:s16+$0xFFFFFFC0]  }
.LBB2_13:
0x1a9: {  	p1 =	sne.s32 s30, $0xF  }
0x1aa: {  	v14 =	vmov s24;
	s24 =	smov.u32 s30  }
0x1ab: {  	v14 =	vperm.xlane v49, v14;
	_ =	sdelay $0x1  }
0x1ac: {  	v15 =	vmul.f32 v50, v14  }
0x1ad: {  	s10 =	sadd.s32 $0x90, s10  }
0x1ae: {  	[tilespmem:s10+$0xFFFFFFC0] =	vst v15  }
0x1af: {  	v15 =	vld [tilespmem:s16+$0xFFFFFFD0];
	_ =	sdelay $0x4  }
0x1b0: {  	v15 =	vmul.f32 v15, v14;
	_ =	sdelay $0x1  }
0x1b1: {  	[tilespmem:s10+$0xFFFFFFD0] =	vst v15  }
0x1b2: {  	v15 =	vld [tilespmem:s16+$0xFFFFFFE0];
	_ =	sdelay $0x4  }
0x1b3: {  	v15 =	vmul.f32 v15, v14;
	_ =	sdelay $0x1  }
0x1b4: {  	[tilespmem:s10+$0xFFFFFFE0] =	vst v15  }
0x1b5: {  	v15 =	vld [tilespmem:s16+$0xFFFFFFF0];
	_ =	sdelay $0x4  }
0x1b6: {  	v15 =	vmul.f32 v15, v14;
	_ =	sdelay $0x1  }
0x1b7: {  	[tilespmem:s10+$0xFFFFFFF0] =	vst v15  }
0x1b8: {  	v15 =	vld [tilespmem:s16+$0x0];
	_ =	sdelay $0x4  }
0x1b9: {  	v15 =	vmul.f32 v15, v14;
	_ =	sdelay $0x1  }
0x1ba: {  	[tilespmem:s10+$0x0] =	vst v15  }
0x1bb: {  	v15 =	vld [tilespmem:s16+$0x10];
	_ =	sdelay $0x4  }
0x1bc: {  	v15 =	vmul.f32 v15, v14;
	_ =	sdelay $0x1  }
0x1bd: {  	[tilespmem:s10+$0x10] =	vst v15  }
0x1be: {  	v15 =	vld [tilespmem:s16+$0x20];
	_ =	sdelay $0x4  }
0x1bf: {  	v15 =	vmul.f32 v15, v14;
	_ =	sdelay $0x1  }
0x1c0: {  	[tilespmem:s10+$0x20] =	vst v15  }
0x1c1: {  	v15 =	vld [tilespmem:s16+$0x30];
	_ =	sdelay $0x3  }
.Ltmp7:
0x1c2: {  	(pc) =	sbr.rel @p1 .LBB2_13-.Ltmp7, $3  }
0x1c3: {  	v14 =	vmul.f32 v15, v14;
	_ =	sdelay $0x1  }
0x1c4: {  	s16 =	sadd.s32 $0x80, s16;
	[tilespmem:s10+$0x30] =	vst v14  }
0x1c5: {  	s30 =	sadd.s32 $0x1, s30;
	v50 =	vld [tilespmem:s16+$0xFFFFFFC0]  }
0x1c6: {  	_ = 	snop  }
0x1c7: {  	v14 =	vmov s24  }
0x1c8: {  	v14 =	vperm.xlane v49, v14;
	_ =	sdelay $0x1  }
0x1c9: {  	v15 =	vmul.f32 v50, v14  }
0x1ca: {  	s10 =	sadd.s32 $0x90, s10  }
0x1cb: {  	[tilespmem:s10+$0xFFFFFFC0] =	vst v15  }
0x1cc: {  	v15 =	vld [tilespmem:s16+$0xFFFFFFD0];
	_ =	sdelay $0x4  }
0x1cd: {  	v15 =	vmul.f32 v15, v14;
	_ =	sdelay $0x1  }
0x1ce: {  	[tilespmem:s10+$0xFFFFFFD0] =	vst v15  }
0x1cf: {  	v15 =	vld [tilespmem:s16+$0xFFFFFFE0];
	_ =	sdelay $0x4  }
0x1d0: {  	v15 =	vmul.f32 v15, v14;
	_ =	sdelay $0x1  }
0x1d1: {  	[tilespmem:s10+$0xFFFFFFE0] =	vst v15  }
0x1d2: {  	v15 =	vld [tilespmem:s16+$0xFFFFFFF0];
	_ =	sdelay $0x4  }
0x1d3: {  	v15 =	vmul.f32 v15, v14;
	_ =	sdelay $0x1  }
0x1d4: {  	[tilespmem:s10+$0xFFFFFFF0] =	vst v15  }
0x1d5: {  	v15 =	vld [tilespmem:s16+$0x0];
	_ =	sdelay $0x4  }
0x1d6: {  	v15 =	vmul.f32 v15, v14;
	_ =	sdelay $0x1  }
0x1d7: {  	[tilespmem:s10+$0x0] =	vst v15  }
0x1d8: {  	v15 =	vld [tilespmem:s16+$0x10];
	_ =	sdelay $0x4  }
0x1d9: {  	v15 =	vmul.f32 v15, v14;
	_ =	sdelay $0x1  }
0x1da: {  	[tilespmem:s10+$0x10] =	vst v15  }
0x1db: {  	v15 =	vld [tilespmem:s16+$0x20];
	_ =	sdelay $0x4  }
0x1dc: {  	v15 =	vmul.f32 v15, v14;
	_ =	sdelay $0x1  }
0x1dd: {  	[tilespmem:s10+$0x20] =	vst v15  }
0x1de: {  	v15 =	vld [tilespmem:s16+$0x30];
	_ =	sdelay $0x1  }
0x1df: {  	v16 =	vor.u32 s12, v4  }
0x1e0: {  	vm1 =	vlt.s32 v16, v46;
	v16 =	vsub.s32 v48, v0  }
0x1e1: {  	v16 =	vnsel vm1, $0x1388, v16  }
0x1e2: {  	v14 =	vmul.f32 v15, v14;
	_ =	sdelay $0x1  }
0x1e3: {  	[tilespmem:s10+$0x30] =	vst v14  }
0x1e4: {  	[tilespmem:v45+s29+$0x0] =	vst.idx.msk $0xffff, v49  }
0x1e5: {  	[spmem:s4] =	stream.indirect_vreg.scatter.add.f32 [tilespmem:s29], [sflag:$0x2], $0x90, v16, vm0, $0xb8;
	[tilespmem:$0x14810] =	vst v63  }
0x1e6: {  	_ =	swait.ge [sflag:s15], $0x900  }
0x1e7: {  	[sflag:s15] =	ssyncset.done $0x0  }
0x1e8: {  	[sflag:s15] =	ssyncadd.s32 $0xFFFFF700  }
0x1e9: {  	_ =	swait.ge [sflag:s31], $0x800  }
0x1ea: {  	[sflag:s31] =	ssyncset.done $0x0  }
0x1eb: {  	[sflag:s31] =	ssyncadd.s32 $0xFFFFF800  }
0x1ec: {  	_ =	swait.ge [sflag:s31], $0x800  }
0x1ed: {  	[sflag:s31] =	ssyncset.done $0x0  }
0x1ee: {  	[sflag:s31] =	ssyncadd.s32 $0xFFFFF800  }
0x1ef: {  	_ =	swait.ge [sflag:s31], $0x800  }
0x1f0: {  	[sflag:s31] =	ssyncset.done $0x0  }
0x1f1: {  	s30 =	simm.s32 $0x0;
	[sflag:s31] =	ssyncadd.s32 $0xFFFFF800  }
0x1f2: {  	v14 =	vld [tilespmem:s30+$0x6EC0]  }
0x1f3: {  	v15 =	vld [tilespmem:s30+$0x66C0]  }
0x1f4: {  	v16 =	vld [tilespmem:s30+$0x6EB0]  }
0x1f5: {  	v48 =	vld [tilespmem:s30+$0x66B0]  }
0x1f6: {  	v49 =	vld [tilespmem:$0x8850]  }
0x1f7: {  	v50 =	vld [tilespmem:s30+$0x6EA0]  }
0x1f8: {  	v51 =	vld [tilespmem:s30+$0x66A0]  }
0x1f9: {  	v52 =	vld [tilespmem:s30+$0x6E90]  }
0x1fa: {  	v53 =	vld [tilespmem:s30+$0x6E80]  }
0x1fb: {  	v54 =	vld [tilespmem:s30+$0x7660]  }
0x1fc: {  	v55 =	vld [tilespmem:s30+$0x7650]  }
0x1fd: {  	v56 =	vld [tilespmem:s30+$0x6E50]  }
0x1fe: {  	v57 =	vld [tilespmem:s30+$0x6650]  }
0x1ff: {  	v58 =	vld [tilespmem:s30+$0x6E60]  }
0x200: {  	v59 =	vld [tilespmem:s30+$0x6660]  }
0x201: {  	v60 =	vld [tilespmem:s30+$0x6E70]  }
0x202: {  	v61 =	vld [tilespmem:s30+$0x6670]  }
0x203: {  	v56 =	vadd.f32 v56, v57;
	v57 =	vld [tilespmem:s30+$0x6680]  }
0x204: {  	v62 =	vld [tilespmem:s30+$0x7670]  }
0x205: {  	v63 =	vadd.f32 v58, v59;
	v58 =	vld [tilespmem:s30+$0x6690];
	v55 =	vadd.f32 v55, v56  }
0x206: {  	v59 =	vld [tilespmem:s30+$0x7680];
	v16 =	vadd.f32 v16, v48;
	v14 =	vadd.f32 v14, v15  }
0x207: {  	v60 =	vadd.f32 v60, v61;
	v48 =	vadd.f32 v54, v63;
	v54 =	vld [tilespmem:$0x8860];
	v15 =	vmul.f32 $2.000000030e-01, v55  }
0x208: {  	v50 =	vadd.f32 v50, v51;
	vm1 =	vgt.f32 v55, $0.0e+00;
	v53 =	vadd.f32 v53, v57;
	v57 =	vld [tilespmem:s30+$0x7690]  }
0x209: {  	v63 =	vadd.f32 v62, v60;
	v56 =	vld [tilespmem:$0x8870];
	v61 =	vmul.f32 $2.000000030e-01, v48;
	v15 =	vsel vm1, v55, v15  }
0x20a: {  	v60 =	vadd.f32 v52, v58;
	v52 =	vld [tilespmem:s30+$0x76A0];
	vm1 =	vgt.f32 v48, $0.0e+00;
	v15 =	vmul.f32 v15, v49  }
0x20b: {  	v62 =	vld [tilespmem:$0x8880];
	v48 =	vsel vm1, v48, v61;
	v61 =	vmul.f32 $2.000000030e-01, v63;
	v53 =	vadd.f32 v59, v53  }
0x20c: {  	vm1 =	vgt.f32 v63, $0.0e+00;
	v48 =	vmul.f32 v48, v54;
	v54 =	vld [tilespmem:s30+$0x76B0];
	v15 =	vadd.f32 $0.0e+00, v15  }
0x20d: {  	v51 =	vsel vm1, v63, v61;
	v63 =	vmul.f32 $2.000000030e-01, v53;
	v49 =	vadd.f32 v57, v60;
	v57 =	vld [tilespmem:$0x8890]  }
0x20e: {  	vm1 =	vgt.f32 v53, $0.0e+00;
	v60 =	vmul.f32 v51, v56;
	v51 =	vld [tilespmem:s30+$0x76C0];
	v15 =	vadd.f32 v48, v15  }
0x20f: {  	v50 =	vadd.f32 v52, v50;
	v52 =	vld [tilespmem:$0x88A0];
	v53 =	vsel vm1, v53, v63;
	v61 =	vmul.f32 $2.000000030e-01, v49  }
0x210: {  	v62 =	vmul.f32 v53, v62;
	vm1 =	vgt.f32 v49, $0.0e+00;
	v15 =	vadd.f32 v60, v15  }
0x211: {  	v63 =	vmul.f32 $2.000000030e-01, v50;
	v16 =	vadd.f32 v54, v16;
	v54 =	vld [tilespmem:$0x88B0];
	v49 =	vsel vm1, v49, v61  }
0x212: {  	vm1 =	vgt.f32 v50, $0.0e+00;
	v15 =	vadd.f32 v62, v15;
	v58 =	vmul.f32 v49, v57  }
0x213: {  	v61 =	vld [tilespmem:$0x88C0];
	v59 =	vsel vm1, v50, v63;
	v60 =	vmul.f32 $2.000000030e-01, v16;
	v14 =	vadd.f32 v51, v14  }
0x214: {  	vm1 =	vgt.f32 v16, $0.0e+00;
	v62 =	vmul.f32 v59, v52;
	v15 =	vadd.f32 v58, v15  }
0x215: {  	v16 =	vsel vm1, v16, v60;
	v63 =	vmul.f32 $2.000000030e-01, v14  }
0x216: {  	vm1 =	vgt.f32 v14, $0.0e+00;
	v16 =	vmul.f32 v16, v54;
	v15 =	vadd.f32 v62, v15  }
0x217: {  	v14 =	vsel vm1, v14, v63  }
0x218: {  	v14 =	vmul.f32 v14, v61;
	v15 =	vadd.f32 v16, v15;
	_ =	sdelay $0x1  }
0x219: {  	v14 =	vadd.f32 v14, v15  }
0x21a: {  	s12 =	simm.s32 $0x8750  }
0x21b: {  	s10 =	simm.s32 $0x80;
	[tilespmem:s12+$0x0] =	vst v14  }
0x21c: {  	v51 =	vld [tilespmem:s10+$0x6EC0]  }
0x21d: {  	v53 =	vld [tilespmem:s10+$0x66C0]  }
0x21e: {  	v54 =	vld [tilespmem:s10+$0x6EB0]  }
0x21f: {  	v56 =	vld [tilespmem:s10+$0x66B0]  }
0x220: {  	v48 =	vld [tilespmem:$0x8850]  }
0x221: {  	v50 =	vld [tilespmem:s10+$0x6EA0]  }
0x222: {  	v52 =	vld [tilespmem:s10+$0x66A0]  }
0x223: {  	v49 =	vld [tilespmem:s10+$0x6E90]  }
0x224: {  	v55 =	vld [tilespmem:s10+$0x6E80]  }
0x225: {  	v57 =	vld [tilespmem:s10+$0x7660]  }
0x226: {  	v58 =	vld [tilespmem:s10+$0x7650]  }
0x227: {  	s16 =	simm.s32 $0x400;
	v59 =	vld [tilespmem:s10+$0x6E50]  }
.LBB2_15:
0x228: {  	p1 =	sne.s32 s16, $0x1E00;
	v14 =	vld [tilespmem:s10+$0x6650]  }
0x229: {  	v15 =	vld [tilespmem:s10+$0x6E60]  }
0x22a: {  	v16 =	vld [tilespmem:s10+$0x6660]  }
0x22b: {  	v60 =	vld [tilespmem:s10+$0x6E70]  }
0x22c: {  	v61 =	vld [tilespmem:s10+$0x6670]  }
0x22d: {  	v14 =	vadd.f32 v59, v14;
	v59 =	vld [tilespmem:s10+$0x6680]  }
0x22e: {  	v62 =	vld [tilespmem:s10+$0x7670]  }
0x22f: {  	v14 =	vadd.f32 v58, v14;
	v15 =	vadd.f32 v15, v16;
	v16 =	vld [tilespmem:s10+$0x6690]  }
0x230: {  	v54 =	vadd.f32 v54, v56;
	v51 =	vadd.f32 v51, v53;
	v58 =	vld [tilespmem:s10+$0x7680]  }
0x231: {  	v53 =	vmul.f32 $2.000000030e-01, v14;
	v15 =	vadd.f32 v57, v15;
	v56 =	vld [tilespmem:$0x8860];
	v57 =	vadd.f32 v60, v61  }
0x232: {  	v50 =	vadd.f32 v50, v52;
	vm1 =	vgt.f32 v14, $0.0e+00;
	v55 =	vadd.f32 v55, v59;
	v59 =	vld [tilespmem:s10+$0x7690]  }
0x233: {  	v14 =	vsel vm1, v14, v53;
	v52 =	vmul.f32 $2.000000030e-01, v15;
	v53 =	vadd.f32 v62, v57;
	v57 =	vld [tilespmem:$0x8870]  }
0x234: {  	vm1 =	vgt.f32 v15, $0.0e+00;
	v14 =	vmul.f32 v14, v48;
	v16 =	vadd.f32 v49, v16;
	v48 =	vld [tilespmem:s10+$0x76A0]  }
0x235: {  	v15 =	vsel vm1, v15, v52;
	v49 =	vmul.f32 $2.000000030e-01, v53;
	v52 =	vadd.f32 v58, v55;
	v55 =	vld [tilespmem:$0x8880]  }
0x236: {  	vm1 =	vgt.f32 v53, $0.0e+00;
	v14 =	vadd.f32 $0.0e+00, v14;
	v15 =	vmul.f32 v15, v56;
	v56 =	vld [tilespmem:s10+$0x76B0]  }
0x237: {  	v49 =	vsel vm1, v53, v49;
	v53 =	vmul.f32 $2.000000030e-01, v52;
	v16 =	vadd.f32 v59, v16;
	v58 =	vld [tilespmem:$0x8890]  }
0x238: {  	vm1 =	vgt.f32 v52, $0.0e+00;
	v14 =	vadd.f32 v15, v14;
	v15 =	vmul.f32 v49, v57;
	v49 =	vld [tilespmem:s10+$0x76C0]  }
0x239: {  	v52 =	vsel vm1, v52, v53;
	v53 =	vmul.f32 $2.000000030e-01, v16;
	v48 =	vadd.f32 v48, v50;
	v50 =	vld [tilespmem:$0x88A0]  }
0x23a: {  	vm1 =	vgt.f32 v16, $0.0e+00;
	v14 =	vadd.f32 v15, v14;
	v15 =	vmul.f32 v52, v55  }
0x23b: {  	v16 =	vsel vm1, v16, v53;
	v52 =	vmul.f32 $2.000000030e-01, v48;
	v53 =	vadd.f32 v56, v54;
	v54 =	vld [tilespmem:$0x88B0]  }
0x23c: {  	vm1 =	vgt.f32 v48, $0.0e+00;
	v14 =	vadd.f32 v15, v14;
	v15 =	vmul.f32 v16, v58  }
0x23d: {  	v16 =	vsel vm1, v48, v52;
	v48 =	vmul.f32 $2.000000030e-01, v53;
	v49 =	vadd.f32 v49, v51;
	v51 =	vld [tilespmem:$0x88C0]  }
0x23e: {  	vm1 =	vgt.f32 v53, $0.0e+00;
	v14 =	vadd.f32 v15, v14;
	v15 =	vmul.f32 v16, v50  }
0x23f: {  	v16 =	vsel vm1, v53, v48;
	v48 =	vmul.f32 $2.000000030e-01, v49  }
0x240: {  	vm1 =	vgt.f32 v49, $0.0e+00;
	v14 =	vadd.f32 v15, v14;
	v15 =	vmul.f32 v16, v54  }
0x241: {  	v16 =	vsel vm1, v49, v48  }
0x242: {  	v14 =	vadd.f32 v15, v14;
	v15 =	vmul.f32 v16, v51;
	_ =	sdelay $0x1  }
0x243: {  	v14 =	vadd.f32 v15, v14  }
0x244: {  	s12 =	sadd.s32 $0x10, s12  }
0x245: {  	s10 =	sshra.s32 s16, $0x2;
	[tilespmem:s12+$0x0] =	vst v14  }
0x246: {  	v51 =	vld [tilespmem:s10+$0x6EC0]  }
0x247: {  	v53 =	vld [tilespmem:s10+$0x66C0]  }
0x248: {  	v54 =	vld [tilespmem:s10+$0x6EB0]  }
0x249: {  	v56 =	vld [tilespmem:s10+$0x66B0]  }
0x24a: {  	v48 =	vld [tilespmem:$0x8850]  }
0x24b: {  	v50 =	vld [tilespmem:s10+$0x6EA0]  }
0x24c: {  	v52 =	vld [tilespmem:s10+$0x66A0]  }
.Ltmp8:
0x24d: {  	v49 =	vld [tilespmem:s10+$0x6E90];
	(pc) =	sbr.rel @p1 .LBB2_15-.Ltmp8, $4  }
0x24e: {  	v55 =	vld [tilespmem:s10+$0x6E80]  }
0x24f: {  	v57 =	vld [tilespmem:s10+$0x7660]  }
0x250: {  	v58 =	vld [tilespmem:s10+$0x7650]  }
0x251: {  	s16 =	sadd.s32 $0x200, s16;
	v59 =	vld [tilespmem:s10+$0x6E50]  }
0x252: {  	v14 =	vld [tilespmem:s10+$0x6650]  }
0x253: {  	v15 =	vld [tilespmem:s10+$0x6E60]  }
0x254: {  	v16 =	vld [tilespmem:s10+$0x6660]  }
0x255: {  	v60 =	vld [tilespmem:s10+$0x6E70]  }
0x256: {  	v61 =	vld [tilespmem:s10+$0x6670]  }
0x257: {  	v14 =	vadd.f32 v59, v14;
	v59 =	vld [tilespmem:s10+$0x6680]  }
0x258: {  	v62 =	vld [tilespmem:s10+$0x7670]  }
0x259: {  	v15 =	vadd.f32 v15, v16;
	v16 =	vld [tilespmem:s10+$0x6690];
	v14 =	vadd.f32 v58, v14  }
0x25a: {  	v54 =	vadd.f32 v54, v56;
	v51 =	vadd.f32 v51, v53;
	v58 =	vld [tilespmem:s10+$0x7680]  }
0x25b: {  	v56 =	vld [tilespmem:$0x8860];
	v60 =	vadd.f32 v60, v61;
	v15 =	vadd.f32 v57, v15;
	v63 =	vmul.f32 $2.000000030e-01, v14  }
0x25c: {  	v50 =	vadd.f32 v50, v52;
	vm1 =	vgt.f32 v14, $0.0e+00;
	v55 =	vadd.f32 v55, v59;
	v59 =	vld [tilespmem:s10+$0x7690]  }
0x25d: {  	v53 =	vadd.f32 v62, v60;
	v57 =	vld [tilespmem:$0x8870];
	v61 =	vmul.f32 $2.000000030e-01, v15;
	v14 =	vsel vm1, v14, v63  }
0x25e: {  	v16 =	vadd.f32 v49, v16;
	vm1 =	vgt.f32 v15, $0.0e+00;
	v14 =	vmul.f32 v14, v48;
	v48 =	vld [tilespmem:s10+$0x76A0]  }
0x25f: {  	v63 =	vmul.f32 $2.000000030e-01, v53;
	v15 =	vsel vm1, v15, v61;
	v60 =	vadd.f32 v58, v55;
	v61 =	vld [tilespmem:$0x8880]  }
0x260: {  	v62 =	vld [tilespmem:s10+$0x76B0];
	vm1 =	vgt.f32 v53, $0.0e+00;
	v15 =	vmul.f32 v15, v56;
	v14 =	vadd.f32 $0.0e+00, v14  }
0x261: {  	v58 =	vld [tilespmem:$0x8890];
	v49 =	vsel vm1, v53, v63;
	v63 =	vmul.f32 $2.000000030e-01, v60;
	v16 =	vadd.f32 v59, v16  }
0x262: {  	vm1 =	vgt.f32 v60, $0.0e+00;
	v14 =	vadd.f32 v15, v14;
	v15 =	vmul.f32 v49, v57;
	v57 =	vld [tilespmem:s10+$0x76C0]  }
0x263: {  	v52 =	vsel vm1, v60, v63;
	v60 =	vld [tilespmem:$0x88A0];
	v59 =	vmul.f32 $2.000000030e-01, v16;
	v48 =	vadd.f32 v48, v50  }
0x264: {  	vm1 =	vgt.f32 v16, $0.0e+00;
	v14 =	vadd.f32 v15, v14;
	v15 =	vmul.f32 v52, v61  }
0x265: {  	v62 =	vadd.f32 v62, v54;
	v63 =	vld [tilespmem:$0x88B0];
	v16 =	vsel vm1, v16, v59;
	v61 =	vmul.f32 $2.000000030e-01, v48  }
0x266: {  	vm1 =	vgt.f32 v48, $0.0e+00;
	v14 =	vadd.f32 v15, v14;
	v15 =	vmul.f32 v16, v58  }
0x267: {  	v56 =	vmul.f32 $2.000000030e-01, v62;
	v16 =	vsel vm1, v48, v61;
	v49 =	vadd.f32 v57, v51;
	v57 =	vld [tilespmem:$0x88C0]  }
0x268: {  	vm1 =	vgt.f32 v62, $0.0e+00;
	v14 =	vadd.f32 v15, v14;
	v15 =	vmul.f32 v16, v60  }
0x269: {  	v16 =	vsel vm1, v62, v56;
	v58 =	vmul.f32 $2.000000030e-01, v49  }
0x26a: {  	vm1 =	vgt.f32 v49, $0.0e+00;
	v14 =	vadd.f32 v15, v14;
	v15 =	vmul.f32 v16, v63  }
0x26b: {  	v16 =	vsel vm1, v49, v58  }
0x26c: {  	v14 =	vadd.f32 v15, v14;
	v15 =	vmul.f32 v16, v57;
	_ =	sdelay $0x1  }
0x26d: {  	v14 =	vadd.f32 v15, v14  }
0x26e: {  	s16 =	sadd.s32 $0x10, s12  }
0x26f: {  	[tilespmem:s16+$0x0] =	vst v14  }
0x270: {  	v14 =	vld.idx.msk [tilespmem:v26+s14+$0x0], $0xffff;
	_ =	sdelay $0x1  }
0x271: {  	v15 =	vld.idx.msk [tilespmem:v30+s14+$0x0], $0xffff;
	_ =	sdelay $0x1  }
0x272: {  	v16 =	vld.idx.msk [tilespmem:v31+s14+$0x0], $0xffff  }
0x273: {  	v14 =	vadd.f32 $0.0e+00, v14  }
0x274: {  	v59 =	vld.idx.msk [tilespmem:v32+s14+$0x0], $0xffff  }
0x275: {  	v14 =	vadd.f32 v15, v14  }
0x276: {  	v15 =	vld.idx.msk [tilespmem:v33+s14+$0x0], $0xffff  }
0x277: {  	v14 =	vadd.f32 v16, v14  }
0x278: {  	v16 =	vld.idx.msk [tilespmem:v34+s14+$0x0], $0xffff  }
0x279: {  	v14 =	vadd.f32 v59, v14  }
0x27a: {  	v60 =	vld.idx.msk [tilespmem:v35+s14+$0x0], $0xffff  }
0x27b: {  	v14 =	vadd.f32 v15, v14  }
0x27c: {  	v15 =	vld.idx.msk [tilespmem:v36+s14+$0x0], $0xffff  }
0x27d: {  	v14 =	vadd.f32 v16, v14  }
0x27e: {  	v16 =	vld.idx.msk [tilespmem:v37+s14+$0x0], $0xffff  }
0x27f: {  	v14 =	vadd.f32 v60, v14  }
0x280: {  	v61 =	vld.idx.msk [tilespmem:v38+s14+$0x0], $0xffff  }
0x281: {  	v14 =	vadd.f32 v15, v14  }
0x282: {  	v15 =	vld.idx.msk [tilespmem:v39+s14+$0x0], $0xffff  }
0x283: {  	v14 =	vadd.f32 v16, v14  }
0x284: {  	v16 =	vld.idx.msk [tilespmem:v40+s14+$0x0], $0xffff  }
0x285: {  	v14 =	vadd.f32 v61, v14  }
0x286: {  	v62 =	vld.idx.msk [tilespmem:v41+s14+$0x0], $0xffff  }
0x287: {  	v14 =	vadd.f32 v15, v14  }
0x288: {  	v15 =	vld.idx.msk [tilespmem:v42+s14+$0x0], $0xffff  }
0x289: {  	v14 =	vadd.f32 v16, v14  }
0x28a: {  	v16 =	vld.idx.msk [tilespmem:v43+s14+$0x0], $0xffff  }
0x28b: {  	v14 =	vadd.f32 v62, v14  }
0x28c: {  	v63 =	vld.idx.msk [tilespmem:v44+s14+$0x0], $0xffff  }
0x28d: {  	v14 =	vadd.f32 v15, v14;
	_ =	sdelay $0x1  }
0x28e: {  	v14 =	vadd.f32 v16, v14;
	_ =	sdelay $0x1  }
0x28f: {  	v14 =	vadd.f32 v63, v14;
	_ =	sdelay $0x1  }
0x290: {  	v14 =	vmul.f32 $1.442695020e+00, v14;
	_ =	sdelay $0x1  }
0x291: {  	(erf) = vpow2.f32 v14;
	_ =	sdelay $0x5  }
0x292: {  	s24 =	simm.s32 $0x6690  }
0x293: {  	v14 =	vld [tilespmem:s24+$0xFFFFFFC0]  }
0x294: {  	s30 =	simm.s32 $0x0  }
0x295: {  	v15 =	vmov s30;
	v48 =	vpop (erf)  }
0x296: {  	v15 =	vperm.xlane v48, v15;
	_ =	sdelay $0x1  }
0x297: {  	v14 =	vmul.f32 v14, v15  }
0x298: {  	s10 =	simm.s32 $0x7E90  }
0x299: {  	[tilespmem:s10+$0xFFFFFFC0] =	vst v14  }
0x29a: {  	v14 =	vld [tilespmem:s24+$0xFFFFFFD0];
	_ =	sdelay $0x4  }
0x29b: {  	v14 =	vmul.f32 v14, v15;
	_ =	sdelay $0x1  }
0x29c: {  	[tilespmem:s10+$0xFFFFFFD0] =	vst v14  }
0x29d: {  	v14 =	vld [tilespmem:s24+$0xFFFFFFE0];
	_ =	sdelay $0x4  }
0x29e: {  	v14 =	vmul.f32 v14, v15;
	_ =	sdelay $0x1  }
0x29f: {  	[tilespmem:s10+$0xFFFFFFE0] =	vst v14  }
0x2a0: {  	v14 =	vld [tilespmem:s24+$0xFFFFFFF0];
	_ =	sdelay $0x4  }
0x2a1: {  	v14 =	vmul.f32 v14, v15;
	_ =	sdelay $0x1  }
0x2a2: {  	[tilespmem:s10+$0xFFFFFFF0] =	vst v14  }
0x2a3: {  	v14 =	vld [tilespmem:s24+$0x0];
	_ =	sdelay $0x4  }
0x2a4: {  	v14 =	vmul.f32 v14, v15;
	_ =	sdelay $0x1  }
0x2a5: {  	[tilespmem:s10+$0x0] =	vst v14  }
0x2a6: {  	v14 =	vld [tilespmem:s24+$0x10];
	_ =	sdelay $0x4  }
0x2a7: {  	v14 =	vmul.f32 v14, v15;
	_ =	sdelay $0x1  }
0x2a8: {  	[tilespmem:s10+$0x10] =	vst v14  }
0x2a9: {  	v14 =	vld [tilespmem:s24+$0x20];
	_ =	sdelay $0x4  }
0x2aa: {  	v14 =	vmul.f32 v14, v15;
	_ =	sdelay $0x1  }
0x2ab: {  	[tilespmem:s10+$0x20] =	vst v14  }
0x2ac: {  	v14 =	vld [tilespmem:s24+$0x30];
	_ =	sdelay $0x4  }
0x2ad: {  	v14 =	vmul.f32 v14, v15;
	_ =	sdelay $0x1  }
0x2ae: {  	s12 =	simm.s32 $0x6710;
	[tilespmem:s10+$0x30] =	vst v14  }
0x2af: {  	s16 =	simm.s32 $0x1;
	s24 =	simm.s32 $0x2;
	v49 =	vld [tilespmem:s12+$0xFFFFFFC0]  }
.LBB2_17:
0x2b0: {  	p1 =	sne.s32 s24, $0xF  }
0x2b1: {  	v14 =	vmov s16;
	s16 =	smov.u32 s24  }
0x2b2: {  	v14 =	vperm.xlane v48, v14;
	_ =	sdelay $0x1  }
0x2b3: {  	v15 =	vmul.f32 v49, v14  }
0x2b4: {  	s10 =	sadd.s32 $0x90, s10  }
0x2b5: {  	[tilespmem:s10+$0xFFFFFFC0] =	vst v15  }
0x2b6: {  	v15 =	vld [tilespmem:s12+$0xFFFFFFD0];
	_ =	sdelay $0x4  }
0x2b7: {  	v15 =	vmul.f32 v15, v14;
	_ =	sdelay $0x1  }
0x2b8: {  	[tilespmem:s10+$0xFFFFFFD0] =	vst v15  }
0x2b9: {  	v15 =	vld [tilespmem:s12+$0xFFFFFFE0];
	_ =	sdelay $0x4  }
0x2ba: {  	v15 =	vmul.f32 v15, v14;
	_ =	sdelay $0x1  }
0x2bb: {  	[tilespmem:s10+$0xFFFFFFE0] =	vst v15  }
0x2bc: {  	v15 =	vld [tilespmem:s12+$0xFFFFFFF0];
	_ =	sdelay $0x4  }
0x2bd: {  	v15 =	vmul.f32 v15, v14;
	_ =	sdelay $0x1  }
0x2be: {  	[tilespmem:s10+$0xFFFFFFF0] =	vst v15  }
0x2bf: {  	v15 =	vld [tilespmem:s12+$0x0];
	_ =	sdelay $0x4  }
0x2c0: {  	v15 =	vmul.f32 v15, v14;
	_ =	sdelay $0x1  }
0x2c1: {  	[tilespmem:s10+$0x0] =	vst v15  }
0x2c2: {  	v15 =	vld [tilespmem:s12+$0x10];
	_ =	sdelay $0x4  }
0x2c3: {  	v15 =	vmul.f32 v15, v14;
	_ =	sdelay $0x1  }
0x2c4: {  	[tilespmem:s10+$0x10] =	vst v15  }
0x2c5: {  	v15 =	vld [tilespmem:s12+$0x20];
	_ =	sdelay $0x4  }
0x2c6: {  	v15 =	vmul.f32 v15, v14;
	_ =	sdelay $0x1  }
0x2c7: {  	[tilespmem:s10+$0x20] =	vst v15  }
0x2c8: {  	v15 =	vld [tilespmem:s12+$0x30];
	_ =	sdelay $0x3  }
.Ltmp9:
0x2c9: {  	(pc) =	sbr.rel @p1 .LBB2_17-.Ltmp9, $3  }
0x2ca: {  	v14 =	vmul.f32 v15, v14;
	_ =	sdelay $0x1  }
0x2cb: {  	s12 =	sadd.s32 $0x80, s12;
	[tilespmem:s10+$0x30] =	vst v14  }
0x2cc: {  	s24 =	sadd.s32 $0x1, s24;
	v49 =	vld [tilespmem:s12+$0xFFFFFFC0]  }
0x2cd: {  	_ = 	snop  }
0x2ce: {  	v14 =	vmov s16  }
0x2cf: {  	v14 =	vperm.xlane v48, v14;
	_ =	sdelay $0x1  }
0x2d0: {  	v15 =	vmul.f32 v49, v14  }
0x2d1: {  	s10 =	sadd.s32 $0x90, s10  }
0x2d2: {  	[tilespmem:s10+$0xFFFFFFC0] =	vst v15  }
0x2d3: {  	v15 =	vld [tilespmem:s12+$0xFFFFFFD0];
	_ =	sdelay $0x4  }
0x2d4: {  	v15 =	vmul.f32 v15, v14;
	_ =	sdelay $0x1  }
0x2d5: {  	[tilespmem:s10+$0xFFFFFFD0] =	vst v15  }
0x2d6: {  	v15 =	vld [tilespmem:s12+$0xFFFFFFE0];
	_ =	sdelay $0x4  }
0x2d7: {  	v15 =	vmul.f32 v15, v14;
	_ =	sdelay $0x1  }
0x2d8: {  	[tilespmem:s10+$0xFFFFFFE0] =	vst v15  }
0x2d9: {  	v15 =	vld [tilespmem:s12+$0xFFFFFFF0];
	_ =	sdelay $0x4  }
0x2da: {  	v15 =	vmul.f32 v15, v14;
	_ =	sdelay $0x1  }
0x2db: {  	[tilespmem:s10+$0xFFFFFFF0] =	vst v15  }
0x2dc: {  	v15 =	vld [tilespmem:s12+$0x0];
	_ =	sdelay $0x4  }
0x2dd: {  	v15 =	vmul.f32 v15, v14;
	_ =	sdelay $0x1  }
0x2de: {  	[tilespmem:s10+$0x0] =	vst v15  }
0x2df: {  	v15 =	vld [tilespmem:s12+$0x10];
	_ =	sdelay $0x4  }
0x2e0: {  	v15 =	vmul.f32 v15, v14;
	_ =	sdelay $0x1  }
0x2e1: {  	[tilespmem:s10+$0x10] =	vst v15  }
0x2e2: {  	v15 =	vld [tilespmem:s12+$0x20];
	_ =	sdelay $0x4  }
0x2e3: {  	v15 =	vmul.f32 v15, v14;
	_ =	sdelay $0x1  }
0x2e4: {  	[tilespmem:s10+$0x20] =	vst v15  }
0x2e5: {  	v15 =	vld [tilespmem:s12+$0x30];
	_ =	sdelay $0x1  }
0x2e6: {  	v16 =	vor.u32 s23, v4  }
0x2e7: {  	vm1 =	vlt.s32 v16, v46;
	v16 =	vsub.s32 v47, v0  }
0x2e8: {  	v16 =	vnsel vm1, $0x1388, v16  }
0x2e9: {  	v14 =	vmul.f32 v15, v14;
	_ =	sdelay $0x1  }
0x2ea: {  	s22 =	sadd.s32 $0x1, s22;
	[tilespmem:s10+$0x30] =	vst v14  }
0x2eb: {  	p1 =	sne.s32 s22, s20;
	[tilespmem:v45+s29+$0x0] =	vst.idx.msk $0xffff, v48  }
0x2ec: {  	[spmem:s4] =	stream.indirect_vreg.scatter.add.f32 [tilespmem:s29], [sflag:$0x2], $0x90, v16, vm0, $0xb8;
	[tilespmem:$0x14810] =	vst v63  }
.Ltmp10:
0x2ed: {  	_ = 	snop;
	(pc) =	sbr.rel @p1 .LBB2_10-.Ltmp10, $4  }
.Ltmp11:
0x2ee: {  	_ = 	snop;
	(pc) =	sbr.rel @!p1 .LBB2_19-.Ltmp11, $4  }
0x2ef: {  	_ =	swait.ge [sflag:s15], $0x900  }
0x2f0: {  	[sflag:s15] =	ssyncset.done $0x0  }
0x2f1: {  	[sflag:s15] =	ssyncadd.s32 $0xFFFFF700  }
0x2f2: {  	_ = 	snop  }
.LBB2_20:
0x2f3: {  	s10 =	sadd.s32 $0x0, s2;
	[bflag:$0x0] =	sbarrier.arrive $0xFFFF  }
0x2f4: {  	p1 =	sgt.u32 s10, $0xC7;
	s21 =	rddreg [dreg:$0x5]  }
0x2f5: {  	s16 =	rddreg [dreg:$0x13];
	s10 =	sshll.u32 @!p1 s2, $0x6  }
0x2f6: {  	s12 =	sshrl.u32 @!p1 s21, $0x3;
	s17 =	simm.s32 @!p1 $0x3;
	s10 =	sor.u32 @!p1 $0x1C03, s10  }
0x2f7: {  	[hbm:s16], [sflag:s10] =	dma.local @!p1 [spmem:s12], $0x1C2  }
0x2f8: {  	_ =	swait.ge @!p1 [sflag:s17], $0x1C2  }
0x2f9: {  	s18 =	sadd.s32 $0x10, s2;
	s12 =	simm.s32 $0x20;
	s22 =	rddreg [dreg:$0x7]  }
0x2fa: {  	s10 =	sadd.s32 $0x1C20, s16;
	[sflag:s17] =	ssyncset.done @!p1 $0x0;
	s16 =	smov.u32 s22  }
.LBB2_21:
0x2fb: {  	[sflag:s17] =	ssyncadd.s32 @!p1 $0xFFFFFE3E  }
0x2fc: {  	p1 =	sgt.u32 s18, $0xC7;
	s18 =	smov.u32 s12;
	s12 =	sadd.s32 $0x10, s12  }
0x2fd: {  	p2 =	sne.s32 s12, $0xD0  }
.Ltmp12:
0x2fe: {  	s17 =	sshll.u32 @!p1 s2, $0x6;
	s19 =	sshrl.u32 @!p1 s16, $0x3;
	(pc) =	sbr.rel @p2 .LBB2_21-.Ltmp12, $4  }
0x2ff: {  	s20 =	sor.u32 @!p1 $0x1C03, s17;
	s17 =	simm.s32 @!p1 $0x3  }
0x300: {  	[hbm:s10], [sflag:s20] =	dma.local @!p1 [spmem:s19], $0x1C2  }
0x301: {  	s16 =	sadd.s32 $0xE100, s16;
	_ =	swait.ge @!p1 [sflag:s17], $0x1C2  }
0x302: {  	s18 =	sadd.s32 s18, s2;
	s10 =	sadd.s32 $0x1C20, s10;
	[sflag:s17] =	ssyncset.done @!p1 $0x0  }
0x303: {  	p2 =	sgt.u32 s18, $0xC7  }
0x304: {  	[sflag:s17] =	ssyncadd.s32 @!p1 $0xFFFFFE3E;
	s12 =	sshll.u32 @!p2 s2, $0x6  }
0x305: {  	s16 =	sshrl.u32 @!p2 s16, $0x3;
	s17 =	simm.s32 @!p2 $0x3;
	s12 =	sor.u32 @!p2 $0x1C03, s12  }
0x306: {  	[hbm:s10], [sflag:s12] =	dma.local @!p2 [spmem:s16], $0x1C2  }
0x307: {  	_ =	swait.ge @!p2 [sflag:s17], $0x1C2  }
0x308: {  	s24 =	rddreg [dreg:$0x14]  }
0x309: {  	s30 =	rddreg [dreg:$0x6];
	s12 =	sadd.s32 $0x1, s24  }
0x30a: {  	p1 =	sne.s32 s12, s30  }
.Ltmp13:
0x30b: {  	_ = 	snop;
	(pc) =	sbr.rel @p1 .LBB2_1-.Ltmp13, $3  }
0x30c: {  	[sflag:s17] =	ssyncset.done @!p2 $0x0  }
0x30d: {  	[sflag:s17] =	ssyncadd.s32 @!p2 $0xFFFFFE3E  }
0x30e: {  	[bflag:$0x0] =	sbarrier.arrive $0xFFFF;
	_ =	sdelay $0x1  }
0x30f: {  	_ =	sfence.sel $0x180000  }
0x310: {  	[bflag:$0x0] =	sbarrier.arrive $0xFFFF  }
0x311: {  	_ =	strace $0x90000047  }
0x312: {  	[bflag:$0x2] =	sbarrier.arrive $0xFFFF  }
0x313: {  	p0 =	sne.s32 s2, $0x0;
	s0 =	rddreg [dreg:$0x4]  }
0x314: {  	s0 =	sadd.s32 @!p0 $0x100000, s0  }
0x315: {  	[sflag:s0] =	ssyncadd.tile.s32 @!p0 $0x1;
	_ =	shalt  }
.Lfunc_end2:
_tile_overlayer_lowered:
.L_overlay_start_2:
0x316: {  	(tag) =	ssettag $0x2  }
0x317: {  	s0 =	rddreg [dreg:$0x0];
	s2 =	stileid.u32  }
0x318: {  	s1 =	rddreg [dreg:$0x1];
	p0 =	sne.s32 s2, $0x0  }
0x319: {  	s3 =	rddreg [dreg:$0x2];
	[bflag:$0x3] =	sbarrier.arrive $0xFFFF;
	s2 =	simm.s32 @!p0 $0x1C03  }
0x31a: {  	[timem:s3], [sflag:s2] =	dma.local @!p0 [hbm:s0], s1  }
0x31b: {  	s0 =	simm.s32 @!p0 $0x3  }
0x31c: {  	_ =	swait.ge @!p0 [sflag:s0], s1  }
0x31d: {  	s1 =	ssub.s32 @!p0 $0x0, s1;
	[sflag:s0] =	ssyncset.done @!p0 $0x0  }
0x31e: {  	[sflag:s0] =	ssyncadd.s32 @!p0 s1  }
0x31f: {  	[bflag:$0x3] =	sbarrier.arrive $0xFFFF  }
0x320: {  	_ =	shalt  }

// kernel: kernel.13.cloned.1.call-start
scs
__scs_entry_jumppad:
0x0: {  	(pc) =	sbr.rel $0x88, $3  }
0x1: {  	(tag) =	ssettag $0x0;
	lr =	simm.s32 $0x1  }
0x2: {  	[smem:$0x3F96] =	sst lr;
	_ =	strace $0xD0000000  }
0x3: {  	_ = 	snop  }
0x4: {  	_ = 	snop  }
0x5: {  	_ = 	snop  }
0x6: {  	_ = 	snop  }
0x7: {  	_ = 	snop  }
__scs_overlays_trampoline_lowered:
0x8: {  	[smem:$0x3FA5] =	sst s0  }
0x9: {  	[smem:$0x3FA6] =	sst s1  }
0xa: {  	[smem:$0x3FA7] =	sst s2  }
0xb: {  	[smem:$0x3FA8] =	sst s3  }
0xc: {  	[smem:$0x3FA9] =	sst s4  }
0xd: {  	[smem:$0x3FAA] =	sst s5  }
0xe: {  	[smem:$0x3FAB] =	sst s6  }
0xf: {  	[smem:$0x3FAC] =	sst s7  }
0x10: {  	[smem:$0x3FAD] =	sst s8  }
0x11: {  	[smem:$0x3FAE] =	sst s9;
	s0 =	simm.s32 @!p0 $0x0  }
0x12: {  	s1 =	sld [smem:$0x3F94];
	s0 =	simm.s32 @p0 $0x1  }
0x13: {  	[smem:$0x3FAF] =	sst s0;
	s0 =	simm.s32 @!p1 $0x0  }
0x14: {  	s2 =	sld [smem:$0x3F93];
	s0 =	simm.s32 @p1 $0x1  }
0x15: {  	[smem:$0x3FB0] =	sst s0;
	s0 =	simm.s32 @!p2 $0x0  }
0x16: {  	s3 =	sld [smem:$0x3FDB];
	s0 =	simm.s32 @p2 $0x1  }
0x17: {  	s4 =	simm.s32 $0x1BF5;
	[smem:$0x3FB2] =	sst s0  }
0x18: {  	s0 =	sld [smem:$0x3F95];
	_ =	swait.ge [sflag:s4], $0x0  }
0x19: {  	s7 =	sld [smem:$0x3F96]  }
0x1a: {  	s8 =	sadd.s32 $0xFFFFE003, lr  }
0x1b: {  	s9 =	sadd.s32 $0xFFFFFEF7, lr;
	s5 =	simm.s32 $0xFFFFFFFF;
	p2 =	slt.u32 s8, $0xFFFFF086  }
0x1c: {  	p1 =	slt.u32 s9, $0xF7A;
	s5 =	simm.s32 @!p2 $0x0  }
0x1d: {  	s5 =	simm.s32 @p1 $0x1;
	p0 =	seq.s32 s7, s2  }
0x1e: {  	s7 =	smul.u32 @!p0 $0xF7A, s2;
	p2 =	seq.s32 @!p0 s5, $0x0  }
0x1f: {  	s9 =	smul.u32 $0xF7A, s1;
	s8 =	simm.s32 @!p0 $0x1BF5;
	p2 =	por !p2, p0  }
0x20: {  	[sflag:s8] =	ssyncset.s32 @!p0 $0xFFFFF086;
	s6 =	sadd.s32 @!p0 s3, s7;
	s7 =	simm.s32 @!p0 $0x108  }
0x21: {  	s3 =	sadd.s32 s3, s9;
	s6 =	sadd.s32 @!p0 $0x88, s6;
	s7 =	simm.s32 @p2 $0x1082  }
0x22: {  	[simem:s7], [sflag:s8] =	dma.local @!p0 [hbm:s6], $0xF7A  }
0x23: {  	s9 =	sor.u32 $0xD0000000, s2;
	s6 =	simm.s32 $0x108;
	_ =	swait.ge @!p0 [sflag:s8], $0x0  }
0x24: {  	s3 =	sadd.s32 $0x88, s3;
	s6 =	simm.s32 @!p1 $0x1082;
	[sflag:s4] =	ssyncset.s32 $0xFFFFF086  }
0x25: {  	[simem:s6], [sflag:s4] =	dma.local [hbm:s3], $0xF7A  }
0x26: {  	[smem:$0x3F96] =	sst s1;
	(tag) =	ssettag s2;
	_ =	strace s9  }
0x27: {  	s1 =	sld [smem:$0x3FA6]  }
0x28: {  	s2 =	sld [smem:$0x3FA7]  }
0x29: {  	s4 =	sld [smem:$0x3FA9]  }
0x2a: {  	p0 =	seq.s32 s5, $0x0;
	s5 =	sld [smem:$0x3FAA]  }
0x2b: {  	s6 =	sld [smem:$0x3FAB]  }
0x2c: {  	s7 =	sld [smem:$0x3FAC]  }
0x2d: {  	s3 =	simm.s32 $0x108;
	s8 =	sld [smem:$0x3FAD]  }
0x2e: {  	s3 =	simm.s32 @!p0 $0x1082;
	s9 =	sld [smem:$0x3FAE]  }
0x2f: {  	lr =	sadd.s32 s0, s3;
	s0 =	sld [smem:$0x3FA5]  }
0x30: {  	s3 =	sld [smem:$0x3FA8]  }
0x31: {  	[smem:$0x3FB1] =	sst s10  }
0x32: {  	s10 =	sld [smem:$0x3FAF];
	_ =	sdelay $0x3  }
0x33: {  	p0 =	seq.s32 s10, $0x1;
	s10 =	sld [smem:$0x3FB1];
	_ =	sdelay $0x3  }
0x34: {  	[smem:$0x3FB1] =	sst s10  }
0x35: {  	s10 =	sld [smem:$0x3FB0];
	_ =	sdelay $0x3  }
0x36: {  	p1 =	seq.s32 s10, $0x1;
	s10 =	sld [smem:$0x3FB1];
	_ =	sdelay $0x3  }
0x37: {  	[smem:$0x3FB1] =	sst s10  }
0x38: {  	s10 =	sld [smem:$0x3FB2]  }
0x39: {  	_ = 	snop;
	(pc) =	sbr.ind lr, $3  }
0x3a: {  	_ = 	snop  }
0x3b: {  	_ = 	snop  }
0x3c: {  	p2 =	seq.s32 s10, $0x1;
	s10 =	sld [smem:$0x3FB1]  }
0x3d: {  	_ =	shalt  }
0x3e: {  	_ =	shalt  }
0x3f: {  	_ =	shalt  }
0x40: {  	_ =	shalt  }
0x41: {  	_ =	shalt  }
0x42: {  	_ =	shalt  }
0x43: {  	_ =	shalt  }
0x44: {  	_ =	shalt  }
0x45: {  	_ =	shalt  }
0x46: {  	_ =	shalt  }
0x47: {  	_ =	shalt  }
0x48: {  	_ =	shalt  }
0x49: {  	_ =	shalt  }
0x4a: {  	_ =	shalt  }
0x4b: {  	_ =	shalt  }
0x4c: {  	_ =	shalt  }
0x4d: {  	_ =	shalt  }
0x4e: {  	_ =	shalt  }
0x4f: {  	_ =	shalt  }
0x50: {  	_ =	shalt  }
0x51: {  	_ =	shalt  }
0x52: {  	_ =	shalt  }
0x53: {  	_ =	shalt  }
0x54: {  	_ =	shalt  }
0x55: {  	_ =	shalt  }
0x56: {  	_ =	shalt  }
0x57: {  	_ =	shalt  }
0x58: {  	_ =	shalt  }
0x59: {  	_ =	shalt  }
0x5a: {  	_ =	shalt  }
0x5b: {  	_ =	shalt  }
0x5c: {  	_ =	shalt  }
0x5d: {  	_ =	shalt  }
0x5e: {  	_ =	shalt  }
0x5f: {  	_ =	shalt  }
0x60: {  	_ =	shalt  }
0x61: {  	_ =	shalt  }
0x62: {  	_ =	shalt  }
0x63: {  	_ =	shalt  }
0x64: {  	_ =	shalt  }
0x65: {  	_ =	shalt  }
0x66: {  	_ =	shalt  }
0x67: {  	_ =	shalt  }
0x68: {  	_ =	shalt  }
0x69: {  	_ =	shalt  }
0x6a: {  	_ =	shalt  }
0x6b: {  	_ =	shalt  }
0x6c: {  	_ =	shalt  }
0x6d: {  	_ =	shalt  }
0x6e: {  	_ =	shalt  }
0x6f: {  	_ =	shalt  }
0x70: {  	_ =	shalt  }
0x71: {  	_ =	shalt  }
0x72: {  	_ =	shalt  }
0x73: {  	_ =	shalt  }
0x74: {  	_ =	shalt  }
0x75: {  	_ =	shalt  }
0x76: {  	_ =	shalt  }
0x77: {  	_ =	shalt  }
0x78: {  	_ =	shalt  }
0x79: {  	_ =	shalt  }
0x7a: {  	_ =	shalt  }
0x7b: {  	_ =	shalt  }
0x7c: {  	_ =	shalt  }
0x7d: {  	_ =	shalt  }
0x7e: {  	_ =	shalt  }
0x7f: {  	_ =	shalt  }
0x80: {  	_ =	shalt  }
0x81: {  	_ =	shalt  }
0x82: {  	_ =	shalt  }
0x83: {  	_ =	shalt  }
0x84: {  	_ =	shalt  }
0x85: {  	_ =	shalt  }
0x86: {  	_ =	shalt  }
0x87: {  	_ =	shalt  }
.Lfunc_end0:
.L_simem_size_0:
called_computation.1_lowered:
.L_overlay_start_0:
0x88: {  	s2 =	sld [smem:$0x3FD9]  }
0x89: {  	s3 =	sld [smem:$0x3FFE];
	_ =	sdelay $0x1  }
0x8a: {  	s1 =	srdreg.scid  }
0x8b: {  	s0 =	sand.u32 $0x1, s1  }
0x8c: {  	s15 =	sshll.u32 s0, $0xA;
	s2 =	sadd.s32 s3, s2  }
0x8d: {  	s2 =	sadd.s32 s2, s15  }
0x8e: {  	[smem:$0x3FBD] =	sst s2  }
0x8f: {  	_ = 	snop  }
0x90: {  	s16 =	sld [smem:$0x3FD0];
	_ =	sdelay $0x2  }
0x91: {  	s4 =	simm.s32 $0xB;
	s5 =	simm.s32 $0x10;
	s2 =	sld [smem:$0x3FBF]  }
0x92: {  	[smem:s5], [sflag:s4] =	dma.local [hbm:s16], $0x1  }
0x93: {  	_ =	swait.eq [sflag:s4], $0x1  }
0x94: {  	[sflag:s4] =	ssyncset.done $0x0  }
0x95: {  	[sflag:s4] =	ssyncadd.s32 $0xFFFFFFFF  }
0x96: {  	s17 =	sld [smem:$0x11];
	(tm) =	ssettm $0x1  }
0x97: {  	s18 =	sld [smem:$0x3FFB];
	_ =	sdelay $0x3  }
0x98: {  	_ =	strace s18  }
0x99: {  	s3 =	sld [smem:$0x3FFC];
	_ =	sdelay $0x3  }
0x9a: {  	_ =	strace s3  }
0x9b: {  	s3 =	sld [smem:$0x3FFD];
	_ =	sdelay $0x3  }
0x9c: {  	_ =	strace s3  }
0x9d: {  	_ =	strace $0x8FFFFFFF  }
0x9e: {  	s19 =	sld [smem:$0x3FDB];
	_ =	sdelay $0x1  }
0x9f: {  	s20 =	simm.s32 $_scs_section_size  }
0xa0: {  	s6 =	simm.s32 $_size__tile_overlayer_lowered;
	s7 =	simm.s32 $_tile_overlayer_lowered  }
0xa1: {  	s8 =	simm.s32 $0x1BFF;
	s21 =	sshll.u32 s7, $0x1;
	s5 =	sadd.s32 s20, s19  }
0xa2: {  	s22 =	simm.s32 $0x0;
	s6 =	sshll.u32 s6, $0x1;
	s7 =	sadd.s32 s21, s5  }
0xa3: {  	[timem:s22], [sflag:s8] =	dma.local [hbm:s7], s6  }
0xa4: {  	_ =	swait.ge [sflag:s8], s6  }
0xa5: {  	s6 =	ssub.s32 $0x0, s6;
	[sflag:s8] =	ssyncset.done $0x0  }
0xa6: {  	[sflag:s8] =	ssyncadd.s32 s6;
	_ =	sdelay $0x1  }
0xa7: {  	s23 =	simm.s32 $0x1B8B  }
0xa8: {  	_ =	swait.ge [sflag:s23], $0x1  }
0xa9: {  	[sflag:s23] =	ssyncset.done $0x0  }
0xaa: {  	[sflag:s23] =	ssyncadd.s32 $0xFFFFFFFF  }
0xab: {  	s6 =	sld [smem:$0x0]  }
0xac: {  	s7 =	sand.u32 $0xFFFFFFFE, s1  }
0xad: {  	p0 =	sne.s32 s1, s7  }
0xae: {  	s7 =	sshll.u32 @p0 s7, $0xE  }
0xaf: {  	s7 =	sadd.s32 @p0 $0x11B8D, s7;
	s8 =	sshll.u32 @p0 s6, $0x11  }
0xb0: {  	s7 =	sor.u32 @p0 s8, s7  }
0xb1: {  	[sflag:s7] =	ssyncadd.remote.s32 @p0 $0x1;
	_ =	sdelay $0x1  }
0xb2: {  	s7 =	simm.s32 @p0 $0x1B8D  }
0xb3: {  	_ =	swait.eq @p0 [sflag:s7], $0x1  }
0xb4: {  	[sflag:s7] =	ssyncadd.s32 @p0 $0xFFFFFFFF  }
0xb5: {  	s8 =	sshll.u32 @!p0 s1, $0xE  }
0xb6: {  	s8 =	sor.u32 @!p0 $0x4000, s8;
	s7 =	simm.s32 @!p0 $0x1B8D  }
0xb7: {  	s6 =	sshll.u32 @!p0 s6, $0x11;
	s8 =	sadd.s32 @!p0 $0x11B8D, s8;
	_ =	swait.eq @!p0 [sflag:s7], $0x1  }
0xb8: {  	s6 =	sor.u32 @!p0 s6, s8;
	[sflag:s7] =	ssyncadd.s32 @!p0 $0xFFFFFFFF  }
0xb9: {  	s25 =	simm.s32 $0x1B8E;
	s24 =	sld [smem:$0x3FFE];
	[sflag:s6] =	ssyncadd.remote.s32 @!p0 $0x1  }
0xba: {  	s26 =	simm.s32 $execute0_lowered;
	[smem:$0x3FD2] =	sst s25  }
0xbb: {  	s7 =	sshll.u32 s26, $0x1;
	_ =	strace $0x80000049;
	[dreg:$0x1] =	wrdreg $0xFFFFFFFF  }
0xbc: {  	s28 =	simm.s32 $_size_execute0_lowered;
	s5 =	sadd.s32 s5, s7;
	[dreg:$0x0] =	wrdreg $0x0  }
0xbd: {  	s7 =	sshll.u32 s28, $0x1;
	[dreg:$0x2] =	wrdreg s5  }
0xbe: {  	[dreg:$0x3] =	wrdreg s7  }
0xbf: {  	[dreg:$0x4] =	wrdreg $0xC0  }
0xc0: {  	_ =	task [dreg:s22], $0x5FFFF  }
0xc1: {  	[dreg:$0x1] =	wrdreg $0xFFFFFFFF  }
0xc2: {  	[dreg:$0x0] =	wrdreg $0x60  }
0xc3: {  	[dreg:$0x2] =	wrdreg s24  }
0xc4: {  	[dreg:$0x3] =	wrdreg s17  }
0xc5: {  	[dreg:$0x4] =	wrdreg s2  }
0xc6: {  	[dreg:$0x5] =	wrdreg $0x96E00  }
0xc7: {  	[dreg:$0x6] =	wrdreg $0xA  }
0xc8: {  	_ =	task.clear_ibuf [dreg:s22], $0x7FFFF;
	_ =	strace $0x90000049  }
0xc9: {  	s29 =	simm.s32 $0xA;
	_ =	strace $0x8000004B  }
0xca: {  	_ =	swait.ge [sflag:s29], $0x1  }
0xcb: {  	[sflag:s29] =	ssyncadd.s32 $0xFFFFFFFF  }
0xcc: {  	_ =	strace $0x9000004B  }
0xcd: {  	_ =	sfence  }
0xce: {  	s30 =	sld [smem:$0x0];
	_ =	sdelay $0x2  }
0xcf: {  	s31 =	sshll.u32 s1, $0xD;
	s1 =	sshrl.u32 s1, $0x2  }
0xd0: {  	s4 =	sand.u32 $0x4000, s31;
	s1 =	sadd.s32 s1, s30  }
0xd1: {  	s0 =	sor.u32 s4, s0;
	s1 =	sshll.u32 s1, $0x11  }
0xd2: {  	s0 =	sor.u32 s1, s0  }
0xd3: {  	s0 =	sadd.s32 $0x8F2B, s0  }
0xd4: {  	[sflag:s0] =	ssyncadd.remote.s32 $0x1  }
0xd5: {  	_ =	sfence.sel $0xFFFF  }
0xd6: {  	[dreg:$0x0] =	wrdreg $0xFFFFFFFF;
	(pc) =	sbr.abs _section_cstart, $3  }
0xd7: {  	[dreg:$0x1] =	wrdreg $0xFFFFFFFF  }
0xd8: {  	_ =	task.clear_ibuf [dreg:s22], $0x2FFFF;
	_ =	strace $0x9FFFFFFF  }
0xd9: {  	(tm) =	ssettm $0x7FFFFFFF  }
tec
execute0_lowered:
.L_overlay_start_1:
0x0: {  	(tag) =	ssettag $0x1  }
0x1: {  	s1 =	rddreg [dreg:$0x0];
	v1 =	vimm.s32 $0x0  }
0x2: {  	s2 =	rddreg [dreg:$0x1];
	v2 =	vlaneseq.u32;
	v3 =	vimm.f32 $0.0e+00;
	vm0 =	vmmov $0xffff  }
0x3: {  	s0 =	stileid.u32;
	s5 =	rddreg [dreg:$0x3];
	s26 =	simm.s32 $0x0;
	v4 =	vor.u32 $0x10, v2;
	v5 =	vor.u32 $0x20, v2;
	v6 =	vor.u32 $0x30, v2  }
0x4: {  	s16 =	simm.s32 $0x88D0;
	s17 =	simm.s32 $0x7E50;
	s20 =	simm.s32 $0x4E50;
	v7 =	vor.u32 $0x40, v2;
	v8 =	vor.u32 $0x50, v2;
	v9 =	vor.u32 $0x60, v2  }
0x5: {  	s21 =	simm.s32 $0x5650;
	s22 =	simm.s32 $0x5E50;
	s23 =	simm.s32 $0x6650;
	v10 =	vor.u32 $0x70, v2;
	v11 =	vor.u32 $0x80, v2;
	v12 =	vor.u32 $0x110, v2  }
0x6: {  	s24 =	simm.s32 $0x6E50;
	s25 =	simm.s32 $0x7650;
	s3 =	smul.u32 $0x4E20, s0;
	v15 =	vor.u32 $0x2C0, v2;
	v16 =	vor.u32 $0x350, v2;
	v17 =	vor.u32 $0x3E0, v2  }
0x7: {  	s29 =	srdreg.scid;
	s7 =	sadd.s32 $0x522600, s1;
	s10 =	smul.u32 $0x3840, s0;
	v18 =	vor.u32 $0x470, v2;
	v19 =	vor.u32 $0x500, v2;
	v20 =	vor.u32 $0x590, v2  }
0x8: {  	s15 =	simm.s32 $0x3;
	s8 =	sadd.s32 $0xA0E400, s1;
	s12 =	smul.u32 $0x1C2, s0;
	v21 =	vor.u32 $0x620, v2;
	v22 =	vor.u32 $0x6B0, v2;
	v23 =	vor.u32 $0x740, v2  }
0x9: {  	s9 =	sadd.s32 $0xA04600, s1;
	v24 =	vmul.u32 $0x10, v2;
	v25 =	vor.u32 $0x7D0, v2;
	[dreg:$0x5] =	wrdreg s3;
	v0 =	vmov s3;
	s3 =	sand.u32 $0x1, s29  }
0xa: {  	s19 =	simm.s32 $0x1;
	[smem:$0x7FF] =	sst s26;
	v26 =	vor.u32 $0x860, v2;
	v27 =	vor.u32 $0x8F0, v2;
	v43 =	vmul.u32 $0x90, v2;
	s4 =	smul.u32 $0x2BF200, s3  }
0xb: {  	s31 =	sshrl.u32 s10, $0x2;
	v28 =	vor.u32 $0x1, v24;
	v29 =	vor.u32 $0x2, v24;
	v30 =	vor.u32 $0x3, v24;
	s6 =	ssub.s32 $0x2, s3;
	s3 =	smul.u32 $0x27100, s3  }
0xc: {  	v31 =	vor.u32 $0x4, v24;
	v32 =	vor.u32 $0x5, v24;
	v33 =	vor.u32 $0x6, v24;
	_ =	strace $0x8000004A;
	s11 =	sshrl.u32 s6, $0x1;
	s1 =	sadd.s32 s4, s1  }
0xd: {  	v34 =	vor.u32 $0x7, v24;
	v35 =	vor.u32 $0x8, v24;
	v36 =	vor.u32 $0x9, v24;
	s30 =	ssub.s32 s6, s11;
	[dreg:$0x6] =	wrdreg s3;
	s11 =	sadd.s32 s31, s5  }
0xe: {  	v37 =	vor.u32 $0xA, v24;
	v38 =	vor.u32 $0xB, v24;
	[tilespmem:$0x1FFD0] =	vst v12;
	v12 =	vor.u32 $0x1A0, v2;
	s1 =	sadd.s32 s12, s1;
	s4 =	smax.u32 s30, $0x1;
	[dreg:$0x8] =	wrdreg s11  }
0xf: {  	s28 =	simm.s32 $0x2;
	v39 =	vor.u32 $0xC, v24;
	v40 =	vor.u32 $0xD, v24;
	[tilespmem:$0x1FFE0] =	vst v12;
	v12 =	vor.u32 $0x230, v2;
	[dreg:$0x7] =	wrdreg s4;
	s1 =	sadd.s32 $0xA18200, s1  }
0x10: {  	s26 =	simm.s32 $0x8750;
	v41 =	vor.u32 $0xE, v24;
	v42 =	vor.u32 $0xF, v24;
	v43 =	vadd.s32 $0x80, v43;
	[tilespmem:$0x1FFF0] =	vst v12;
	s3 =	simm.s32 $0x0;
	[dreg:$0x9] =	wrdreg s1  }
.LBB2_1:
0x11: {  	[dreg:$0xa] =	wrdreg s3  }
0x12: {  	s1 =	rddreg [dreg:$0x2];
	s31 =	simm.s32 $0x0;
	s4 =	simm.s32 $0x8850  }
0x13: {  	[tilespmem:s4], [sflag:$0x3] =	stream.linear.gather [hbm4b:s1+s31], $0x80, $0x38;
	[tilespmem:$0x1F7D8] =	vst v63  }
0x14: {  	_ =	swait.ge [sflag:s15], $0x80  }
0x15: {  	[sflag:s15] =	ssyncset.done $0x0  }
0x16: {  	s1 =	simm.s32 $0x0;
	[sflag:s15] =	ssyncadd.s32 $0xFFFFFF80  }
.LBB2_2:
0x17: {  	p0 =	sne.s32 s1, $0x3E80  }
.Ltmp0:
0x18: {  	_ = 	snop;
	(pc) =	sbr.rel @p0 .LBB2_2-.Ltmp0, $4  }
0x19: {  	s3 =	sshra.s32 s1, $0x2  }
0x1a: {  	[tilespmem:s3+$0x1F40] =	vst v1  }
0x1b: {  	[tilespmem:s3+$0x2EF0] =	vst v1  }
0x1c: {  	s1 =	sadd.s32 $0x40, s1;
	[tilespmem:s3+$0x3EA0] =	vst v1  }
0x1d: {  	s1 =	simm.s32 $0x0  }
0x1e: {  	v44 =	vmov s1  }
0x1f: {  	v44 =	vmul.u32 $0x90, v44;
	_ =	sdelay $0x1  }
0x20: {  	v45 =	vbroadcast v44, $0x0;
	_ =	sdelay $0x1  }
0x21: {  	v44 =	vor.u32 v2, v45  }
0x22: {  	v46 =	vadd.s32 v4, v45  }
0x23: {  	v47 =	vadd.s32 v5, v45  }
0x24: {  	s31 =	simm.s32 $0x1;
	v48 =	vadd.s32 v6, v45  }
0x25: {  	v50 =	vmov s31;
	v49 =	vadd.s32 v7, v45  }
0x26: {  	v62 =	vmul.u32 $0x90, v50;
	v51 =	vadd.s32 v8, v45;
	[tilespmem:v44+s16+$0x0] =	vst.idx.msk $0xffff, v3  }
0x27: {  	v63 =	vadd.s32 v9, v45;
	[tilespmem:v46+s16+$0x0] =	vst.idx.msk $0xffff, v3  }
0x28: {  	v52 =	vadd.s32 v10, v45;
	v44 =	vbroadcast v62, $0x0;
	[tilespmem:v47+s16+$0x0] =	vst.idx.msk $0xffff, v3  }
0x29: {  	v47 =	vadd.s32 v11, v45;
	[tilespmem:v48+s16+$0x0] =	vst.idx.msk $0xffff, v3  }
0x2a: {  	v46 =	vor.u32 v2, v44;
	[tilespmem:v49+s16+$0x0] =	vst.idx.msk $0xffff, v3  }
0x2b: {  	v49 =	vadd.s32 v4, v44;
	[tilespmem:v51+s16+$0x0] =	vst.idx.msk $0xffff, v3  }
0x2c: {  	v50 =	vadd.s32 v5, v44;
	[tilespmem:v63+s16+$0x0] =	vst.idx.msk $0xffff, v3  }
0x2d: {  	s1 =	simm.s32 $0x2;
	v45 =	vadd.s32 v7, v44;
	v48 =	vadd.s32 v6, v44;
	[tilespmem:v52+s16+$0x0] =	vst.idx.msk $0xffff, v3  }
.LBB2_4:
0x2e: {  	v51 =	vmov s1;
	p0 =	sne.s32 s1, $0x18;
	s1 =	sadd.s32 $0x1, s1;
	[tilespmem:v47+s16+$0x0] =	vst.idx.msk $0xffff, v3  }
0x2f: {  	v47 =	vmul.u32 $0x90, v51;
	[tilespmem:v46+s16+$0x0] =	vst.idx.msk $0xffff, v3;
	v51 =	vadd.s32 v8, v44  }
0x30: {  	v52 =	vadd.s32 v9, v44;
	[tilespmem:v49+s16+$0x0] =	vst.idx.msk $0xffff, v3  }
0x31: {  	v53 =	vadd.s32 v10, v44;
	v49 =	vbroadcast v47, $0x0;
	[tilespmem:v50+s16+$0x0] =	vst.idx.msk $0xffff, v3  }
.Ltmp1:
0x32: {  	v47 =	vadd.s32 v11, v44;
	[tilespmem:v48+s16+$0x0] =	vst.idx.msk $0xffff, v3;
	(pc) =	sbr.rel @p0 .LBB2_4-.Ltmp1, $4  }
0x33: {  	v46 =	vor.u32 v2, v49;
	[tilespmem:v45+s16+$0x0] =	vst.idx.msk $0xffff, v3;
	v45 =	vadd.s32 v7, v49;
	v44 =	vmov v49  }
0x34: {  	v49 =	vadd.s32 v4, v44;
	[tilespmem:v51+s16+$0x0] =	vst.idx.msk $0xffff, v3  }
0x35: {  	v50 =	vadd.s32 v5, v44;
	[tilespmem:v52+s16+$0x0] =	vst.idx.msk $0xffff, v3  }
0x36: {  	v48 =	vadd.s32 v6, v44;
	[tilespmem:v53+s16+$0x0] =	vst.idx.msk $0xffff, v3  }
0x37: {  	_ =	sdelay $0x3  }
0x38: {  	[tilespmem:v47+s16+$0x0] =	vst.idx.msk $0xffff, v3  }
0x39: {  	v60 =	vadd.s32 v8, v44;
	[tilespmem:v46+s16+$0x0] =	vst.idx.msk $0xffff, v3  }
0x3a: {  	v61 =	vadd.s32 v9, v44;
	[tilespmem:v49+s16+$0x0] =	vst.idx.msk $0xffff, v3  }
0x3b: {  	v62 =	vadd.s32 v10, v44;
	v12 =	vld [tilespmem:$0x1FFD0];
	[tilespmem:v50+s16+$0x0] =	vst.idx.msk $0xffff, v3  }
0x3c: {  	v63 =	vadd.s32 v11, v44;
	[tilespmem:v48+s16+$0x0] =	vst.idx.msk $0xffff, v3  }
0x3d: {  	[tilespmem:v45+s16+$0x0] =	vst.idx.msk $0xffff, v3  }
0x3e: {  	[tilespmem:v60+s16+$0x0] =	vst.idx.msk $0xffff, v3  }
0x3f: {  	[tilespmem:v61+s16+$0x0] =	vst.idx.msk $0xffff, v3  }
0x40: {  	[tilespmem:v62+s16+$0x0] =	vst.idx.msk $0xffff, v3  }
0x41: {  	[tilespmem:v63+s16+$0x0] =	vst.idx.msk $0xffff, v3  }
0x42: {  	[tilespmem:v11+s17+$0x0] =	vst.idx.msk $0xffff, v3  }
0x43: {  	[tilespmem:v12+s17+$0x0] =	vst.idx.msk $0xffff, v3;
	v12 =	vld [tilespmem:$0x1FFE0];
	_ =	sdelay $0x7  }
0x44: {  	[tilespmem:v12+s17+$0x0] =	vst.idx.msk $0xffff, v3;
	v12 =	vld [tilespmem:$0x1FFF0];
	_ =	sdelay $0x7  }
0x45: {  	[tilespmem:v12+s17+$0x0] =	vst.idx.msk $0xffff, v3  }
0x46: {  	[tilespmem:v15+s17+$0x0] =	vst.idx.msk $0xffff, v3  }
0x47: {  	[tilespmem:v16+s17+$0x0] =	vst.idx.msk $0xffff, v3  }
0x48: {  	[tilespmem:v17+s17+$0x0] =	vst.idx.msk $0xffff, v3  }
0x49: {  	[tilespmem:v18+s17+$0x0] =	vst.idx.msk $0xffff, v3  }
0x4a: {  	[tilespmem:v19+s17+$0x0] =	vst.idx.msk $0xffff, v3  }
0x4b: {  	[tilespmem:v20+s17+$0x0] =	vst.idx.msk $0xffff, v3  }
0x4c: {  	[tilespmem:v21+s17+$0x0] =	vst.idx.msk $0xffff, v3  }
0x4d: {  	[tilespmem:v22+s17+$0x0] =	vst.idx.msk $0xffff, v3  }
0x4e: {  	[tilespmem:v23+s17+$0x0] =	vst.idx.msk $0xffff, v3  }
0x4f: {  	[tilespmem:v25+s17+$0x0] =	vst.idx.msk $0xffff, v3  }
0x50: {  	[tilespmem:v26+s17+$0x0] =	vst.idx.msk $0xffff, v3  }
0x51: {  	s12 =	simm.s32 $0x0;
	s31 =	rddreg [dreg:$0x9];
	[tilespmem:v27+s17+$0x0] =	vst.idx.msk $0xffff, v3  }
.LBB2_6:
0x52: {  	s1 =	sadd.s32 $0x0, s0  }
0x53: {  	p0 =	sgt.u32 s1, $0x190  }
0x54: {  	s1 =	simm.s32 @!p0 $0x88D0;
	s6 =	simm.s32 @!p0 $0x3  }
0x55: {  	[spmem:s11] =	stream.linear.scatter @!p0 [tilespmem:s1], [sflag:$0x3], $0xE10, $0x38;
	[tilespmem:$0x1F7D8] =	vst v63  }
0x56: {  	s3 =	simm.s32 $0x10;
	_ =	swait.ge @!p0 [sflag:s6], $0xE10  }
0x57: {  	s4 =	simm.s32 $0x20;
	s1 =	sadd.s32 $0xE100, s11;
	[sflag:s6] =	ssyncset.done @!p0 $0x0  }
.LBB2_7:
0x58: {  	s10 =	sadd.s32 s3, s0;
	s3 =	smov.u32 s4;
	s4 =	sadd.s32 $0x10, s4  }
0x59: {  	[sflag:s6] =	ssyncadd.s32 @!p0 $0xFFFFF1F0;
	p1 =	sne.s32 s4, $0x1A0  }
.Ltmp2:
0x5a: {  	p0 =	sgt.u32 s10, $0x190;
	(pc) =	sbr.rel @p1 .LBB2_7-.Ltmp2, $4  }
0x5b: {  	s10 =	simm.s32 @!p0 $0x88D0;
	s6 =	simm.s32 @!p0 $0x3  }
0x5c: {  	[spmem:s1] =	stream.linear.scatter @!p0 [tilespmem:s10], [sflag:$0x3], $0xE10, $0x38;
	[tilespmem:$0x1F7D8] =	vst v63  }
0x5d: {  	_ =	swait.ge @!p0 [sflag:s6], $0xE10  }
0x5e: {  	s1 =	sadd.s32 $0xE100, s1;
	[sflag:s6] =	ssyncset.done @!p0 $0x0  }
0x5f: {  	s3 =	sadd.s32 s3, s0  }
0x60: {  	[sflag:s6] =	ssyncadd.s32 @!p0 $0xFFFFF1F0;
	p1 =	sgt.u32 s3, $0x190  }
0x61: {  	s29 =	smul.u32 $0x2710, s12;
	s3 =	simm.s32 @!p1 $0x88D0;
	s4 =	simm.s32 @!p1 $0x3  }
0x62: {  	[spmem:s1] =	stream.linear.scatter @!p1 [tilespmem:s3], [sflag:$0x3], $0xE10, $0x38;
	[tilespmem:$0x1F7D8] =	vst v63  }
.Ltmp3:
0x63: {  	_ =	swait.ge @!p1 [sflag:s4], $0xE10;
	(pc) =	sbr.rel .LBB2_9-.Ltmp3, $4  }
0x64: {  	[sflag:s4] =	ssyncset.done @!p1 $0x0;
	s30 =	rddreg [dreg:$0x6]  }
0x65: {  	[dreg:$0xb] =	wrdreg s12;
	[sflag:s4] =	ssyncadd.s32 @!p1 $0xFFFFF1F0;
	s1 =	sadd.s32 s30, s29  }
0x66: {  	[bflag:$0x0] =	sbarrier.arrive $0xFFFF;
	s3 =	sadd.s32 $0x2710, s1  }
0x67: {  	s6 =	simm.s32 $0x0;
	s4 =	simm.s32 $0x0;
	v44 =	vmov s1;
	v45 =	vmov s3;
	s3 =	simm.s32 $0x0  }
.LBB2_22:
0x68: {  	s6 =	sadd.s32 $0x1, s6  }
0x69: {  	p0 =	sne.s32 s6, $0x5  }
.Ltmp4:
0x6a: {  	_ = 	snop;
	(pc) =	sbr.rel @!p0 .LBB2_23-.Ltmp4, $2  }
0x6b: {  	_ =	sdelay $0x2  }
0x6c: {  	s4 =	sadd.s32 $0xFA0, s4  }
.LBB2_9:
0x6d: {  	s1 =	smul.u32 $0xFA0, s6  }
0x6e: {  	s10 =	rddreg [dreg:$0x5]  }
0x6f: {  	s1 =	sadd.s32 s10, s1  }
0x70: {  	s1 =	sshrl.u32 s1, $0x3  }
0x71: {  	s18 =	sadd.s32 s9, s1  }
0x72: {  	[tilespmem:s3], [sflag:$0x3] =	stream.linear.gather [hbm4b:s18+s3], $0xFA0, $0x38;
	[tilespmem:$0x1F7D8] =	vst v63  }
0x73: {  	_ =	swait.ge [sflag:s15], $0xFA0  }
0x74: {  	[sflag:s15] =	ssyncset.done $0x0  }
0x75: {  	s29 =	simm.s32 $0xFA0;
	s1 =	sadd.s32 s8, s1;
	[sflag:s15] =	ssyncadd.s32 $0xFFFFF060  }
0x76: {  	[tilespmem:s29], [sflag:$0x3] =	stream.linear.gather [hbm4b:s1+s3], $0xFA0, $0x38;
	[tilespmem:$0x1F7D8] =	vst v63  }
0x77: {  	_ =	swait.ge [sflag:s15], $0xFA0  }
0x78: {  	[sflag:s15] =	ssyncset.done $0x0  }
0x79: {  	s30 =	simm.s32 $0x0;
	[sflag:s15] =	ssyncadd.s32 $0xFFFFF060  }
0x7a: {  	v46 =	vld [tilespmem:s30+$0x0];
	_ =	sdelay $0x4  }
0x7b: {  	vm1 =	vge.s32 v46, v44;
	vm2 =	vlt.s32 v46, v45  }
0x7c: {  	vm1 =	vmand vm1, vm2  }
0x7d: {  	v47 =	vsel vm1, $0x1, v1  }
0x7e: {  	(xrf0) =	vadd.scan.msk.s32 $0xffff, v47;
	_ =	sdelay $0x1  }
0x7f: {  	v48 =	vld [tilespmem:s30+$0xFA0];
	_ =	sdelay $0x2  }
0x80: {  	v62 =	vor.u32 s4, v2  }
0x81: {  	[tilespmem:s3+$0x1F40] =	vst.msk vm1, v62;
	v63, _, _ =	vpop (xrf0)  }
0x82: {  	[tilespmem:s3+$0x2EF0] =	vst.msk vm1, v48;
	(v2sf) =	vpush v63, $0xF  }
0x83: {  	s12 =	simm.s32 $0x10;
	[tilespmem:s3+$0x3EA0] =	vst.msk vm1, v46  }
0x84: {  	s11 =	simm.s32 $0x80;
	s10 =	simm.s32 $0x0;
	s1 =	smov.u32 s4;
	v46 =	vld [tilespmem:s12+$0xFA0]  }
.LBB2_10:
0x85: {  	p0 =	sne.s32 s11, $0x3E40;
	v47 =	vld [tilespmem:s12+$0x0];
	_ =	sdelay $0x4  }
0x86: {  	vm1 =	vge.s32 v47, v44;
	vm2 =	vlt.s32 v47, v45  }
0x87: {  	vm1 =	vmand vm1, vm2  }
0x88: {  	v48 =	vsel vm1, $0x1, v1  }
0x89: {  	(xrf0) =	vadd.scan.msk.s32 $0xffff, v48;
	_ =	sdelay $0x3  }
0x8a: {  	s1 =	sadd.s32 $0x10, s1;
	s12 =	spop (v2sf)  }
.Ltmp5:
0x8b: {  	v12 =	vor.u32 s1, v2;
	s10 =	sadd.s32 s10, s12;
	(pc) =	sbr.rel @p0 .LBB2_10-.Ltmp5, $4  }
0x8c: {  	[tilespmem:s10+$0x1F40] =	vst.msk vm1, v12;
	v48, _, _ =	vpop (xrf0)  }
0x8d: {  	[tilespmem:s10+$0x2EF0] =	vst.msk vm1, v46;
	(v2sf) =	vpush v48, $0xF  }
0x8e: {  	s12 =	sshra.s32 s11, $0x2;
	[tilespmem:s10+$0x3EA0] =	vst.msk vm1, v47  }
0x8f: {  	s11 =	sadd.s32 $0x40, s11;
	v46 =	vld [tilespmem:s12+$0xFA0]  }
0x90: {  	v47 =	vld [tilespmem:s12+$0x0];
	_ =	sdelay $0x4  }
0x91: {  	vm1 =	vge.s32 v47, v44;
	vm2 =	vlt.s32 v47, v45  }
0x92: {  	vm1 =	vmand vm1, vm2  }
0x93: {  	v48 =	vsel vm1, $0x1, v1  }
0x94: {  	(xrf0) =	vadd.scan.msk.s32 $0xffff, v48;
	_ =	sdelay $0x5  }
0x95: {  	v48, _, _ =	vpop (xrf0)  }
0x96: {  	(v2sf) =	vpush v48, $0xF;
	_ =	sdelay $0xd  }
0x97: {  	s11 =	spop (v2sf)  }
0x98: {  	s11 =	sadd.s32 s10, s11;
	s14 =	spop (v2sf)  }
0x99: {  	s10 =	sadd.s32 s11, s14  }
0x9a: {  	s18 =	sadd.s32 $0x1F, s10  }
0x9b: {  	s13 =	sand.u32 $0x1F, s18  }
0x9c: {  	s29 =	sshra.s32 s18, $0x1F;
	p1 =	slt.s32 s18, $0x1;
	p0 =	sne.s32 s13, $0x0  }
0x9d: {  	s13 =	sshrl.u32 s29, $0x1B;
	p0 =	por !p1, !p0  }
0x9e: {  	s12 =	sadd.s32 s13, s18;
	s13 =	simm.s32 $0x1;
	p0 =	por !p0, !p0  }
0x9f: {  	s30 =	sshra.s32 s12, $0x5;
	s13 =	simm.s32 @!p0 $0x0  }
0xa0: {  	s14 =	ssub.s32 s30, s13  }
0xa1: {  	p0 =	slt.s32 s14, $0x1  }
.Ltmp6:
0xa2: {  	s1 =	sadd.s32 $0x10, s1;
	(pc) =	sbr.rel @p0 .LBB2_22-.Ltmp6, $4  }
0xa3: {  	v63 =	vor.u32 s1, v2  }
0xa4: {  	[tilespmem:s11+$0x1F40] =	vst.msk vm1, v63  }
0xa5: {  	[tilespmem:s11+$0x2EF0] =	vst.msk vm1, v46  }
0xa6: {  	[tilespmem:s11+$0x3EA0] =	vst.msk vm1, v47  }
0xa7: {  	v46 =	vmov s10;
	s11 =	simm.s32 $0x0;
	s13 =	simm.s32 $0x0  }
.LBB2_13:
0xa8: {  	s10 =	sshll.u32 s13, $0x5  }
0xa9: {  	v49 =	vld [tilespmem:s10+$0x2EF0]  }
0xaa: {  	v50 =	vld [tilespmem:s10+$0x1F40]  }
0xab: {  	v48 =	vld [tilespmem:s10+$0x3EA0];
	_ =	sdelay $0x3  }
0xac: {  	v52 =	vld [tilespmem:s10+$0x2F00]  }
0xad: {  	v51 =	vld [tilespmem:s10+$0x1F50];
	v50 =	vadd.s32 v0, v50  }
0xae: {  	v47 =	vld [tilespmem:s10+$0x3EB0];
	[tilespmem:s20], [sflag:$0x1] =	stream.indirect_vreg.gather [hbm4b:s7+s11], $0x80, v49, vm0, $0xb8  }
0xaf: {  	_ = 	snop  }
0xb0: {  	[tilespmem:s21], [sflag:$0x1] =	stream.indirect_vreg.gather [hbm4b:s7+s11], $0x80, v48, vm0, $0xb8;
	[tilespmem:$0x1F7D8] =	vst v63  }
0xb1: {  	_ = 	snop  }
0xb2: {  	[tilespmem:s22], [sflag:$0x1] =	stream.indirect_vreg.gather [hbm4b:s2+s11], $0x80, v50, vm0, $0xb8;
	[tilespmem:$0x1F7D8] =	vst v63  }
0xb3: {  	v59 =	vadd.s32 v0, v51  }
0xb4: {  	[tilespmem:s23], [sflag:$0x1] =	stream.indirect_vreg.gather [hbm4b:s7+s11], $0x80, v52, vm0, $0xb8;
	[tilespmem:$0x1F7D8] =	vst v63  }
0xb5: {  	_ = 	snop  }
0xb6: {  	[tilespmem:s24], [sflag:$0x1] =	stream.indirect_vreg.gather [hbm4b:s7+s11], $0x80, v47, vm0, $0xb8;
	[tilespmem:$0x1F7D8] =	vst v63  }
0xb7: {  	_ = 	snop  }
0xb8: {  	[tilespmem:s25], [sflag:$0x1] =	stream.indirect_vreg.gather [hbm4b:s2+s11], $0x80, v59, vm0, $0xb8;
	[tilespmem:$0x1F7D8] =	vst v63  }
0xb9: {  	_ =	swait.ge [sflag:s19], $0x800  }
0xba: {  	[sflag:s19] =	ssyncset.done $0x0  }
0xbb: {  	[sflag:s19] =	ssyncadd.s32 $0xFFFFF800  }
0xbc: {  	_ =	swait.ge [sflag:s19], $0x800  }
0xbd: {  	[sflag:s19] =	ssyncset.done $0x0  }
0xbe: {  	[sflag:s19] =	ssyncadd.s32 $0xFFFFF800  }
0xbf: {  	_ =	swait.ge [sflag:s19], $0x800  }
0xc0: {  	[sflag:s19] =	ssyncset.done $0x0  }
0xc1: {  	s1 =	simm.s32 $0x0;
	[sflag:s19] =	ssyncadd.s32 $0xFFFFF800  }
0xc2: {  	v49 =	vld [tilespmem:s1+$0x56C0]  }
0xc3: {  	v50 =	vld [tilespmem:s1+$0x4EC0]  }
0xc4: {  	v51 =	vld [tilespmem:s1+$0x56B0]  }
0xc5: {  	v52 =	vld [tilespmem:s1+$0x4EB0]  }
0xc6: {  	v53 =	vld [tilespmem:$0x8850]  }
0xc7: {  	v54 =	vld [tilespmem:s1+$0x56A0]  }
0xc8: {  	v55 =	vld [tilespmem:s1+$0x4EA0]  }
0xc9: {  	v56 =	vld [tilespmem:s1+$0x5690]  }
0xca: {  	v57 =	vld [tilespmem:s1+$0x5680]  }
0xcb: {  	v58 =	vld [tilespmem:s1+$0x5E60]  }
0xcc: {  	v59 =	vld [tilespmem:s1+$0x5E50]  }
0xcd: {  	v60 =	vld [tilespmem:s1+$0x5650]  }
0xce: {  	v61 =	vld [tilespmem:s1+$0x4E50]  }
0xcf: {  	v62 =	vld [tilespmem:s1+$0x5660]  }
0xd0: {  	v63 =	vld [tilespmem:s1+$0x4E60]  }
0xd1: {  	v12 =	vld [tilespmem:s1+$0x5670]  }
0xd2: {  	v13 =	vld [tilespmem:s1+$0x4E70]  }
0xd3: {  	v60 =	vadd.f32 v60, v61;
	v61 =	vld [tilespmem:s1+$0x4E80]  }
0xd4: {  	v14 =	vld [tilespmem:s1+$0x5E70]  }
0xd5: {  	v59 =	vadd.f32 v59, v60;
	v60 =	vadd.f32 v62, v63;
	v62 =	vld [tilespmem:s1+$0x4E90]  }
0xd6: {  	v51 =	vadd.f32 v51, v52;
	v49 =	vadd.f32 v49, v50;
	v63 =	vld [tilespmem:s1+$0x5E80]  }
0xd7: {  	v12 =	vadd.f32 v12, v13;
	v50 =	vmul.f32 $2.000000030e-01, v59;
	v52 =	vadd.f32 v58, v60;
	v58 =	vld [tilespmem:$0x8860]  }
0xd8: {  	v54 =	vadd.f32 v54, v55;
	vm1 =	vgt.f32 v59, $0.0e+00;
	v13 =	vadd.f32 v57, v61;
	v57 =	vld [tilespmem:s1+$0x5E90]  }
0xd9: {  	v12 =	vadd.f32 v14, v12;
	v14 =	vld [tilespmem:$0x8870];
	v50 =	vsel vm1, v59, v50;
	v60 =	vmul.f32 $2.000000030e-01, v52  }
0xda: {  	vm1 =	vgt.f32 v52, $0.0e+00;
	v50 =	vmul.f32 v50, v53;
	v61 =	vadd.f32 v56, v62;
	v56 =	vld [tilespmem:s1+$0x5EA0]  }
0xdb: {  	v59 =	vld [tilespmem:$0x8880];
	v62 =	vmul.f32 $2.000000030e-01, v12;
	v13 =	vadd.f32 v63, v13;
	v52 =	vsel vm1, v52, v60  }
0xdc: {  	vm1 =	vgt.f32 v12, $0.0e+00;
	v50 =	vadd.f32 $0.0e+00, v50;
	v52 =	vmul.f32 v52, v58;
	v58 =	vld [tilespmem:s1+$0x5EB0]  }
0xdd: {  	v60 =	vld [tilespmem:$0x8890];
	v12 =	vsel vm1, v12, v62;
	v63 =	vmul.f32 $2.000000030e-01, v13;
	v53 =	vadd.f32 v57, v61  }
0xde: {  	vm1 =	vgt.f32 v13, $0.0e+00;
	v12 =	vmul.f32 v12, v14;
	v14 =	vld [tilespmem:s1+$0x5EC0];
	v50 =	vadd.f32 v52, v50  }
0xdf: {  	v62 =	vld [tilespmem:$0x88A0];
	v13 =	vsel vm1, v13, v63;
	v61 =	vmul.f32 $2.000000030e-01, v53;
	v54 =	vadd.f32 v56, v54  }
0xe0: {  	v13 =	vmul.f32 v13, v59;
	vm1 =	vgt.f32 v53, $0.0e+00;
	v12 =	vadd.f32 v12, v50  }
0xe1: {  	v63 =	vsel vm1, v53, v61;
	v56 =	vmul.f32 $2.000000030e-01, v54;
	v51 =	vadd.f32 v58, v51;
	v58 =	vld [tilespmem:$0x88B0]  }
0xe2: {  	vm1 =	vgt.f32 v54, $0.0e+00;
	v12 =	vadd.f32 v13, v12;
	v13 =	vmul.f32 v63, v60  }
0xe3: {  	v61 =	vld [tilespmem:$0x88C0];
	v14 =	vadd.f32 v14, v49;
	v59 =	vsel vm1, v54, v56;
	v60 =	vmul.f32 $2.000000030e-01, v51  }
0xe4: {  	vm1 =	vgt.f32 v51, $0.0e+00;
	v12 =	vadd.f32 v13, v12;
	v13 =	vmul.f32 v59, v62  }
0xe5: {  	v63 =	vmul.f32 $2.000000030e-01, v14;
	v62 =	vsel vm1, v51, v60  }
0xe6: {  	vm1 =	vgt.f32 v14, $0.0e+00;
	v12 =	vadd.f32 v13, v12;
	v13 =	vmul.f32 v62, v58  }
0xe7: {  	v14 =	vsel vm1, v14, v63  }
0xe8: {  	v12 =	vadd.f32 v13, v12;
	v13 =	vmul.f32 v14, v61;
	_ =	sdelay $0x1  }
0xe9: {  	v12 =	vadd.f32 v13, v12  }
0xea: {  	s12 =	simm.s32 $0x8750  }
0xeb: {  	s30 =	simm.s32 $0x80;
	[tilespmem:s12+$0x0] =	vst v12  }
0xec: {  	v52 =	vld [tilespmem:s30+$0x56C0]  }
0xed: {  	v54 =	vld [tilespmem:s30+$0x4EC0]  }
0xee: {  	v55 =	vld [tilespmem:s30+$0x56B0]  }
0xef: {  	v57 =	vld [tilespmem:s30+$0x4EB0]  }
0xf0: {  	v49 =	vld [tilespmem:$0x8850]  }
0xf1: {  	v51 =	vld [tilespmem:s30+$0x56A0]  }
0xf2: {  	v53 =	vld [tilespmem:s30+$0x4EA0]  }
0xf3: {  	v50 =	vld [tilespmem:s30+$0x5690]  }
0xf4: {  	v56 =	vld [tilespmem:s30+$0x5680]  }
0xf5: {  	v58 =	vld [tilespmem:s30+$0x5E60]  }
0xf6: {  	v59 =	vld [tilespmem:s30+$0x5E50]  }
0xf7: {  	s18 =	simm.s32 $0x400;
	s29 =	sor.u32 $0x10, s10;
	v60 =	vld [tilespmem:s30+$0x5650]  }
.LBB2_14:
0xf8: {  	p0 =	sne.s32 s18, $0x1E00;
	v12 =	vld [tilespmem:s30+$0x4E50]  }
0xf9: {  	v13 =	vld [tilespmem:s30+$0x5660]  }
0xfa: {  	v14 =	vld [tilespmem:s30+$0x4E60]  }
0xfb: {  	v61 =	vld [tilespmem:s30+$0x5670]  }
0xfc: {  	v62 =	vld [tilespmem:s30+$0x4E70]  }
0xfd: {  	v12 =	vadd.f32 v60, v12;
	v60 =	vld [tilespmem:s30+$0x4E80]  }
0xfe: {  	v63 =	vld [tilespmem:s30+$0x5E70]  }
0xff: {  	v12 =	vadd.f32 v59, v12;
	v13 =	vadd.f32 v13, v14;
	v14 =	vld [tilespmem:s30+$0x4E90]  }
0x100: {  	v55 =	vadd.f32 v55, v57;
	v52 =	vadd.f32 v52, v54;
	v59 =	vld [tilespmem:s30+$0x5E80]  }
0x101: {  	v54 =	vmul.f32 $2.000000030e-01, v12;
	v13 =	vadd.f32 v58, v13;
	v57 =	vld [tilespmem:$0x8860];
	v58 =	vadd.f32 v61, v62  }
0x102: {  	v51 =	vadd.f32 v51, v53;
	vm1 =	vgt.f32 v12, $0.0e+00;
	v56 =	vadd.f32 v56, v60;
	v60 =	vld [tilespmem:s30+$0x5E90]  }
0x103: {  	v12 =	vsel vm1, v12, v54;
	v53 =	vmul.f32 $2.000000030e-01, v13;
	v54 =	vadd.f32 v63, v58;
	v58 =	vld [tilespmem:$0x8870]  }
0x104: {  	vm1 =	vgt.f32 v13, $0.0e+00;
	v12 =	vmul.f32 v12, v49;
	v14 =	vadd.f32 v50, v14;
	v49 =	vld [tilespmem:s30+$0x5EA0]  }
0x105: {  	v13 =	vsel vm1, v13, v53;
	v50 =	vmul.f32 $2.000000030e-01, v54;
	v53 =	vadd.f32 v59, v56;
	v56 =	vld [tilespmem:$0x8880]  }
0x106: {  	vm1 =	vgt.f32 v54, $0.0e+00;
	v12 =	vadd.f32 $0.0e+00, v12;
	v13 =	vmul.f32 v13, v57;
	v57 =	vld [tilespmem:s30+$0x5EB0]  }
0x107: {  	v50 =	vsel vm1, v54, v50;
	v54 =	vmul.f32 $2.000000030e-01, v53;
	v14 =	vadd.f32 v60, v14;
	v59 =	vld [tilespmem:$0x8890]  }
0x108: {  	vm1 =	vgt.f32 v53, $0.0e+00;
	v12 =	vadd.f32 v13, v12;
	v13 =	vmul.f32 v50, v58;
	v50 =	vld [tilespmem:s30+$0x5EC0]  }
0x109: {  	v53 =	vsel vm1, v53, v54;
	v54 =	vmul.f32 $2.000000030e-01, v14;
	v49 =	vadd.f32 v49, v51;
	v51 =	vld [tilespmem:$0x88A0]  }
0x10a: {  	vm1 =	vgt.f32 v14, $0.0e+00;
	v12 =	vadd.f32 v13, v12;
	v13 =	vmul.f32 v53, v56  }
0x10b: {  	v14 =	vsel vm1, v14, v54;
	v53 =	vmul.f32 $2.000000030e-01, v49;
	v54 =	vadd.f32 v57, v55;
	v55 =	vld [tilespmem:$0x88B0]  }
0x10c: {  	vm1 =	vgt.f32 v49, $0.0e+00;
	v12 =	vadd.f32 v13, v12;
	v13 =	vmul.f32 v14, v59  }
0x10d: {  	v14 =	vsel vm1, v49, v53;
	v49 =	vmul.f32 $2.000000030e-01, v54;
	v50 =	vadd.f32 v50, v52;
	v52 =	vld [tilespmem:$0x88C0]  }
0x10e: {  	vm1 =	vgt.f32 v54, $0.0e+00;
	v12 =	vadd.f32 v13, v12;
	v13 =	vmul.f32 v14, v51  }
0x10f: {  	v14 =	vsel vm1, v54, v49;
	v49 =	vmul.f32 $2.000000030e-01, v50  }
0x110: {  	vm1 =	vgt.f32 v50, $0.0e+00;
	v12 =	vadd.f32 v13, v12;
	v13 =	vmul.f32 v14, v55  }
0x111: {  	v14 =	vsel vm1, v50, v49  }
0x112: {  	v12 =	vadd.f32 v13, v12;
	v13 =	vmul.f32 v14, v52;
	_ =	sdelay $0x1  }
0x113: {  	v12 =	vadd.f32 v13, v12  }
0x114: {  	s12 =	sadd.s32 $0x10, s12  }
0x115: {  	s30 =	sshra.s32 s18, $0x2;
	[tilespmem:s12+$0x0] =	vst v12  }
0x116: {  	v52 =	vld [tilespmem:s30+$0x56C0]  }
0x117: {  	v54 =	vld [tilespmem:s30+$0x4EC0]  }
0x118: {  	v55 =	vld [tilespmem:s30+$0x56B0]  }
0x119: {  	v57 =	vld [tilespmem:s30+$0x4EB0]  }
0x11a: {  	v49 =	vld [tilespmem:$0x8850]  }
0x11b: {  	v51 =	vld [tilespmem:s30+$0x56A0]  }
0x11c: {  	v53 =	vld [tilespmem:s30+$0x4EA0]  }
.Ltmp7:
0x11d: {  	v50 =	vld [tilespmem:s30+$0x5690];
	(pc) =	sbr.rel @p0 .LBB2_14-.Ltmp7, $4  }
0x11e: {  	v56 =	vld [tilespmem:s30+$0x5680]  }
0x11f: {  	v58 =	vld [tilespmem:s30+$0x5E60]  }
0x120: {  	v59 =	vld [tilespmem:s30+$0x5E50]  }
0x121: {  	s18 =	sadd.s32 $0x200, s18;
	v60 =	vld [tilespmem:s30+$0x5650]  }
0x122: {  	v12 =	vld [tilespmem:s30+$0x4E50]  }
0x123: {  	v13 =	vld [tilespmem:s30+$0x5660]  }
0x124: {  	v14 =	vld [tilespmem:s30+$0x4E60]  }
0x125: {  	v61 =	vld [tilespmem:s30+$0x5670]  }
0x126: {  	v62 =	vld [tilespmem:s30+$0x4E70]  }
0x127: {  	v12 =	vadd.f32 v60, v12;
	v60 =	vld [tilespmem:s30+$0x4E80]  }
0x128: {  	v63 =	vld [tilespmem:s30+$0x5E70]  }
0x129: {  	v13 =	vadd.f32 v13, v14;
	v14 =	vld [tilespmem:s30+$0x4E90];
	v12 =	vadd.f32 v59, v12  }
0x12a: {  	v55 =	vadd.f32 v55, v57;
	v52 =	vadd.f32 v52, v54;
	v59 =	vld [tilespmem:s30+$0x5E80]  }
0x12b: {  	v57 =	vld [tilespmem:$0x8860];
	v13 =	vadd.f32 v58, v13;
	v58 =	vadd.f32 v61, v62;
	v54 =	vmul.f32 $2.000000030e-01, v12  }
0x12c: {  	v51 =	vadd.f32 v51, v53;
	vm1 =	vgt.f32 v12, $0.0e+00;
	v56 =	vadd.f32 v56, v60;
	v60 =	vld [tilespmem:s30+$0x5E90]  }
0x12d: {  	v62 =	vmul.f32 $2.000000030e-01, v13;
	v12 =	vsel vm1, v12, v54;
	v54 =	vadd.f32 v63, v58;
	v58 =	vld [tilespmem:$0x8870]  }
0x12e: {  	v14 =	vadd.f32 v50, v14;
	vm1 =	vgt.f32 v13, $0.0e+00;
	v12 =	vmul.f32 v12, v49;
	v49 =	vld [tilespmem:s30+$0x5EA0]  }
0x12f: {  	v61 =	vld [tilespmem:$0x8880];
	v13 =	vsel vm1, v13, v62;
	v53 =	vadd.f32 v59, v56;
	v63 =	vmul.f32 $2.000000030e-01, v54  }
0x130: {  	v62 =	vld [tilespmem:s30+$0x5EB0];
	v13 =	vmul.f32 v13, v57;
	vm1 =	vgt.f32 v54, $0.0e+00;
	v12 =	vadd.f32 $0.0e+00, v12  }
0x131: {  	v59 =	vld [tilespmem:$0x8890];
	v50 =	vsel vm1, v54, v63;
	v63 =	vmul.f32 $2.000000030e-01, v53;
	v14 =	vadd.f32 v60, v14  }
0x132: {  	vm1 =	vgt.f32 v53, $0.0e+00;
	v12 =	vadd.f32 v13, v12;
	v13 =	vmul.f32 v50, v58;
	v50 =	vld [tilespmem:s30+$0x5EC0]  }
0x133: {  	v60 =	vld [tilespmem:$0x88A0];
	v53 =	vsel vm1, v53, v63;
	v58 =	vmul.f32 $2.000000030e-01, v14;
	v49 =	vadd.f32 v49, v51  }
0x134: {  	vm1 =	vgt.f32 v14, $0.0e+00;
	v12 =	vadd.f32 v13, v12;
	v13 =	vmul.f32 v53, v61  }
0x135: {  	v62 =	vadd.f32 v62, v55;
	v63 =	vld [tilespmem:$0x88B0];
	v14 =	vsel vm1, v14, v58;
	v61 =	vmul.f32 $2.000000030e-01, v49  }
0x136: {  	vm1 =	vgt.f32 v49, $0.0e+00;
	v12 =	vadd.f32 v13, v12;
	v13 =	vmul.f32 v14, v59  }
0x137: {  	v57 =	vld [tilespmem:$0x88C0];
	v56 =	vmul.f32 $2.000000030e-01, v62;
	v14 =	vsel vm1, v49, v61;
	v50 =	vadd.f32 v50, v52  }
0x138: {  	vm1 =	vgt.f32 v62, $0.0e+00;
	v12 =	vadd.f32 v13, v12;
	v13 =	vmul.f32 v14, v60  }
0x139: {  	v14 =	vsel vm1, v62, v56;
	v58 =	vmul.f32 $2.000000030e-01, v50  }
0x13a: {  	vm1 =	vgt.f32 v50, $0.0e+00;
	v12 =	vadd.f32 v13, v12;
	v13 =	vmul.f32 v14, v63  }
0x13b: {  	v14 =	vsel vm1, v50, v58  }
0x13c: {  	v12 =	vadd.f32 v13, v12;
	v13 =	vmul.f32 v14, v57;
	_ =	sdelay $0x1  }
0x13d: {  	v12 =	vadd.f32 v13, v12  }
0x13e: {  	s1 =	sadd.s32 $0x10, s12  }
0x13f: {  	[tilespmem:s1+$0x0] =	vst v12  }
0x140: {  	v12 =	vld.idx.msk [tilespmem:v24+s26+$0x0], $0xffff;
	_ =	sdelay $0x1  }
0x141: {  	v13 =	vld.idx.msk [tilespmem:v28+s26+$0x0], $0xffff;
	_ =	sdelay $0x1  }
0x142: {  	v14 =	vld.idx.msk [tilespmem:v29+s26+$0x0], $0xffff  }
0x143: {  	v12 =	vadd.f32 $0.0e+00, v12  }
0x144: {  	v59 =	vld.idx.msk [tilespmem:v30+s26+$0x0], $0xffff  }
0x145: {  	v12 =	vadd.f32 v13, v12  }
0x146: {  	v13 =	vld.idx.msk [tilespmem:v31+s26+$0x0], $0xffff  }
0x147: {  	v12 =	vadd.f32 v14, v12  }
0x148: {  	v14 =	vld.idx.msk [tilespmem:v32+s26+$0x0], $0xffff  }
0x149: {  	v12 =	vadd.f32 v59, v12  }
0x14a: {  	v60 =	vld.idx.msk [tilespmem:v33+s26+$0x0], $0xffff  }
0x14b: {  	v12 =	vadd.f32 v13, v12  }
0x14c: {  	v13 =	vld.idx.msk [tilespmem:v34+s26+$0x0], $0xffff  }
0x14d: {  	v12 =	vadd.f32 v14, v12  }
0x14e: {  	v14 =	vld.idx.msk [tilespmem:v35+s26+$0x0], $0xffff  }
0x14f: {  	v12 =	vadd.f32 v60, v12  }
0x150: {  	v61 =	vld.idx.msk [tilespmem:v36+s26+$0x0], $0xffff  }
0x151: {  	v12 =	vadd.f32 v13, v12  }
0x152: {  	v13 =	vld.idx.msk [tilespmem:v37+s26+$0x0], $0xffff  }
0x153: {  	v12 =	vadd.f32 v14, v12  }
0x154: {  	v14 =	vld.idx.msk [tilespmem:v38+s26+$0x0], $0xffff  }
0x155: {  	v12 =	vadd.f32 v61, v12  }
0x156: {  	v62 =	vld.idx.msk [tilespmem:v39+s26+$0x0], $0xffff  }
0x157: {  	v12 =	vadd.f32 v13, v12  }
0x158: {  	v13 =	vld.idx.msk [tilespmem:v40+s26+$0x0], $0xffff  }
0x159: {  	v12 =	vadd.f32 v14, v12  }
0x15a: {  	v14 =	vld.idx.msk [tilespmem:v41+s26+$0x0], $0xffff  }
0x15b: {  	v12 =	vadd.f32 v62, v12  }
0x15c: {  	v63 =	vld.idx.msk [tilespmem:v42+s26+$0x0], $0xffff  }
0x15d: {  	v12 =	vadd.f32 v13, v12;
	_ =	sdelay $0x1  }
0x15e: {  	v12 =	vadd.f32 v14, v12;
	_ =	sdelay $0x1  }
0x15f: {  	v12 =	vadd.f32 v63, v12;
	_ =	sdelay $0x1  }
0x160: {  	v12 =	vmul.f32 $1.442695020e+00, v12;
	_ =	sdelay $0x1  }
0x161: {  	(erf) = vpow2.f32 v12;
	_ =	sdelay $0x5  }
0x162: {  	s1 =	simm.s32 $0x4E90  }
0x163: {  	v12 =	vld [tilespmem:s1+$0xFFFFFFC0]  }
0x164: {  	s18 =	simm.s32 $0x0  }
0x165: {  	v13 =	vmov s18;
	v49 =	vpop (erf)  }
0x166: {  	v13 =	vperm.xlane v49, v13;
	_ =	sdelay $0x1  }
0x167: {  	v12 =	vmul.f32 v12, v13  }
0x168: {  	s12 =	simm.s32 $0x7E90  }
0x169: {  	[tilespmem:s12+$0xFFFFFFC0] =	vst v12  }
0x16a: {  	v12 =	vld [tilespmem:s1+$0xFFFFFFD0];
	_ =	sdelay $0x4  }
0x16b: {  	v12 =	vmul.f32 v12, v13;
	_ =	sdelay $0x1  }
0x16c: {  	[tilespmem:s12+$0xFFFFFFD0] =	vst v12  }
0x16d: {  	v12 =	vld [tilespmem:s1+$0xFFFFFFE0];
	_ =	sdelay $0x4  }
0x16e: {  	v12 =	vmul.f32 v12, v13;
	_ =	sdelay $0x1  }
0x16f: {  	[tilespmem:s12+$0xFFFFFFE0] =	vst v12  }
0x170: {  	v12 =	vld [tilespmem:s1+$0xFFFFFFF0];
	_ =	sdelay $0x4  }
0x171: {  	v12 =	vmul.f32 v12, v13;
	_ =	sdelay $0x1  }
0x172: {  	[tilespmem:s12+$0xFFFFFFF0] =	vst v12  }
0x173: {  	v12 =	vld [tilespmem:s1+$0x0];
	_ =	sdelay $0x4  }
0x174: {  	v12 =	vmul.f32 v12, v13;
	_ =	sdelay $0x1  }
0x175: {  	[tilespmem:s12+$0x0] =	vst v12  }
0x176: {  	v12 =	vld [tilespmem:s1+$0x10];
	_ =	sdelay $0x4  }
0x177: {  	v12 =	vmul.f32 v12, v13;
	_ =	sdelay $0x1  }
0x178: {  	[tilespmem:s12+$0x10] =	vst v12  }
0x179: {  	v12 =	vld [tilespmem:s1+$0x20];
	_ =	sdelay $0x4  }
0x17a: {  	v12 =	vmul.f32 v12, v13;
	_ =	sdelay $0x1  }
0x17b: {  	[tilespmem:s12+$0x20] =	vst v12  }
0x17c: {  	v12 =	vld [tilespmem:s1+$0x30];
	_ =	sdelay $0x4  }
0x17d: {  	v12 =	vmul.f32 v12, v13;
	_ =	sdelay $0x1  }
0x17e: {  	s18 =	simm.s32 $0x4F10;
	[tilespmem:s12+$0x30] =	vst v12  }
0x17f: {  	s30 =	simm.s32 $0x1;
	s1 =	simm.s32 $0x2;
	v50 =	vld [tilespmem:s18+$0xFFFFFFC0]  }
.LBB2_16:
0x180: {  	p0 =	sne.s32 s1, $0xF  }
0x181: {  	v12 =	vmov s30;
	s30 =	smov.u32 s1  }
0x182: {  	v12 =	vperm.xlane v49, v12;
	_ =	sdelay $0x1  }
0x183: {  	v13 =	vmul.f32 v50, v12  }
0x184: {  	s12 =	sadd.s32 $0x90, s12  }
0x185: {  	[tilespmem:s12+$0xFFFFFFC0] =	vst v13  }
0x186: {  	v13 =	vld [tilespmem:s18+$0xFFFFFFD0];
	_ =	sdelay $0x4  }
0x187: {  	v13 =	vmul.f32 v13, v12;
	_ =	sdelay $0x1  }
0x188: {  	[tilespmem:s12+$0xFFFFFFD0] =	vst v13  }
0x189: {  	v13 =	vld [tilespmem:s18+$0xFFFFFFE0];
	_ =	sdelay $0x4  }
0x18a: {  	v13 =	vmul.f32 v13, v12;
	_ =	sdelay $0x1  }
0x18b: {  	[tilespmem:s12+$0xFFFFFFE0] =	vst v13  }
0x18c: {  	v13 =	vld [tilespmem:s18+$0xFFFFFFF0];
	_ =	sdelay $0x4  }
0x18d: {  	v13 =	vmul.f32 v13, v12;
	_ =	sdelay $0x1  }
0x18e: {  	[tilespmem:s12+$0xFFFFFFF0] =	vst v13  }
0x18f: {  	v13 =	vld [tilespmem:s18+$0x0];
	_ =	sdelay $0x4  }
0x190: {  	v13 =	vmul.f32 v13, v12;
	_ =	sdelay $0x1  }
0x191: {  	[tilespmem:s12+$0x0] =	vst v13  }
0x192: {  	v13 =	vld [tilespmem:s18+$0x10];
	_ =	sdelay $0x4  }
0x193: {  	v13 =	vmul.f32 v13, v12;
	_ =	sdelay $0x1  }
0x194: {  	[tilespmem:s12+$0x10] =	vst v13  }
0x195: {  	v13 =	vld [tilespmem:s18+$0x20];
	_ =	sdelay $0x4  }
0x196: {  	v13 =	vmul.f32 v13, v12;
	_ =	sdelay $0x1  }
0x197: {  	[tilespmem:s12+$0x20] =	vst v13  }
0x198: {  	v13 =	vld [tilespmem:s18+$0x30];
	_ =	sdelay $0x3  }
.Ltmp8:
0x199: {  	(pc) =	sbr.rel @p0 .LBB2_16-.Ltmp8, $3  }
0x19a: {  	v12 =	vmul.f32 v13, v12;
	_ =	sdelay $0x1  }
0x19b: {  	s18 =	sadd.s32 $0x80, s18;
	[tilespmem:s12+$0x30] =	vst v12  }
0x19c: {  	s1 =	sadd.s32 $0x1, s1;
	v50 =	vld [tilespmem:s18+$0xFFFFFFC0]  }
0x19d: {  	_ = 	snop  }
0x19e: {  	v12 =	vmov s30  }
0x19f: {  	v12 =	vperm.xlane v49, v12;
	_ =	sdelay $0x1  }
0x1a0: {  	v13 =	vmul.f32 v50, v12  }
0x1a1: {  	s1 =	sadd.s32 $0x90, s12  }
0x1a2: {  	[tilespmem:s1+$0xFFFFFFC0] =	vst v13  }
0x1a3: {  	v13 =	vld [tilespmem:s18+$0xFFFFFFD0];
	_ =	sdelay $0x4  }
0x1a4: {  	v13 =	vmul.f32 v13, v12;
	_ =	sdelay $0x1  }
0x1a5: {  	[tilespmem:s1+$0xFFFFFFD0] =	vst v13  }
0x1a6: {  	v13 =	vld [tilespmem:s18+$0xFFFFFFE0];
	_ =	sdelay $0x4  }
0x1a7: {  	v13 =	vmul.f32 v13, v12;
	_ =	sdelay $0x1  }
0x1a8: {  	[tilespmem:s1+$0xFFFFFFE0] =	vst v13  }
0x1a9: {  	v13 =	vld [tilespmem:s18+$0xFFFFFFF0];
	_ =	sdelay $0x4  }
0x1aa: {  	v13 =	vmul.f32 v13, v12;
	_ =	sdelay $0x1  }
0x1ab: {  	[tilespmem:s1+$0xFFFFFFF0] =	vst v13  }
0x1ac: {  	v13 =	vld [tilespmem:s18+$0x0];
	_ =	sdelay $0x4  }
0x1ad: {  	v13 =	vmul.f32 v13, v12;
	_ =	sdelay $0x1  }
0x1ae: {  	[tilespmem:s1+$0x0] =	vst v13  }
0x1af: {  	v13 =	vld [tilespmem:s18+$0x10];
	_ =	sdelay $0x4  }
0x1b0: {  	v13 =	vmul.f32 v13, v12;
	_ =	sdelay $0x1  }
0x1b1: {  	[tilespmem:s1+$0x10] =	vst v13  }
0x1b2: {  	v13 =	vld [tilespmem:s18+$0x20];
	_ =	sdelay $0x4  }
0x1b3: {  	v13 =	vmul.f32 v13, v12;
	_ =	sdelay $0x1  }
0x1b4: {  	[tilespmem:s1+$0x20] =	vst v13  }
0x1b5: {  	v13 =	vld [tilespmem:s18+$0x30];
	_ =	sdelay $0x1  }
0x1b6: {  	v14 =	vor.u32 s10, v2  }
0x1b7: {  	vm1 =	vlt.s32 v14, v46;
	v14 =	vsub.s32 v48, v44  }
0x1b8: {  	v14 =	vnsel vm1, $0x2710, v14  }
0x1b9: {  	v12 =	vmul.f32 v13, v12;
	_ =	sdelay $0x1  }
0x1ba: {  	[tilespmem:s1+$0x30] =	vst v12  }
0x1bb: {  	[tilespmem:v43+s17+$0x0] =	vst.idx.msk $0xffff, v49  }
0x1bc: {  	[spmem:s5] =	stream.indirect_vreg.scatter.add.f32 [tilespmem:s17], [sflag:$0x2], $0x90, v14, vm0, $0xb8;
	[tilespmem:$0x1F7D8] =	vst v63  }
0x1bd: {  	_ =	swait.ge [sflag:s28], $0x900  }
0x1be: {  	[sflag:s28] =	ssyncset.done $0x0  }
0x1bf: {  	[sflag:s28] =	ssyncadd.s32 $0xFFFFF700  }
0x1c0: {  	_ =	swait.ge [sflag:s19], $0x800  }
0x1c1: {  	[sflag:s19] =	ssyncset.done $0x0  }
0x1c2: {  	[sflag:s19] =	ssyncadd.s32 $0xFFFFF800  }
0x1c3: {  	_ =	swait.ge [sflag:s19], $0x800  }
0x1c4: {  	[sflag:s19] =	ssyncset.done $0x0  }
0x1c5: {  	[sflag:s19] =	ssyncadd.s32 $0xFFFFF800  }
0x1c6: {  	_ =	swait.ge [sflag:s19], $0x800  }
0x1c7: {  	[sflag:s19] =	ssyncset.done $0x0  }
0x1c8: {  	s30 =	simm.s32 $0x0;
	[sflag:s19] =	ssyncadd.s32 $0xFFFFF800  }
0x1c9: {  	v12 =	vld [tilespmem:s30+$0x6EC0]  }
0x1ca: {  	v13 =	vld [tilespmem:s30+$0x66C0]  }
0x1cb: {  	v14 =	vld [tilespmem:s30+$0x6EB0]  }
0x1cc: {  	v48 =	vld [tilespmem:s30+$0x66B0]  }
0x1cd: {  	v49 =	vld [tilespmem:$0x8850]  }
0x1ce: {  	v50 =	vld [tilespmem:s30+$0x6EA0]  }
0x1cf: {  	v51 =	vld [tilespmem:s30+$0x66A0]  }
0x1d0: {  	v52 =	vld [tilespmem:s30+$0x6E90]  }
0x1d1: {  	v53 =	vld [tilespmem:s30+$0x6E80]  }
0x1d2: {  	v54 =	vld [tilespmem:s30+$0x7660]  }
0x1d3: {  	v55 =	vld [tilespmem:s30+$0x7650]  }
0x1d4: {  	v56 =	vld [tilespmem:s30+$0x6E50]  }
0x1d5: {  	v57 =	vld [tilespmem:s30+$0x6650]  }
0x1d6: {  	v58 =	vld [tilespmem:s30+$0x6E60]  }
0x1d7: {  	v59 =	vld [tilespmem:s30+$0x6660]  }
0x1d8: {  	v60 =	vld [tilespmem:s30+$0x6E70]  }
0x1d9: {  	v61 =	vld [tilespmem:s30+$0x6670]  }
0x1da: {  	v56 =	vadd.f32 v56, v57;
	v57 =	vld [tilespmem:s30+$0x6680]  }
0x1db: {  	v62 =	vld [tilespmem:s30+$0x7670]  }
0x1dc: {  	v63 =	vadd.f32 v58, v59;
	v58 =	vld [tilespmem:s30+$0x6690];
	v55 =	vadd.f32 v55, v56  }
0x1dd: {  	v59 =	vld [tilespmem:s30+$0x7680];
	v14 =	vadd.f32 v14, v48;
	v12 =	vadd.f32 v12, v13  }
0x1de: {  	v60 =	vadd.f32 v60, v61;
	v48 =	vadd.f32 v54, v63;
	v54 =	vld [tilespmem:$0x8860];
	v13 =	vmul.f32 $2.000000030e-01, v55  }
0x1df: {  	v50 =	vadd.f32 v50, v51;
	vm1 =	vgt.f32 v55, $0.0e+00;
	v53 =	vadd.f32 v53, v57;
	v57 =	vld [tilespmem:s30+$0x7690]  }
0x1e0: {  	v63 =	vadd.f32 v62, v60;
	v56 =	vld [tilespmem:$0x8870];
	v61 =	vmul.f32 $2.000000030e-01, v48;
	v13 =	vsel vm1, v55, v13  }
0x1e1: {  	v60 =	vadd.f32 v52, v58;
	v52 =	vld [tilespmem:s30+$0x76A0];
	vm1 =	vgt.f32 v48, $0.0e+00;
	v13 =	vmul.f32 v13, v49  }
0x1e2: {  	v62 =	vld [tilespmem:$0x8880];
	v48 =	vsel vm1, v48, v61;
	v61 =	vmul.f32 $2.000000030e-01, v63;
	v53 =	vadd.f32 v59, v53  }
0x1e3: {  	vm1 =	vgt.f32 v63, $0.0e+00;
	v48 =	vmul.f32 v48, v54;
	v54 =	vld [tilespmem:s30+$0x76B0];
	v13 =	vadd.f32 $0.0e+00, v13  }
0x1e4: {  	v51 =	vsel vm1, v63, v61;
	v63 =	vmul.f32 $2.000000030e-01, v53;
	v49 =	vadd.f32 v57, v60;
	v57 =	vld [tilespmem:$0x8890]  }
0x1e5: {  	vm1 =	vgt.f32 v53, $0.0e+00;
	v60 =	vmul.f32 v51, v56;
	v51 =	vld [tilespmem:s30+$0x76C0];
	v13 =	vadd.f32 v48, v13  }
0x1e6: {  	v50 =	vadd.f32 v52, v50;
	v52 =	vld [tilespmem:$0x88A0];
	v53 =	vsel vm1, v53, v63;
	v61 =	vmul.f32 $2.000000030e-01, v49  }
0x1e7: {  	v62 =	vmul.f32 v53, v62;
	vm1 =	vgt.f32 v49, $0.0e+00;
	v13 =	vadd.f32 v60, v13  }
0x1e8: {  	v63 =	vmul.f32 $2.000000030e-01, v50;
	v14 =	vadd.f32 v54, v14;
	v54 =	vld [tilespmem:$0x88B0];
	v49 =	vsel vm1, v49, v61  }
0x1e9: {  	vm1 =	vgt.f32 v50, $0.0e+00;
	v13 =	vadd.f32 v62, v13;
	v58 =	vmul.f32 v49, v57  }
0x1ea: {  	v61 =	vld [tilespmem:$0x88C0];
	v59 =	vsel vm1, v50, v63;
	v60 =	vmul.f32 $2.000000030e-01, v14;
	v12 =	vadd.f32 v51, v12  }
0x1eb: {  	vm1 =	vgt.f32 v14, $0.0e+00;
	v62 =	vmul.f32 v59, v52;
	v13 =	vadd.f32 v58, v13  }
0x1ec: {  	v14 =	vsel vm1, v14, v60;
	v63 =	vmul.f32 $2.000000030e-01, v12  }
0x1ed: {  	vm1 =	vgt.f32 v12, $0.0e+00;
	v14 =	vmul.f32 v14, v54;
	v13 =	vadd.f32 v62, v13  }
0x1ee: {  	v12 =	vsel vm1, v12, v63  }
0x1ef: {  	v12 =	vmul.f32 v12, v61;
	v13 =	vadd.f32 v14, v13;
	_ =	sdelay $0x1  }
0x1f0: {  	v12 =	vadd.f32 v12, v13  }
0x1f1: {  	s10 =	simm.s32 $0x8750  }
0x1f2: {  	s12 =	simm.s32 $0x80;
	[tilespmem:s10+$0x0] =	vst v12  }
0x1f3: {  	v51 =	vld [tilespmem:s12+$0x6EC0]  }
0x1f4: {  	v53 =	vld [tilespmem:s12+$0x66C0]  }
0x1f5: {  	v54 =	vld [tilespmem:s12+$0x6EB0]  }
0x1f6: {  	v56 =	vld [tilespmem:s12+$0x66B0]  }
0x1f7: {  	v48 =	vld [tilespmem:$0x8850]  }
0x1f8: {  	v50 =	vld [tilespmem:s12+$0x6EA0]  }
0x1f9: {  	v52 =	vld [tilespmem:s12+$0x66A0]  }
0x1fa: {  	v49 =	vld [tilespmem:s12+$0x6E90]  }
0x1fb: {  	v55 =	vld [tilespmem:s12+$0x6E80]  }
0x1fc: {  	v57 =	vld [tilespmem:s12+$0x7660]  }
0x1fd: {  	v58 =	vld [tilespmem:s12+$0x7650]  }
0x1fe: {  	s18 =	simm.s32 $0x400;
	v59 =	vld [tilespmem:s12+$0x6E50]  }
.LBB2_18:
0x1ff: {  	p0 =	sne.s32 s18, $0x1E00;
	v12 =	vld [tilespmem:s12+$0x6650]  }
0x200: {  	v13 =	vld [tilespmem:s12+$0x6E60]  }
0x201: {  	v14 =	vld [tilespmem:s12+$0x6660]  }
0x202: {  	v60 =	vld [tilespmem:s12+$0x6E70]  }
0x203: {  	v61 =	vld [tilespmem:s12+$0x6670]  }
0x204: {  	v12 =	vadd.f32 v59, v12;
	v59 =	vld [tilespmem:s12+$0x6680]  }
0x205: {  	v62 =	vld [tilespmem:s12+$0x7670]  }
0x206: {  	v12 =	vadd.f32 v58, v12;
	v13 =	vadd.f32 v13, v14;
	v14 =	vld [tilespmem:s12+$0x6690]  }
0x207: {  	v54 =	vadd.f32 v54, v56;
	v51 =	vadd.f32 v51, v53;
	v58 =	vld [tilespmem:s12+$0x7680]  }
0x208: {  	v53 =	vmul.f32 $2.000000030e-01, v12;
	v13 =	vadd.f32 v57, v13;
	v56 =	vld [tilespmem:$0x8860];
	v57 =	vadd.f32 v60, v61  }
0x209: {  	v50 =	vadd.f32 v50, v52;
	vm1 =	vgt.f32 v12, $0.0e+00;
	v55 =	vadd.f32 v55, v59;
	v59 =	vld [tilespmem:s12+$0x7690]  }
0x20a: {  	v12 =	vsel vm1, v12, v53;
	v52 =	vmul.f32 $2.000000030e-01, v13;
	v53 =	vadd.f32 v62, v57;
	v57 =	vld [tilespmem:$0x8870]  }
0x20b: {  	vm1 =	vgt.f32 v13, $0.0e+00;
	v12 =	vmul.f32 v12, v48;
	v14 =	vadd.f32 v49, v14;
	v48 =	vld [tilespmem:s12+$0x76A0]  }
0x20c: {  	v13 =	vsel vm1, v13, v52;
	v49 =	vmul.f32 $2.000000030e-01, v53;
	v52 =	vadd.f32 v58, v55;
	v55 =	vld [tilespmem:$0x8880]  }
0x20d: {  	vm1 =	vgt.f32 v53, $0.0e+00;
	v12 =	vadd.f32 $0.0e+00, v12;
	v13 =	vmul.f32 v13, v56;
	v56 =	vld [tilespmem:s12+$0x76B0]  }
0x20e: {  	v49 =	vsel vm1, v53, v49;
	v53 =	vmul.f32 $2.000000030e-01, v52;
	v14 =	vadd.f32 v59, v14;
	v58 =	vld [tilespmem:$0x8890]  }
0x20f: {  	vm1 =	vgt.f32 v52, $0.0e+00;
	v12 =	vadd.f32 v13, v12;
	v13 =	vmul.f32 v49, v57;
	v49 =	vld [tilespmem:s12+$0x76C0]  }
0x210: {  	v52 =	vsel vm1, v52, v53;
	v53 =	vmul.f32 $2.000000030e-01, v14;
	v48 =	vadd.f32 v48, v50;
	v50 =	vld [tilespmem:$0x88A0]  }
0x211: {  	vm1 =	vgt.f32 v14, $0.0e+00;
	v12 =	vadd.f32 v13, v12;
	v13 =	vmul.f32 v52, v55  }
0x212: {  	v14 =	vsel vm1, v14, v53;
	v52 =	vmul.f32 $2.000000030e-01, v48;
	v53 =	vadd.f32 v56, v54;
	v54 =	vld [tilespmem:$0x88B0]  }
0x213: {  	vm1 =	vgt.f32 v48, $0.0e+00;
	v12 =	vadd.f32 v13, v12;
	v13 =	vmul.f32 v14, v58  }
0x214: {  	v14 =	vsel vm1, v48, v52;
	v48 =	vmul.f32 $2.000000030e-01, v53;
	v49 =	vadd.f32 v49, v51;
	v51 =	vld [tilespmem:$0x88C0]  }
0x215: {  	vm1 =	vgt.f32 v53, $0.0e+00;
	v12 =	vadd.f32 v13, v12;
	v13 =	vmul.f32 v14, v50  }
0x216: {  	v14 =	vsel vm1, v53, v48;
	v48 =	vmul.f32 $2.000000030e-01, v49  }
0x217: {  	vm1 =	vgt.f32 v49, $0.0e+00;
	v12 =	vadd.f32 v13, v12;
	v13 =	vmul.f32 v14, v54  }
0x218: {  	v14 =	vsel vm1, v49, v48  }
0x219: {  	v12 =	vadd.f32 v13, v12;
	v13 =	vmul.f32 v14, v51;
	_ =	sdelay $0x1  }
0x21a: {  	v12 =	vadd.f32 v13, v12  }
0x21b: {  	s10 =	sadd.s32 $0x10, s10  }
0x21c: {  	s12 =	sshra.s32 s18, $0x2;
	[tilespmem:s10+$0x0] =	vst v12  }
0x21d: {  	v51 =	vld [tilespmem:s12+$0x6EC0]  }
0x21e: {  	v53 =	vld [tilespmem:s12+$0x66C0]  }
0x21f: {  	v54 =	vld [tilespmem:s12+$0x6EB0]  }
0x220: {  	v56 =	vld [tilespmem:s12+$0x66B0]  }
0x221: {  	v48 =	vld [tilespmem:$0x8850]  }
0x222: {  	v50 =	vld [tilespmem:s12+$0x6EA0]  }
0x223: {  	v52 =	vld [tilespmem:s12+$0x66A0]  }
.Ltmp9:
0x224: {  	v49 =	vld [tilespmem:s12+$0x6E90];
	(pc) =	sbr.rel @p0 .LBB2_18-.Ltmp9, $4  }
0x225: {  	v55 =	vld [tilespmem:s12+$0x6E80]  }
0x226: {  	v57 =	vld [tilespmem:s12+$0x7660]  }
0x227: {  	v58 =	vld [tilespmem:s12+$0x7650]  }
0x228: {  	s18 =	sadd.s32 $0x200, s18;
	v59 =	vld [tilespmem:s12+$0x6E50]  }
0x229: {  	v12 =	vld [tilespmem:s12+$0x6650]  }
0x22a: {  	v13 =	vld [tilespmem:s12+$0x6E60]  }
0x22b: {  	v14 =	vld [tilespmem:s12+$0x6660]  }
0x22c: {  	v60 =	vld [tilespmem:s12+$0x6E70]  }
0x22d: {  	v61 =	vld [tilespmem:s12+$0x6670]  }
0x22e: {  	v12 =	vadd.f32 v59, v12;
	v59 =	vld [tilespmem:s12+$0x6680]  }
0x22f: {  	v62 =	vld [tilespmem:s12+$0x7670]  }
0x230: {  	v13 =	vadd.f32 v13, v14;
	v14 =	vld [tilespmem:s12+$0x6690];
	v12 =	vadd.f32 v58, v12  }
0x231: {  	v54 =	vadd.f32 v54, v56;
	v51 =	vadd.f32 v51, v53;
	v58 =	vld [tilespmem:s12+$0x7680]  }
0x232: {  	v56 =	vld [tilespmem:$0x8860];
	v60 =	vadd.f32 v60, v61;
	v13 =	vadd.f32 v57, v13;
	v63 =	vmul.f32 $2.000000030e-01, v12  }
0x233: {  	v50 =	vadd.f32 v50, v52;
	vm1 =	vgt.f32 v12, $0.0e+00;
	v55 =	vadd.f32 v55, v59;
	v59 =	vld [tilespmem:s12+$0x7690]  }
0x234: {  	v53 =	vadd.f32 v62, v60;
	v57 =	vld [tilespmem:$0x8870];
	v61 =	vmul.f32 $2.000000030e-01, v13;
	v12 =	vsel vm1, v12, v63  }
0x235: {  	v14 =	vadd.f32 v49, v14;
	vm1 =	vgt.f32 v13, $0.0e+00;
	v12 =	vmul.f32 v12, v48;
	v48 =	vld [tilespmem:s12+$0x76A0]  }
0x236: {  	v63 =	vmul.f32 $2.000000030e-01, v53;
	v13 =	vsel vm1, v13, v61;
	v60 =	vadd.f32 v58, v55;
	v61 =	vld [tilespmem:$0x8880]  }
0x237: {  	v62 =	vld [tilespmem:s12+$0x76B0];
	vm1 =	vgt.f32 v53, $0.0e+00;
	v13 =	vmul.f32 v13, v56;
	v12 =	vadd.f32 $0.0e+00, v12  }
0x238: {  	v58 =	vld [tilespmem:$0x8890];
	v49 =	vsel vm1, v53, v63;
	v63 =	vmul.f32 $2.000000030e-01, v60;
	v14 =	vadd.f32 v59, v14  }
0x239: {  	vm1 =	vgt.f32 v60, $0.0e+00;
	v12 =	vadd.f32 v13, v12;
	v13 =	vmul.f32 v49, v57;
	v57 =	vld [tilespmem:s12+$0x76C0]  }
0x23a: {  	v52 =	vsel vm1, v60, v63;
	v60 =	vld [tilespmem:$0x88A0];
	v59 =	vmul.f32 $2.000000030e-01, v14;
	v48 =	vadd.f32 v48, v50  }
0x23b: {  	vm1 =	vgt.f32 v14, $0.0e+00;
	v12 =	vadd.f32 v13, v12;
	v13 =	vmul.f32 v52, v61  }
0x23c: {  	v62 =	vadd.f32 v62, v54;
	v63 =	vld [tilespmem:$0x88B0];
	v14 =	vsel vm1, v14, v59;
	v61 =	vmul.f32 $2.000000030e-01, v48  }
0x23d: {  	vm1 =	vgt.f32 v48, $0.0e+00;
	v12 =	vadd.f32 v13, v12;
	v13 =	vmul.f32 v14, v58  }
0x23e: {  	v56 =	vmul.f32 $2.000000030e-01, v62;
	v14 =	vsel vm1, v48, v61;
	v49 =	vadd.f32 v57, v51;
	v57 =	vld [tilespmem:$0x88C0]  }
0x23f: {  	vm1 =	vgt.f32 v62, $0.0e+00;
	v12 =	vadd.f32 v13, v12;
	v13 =	vmul.f32 v14, v60  }
0x240: {  	v14 =	vsel vm1, v62, v56;
	v58 =	vmul.f32 $2.000000030e-01, v49  }
0x241: {  	vm1 =	vgt.f32 v49, $0.0e+00;
	v12 =	vadd.f32 v13, v12;
	v13 =	vmul.f32 v14, v63  }
0x242: {  	v14 =	vsel vm1, v49, v58  }
0x243: {  	v12 =	vadd.f32 v13, v12;
	v13 =	vmul.f32 v14, v57;
	_ =	sdelay $0x1  }
0x244: {  	v12 =	vadd.f32 v13, v12  }
0x245: {  	s1 =	sadd.s32 $0x10, s10  }
0x246: {  	[tilespmem:s1+$0x0] =	vst v12  }
0x247: {  	v12 =	vld.idx.msk [tilespmem:v24+s26+$0x0], $0xffff;
	_ =	sdelay $0x1  }
0x248: {  	v13 =	vld.idx.msk [tilespmem:v28+s26+$0x0], $0xffff;
	_ =	sdelay $0x1  }
0x249: {  	v14 =	vld.idx.msk [tilespmem:v29+s26+$0x0], $0xffff  }
0x24a: {  	v12 =	vadd.f32 $0.0e+00, v12  }
0x24b: {  	v59 =	vld.idx.msk [tilespmem:v30+s26+$0x0], $0xffff  }
0x24c: {  	v12 =	vadd.f32 v13, v12  }
0x24d: {  	v13 =	vld.idx.msk [tilespmem:v31+s26+$0x0], $0xffff  }
0x24e: {  	v12 =	vadd.f32 v14, v12  }
0x24f: {  	v14 =	vld.idx.msk [tilespmem:v32+s26+$0x0], $0xffff  }
0x250: {  	v12 =	vadd.f32 v59, v12  }
0x251: {  	v60 =	vld.idx.msk [tilespmem:v33+s26+$0x0], $0xffff  }
0x252: {  	v12 =	vadd.f32 v13, v12  }
0x253: {  	v13 =	vld.idx.msk [tilespmem:v34+s26+$0x0], $0xffff  }
0x254: {  	v12 =	vadd.f32 v14, v12  }
0x255: {  	v14 =	vld.idx.msk [tilespmem:v35+s26+$0x0], $0xffff  }
0x256: {  	v12 =	vadd.f32 v60, v12  }
0x257: {  	v61 =	vld.idx.msk [tilespmem:v36+s26+$0x0], $0xffff  }
0x258: {  	v12 =	vadd.f32 v13, v12  }
0x259: {  	v13 =	vld.idx.msk [tilespmem:v37+s26+$0x0], $0xffff  }
0x25a: {  	v12 =	vadd.f32 v14, v12  }
0x25b: {  	v14 =	vld.idx.msk [tilespmem:v38+s26+$0x0], $0xffff  }
0x25c: {  	v12 =	vadd.f32 v61, v12  }
0x25d: {  	v62 =	vld.idx.msk [tilespmem:v39+s26+$0x0], $0xffff  }
0x25e: {  	v12 =	vadd.f32 v13, v12  }
0x25f: {  	v13 =	vld.idx.msk [tilespmem:v40+s26+$0x0], $0xffff  }
0x260: {  	v12 =	vadd.f32 v14, v12  }
0x261: {  	v14 =	vld.idx.msk [tilespmem:v41+s26+$0x0], $0xffff  }
0x262: {  	v12 =	vadd.f32 v62, v12  }
0x263: {  	v63 =	vld.idx.msk [tilespmem:v42+s26+$0x0], $0xffff  }
0x264: {  	v12 =	vadd.f32 v13, v12;
	_ =	sdelay $0x1  }
0x265: {  	v12 =	vadd.f32 v14, v12;
	_ =	sdelay $0x1  }
0x266: {  	v12 =	vadd.f32 v63, v12;
	_ =	sdelay $0x1  }
0x267: {  	v12 =	vmul.f32 $1.442695020e+00, v12;
	_ =	sdelay $0x1  }
0x268: {  	(erf) = vpow2.f32 v12;
	_ =	sdelay $0x5  }
0x269: {  	s18 =	simm.s32 $0x6690  }
0x26a: {  	v12 =	vld [tilespmem:s18+$0xFFFFFFC0]  }
0x26b: {  	s30 =	simm.s32 $0x0  }
0x26c: {  	v13 =	vmov s30;
	v48 =	vpop (erf)  }
0x26d: {  	v13 =	vperm.xlane v48, v13;
	_ =	sdelay $0x1  }
0x26e: {  	v12 =	vmul.f32 v12, v13  }
0x26f: {  	s10 =	simm.s32 $0x7E90  }
0x270: {  	[tilespmem:s10+$0xFFFFFFC0] =	vst v12  }
0x271: {  	v12 =	vld [tilespmem:s18+$0xFFFFFFD0];
	_ =	sdelay $0x4  }
0x272: {  	v12 =	vmul.f32 v12, v13;
	_ =	sdelay $0x1  }
0x273: {  	[tilespmem:s10+$0xFFFFFFD0] =	vst v12  }
0x274: {  	v12 =	vld [tilespmem:s18+$0xFFFFFFE0];
	_ =	sdelay $0x4  }
0x275: {  	v12 =	vmul.f32 v12, v13;
	_ =	sdelay $0x1  }
0x276: {  	[tilespmem:s10+$0xFFFFFFE0] =	vst v12  }
0x277: {  	v12 =	vld [tilespmem:s18+$0xFFFFFFF0];
	_ =	sdelay $0x4  }
0x278: {  	v12 =	vmul.f32 v12, v13;
	_ =	sdelay $0x1  }
0x279: {  	[tilespmem:s10+$0xFFFFFFF0] =	vst v12  }
0x27a: {  	v12 =	vld [tilespmem:s18+$0x0];
	_ =	sdelay $0x4  }
0x27b: {  	v12 =	vmul.f32 v12, v13;
	_ =	sdelay $0x1  }
0x27c: {  	[tilespmem:s10+$0x0] =	vst v12  }
0x27d: {  	v12 =	vld [tilespmem:s18+$0x10];
	_ =	sdelay $0x4  }
0x27e: {  	v12 =	vmul.f32 v12, v13;
	_ =	sdelay $0x1  }
0x27f: {  	[tilespmem:s10+$0x10] =	vst v12  }
0x280: {  	v12 =	vld [tilespmem:s18+$0x20];
	_ =	sdelay $0x4  }
0x281: {  	v12 =	vmul.f32 v12, v13;
	_ =	sdelay $0x1  }
0x282: {  	[tilespmem:s10+$0x20] =	vst v12  }
0x283: {  	v12 =	vld [tilespmem:s18+$0x30];
	_ =	sdelay $0x4  }
0x284: {  	v12 =	vmul.f32 v12, v13;
	_ =	sdelay $0x1  }
0x285: {  	s12 =	simm.s32 $0x6710;
	[tilespmem:s10+$0x30] =	vst v12  }
0x286: {  	s1 =	simm.s32 $0x2;
	s18 =	simm.s32 $0x1;
	v49 =	vld [tilespmem:s12+$0xFFFFFFC0]  }
.LBB2_20:
0x287: {  	p0 =	sne.s32 s1, $0xF  }
0x288: {  	v12 =	vmov s18;
	s18 =	smov.u32 s1  }
0x289: {  	v12 =	vperm.xlane v48, v12;
	_ =	sdelay $0x1  }
0x28a: {  	v13 =	vmul.f32 v49, v12  }
0x28b: {  	s10 =	sadd.s32 $0x90, s10  }
0x28c: {  	[tilespmem:s10+$0xFFFFFFC0] =	vst v13  }
0x28d: {  	v13 =	vld [tilespmem:s12+$0xFFFFFFD0];
	_ =	sdelay $0x4  }
0x28e: {  	v13 =	vmul.f32 v13, v12;
	_ =	sdelay $0x1  }
0x28f: {  	[tilespmem:s10+$0xFFFFFFD0] =	vst v13  }
0x290: {  	v13 =	vld [tilespmem:s12+$0xFFFFFFE0];
	_ =	sdelay $0x4  }
0x291: {  	v13 =	vmul.f32 v13, v12;
	_ =	sdelay $0x1  }
0x292: {  	[tilespmem:s10+$0xFFFFFFE0] =	vst v13  }
0x293: {  	v13 =	vld [tilespmem:s12+$0xFFFFFFF0];
	_ =	sdelay $0x4  }
0x294: {  	v13 =	vmul.f32 v13, v12;
	_ =	sdelay $0x1  }
0x295: {  	[tilespmem:s10+$0xFFFFFFF0] =	vst v13  }
0x296: {  	v13 =	vld [tilespmem:s12+$0x0];
	_ =	sdelay $0x4  }
0x297: {  	v13 =	vmul.f32 v13, v12;
	_ =	sdelay $0x1  }
0x298: {  	[tilespmem:s10+$0x0] =	vst v13  }
0x299: {  	v13 =	vld [tilespmem:s12+$0x10];
	_ =	sdelay $0x4  }
0x29a: {  	v13 =	vmul.f32 v13, v12;
	_ =	sdelay $0x1  }
0x29b: {  	[tilespmem:s10+$0x10] =	vst v13  }
0x29c: {  	v13 =	vld [tilespmem:s12+$0x20];
	_ =	sdelay $0x4  }
0x29d: {  	v13 =	vmul.f32 v13, v12;
	_ =	sdelay $0x1  }
0x29e: {  	[tilespmem:s10+$0x20] =	vst v13  }
0x29f: {  	v13 =	vld [tilespmem:s12+$0x30];
	_ =	sdelay $0x3  }
.Ltmp10:
0x2a0: {  	(pc) =	sbr.rel @p0 .LBB2_20-.Ltmp10, $3  }
0x2a1: {  	v12 =	vmul.f32 v13, v12;
	_ =	sdelay $0x1  }
0x2a2: {  	s12 =	sadd.s32 $0x80, s12;
	[tilespmem:s10+$0x30] =	vst v12  }
0x2a3: {  	s1 =	sadd.s32 $0x1, s1;
	v49 =	vld [tilespmem:s12+$0xFFFFFFC0]  }
0x2a4: {  	_ = 	snop  }
0x2a5: {  	v12 =	vmov s18  }
0x2a6: {  	v12 =	vperm.xlane v48, v12;
	_ =	sdelay $0x1  }
0x2a7: {  	v13 =	vmul.f32 v49, v12  }
0x2a8: {  	s1 =	sadd.s32 $0x90, s10  }
0x2a9: {  	[tilespmem:s1+$0xFFFFFFC0] =	vst v13  }
0x2aa: {  	v13 =	vld [tilespmem:s12+$0xFFFFFFD0];
	_ =	sdelay $0x4  }
0x2ab: {  	v13 =	vmul.f32 v13, v12;
	_ =	sdelay $0x1  }
0x2ac: {  	[tilespmem:s1+$0xFFFFFFD0] =	vst v13  }
0x2ad: {  	v13 =	vld [tilespmem:s12+$0xFFFFFFE0];
	_ =	sdelay $0x4  }
0x2ae: {  	v13 =	vmul.f32 v13, v12;
	_ =	sdelay $0x1  }
0x2af: {  	[tilespmem:s1+$0xFFFFFFE0] =	vst v13  }
0x2b0: {  	v13 =	vld [tilespmem:s12+$0xFFFFFFF0];
	_ =	sdelay $0x4  }
0x2b1: {  	v13 =	vmul.f32 v13, v12;
	_ =	sdelay $0x1  }
0x2b2: {  	[tilespmem:s1+$0xFFFFFFF0] =	vst v13  }
0x2b3: {  	v13 =	vld [tilespmem:s12+$0x0];
	_ =	sdelay $0x4  }
0x2b4: {  	v13 =	vmul.f32 v13, v12;
	_ =	sdelay $0x1  }
0x2b5: {  	[tilespmem:s1+$0x0] =	vst v13  }
0x2b6: {  	v13 =	vld [tilespmem:s12+$0x10];
	_ =	sdelay $0x4  }
0x2b7: {  	v13 =	vmul.f32 v13, v12;
	_ =	sdelay $0x1  }
0x2b8: {  	[tilespmem:s1+$0x10] =	vst v13  }
0x2b9: {  	v13 =	vld [tilespmem:s12+$0x20];
	_ =	sdelay $0x4  }
0x2ba: {  	v13 =	vmul.f32 v13, v12;
	_ =	sdelay $0x1  }
0x2bb: {  	[tilespmem:s1+$0x20] =	vst v13  }
0x2bc: {  	v13 =	vld [tilespmem:s12+$0x30];
	_ =	sdelay $0x1  }
0x2bd: {  	v14 =	vor.u32 s29, v2  }
0x2be: {  	vm1 =	vlt.s32 v14, v46;
	v14 =	vsub.s32 v47, v44  }
0x2bf: {  	v14 =	vnsel vm1, $0x2710, v14  }
0x2c0: {  	v12 =	vmul.f32 v13, v12;
	_ =	sdelay $0x1  }
0x2c1: {  	s13 =	sadd.s32 $0x1, s13;
	[tilespmem:s1+$0x30] =	vst v12  }
0x2c2: {  	p0 =	sne.s32 s13, s14;
	[tilespmem:v43+s17+$0x0] =	vst.idx.msk $0xffff, v48  }
0x2c3: {  	[spmem:s5] =	stream.indirect_vreg.scatter.add.f32 [tilespmem:s17], [sflag:$0x2], $0x90, v14, vm0, $0xb8;
	[tilespmem:$0x1F7D8] =	vst v63  }
.Ltmp11:
0x2c4: {  	_ = 	snop;
	(pc) =	sbr.rel @p0 .LBB2_13-.Ltmp11, $4  }
.Ltmp12:
0x2c5: {  	_ = 	snop;
	(pc) =	sbr.rel @!p0 .LBB2_22-.Ltmp12, $4  }
0x2c6: {  	_ =	swait.ge [sflag:s28], $0x900  }
0x2c7: {  	[sflag:s28] =	ssyncset.done $0x0  }
0x2c8: {  	[sflag:s28] =	ssyncadd.s32 $0xFFFFF700  }
0x2c9: {  	_ = 	snop  }
.LBB2_23:
0x2ca: {  	[bflag:$0x0] =	sbarrier.arrive $0xFFFF  }
0x2cb: {  	s1 =	sshll.u32 s0, $0x6;
	s11 =	rddreg [dreg:$0x8]  }
0x2cc: {  	s3 =	sadd.s32 $0x0, s31;
	s1 =	sor.u32 $0x1C03, s1;
	s4 =	sshrl.u32 s11, $0x3  }
0x2cd: {  	[hbm:s3], [sflag:s1] =	dma.local [spmem:s4], $0x1C2  }
0x2ce: {  	s3 =	simm.s32 $0x1C20;
	s4 =	sadd.s32 $0xE100, s11;
	_ =	swait.ge [sflag:s15], $0x1C2  }
.LBB2_24:
0x2cf: {  	s6 =	sadd.s32 s3, s31;
	[sflag:s15] =	ssyncset.done $0x0;
	p0 =	sne.s32 s3, $0x2A300  }
.Ltmp13:
0x2d0: {  	s10 =	sshrl.u32 s4, $0x3;
	[sflag:s15] =	ssyncadd.s32 $0xFFFFFE3E;
	(pc) =	sbr.rel @p0 .LBB2_24-.Ltmp13, $3  }
0x2d1: {  	[hbm:s6], [sflag:s1] =	dma.local [spmem:s10], $0x1C2  }
0x2d2: {  	s3 =	sadd.s32 $0x1C20, s3;
	_ =	sdelay $0x1  }
0x2d3: {  	s4 =	sadd.s32 $0xE100, s4;
	_ =	swait.ge [sflag:s15], $0x1C2  }
0x2d4: {  	s12 =	rddreg [dreg:$0xb]  }
0x2d5: {  	s12 =	sadd.s32 $0x1, s12  }
0x2d6: {  	p0 =	sne.s32 s12, $0x10  }
.Ltmp14:
0x2d7: {  	_ = 	snop;
	(pc) =	sbr.rel @p0 .LBB2_6-.Ltmp14, $4  }
0x2d8: {  	[sflag:s15] =	ssyncset.done $0x0  }
0x2d9: {  	[sflag:s15] =	ssyncadd.s32 $0xFFFFFE3E  }
0x2da: {  	[bflag:$0x0] =	sbarrier.arrive $0xFFFF  }
0x2db: {  	s31 =	sadd.s32 $0x2BF20, s31  }
0x2dc: {  	s3 =	rddreg [dreg:$0xa]  }
0x2dd: {  	s1 =	rddreg [dreg:$0x7];
	s3 =	sadd.s32 $0x1, s3  }
0x2de: {  	p0 =	sne.s32 s3, s1  }
.Ltmp15:
0x2df: {  	_ = 	snop;
	(pc) =	sbr.rel @p0 .LBB2_1-.Ltmp15, $1  }
0x2e0: {  	_ =	sdelay $0x3  }
0x2e1: {  	_ =	sfence.sel $0x180000  }
0x2e2: {  	[bflag:$0x0] =	sbarrier.arrive $0xFFFF  }
0x2e3: {  	_ =	strace $0x9000004A  }
0x2e4: {  	[bflag:$0x2] =	sbarrier.arrive $0xFFFF  }
0x2e5: {  	p0 =	sne.s32 s0, $0x0;
	s0 =	rddreg [dreg:$0x4]  }
0x2e6: {  	s0 =	sadd.s32 @!p0 $0x100000, s0  }
0x2e7: {  	[sflag:s0] =	ssyncadd.tile.s32 @!p0 $0x1;
	_ =	shalt  }
.Lfunc_end2:
_tile_overlayer_lowered:
.L_overlay_start_2:
0x2e8: {  	(tag) =	ssettag $0x2  }
0x2e9: {  	s0 =	rddreg [dreg:$0x0];
	s2 =	stileid.u32  }
0x2ea: {  	s1 =	rddreg [dreg:$0x1];
	p0 =	sne.s32 s2, $0x0  }
0x2eb: {  	s3 =	rddreg [dreg:$0x2];
	[bflag:$0x3] =	sbarrier.arrive $0xFFFF;
	s2 =	simm.s32 @!p0 $0x1C03  }
0x2ec: {  	[timem:s3], [sflag:s2] =	dma.local @!p0 [hbm:s0], s1  }
0x2ed: {  	s0 =	simm.s32 @!p0 $0x3  }
0x2ee: {  	_ =	swait.ge @!p0 [sflag:s0], s1  }
0x2ef: {  	s1 =	ssub.s32 @!p0 $0x0, s1;
	[sflag:s0] =	ssyncset.done @!p0 $0x0  }
0x2f0: {  	[sflag:s0] =	ssyncadd.s32 @!p0 s1  }
0x2f1: {  	[bflag:$0x3] =	sbarrier.arrive $0xFFFF  }
0x2f2: {  	_ =	shalt  }

</sc_bundles>
